<compile_context>
chip_gen: v7x
topology: tpu7x:2x2x1
jax: 0.10.2.dev20260603
libtpu: 0.0.44.dev20260713+nightly
codegen_flags: <defaults>
</compile_context>

<pallas_src>
import functools

import jax
import jax.numpy as jnp
from jax import lax
from jax.experimental import pallas as pl
from jax.experimental.pallas import tpu as pltpu
from jax.experimental.pallas import tpu_sc as plsc

_B, _F, _T = 64, 128, 4096
_HS = 64
_NC, _NS = 2, 16
_NW = _NC * _NS
_BPW = _B // _NW
_RC = 8
_NCH = _F // _RC
_ML = 16
_WR, _WC = 72, 256


def _window(f, t):
    fa = pl.multiple_of(jnp.minimum(f & ~7, _F - _WR), 8)
    ta = pl.multiple_of(jnp.minimum(t & ~127, _T - _WC), 128)
    return fa, ta


def _patch_window(wbuf, fa, ta, f, t):
    zv = jnp.zeros((16,), jnp.float32)
    li = lax.broadcasted_iota(jnp.int32, (16,), 0)
    lo = jnp.maximum(f - fa, 0)
    hi = jnp.minimum(f + _HS - fa, _WR)
    cb = t - ta

    def row_body(r, carry):
        rows = jnp.full((16,), r, jnp.int32)
        for j in range(_HS // 16):
            cols = cb + j * 16 + li
            m = (cols >= 0) & (cols < _WC)
            colsc = jnp.clip(cols, 0, _WC - 1)
            plsc.store_scatter(wbuf, [rows, colsc], zv, mask=m)
        return carry

    lax.fori_loop(lo, hi, row_body, 0)


def _sc_body(x_hbm, meta_hbm, out_hbm, sbuf, wb0, meta_v,
             isem0, isem1, isem2, osem0, osem1, osem2,
             wl0, ws0):
    wid = lax.axis_index("s") * _NC + lax.axis_index("c")
    sid = lax.axis_index("s")
    pltpu.sync_copy(meta_hbm, meta_v)
    bufs = (sbuf.at[sid, 0], sbuf.at[sid, 1], sbuf.at[sid, 2])
    isems = (isem0, isem1, isem2)
    osems = (osem0, osem1, osem2)
    wbufs = (wb0,)
    wlsems = (wl0,)
    wssems = (ws0,)

    holes = []
    wins = []
    for bi in range(_BPW):
        b = wid * _BPW + bi
        mv = meta_v[b]
        bh = []
        for h in range(2):
            f, t = mv[h], mv[2 + h]
            bh.append((f, t))
            wins.append(_window(f, t))
        holes.append(bh)

    def wload(w):
        b = wid * _BPW + w // 2
        fa, ta = wins[w]
        pltpu.make_async_copy(
            x_hbm.at[b, pl.ds(fa, _WR), pl.ds(ta, _WC)],
            wbufs[0], wlsems[0]).start()

    def wload_wait(w):
        b = wid * _BPW + w // 2
        fa, ta = wins[w]
        pltpu.make_async_copy(
            x_hbm.at[b, pl.ds(fa, _WR), pl.ds(ta, _WC)],
            wbufs[0], wlsems[0]).wait()

    def wstore(w):
        b = wid * _BPW + w // 2
        fa, ta = wins[w]
        pltpu.make_async_copy(
            wbufs[0], out_hbm.at[b, pl.ds(fa, _WR), pl.ds(ta, _WC)],
            wssems[0]).start()

    def wstore_wait(w):
        b = wid * _BPW + w // 2
        fa, ta = wins[w]
        pltpu.make_async_copy(
            wbufs[0], out_hbm.at[b, pl.ds(fa, _WR), pl.ds(ta, _WC)],
            wssems[0]).wait()

    n_items = _BPW * _NCH

    def item(i):
        return wid * _BPW + i // _NCH, i % _NCH

    def load(i):
        b, c = item(i)
        k = i % 3
        pltpu.make_async_copy(
            x_hbm.at[b, pl.ds(c * _RC, _RC)], bufs[k], isems[k]).start()

    def load_wait(i):
        b, c = item(i)
        k = i % 3
        pltpu.make_async_copy(
            x_hbm.at[b, pl.ds(c * _RC, _RC)], bufs[k], isems[k]).wait()

    def store(i):
        b, c = item(i)
        k = i % 3
        pltpu.make_async_copy(
            bufs[k], out_hbm.at[b, pl.ds(c * _RC, _RC)], osems[k]).start()

    def store_wait(i):
        b, c = item(i)
        k = i % 3
        pltpu.make_async_copy(
            bufs[k], out_hbm.at[b, pl.ds(c * _RC, _RC)], osems[k]).wait()

    def prep_window(w):
        wload(w)
        wload_wait(w)
        fa, ta = wins[w]
        for (f, t) in holes[w // 2]:
            _patch_window(wbufs[0], fa, ta, f, t)

    load(0)
    load(1)
    prep_window(0)

    for i in range(n_items):
        load_wait(i)
        store(i)
        if i + 2 < n_items:
            if i - 1 >= 0:
                store_wait(i - 1)
                if i - 1 == _NCH - 1:
                    wstore(0)
                    wstore_wait(0)
                    prep_window(1)
                    wstore(1)
                    wstore_wait(1)
                    prep_window(2)
            load(i + 2)
    store_wait(n_items - 2)
    store_wait(n_items - 1)
    wstore(2)
    wstore_wait(2)
    prep_window(3)
    wstore(3)
    wstore_wait(3)


def kernel(x, f0, t0):
    meta = jnp.concatenate([
        f0.astype(jnp.int32),
        t0.astype(jnp.int32),
        jnp.zeros((_B, _ML - 4), jnp.int32),
    ], axis=1)
    mesh = plsc.VectorSubcoreMesh(core_axis_name="c", subcore_axis_name="s")
    fn = functools.partial(
        pl.kernel,
        out_type=jax.ShapeDtypeStruct((_B, _F, _T), jnp.float32),
        mesh=mesh,
        compiler_params=pltpu.CompilerParams(needs_layout_passes=False),
        scratch_types=(
            [pltpu.VMEM_SHARED((_NS, 3, _RC, _T), jnp.float32)]
            + [pltpu.VMEM((_WR, _WC), jnp.float32)]
            + [pltpu.VMEM((_B, _ML), jnp.int32)]
            + [pltpu.SemaphoreType.DMA for _ in range(8)]
        ),
    )(_sc_body)
    return fn(x, meta)

# --- scband reference (transcript-rebuilt; emitter-appended) ---
"""Pipeline reference for scband-spec-square-cutout-64596308132417 (READ-ONLY COPY).

The authoritative reference and input builder live on the scoring server;
editing this copy changes nothing except your own understanding.
"""

import jax, jax.numpy as jnp
import numpy as np

NUM_HOLES = 2
HOLE_SIZE = 64
B, F, T = 64, 128, 4096


def setup_inputs(seed: int = 0) -> dict:
    key = jax.random.key(seed)
    x = jax.random.normal(key, (B, F, T), dtype=jnp.float32)
    # Hole positions: the torch module draws them with python `random` inside
    # forward; here we materialize them deterministically as int constants
    # (mirrors random.randint(0, max(0, F - hole_size)) inclusive upper bound).
    rng = np.random.RandomState(0)
    f_hi = max(0, F - HOLE_SIZE)
    t_hi = max(0, T - HOLE_SIZE)
    f0 = rng.randint(0, f_hi + 1, size=(B, NUM_HOLES)).astype(np.int64)
    t0 = rng.randint(0, t_hi + 1, size=(B, NUM_HOLES)).astype(np.int64)
    return {"x": x, "f0": jnp.asarray(f0), "t0": jnp.asarray(t0)}


def reference(x, f0, t0):
    # Faithful translation: clone then zero num_holes square patches per sample.
    # scatter-overwrite expressed as a fixed-shape masked write.
    f_idx = jnp.arange(x.shape[1])
    t_idx = jnp.arange(x.shape[2])
    fs = f0[:, :, None]
    ts = t0[:, :, None]
    fm = (f_idx[None, None, :] >= fs) & (f_idx[None, None, :] < fs + HOLE_SIZE)
    tm = (t_idx[None, None, :] >= ts) & (t_idx[None, None, :] < ts + HOLE_SIZE)
    mask = jnp.any(fm[:, :, :, None] & tm[:, :, None, :], axis=1)
    return jnp.where(mask, jnp.zeros((), dtype=x.dtype), x)

if __name__ == "__main__":
    import jax
    _d = setup_inputs()
    print(jax.jit(kernel)(*tuple(_d.values())))

</pallas_src>

<mosaic_0001>
#map = affine_map<(d0, d1) -> (0, 0, 0)>
#map1 = affine_map<(d0, d1) -> (0, 0)>
module attributes {stable_mosaic.version = 14 : i64} {
  func.func @_sc_body(%arg0: i32, %arg1: i32, %arg2: memref<64x128x4096xf32, #tpu.memory_space<hbm>>, %arg3: memref<64x16xi32, #tpu.memory_space<hbm>>, %arg4: memref<64x128x4096xf32, #tpu.memory_space<hbm>>, %arg5: memref<16x3x8x4096xf32, #tpu.memory_space<vmem_shared>>, %arg6: memref<72x256xf32, #tpu.memory_space<vmem>>, %arg7: memref<64x16xi32, #tpu.memory_space<vmem>>, %arg8: memref<!tpu.dma_semaphore, #tpu.memory_space<semaphore_mem>>, %arg9: memref<!tpu.dma_semaphore, #tpu.memory_space<semaphore_mem>>, %arg10: memref<!tpu.dma_semaphore, #tpu.memory_space<semaphore_mem>>, %arg11: memref<!tpu.dma_semaphore, #tpu.memory_space<semaphore_mem>>, %arg12: memref<!tpu.dma_semaphore, #tpu.memory_space<semaphore_mem>>, %arg13: memref<!tpu.dma_semaphore, #tpu.memory_space<semaphore_mem>>, %arg14: memref<!tpu.dma_semaphore, #tpu.memory_space<semaphore_mem>>, %arg15: memref<!tpu.dma_semaphore, #tpu.memory_space<semaphore_mem>>) attributes {dimension_semantics = [#tpu.dimension_semantics<core_parallel>, #tpu.dimension_semantics<subcore_parallel>], iteration_bounds = array<i64: 2, 16>, scalar_prefetch = 0 : i64, scratch_operands = 11 : i64, tpu.core_type = #tpu.core_type<sc_vector_subcore>, window_params = [{transform_indices = #map}, {transform_indices = #map1}, {transform_indices = #map}]} {
    %mul3A = arith.constant 2 : i32
    %mul3A_0 = arith.muli %arg1, %mul3A : i32
    %add3A = arith.addi %mul3A_0, %arg0 : i32
    "tpu.region"() ({
      %run_scoped3A = tpu.sem_alloc : memref<!tpu.dma_semaphore, #tpu.memory_space<semaphore_mem>>
      tpu.enqueue_dma source(%arg3 : memref<64x16xi32, #tpu.memory_space<hbm>>) target(%arg7 : memref<64x16xi32, #tpu.memory_space<vmem>>) target_semaphore(%run_scoped3A : memref<!tpu.dma_semaphore, #tpu.memory_space<semaphore_mem>>)
      tpu.wait_dma2 semaphore(%run_scoped3A : memref<!tpu.dma_semaphore, #tpu.memory_space<semaphore_mem>>) src(%arg3 : memref<64x16xi32, #tpu.memory_space<hbm>>) dst(%arg7 : memref<64x16xi32, #tpu.memory_space<vmem>>)
      tpu.yield
    }) : () -> ()
    %mul3A_1 = arith.constant 2 : i32
    %mul3A_2 = arith.muli %add3A, %mul3A_1 : i32
    %add3A_3 = arith.constant 0 : i32
    %add3A_4 = arith.addi %mul3A_2, %add3A_3 : i32
    %get3A = arith.index_cast %add3A_4 : i32 to index
    %get3A_5 = arith.constant 0 : index
    %get3A_6 = tpu.vector_load %arg7[%get3A, %get3A_5] {strides = array<i32>} : memref<64x16xi32, #tpu.memory_space<vmem>>, vector<16xi32>,
    %slice3A = vector.extract_strided_slice %get3A_6 {offsets = [0], sizes = [1], strides = [1]} : vector<16xi32> to vector<1xi32>
    %squeeze3A = vector.extract %slice3A[0] : i32 from vector<1xi32>
    %slice3A_7 = vector.extract_strided_slice %get3A_6 {offsets = [2], sizes = [1], strides = [1]} : vector<16xi32> to vector<1xi32>
    %squeeze3A_8 = vector.extract %slice3A_7[0] : i32 from vector<1xi32>
    %and3A = arith.constant -8 : i32
    %and3A_9 = arith.andi %squeeze3A, %and3A : i32
    %min3A = arith.constant 56 : i32
    %min3A_10 = arith.minsi %and3A_9, %min3A : i32
    %multiple_of3A = tpu.assume_multiple %min3A_10, 8 : i32
    %and3A_11 = arith.constant -128 : i32
    %and3A_12 = arith.andi %squeeze3A_8, %and3A_11 : i32
    %min3A_13 = arith.constant 3840 : i32
    %min3A_14 = arith.minsi %and3A_12, %min3A_13 : i32
    %multiple_of3A_15 = tpu.assume_multiple %min3A_14, 128 : i32
    %slice3A_16 = vector.extract_strided_slice %get3A_6 {offsets = [1], sizes = [1], strides = [1]} : vector<16xi32> to vector<1xi32>
    %squeeze3A_17 = vector.extract %slice3A_16[0] : i32 from vector<1xi32>
    %slice3A_18 = vector.extract_strided_slice %get3A_6 {offsets = [3], sizes = [1], strides = [1]} : vector<16xi32> to vector<1xi32>
    %squeeze3A_19 = vector.extract %slice3A_18[0] : i32 from vector<1xi32>
    %and3A_20 = arith.constant -8 : i32
    %and3A_21 = arith.andi %squeeze3A_17, %and3A_20 : i32
    %min3A_22 = arith.constant 56 : i32
    %min3A_23 = arith.minsi %and3A_21, %min3A_22 : i32
    %multiple_of3A_24 = tpu.assume_multiple %min3A_23, 8 : i32
    %and3A_25 = arith.constant -128 : i32
    %and3A_26 = arith.andi %squeeze3A_19, %and3A_25 : i32
    %min3A_27 = arith.constant 3840 : i32
    %min3A_28 = arith.minsi %and3A_26, %min3A_27 : i32
    %multiple_of3A_29 = tpu.assume_multiple %min3A_28, 128 : i32
    %mul3A_30 = arith.constant 2 : i32
    %mul3A_31 = arith.muli %add3A, %mul3A_30 : i32
    %add3A_32 = arith.constant 1 : i32
    %add3A_33 = arith.addi %mul3A_31, %add3A_32 : i32
    %get3A_34 = arith.index_cast %add3A_33 : i32 to index
    %get3A_35 = arith.constant 0 : index
    %get3A_36 = tpu.vector_load %arg7[%get3A_34, %get3A_35] {strides = array<i32>} : memref<64x16xi32, #tpu.memory_space<vmem>>, vector<16xi32>,
    %slice3A_37 = vector.extract_strided_slice %get3A_36 {offsets = [0], sizes = [1], strides = [1]} : vector<16xi32> to vector<1xi32>
    %squeeze3A_38 = vector.extract %slice3A_37[0] : i32 from vector<1xi32>
    %slice3A_39 = vector.extract_strided_slice %get3A_36 {offsets = [2], sizes = [1], strides = [1]} : vector<16xi32> to vector<1xi32>
    %squeeze3A_40 = vector.extract %slice3A_39[0] : i32 from vector<1xi32>
    %and3A_41 = arith.constant -8 : i32
    %and3A_42 = arith.andi %squeeze3A_38, %and3A_41 : i32
    %min3A_43 = arith.constant 56 : i32
    %min3A_44 = arith.minsi %and3A_42, %min3A_43 : i32
    %multiple_of3A_45 = tpu.assume_multiple %min3A_44, 8 : i32
    %and3A_46 = arith.constant -128 : i32
    %and3A_47 = arith.andi %squeeze3A_40, %and3A_46 : i32
    %min3A_48 = arith.constant 3840 : i32
    %min3A_49 = arith.minsi %and3A_47, %min3A_48 : i32
    %multiple_of3A_50 = tpu.assume_multiple %min3A_49, 128 : i32
    %slice3A_51 = vector.extract_strided_slice %get3A_36 {offsets = [1], sizes = [1], strides = [1]} : vector<16xi32> to vector<1xi32>
    %squeeze3A_52 = vector.extract %slice3A_51[0] : i32 from vector<1xi32>
    %slice3A_53 = vector.extract_strided_slice %get3A_36 {offsets = [3], sizes = [1], strides = [1]} : vector<16xi32> to vector<1xi32>
    %squeeze3A_54 = vector.extract %slice3A_53[0] : i32 from vector<1xi32>
    %and3A_55 = arith.constant -8 : i32
    %and3A_56 = arith.andi %squeeze3A_52, %and3A_55 : i32
    %min3A_57 = arith.constant 56 : i32
    %min3A_58 = arith.minsi %and3A_56, %min3A_57 : i32
    %multiple_of3A_59 = tpu.assume_multiple %min3A_58, 8 : i32
    %and3A_60 = arith.constant -128 : i32
    %and3A_61 = arith.andi %squeeze3A_54, %and3A_60 : i32
    %min3A_62 = arith.constant 3840 : i32
    %min3A_63 = arith.minsi %and3A_61, %min3A_62 : i32
    %multiple_of3A_64 = tpu.assume_multiple %min3A_63, 128 : i32
    %mul3A_65 = arith.constant 2 : i32
    %mul3A_66 = arith.muli %add3A, %mul3A_65 : i32
    %add3A_67 = arith.constant 0 : i32
    %add3A_68 = arith.addi %mul3A_66, %add3A_67 : i32
    %dma_start3A = arith.constant 0 : i32
    %dma_start3A_69 = arith.constant 0 : i32
    %dma_start3A_70 = arith.constant 0 : i32
    %dma_start3A_71 = tpu.memref_slice %arg5[%arg1, %dma_start3A, %dma_start3A_69, %dma_start3A_70] : memref<16x3x8x4096xf32, #tpu.memory_space<vmem_shared>> -> memref<1x1x8x4096xf32, #tpu.memory_space<vmem_shared>>
    %dma_start3A_72 = tpu.memref_squeeze %dma_start3A_71 : memref<1x1x8x4096xf32, #tpu.memory_space<vmem_shared>> -> memref<8x4096xf32, #tpu.memory_space<vmem_shared>>
    %dma_start3A_73 = arith.constant 0 : i32
    %dma_start3A_74 = arith.constant 0 : i32
    %dma_start3A_75 = tpu.memref_slice %arg2[%add3A_68, %dma_start3A_73, %dma_start3A_74] : memref<64x128x4096xf32, #tpu.memory_space<hbm>> -> memref<1x8x4096xf32, #tpu.memory_space<hbm>>
    %dma_start3A_76 = tpu.memref_squeeze %dma_start3A_75 : memref<1x8x4096xf32, #tpu.memory_space<hbm>> -> memref<8x4096xf32, #tpu.memory_space<hbm>>
    tpu.enqueue_dma source(%dma_start3A_76 : memref<8x4096xf32, #tpu.memory_space<hbm>>) target(%dma_start3A_72 : memref<8x4096xf32, #tpu.memory_space<vmem_shared>>) target_semaphore(%arg8 : memref<!tpu.dma_semaphore, #tpu.memory_space<semaphore_mem>>)
    %mul3A_77 = arith.constant 2 : i32
    %mul3A_78 = arith.muli %add3A, %mul3A_77 : i32
    %add3A_79 = arith.constant 0 : i32
    %add3A_80 = arith.addi %mul3A_78, %add3A_79 : i32
    %dma_start3A_81 = arith.constant 1 : i32
    %dma_start3A_82 = arith.constant 0 : i32
    %dma_start3A_83 = arith.constant 0 : i32
    %dma_start3A_84 = tpu.memref_slice %arg5[%arg1, %dma_start3A_81, %dma_start3A_82, %dma_start3A_83] : memref<16x3x8x4096xf32, #tpu.memory_space<vmem_shared>> -> memref<1x1x8x4096xf32, #tpu.memory_space<vmem_shared>>
    %dma_start3A_85 = tpu.memref_squeeze %dma_start3A_84 : memref<1x1x8x4096xf32, #tpu.memory_space<vmem_shared>> -> memref<8x4096xf32, #tpu.memory_space<vmem_shared>>
    %dma_start3A_86 = arith.constant 8 : i32
    %dma_start3A_87 = arith.constant 0 : i32
    %dma_start3A_88 = tpu.memref_slice %arg2[%add3A_80, %dma_start3A_86, %dma_start3A_87] : memref<64x128x4096xf32, #tpu.memory_space<hbm>> -> memref<1x8x4096xf32, #tpu.memory_space<hbm>>
    %dma_start3A_89 = tpu.memref_squeeze %dma_start3A_88 : memref<1x8x4096xf32, #tpu.memory_space<hbm>> -> memref<8x4096xf32, #tpu.memory_space<hbm>>
    tpu.enqueue_dma source(%dma_start3A_89 : memref<8x4096xf32, #tpu.memory_space<hbm>>) target(%dma_start3A_85 : memref<8x4096xf32, #tpu.memory_space<vmem_shared>>) target_semaphore(%arg9 : memref<!tpu.dma_semaphore, #tpu.memory_space<semaphore_mem>>)
    %mul3A_90 = arith.constant 2 : i32
    %mul3A_91 = arith.muli %add3A, %mul3A_90 : i32
    %add3A_92 = arith.constant 0 : i32
    %add3A_93 = arith.addi %mul3A_91, %add3A_92 : i32
    %dma_start3A_94 = tpu.memref_slice %arg2[%add3A_93, %multiple_of3A, %multiple_of3A_15] : memref<64x128x4096xf32, #tpu.memory_space<hbm>> -> memref<1x72x256xf32, #tpu.memory_space<hbm>>
    %dma_start3A_95 = tpu.memref_squeeze %dma_start3A_94 : memref<1x72x256xf32, #tpu.memory_space<hbm>> -> memref<72x256xf32, #tpu.memory_space<hbm>>
    %dma_start3A_96 = tpu.memref_slice %arg2[%add3A_93, %multiple_of3A, %multiple_of3A_15] : memref<64x128x4096xf32, #tpu.memory_space<hbm>> -> memref<1x72x256xf32, #tpu.memory_space<hbm>>
    %dma_start3A_97 = tpu.memref_squeeze %dma_start3A_96 : memref<1x72x256xf32, #tpu.memory_space<hbm>> -> memref<72x256xf32, #tpu.memory_space<hbm>>
    tpu.enqueue_dma source(%dma_start3A_97 : memref<72x256xf32, #tpu.memory_space<hbm>>) target(%arg6 : memref<72x256xf32, #tpu.memory_space<vmem>>) target_semaphore(%arg14 : memref<!tpu.dma_semaphore, #tpu.memory_space<semaphore_mem>>)
    %mul3A_98 = arith.constant 2 : i32
    %mul3A_99 = arith.muli %add3A, %mul3A_98 : i32
    %add3A_100 = arith.constant 0 : i32
    %add3A_101 = arith.addi %mul3A_99, %add3A_100 : i32
    %dma_wait3A = tpu.memref_slice %arg2[%add3A_101, %multiple_of3A, %multiple_of3A_15] : memref<64x128x4096xf32, #tpu.memory_space<hbm>> -> memref<1x72x256xf32, #tpu.memory_space<hbm>>
    %dma_wait3A_102 = tpu.memref_squeeze %dma_wait3A : memref<1x72x256xf32, #tpu.memory_space<hbm>> -> memref<72x256xf32, #tpu.memory_space<hbm>>
    %dma_wait3A_103 = tpu.memref_slice %arg2[%add3A_101, %multiple_of3A, %multiple_of3A_15] : memref<64x128x4096xf32, #tpu.memory_space<hbm>> -> memref<1x72x256xf32, #tpu.memory_space<hbm>>
    %dma_wait3A_104 = tpu.memref_squeeze %dma_wait3A_103 : memref<1x72x256xf32, #tpu.memory_space<hbm>> -> memref<72x256xf32, #tpu.memory_space<hbm>>
    tpu.wait_dma2 semaphore(%arg14 : memref<!tpu.dma_semaphore, #tpu.memory_space<semaphore_mem>>) src(%dma_wait3A_104 : memref<72x256xf32, #tpu.memory_space<hbm>>) dst(%arg6 : memref<72x256xf32, #tpu.memory_space<vmem>>)
    %broadcast_in_dim3A = arith.constant 0.000000e+00 : f32
    %broadcast_in_dim3A_105 = vector.broadcast %broadcast_in_dim3A : f32 to vector<16xf32>
    %iota3A = tpu.iota {dimensions = array<i32: 0>} : vector<16xi32>
    %sub3A = arith.subi %squeeze3A, %multiple_of3A : i32
    %max3A = arith.constant 0 : i32
    %max3A_106 = arith.maxsi %sub3A, %max3A : i32
    %add3A_107 = arith.constant 64 : i32
    %add3A_108 = arith.addi %squeeze3A, %add3A_107 : i32
    %sub3A_109 = arith.subi %add3A_108, %multiple_of3A : i32
    %min3A_110 = arith.constant 72 : i32
    %min3A_111 = arith.minsi %sub3A_109, %min3A_110 : i32
    %sub3A_112 = arith.subi %squeeze3A_8, %multiple_of3A_15 : i32
    %while3A = arith.constant 0 : i32
    %while3A_113 = arith.subi %min3A_111, %max3A_106 : i32
    %while3A_114 = arith.addi %max3A_106, %while3A_113 : i32
    %while3A_115 = arith.constant 1 : i32
    %while3A_116 = arith.divsi %while3A_113, %while3A_115 : i32
    %while3A_117 = arith.muli %while3A_116, %while3A_115 : i32
    %while3A_118 = arith.addi %max3A_106, %while3A_117 : i32
    %while3A_119 = arith.constant 1 : i32
    scf.for %while3A_2005 = %max3A_106 to %while3A_118 step %while3A_119  : i32 {
      %broadcast_in_dim3A_2006 = vector.broadcast %while3A_2005 : i32 to vector<16xi32>
      %add3A_2007 = arith.constant 0 : i32
      %add3A_2008 = arith.addi %sub3A_112, %add3A_2007 : i32
      %add3A_2009 = vector.broadcast %add3A_2008 : i32 to vector<16xi32>
      %add3A_2010 = arith.addi %add3A_2009, %iota3A : vector<16xi32>
      %ge3A = arith.constant 0 : i32
      %ge3A_2011 = vector.broadcast %ge3A : i32 to vector<16xi32>
      %ge3A_2012 = arith.cmpi sge, %add3A_2010, %ge3A_2011 : vector<16xi32>
      %lt3A = arith.constant 256 : i32
      %lt3A_2013 = vector.broadcast %lt3A : i32 to vector<16xi32>
      %lt3A_2014 = arith.cmpi slt, %add3A_2010, %lt3A_2013 : vector<16xi32>
      %and3A_2015 = arith.andi %ge3A_2012, %lt3A_2014 : vector<16xi1>
      %jit3A = arith.constant 0 : i32
      %jit3A_2016 = arith.constant 255 : i32
      %max3A_2017 = vector.broadcast %jit3A : i32 to vector<16xi32>
      %max3A_2018 = arith.maxsi %max3A_2017, %add3A_2010 : vector<16xi32>
      %min3A_2019 = vector.broadcast %jit3A_2016 : i32 to vector<16xi32>
      %min3A_2020 = arith.minsi %min3A_2019, %max3A_2018 : vector<16xi32>
      tpu.vector_store_idx %arg6[%broadcast_in_dim3A_2006, %min3A_2020], %broadcast_in_dim3A_105 masked %and3A_2015 : memref<72x256xf32, #tpu.memory_space<vmem>>[vector<16xi32>, vector<16xi32>], vector<16xf32>, vector<16xi1>
      %add3A_2021 = arith.constant 16 : i32
      %add3A_2022 = arith.addi %sub3A_112, %add3A_2021 : i32
      %add3A_2023 = vector.broadcast %add3A_2022 : i32 to vector<16xi32>
      %add3A_2024 = arith.addi %add3A_2023, %iota3A : vector<16xi32>
      %ge3A_2025 = arith.constant 0 : i32
      %ge3A_2026 = vector.broadcast %ge3A_2025 : i32 to vector<16xi32>
      %ge3A_2027 = arith.cmpi sge, %add3A_2024, %ge3A_2026 : vector<16xi32>
      %lt3A_2028 = arith.constant 256 : i32
      %lt3A_2029 = vector.broadcast %lt3A_2028 : i32 to vector<16xi32>
      %lt3A_2030 = arith.cmpi slt, %add3A_2024, %lt3A_2029 : vector<16xi32>
      %and3A_2031 = arith.andi %ge3A_2027, %lt3A_2030 : vector<16xi1>
      %jit3A_2032 = arith.constant 0 : i32
      %jit3A_2033 = arith.constant 255 : i32
      %max3A_2034 = vector.broadcast %jit3A_2032 : i32 to vector<16xi32>
      %max3A_2035 = arith.maxsi %max3A_2034, %add3A_2024 : vector<16xi32>
      %min3A_2036 = vector.broadcast %jit3A_2033 : i32 to vector<16xi32>
      %min3A_2037 = arith.minsi %min3A_2036, %max3A_2035 : vector<16xi32>
      tpu.vector_store_idx %arg6[%broadcast_in_dim3A_2006, %min3A_2037], %broadcast_in_dim3A_105 masked %and3A_2031 : memref<72x256xf32, #tpu.memory_space<vmem>>[vector<16xi32>, vector<16xi32>], vector<16xf32>, vector<16xi1>
      %add3A_2038 = arith.constant 32 : i32
      %add3A_2039 = arith.addi %sub3A_112, %add3A_2038 : i32
      %add3A_2040 = vector.broadcast %add3A_2039 : i32 to vector<16xi32>
      %add3A_2041 = arith.addi %add3A_2040, %iota3A : vector<16xi32>
      %ge3A_2042 = arith.constant 0 : i32
      %ge3A_2043 = vector.broadcast %ge3A_2042 : i32 to vector<16xi32>
      %ge3A_2044 = arith.cmpi sge, %add3A_2041, %ge3A_2043 : vector<16xi32>
      %lt3A_2045 = arith.constant 256 : i32
      %lt3A_2046 = vector.broadcast %lt3A_2045 : i32 to vector<16xi32>
      %lt3A_2047 = arith.cmpi slt, %add3A_2041, %lt3A_2046 : vector<16xi32>
      %and3A_2048 = arith.andi %ge3A_2044, %lt3A_2047 : vector<16xi1>
      %jit3A_2049 = arith.constant 0 : i32
      %jit3A_2050 = arith.constant 255 : i32
      %max3A_2051 = vector.broadcast %jit3A_2049 : i32 to vector<16xi32>
      %max3A_2052 = arith.maxsi %max3A_2051, %add3A_2041 : vector<16xi32>
      %min3A_2053 = vector.broadcast %jit3A_2050 : i32 to vector<16xi32>
      %min3A_2054 = arith.minsi %min3A_2053, %max3A_2052 : vector<16xi32>
      tpu.vector_store_idx %arg6[%broadcast_in_dim3A_2006, %min3A_2054], %broadcast_in_dim3A_105 masked %and3A_2048 : memref<72x256xf32, #tpu.memory_space<vmem>>[vector<16xi32>, vector<16xi32>], vector<16xf32>, vector<16xi1>
      %add3A_2055 = arith.constant 48 : i32
      %add3A_2056 = arith.addi %sub3A_112, %add3A_2055 : i32
      %add3A_2057 = vector.broadcast %add3A_2056 : i32 to vector<16xi32>
      %add3A_2058 = arith.addi %add3A_2057, %iota3A : vector<16xi32>
      %ge3A_2059 = arith.constant 0 : i32
      %ge3A_2060 = vector.broadcast %ge3A_2059 : i32 to vector<16xi32>
      %ge3A_2061 = arith.cmpi sge, %add3A_2058, %ge3A_2060 : vector<16xi32>
      %lt3A_2062 = arith.constant 256 : i32
      %lt3A_2063 = vector.broadcast %lt3A_2062 : i32 to vector<16xi32>
      %lt3A_2064 = arith.cmpi slt, %add3A_2058, %lt3A_2063 : vector<16xi32>
      %and3A_2065 = arith.andi %ge3A_2061, %lt3A_2064 : vector<16xi1>
      %jit3A_2066 = arith.constant 0 : i32
      %jit3A_2067 = arith.constant 255 : i32
      %max3A_2068 = vector.broadcast %jit3A_2066 : i32 to vector<16xi32>
      %max3A_2069 = arith.maxsi %max3A_2068, %add3A_2058 : vector<16xi32>
      %min3A_2070 = vector.broadcast %jit3A_2067 : i32 to vector<16xi32>
      %min3A_2071 = arith.minsi %min3A_2070, %max3A_2069 : vector<16xi32>
      tpu.vector_store_idx %arg6[%broadcast_in_dim3A_2006, %min3A_2071], %broadcast_in_dim3A_105 masked %and3A_2065 : memref<72x256xf32, #tpu.memory_space<vmem>>[vector<16xi32>, vector<16xi32>], vector<16xf32>, vector<16xi1>
    }
    %while3A_120 = arith.constant 1 : i32
    scf.for %while3A_2005 = %while3A_118 to %while3A_114 step %while3A_120  : i32 {
      %broadcast_in_dim3A_2006 = vector.broadcast %while3A_2005 : i32 to vector<16xi32>
      %add3A_2007 = arith.constant 0 : i32
      %add3A_2008 = arith.addi %sub3A_112, %add3A_2007 : i32
      %add3A_2009 = vector.broadcast %add3A_2008 : i32 to vector<16xi32>
      %add3A_2010 = arith.addi %add3A_2009, %iota3A : vector<16xi32>
      %ge3A = arith.constant 0 : i32
      %ge3A_2011 = vector.broadcast %ge3A : i32 to vector<16xi32>
      %ge3A_2012 = arith.cmpi sge, %add3A_2010, %ge3A_2011 : vector<16xi32>
      %lt3A = arith.constant 256 : i32
      %lt3A_2013 = vector.broadcast %lt3A : i32 to vector<16xi32>
      %lt3A_2014 = arith.cmpi slt, %add3A_2010, %lt3A_2013 : vector<16xi32>
      %and3A_2015 = arith.andi %ge3A_2012, %lt3A_2014 : vector<16xi1>
      %jit3A = arith.constant 0 : i32
      %jit3A_2016 = arith.constant 255 : i32
      %max3A_2017 = vector.broadcast %jit3A : i32 to vector<16xi32>
      %max3A_2018 = arith.maxsi %max3A_2017, %add3A_2010 : vector<16xi32>
      %min3A_2019 = vector.broadcast %jit3A_2016 : i32 to vector<16xi32>
      %min3A_2020 = arith.minsi %min3A_2019, %max3A_2018 : vector<16xi32>
      tpu.vector_store_idx %arg6[%broadcast_in_dim3A_2006, %min3A_2020], %broadcast_in_dim3A_105 masked %and3A_2015 : memref<72x256xf32, #tpu.memory_space<vmem>>[vector<16xi32>, vector<16xi32>], vector<16xf32>, vector<16xi1>
      %add3A_2021 = arith.constant 16 : i32
      %add3A_2022 = arith.addi %sub3A_112, %add3A_2021 : i32
      %add3A_2023 = vector.broadcast %add3A_2022 : i32 to vector<16xi32>
      %add3A_2024 = arith.addi %add3A_2023, %iota3A : vector<16xi32>
      %ge3A_2025 = arith.constant 0 : i32
      %ge3A_2026 = vector.broadcast %ge3A_2025 : i32 to vector<16xi32>
      %ge3A_2027 = arith.cmpi sge, %add3A_2024, %ge3A_2026 : vector<16xi32>
      %lt3A_2028 = arith.constant 256 : i32
      %lt3A_2029 = vector.broadcast %lt3A_2028 : i32 to vector<16xi32>
      %lt3A_2030 = arith.cmpi slt, %add3A_2024, %lt3A_2029 : vector<16xi32>
      %and3A_2031 = arith.andi %ge3A_2027, %lt3A_2030 : vector<16xi1>
      %jit3A_2032 = arith.constant 0 : i32
      %jit3A_2033 = arith.constant 255 : i32
      %max3A_2034 = vector.broadcast %jit3A_2032 : i32 to vector<16xi32>
      %max3A_2035 = arith.maxsi %max3A_2034, %add3A_2024 : vector<16xi32>
      %min3A_2036 = vector.broadcast %jit3A_2033 : i32 to vector<16xi32>
      %min3A_2037 = arith.minsi %min3A_2036, %max3A_2035 : vector<16xi32>
      tpu.vector_store_idx %arg6[%broadcast_in_dim3A_2006, %min3A_2037], %broadcast_in_dim3A_105 masked %and3A_2031 : memref<72x256xf32, #tpu.memory_space<vmem>>[vector<16xi32>, vector<16xi32>], vector<16xf32>, vector<16xi1>
      %add3A_2038 = arith.constant 32 : i32
      %add3A_2039 = arith.addi %sub3A_112, %add3A_2038 : i32
      %add3A_2040 = vector.broadcast %add3A_2039 : i32 to vector<16xi32>
      %add3A_2041 = arith.addi %add3A_2040, %iota3A : vector<16xi32>
      %ge3A_2042 = arith.constant 0 : i32
      %ge3A_2043 = vector.broadcast %ge3A_2042 : i32 to vector<16xi32>
      %ge3A_2044 = arith.cmpi sge, %add3A_2041, %ge3A_2043 : vector<16xi32>
      %lt3A_2045 = arith.constant 256 : i32
      %lt3A_2046 = vector.broadcast %lt3A_2045 : i32 to vector<16xi32>
      %lt3A_2047 = arith.cmpi slt, %add3A_2041, %lt3A_2046 : vector<16xi32>
      %and3A_2048 = arith.andi %ge3A_2044, %lt3A_2047 : vector<16xi1>
      %jit3A_2049 = arith.constant 0 : i32
      %jit3A_2050 = arith.constant 255 : i32
      %max3A_2051 = vector.broadcast %jit3A_2049 : i32 to vector<16xi32>
      %max3A_2052 = arith.maxsi %max3A_2051, %add3A_2041 : vector<16xi32>
      %min3A_2053 = vector.broadcast %jit3A_2050 : i32 to vector<16xi32>
      %min3A_2054 = arith.minsi %min3A_2053, %max3A_2052 : vector<16xi32>
      tpu.vector_store_idx %arg6[%broadcast_in_dim3A_2006, %min3A_2054], %broadcast_in_dim3A_105 masked %and3A_2048 : memref<72x256xf32, #tpu.memory_space<vmem>>[vector<16xi32>, vector<16xi32>], vector<16xf32>, vector<16xi1>
      %add3A_2055 = arith.constant 48 : i32
      %add3A_2056 = arith.addi %sub3A_112, %add3A_2055 : i32
      %add3A_2057 = vector.broadcast %add3A_2056 : i32 to vector<16xi32>
      %add3A_2058 = arith.addi %add3A_2057, %iota3A : vector<16xi32>
      %ge3A_2059 = arith.constant 0 : i32
      %ge3A_2060 = vector.broadcast %ge3A_2059 : i32 to vector<16xi32>
      %ge3A_2061 = arith.cmpi sge, %add3A_2058, %ge3A_2060 : vector<16xi32>
      %lt3A_2062 = arith.constant 256 : i32
      %lt3A_2063 = vector.broadcast %lt3A_2062 : i32 to vector<16xi32>
      %lt3A_2064 = arith.cmpi slt, %add3A_2058, %lt3A_2063 : vector<16xi32>
      %and3A_2065 = arith.andi %ge3A_2061, %lt3A_2064 : vector<16xi1>
      %jit3A_2066 = arith.constant 0 : i32
      %jit3A_2067 = arith.constant 255 : i32
      %max3A_2068 = vector.broadcast %jit3A_2066 : i32 to vector<16xi32>
      %max3A_2069 = arith.maxsi %max3A_2068, %add3A_2058 : vector<16xi32>
      %min3A_2070 = vector.broadcast %jit3A_2067 : i32 to vector<16xi32>
      %min3A_2071 = arith.minsi %min3A_2070, %max3A_2069 : vector<16xi32>
      tpu.vector_store_idx %arg6[%broadcast_in_dim3A_2006, %min3A_2071], %broadcast_in_dim3A_105 masked %and3A_2065 : memref<72x256xf32, #tpu.memory_space<vmem>>[vector<16xi32>, vector<16xi32>], vector<16xf32>, vector<16xi1>
    }
    %broadcast_in_dim3A_121 = arith.constant 0.000000e+00 : f32
    %broadcast_in_dim3A_122 = vector.broadcast %broadcast_in_dim3A_121 : f32 to vector<16xf32>
    %iota3A_123 = tpu.iota {dimensions = array<i32: 0>} : vector<16xi32>
    %sub3A_124 = arith.subi %squeeze3A_17, %multiple_of3A : i32
    %max3A_125 = arith.constant 0 : i32
    %max3A_126 = arith.maxsi %sub3A_124, %max3A_125 : i32
    %add3A_127 = arith.constant 64 : i32
    %add3A_128 = arith.addi %squeeze3A_17, %add3A_127 : i32
    %sub3A_129 = arith.subi %add3A_128, %multiple_of3A : i32
    %min3A_130 = arith.constant 72 : i32
    %min3A_131 = arith.minsi %sub3A_129, %min3A_130 : i32
    %sub3A_132 = arith.subi %squeeze3A_19, %multiple_of3A_15 : i32
    %while3A_133 = arith.constant 0 : i32
    %while3A_134 = arith.subi %min3A_131, %max3A_126 : i32
    %while3A_135 = arith.addi %max3A_126, %while3A_134 : i32
    %while3A_136 = arith.constant 1 : i32
    %while3A_137 = arith.divsi %while3A_134, %while3A_136 : i32
    %while3A_138 = arith.muli %while3A_137, %while3A_136 : i32
    %while3A_139 = arith.addi %max3A_126, %while3A_138 : i32
    %while3A_140 = arith.constant 1 : i32
    scf.for %while3A_2005 = %max3A_126 to %while3A_139 step %while3A_140  : i32 {
      %broadcast_in_dim3A_2006 = vector.broadcast %while3A_2005 : i32 to vector<16xi32>
      %add3A_2007 = arith.constant 0 : i32
      %add3A_2008 = arith.addi %sub3A_132, %add3A_2007 : i32
      %add3A_2009 = vector.broadcast %add3A_2008 : i32 to vector<16xi32>
      %add3A_2010 = arith.addi %add3A_2009, %iota3A_123 : vector<16xi32>
      %ge3A = arith.constant 0 : i32
      %ge3A_2011 = vector.broadcast %ge3A : i32 to vector<16xi32>
      %ge3A_2012 = arith.cmpi sge, %add3A_2010, %ge3A_2011 : vector<16xi32>
      %lt3A = arith.constant 256 : i32
      %lt3A_2013 = vector.broadcast %lt3A : i32 to vector<16xi32>
      %lt3A_2014 = arith.cmpi slt, %add3A_2010, %lt3A_2013 : vector<16xi32>
      %and3A_2015 = arith.andi %ge3A_2012, %lt3A_2014 : vector<16xi1>
      %jit3A = arith.constant 0 : i32
      %jit3A_2016 = arith.constant 255 : i32
      %max3A_2017 = vector.broadcast %jit3A : i32 to vector<16xi32>
      %max3A_2018 = arith.maxsi %max3A_2017, %add3A_2010 : vector<16xi32>
      %min3A_2019 = vector.broadcast %jit3A_2016 : i32 to vector<16xi32>
      %min3A_2020 = arith.minsi %min3A_2019, %max3A_2018 : vector<16xi32>
      tpu.vector_store_idx %arg6[%broadcast_in_dim3A_2006, %min3A_2020], %broadcast_in_dim3A_122 masked %and3A_2015 : memref<72x256xf32, #tpu.memory_space<vmem>>[vector<16xi32>, vector<16xi32>], vector<16xf32>, vector<16xi1>
      %add3A_2021 = arith.constant 16 : i32
      %add3A_2022 = arith.addi %sub3A_132, %add3A_2021 : i32
      %add3A_2023 = vector.broadcast %add3A_2022 : i32 to vector<16xi32>
      %add3A_2024 = arith.addi %add3A_2023, %iota3A_123 : vector<16xi32>
      %ge3A_2025 = arith.constant 0 : i32
      %ge3A_2026 = vector.broadcast %ge3A_2025 : i32 to vector<16xi32>
      %ge3A_2027 = arith.cmpi sge, %add3A_2024, %ge3A_2026 : vector<16xi32>
      %lt3A_2028 = arith.constant 256 : i32
      %lt3A_2029 = vector.broadcast %lt3A_2028 : i32 to vector<16xi32>
      %lt3A_2030 = arith.cmpi slt, %add3A_2024, %lt3A_2029 : vector<16xi32>
      %and3A_2031 = arith.andi %ge3A_2027, %lt3A_2030 : vector<16xi1>
      %jit3A_2032 = arith.constant 0 : i32
      %jit3A_2033 = arith.constant 255 : i32
      %max3A_2034 = vector.broadcast %jit3A_2032 : i32 to vector<16xi32>
      %max3A_2035 = arith.maxsi %max3A_2034, %add3A_2024 : vector<16xi32>
      %min3A_2036 = vector.broadcast %jit3A_2033 : i32 to vector<16xi32>
      %min3A_2037 = arith.minsi %min3A_2036, %max3A_2035 : vector<16xi32>
      tpu.vector_store_idx %arg6[%broadcast_in_dim3A_2006, %min3A_2037], %broadcast_in_dim3A_122 masked %and3A_2031 : memref<72x256xf32, #tpu.memory_space<vmem>>[vector<16xi32>, vector<16xi32>], vector<16xf32>, vector<16xi1>
      %add3A_2038 = arith.constant 32 : i32
      %add3A_2039 = arith.addi %sub3A_132, %add3A_2038 : i32
      %add3A_2040 = vector.broadcast %add3A_2039 : i32 to vector<16xi32>
      %add3A_2041 = arith.addi %add3A_2040, %iota3A_123 : vector<16xi32>
      %ge3A_2042 = arith.constant 0 : i32
      %ge3A_2043 = vector.broadcast %ge3A_2042 : i32 to vector<16xi32>
      %ge3A_2044 = arith.cmpi sge, %add3A_2041, %ge3A_2043 : vector<16xi32>
      %lt3A_2045 = arith.constant 256 : i32
      %lt3A_2046 = vector.broadcast %lt3A_2045 : i32 to vector<16xi32>
      %lt3A_2047 = arith.cmpi slt, %add3A_2041, %lt3A_2046 : vector<16xi32>
      %and3A_2048 = arith.andi %ge3A_2044, %lt3A_2047 : vector<16xi1>
      %jit3A_2049 = arith.constant 0 : i32
      %jit3A_2050 = arith.constant 255 : i32
      %max3A_2051 = vector.broadcast %jit3A_2049 : i32 to vector<16xi32>
      %max3A_2052 = arith.maxsi %max3A_2051, %add3A_2041 : vector<16xi32>
      %min3A_2053 = vector.broadcast %jit3A_2050 : i32 to vector<16xi32>
      %min3A_2054 = arith.minsi %min3A_2053, %max3A_2052 : vector<16xi32>
      tpu.vector_store_idx %arg6[%broadcast_in_dim3A_2006, %min3A_2054], %broadcast_in_dim3A_122 masked %and3A_2048 : memref<72x256xf32, #tpu.memory_space<vmem>>[vector<16xi32>, vector<16xi32>], vector<16xf32>, vector<16xi1>
      %add3A_2055 = arith.constant 48 : i32
      %add3A_2056 = arith.addi %sub3A_132, %add3A_2055 : i32
      %add3A_2057 = vector.broadcast %add3A_2056 : i32 to vector<16xi32>
      %add3A_2058 = arith.addi %add3A_2057, %iota3A_123 : vector<16xi32>
      %ge3A_2059 = arith.constant 0 : i32
      %ge3A_2060 = vector.broadcast %ge3A_2059 : i32 to vector<16xi32>
      %ge3A_2061 = arith.cmpi sge, %add3A_2058, %ge3A_2060 : vector<16xi32>
      %lt3A_2062 = arith.constant 256 : i32
      %lt3A_2063 = vector.broadcast %lt3A_2062 : i32 to vector<16xi32>
      %lt3A_2064 = arith.cmpi slt, %add3A_2058, %lt3A_2063 : vector<16xi32>
      %and3A_2065 = arith.andi %ge3A_2061, %lt3A_2064 : vector<16xi1>
      %jit3A_2066 = arith.constant 0 : i32
      %jit3A_2067 = arith.constant 255 : i32
      %max3A_2068 = vector.broadcast %jit3A_2066 : i32 to vector<16xi32>
      %max3A_2069 = arith.maxsi %max3A_2068, %add3A_2058 : vector<16xi32>
      %min3A_2070 = vector.broadcast %jit3A_2067 : i32 to vector<16xi32>
      %min3A_2071 = arith.minsi %min3A_2070, %max3A_2069 : vector<16xi32>
      tpu.vector_store_idx %arg6[%broadcast_in_dim3A_2006, %min3A_2071], %broadcast_in_dim3A_122 masked %and3A_2065 : memref<72x256xf32, #tpu.memory_space<vmem>>[vector<16xi32>, vector<16xi32>], vector<16xf32>, vector<16xi1>
    }
    %while3A_141 = arith.constant 1 : i32
    scf.for %while3A_2005 = %while3A_139 to %while3A_135 step %while3A_141  : i32 {
      %broadcast_in_dim3A_2006 = vector.broadcast %while3A_2005 : i32 to vector<16xi32>
      %add3A_2007 = arith.constant 0 : i32
      %add3A_2008 = arith.addi %sub3A_132, %add3A_2007 : i32
      %add3A_2009 = vector.broadcast %add3A_2008 : i32 to vector<16xi32>
      %add3A_2010 = arith.addi %add3A_2009, %iota3A_123 : vector<16xi32>
      %ge3A = arith.constant 0 : i32
      %ge3A_2011 = vector.broadcast %ge3A : i32 to vector<16xi32>
      %ge3A_2012 = arith.cmpi sge, %add3A_2010, %ge3A_2011 : vector<16xi32>
      %lt3A = arith.constant 256 : i32
      %lt3A_2013 = vector.broadcast %lt3A : i32 to vector<16xi32>
      %lt3A_2014 = arith.cmpi slt, %add3A_2010, %lt3A_2013 : vector<16xi32>
      %and3A_2015 = arith.andi %ge3A_2012, %lt3A_2014 : vector<16xi1>
      %jit3A = arith.constant 0 : i32
      %jit3A_2016 = arith.constant 255 : i32
      %max3A_2017 = vector.broadcast %jit3A : i32 to vector<16xi32>
      %max3A_2018 = arith.maxsi %max3A_2017, %add3A_2010 : vector<16xi32>
      %min3A_2019 = vector.broadcast %jit3A_2016 : i32 to vector<16xi32>
      %min3A_2020 = arith.minsi %min3A_2019, %max3A_2018 : vector<16xi32>
      tpu.vector_store_idx %arg6[%broadcast_in_dim3A_2006, %min3A_2020], %broadcast_in_dim3A_122 masked %and3A_2015 : memref<72x256xf32, #tpu.memory_space<vmem>>[vector<16xi32>, vector<16xi32>], vector<16xf32>, vector<16xi1>
      %add3A_2021 = arith.constant 16 : i32
      %add3A_2022 = arith.addi %sub3A_132, %add3A_2021 : i32
      %add3A_2023 = vector.broadcast %add3A_2022 : i32 to vector<16xi32>
      %add3A_2024 = arith.addi %add3A_2023, %iota3A_123 : vector<16xi32>
      %ge3A_2025 = arith.constant 0 : i32
      %ge3A_2026 = vector.broadcast %ge3A_2025 : i32 to vector<16xi32>
      %ge3A_2027 = arith.cmpi sge, %add3A_2024, %ge3A_2026 : vector<16xi32>
      %lt3A_2028 = arith.constant 256 : i32
      %lt3A_2029 = vector.broadcast %lt3A_2028 : i32 to vector<16xi32>
      %lt3A_2030 = arith.cmpi slt, %add3A_2024, %lt3A_2029 : vector<16xi32>
      %and3A_2031 = arith.andi %ge3A_2027, %lt3A_2030 : vector<16xi1>
      %jit3A_2032 = arith.constant 0 : i32
      %jit3A_2033 = arith.constant 255 : i32
      %max3A_2034 = vector.broadcast %jit3A_2032 : i32 to vector<16xi32>
      %max3A_2035 = arith.maxsi %max3A_2034, %add3A_2024 : vector<16xi32>
      %min3A_2036 = vector.broadcast %jit3A_2033 : i32 to vector<16xi32>
      %min3A_2037 = arith.minsi %min3A_2036, %max3A_2035 : vector<16xi32>
      tpu.vector_store_idx %arg6[%broadcast_in_dim3A_2006, %min3A_2037], %broadcast_in_dim3A_122 masked %and3A_2031 : memref<72x256xf32, #tpu.memory_space<vmem>>[vector<16xi32>, vector<16xi32>], vector<16xf32>, vector<16xi1>
      %add3A_2038 = arith.constant 32 : i32
      %add3A_2039 = arith.addi %sub3A_132, %add3A_2038 : i32
      %add3A_2040 = vector.broadcast %add3A_2039 : i32 to vector<16xi32>
      %add3A_2041 = arith.addi %add3A_2040, %iota3A_123 : vector<16xi32>
      %ge3A_2042 = arith.constant 0 : i32
      %ge3A_2043 = vector.broadcast %ge3A_2042 : i32 to vector<16xi32>
      %ge3A_2044 = arith.cmpi sge, %add3A_2041, %ge3A_2043 : vector<16xi32>
      %lt3A_2045 = arith.constant 256 : i32
      %lt3A_2046 = vector.broadcast %lt3A_2045 : i32 to vector<16xi32>
      %lt3A_2047 = arith.cmpi slt, %add3A_2041, %lt3A_2046 : vector<16xi32>
      %and3A_2048 = arith.andi %ge3A_2044, %lt3A_2047 : vector<16xi1>
      %jit3A_2049 = arith.constant 0 : i32
      %jit3A_2050 = arith.constant 255 : i32
      %max3A_2051 = vector.broadcast %jit3A_2049 : i32 to vector<16xi32>
      %max3A_2052 = arith.maxsi %max3A_2051, %add3A_2041 : vector<16xi32>
      %min3A_2053 = vector.broadcast %jit3A_2050 : i32 to vector<16xi32>
      %min3A_2054 = arith.minsi %min3A_2053, %max3A_2052 : vector<16xi32>
      tpu.vector_store_idx %arg6[%broadcast_in_dim3A_2006, %min3A_2054], %broadcast_in_dim3A_122 masked %and3A_2048 : memref<72x256xf32, #tpu.memory_space<vmem>>[vector<16xi32>, vector<16xi32>], vector<16xf32>, vector<16xi1>
      %add3A_2055 = arith.constant 48 : i32
      %add3A_2056 = arith.addi %sub3A_132, %add3A_2055 : i32
      %add3A_2057 = vector.broadcast %add3A_2056 : i32 to vector<16xi32>
      %add3A_2058 = arith.addi %add3A_2057, %iota3A_123 : vector<16xi32>
      %ge3A_2059 = arith.constant 0 : i32
      %ge3A_2060 = vector.broadcast %ge3A_2059 : i32 to vector<16xi32>
      %ge3A_2061 = arith.cmpi sge, %add3A_2058, %ge3A_2060 : vector<16xi32>
      %lt3A_2062 = arith.constant 256 : i32
      %lt3A_2063 = vector.broadcast %lt3A_2062 : i32 to vector<16xi32>
      %lt3A_2064 = arith.cmpi slt, %add3A_2058, %lt3A_2063 : vector<16xi32>
      %and3A_2065 = arith.andi %ge3A_2061, %lt3A_2064 : vector<16xi1>
      %jit3A_2066 = arith.constant 0 : i32
      %jit3A_2067 = arith.constant 255 : i32
      %max3A_2068 = vector.broadcast %jit3A_2066 : i32 to vector<16xi32>
      %max3A_2069 = arith.maxsi %max3A_2068, %add3A_2058 : vector<16xi32>
      %min3A_2070 = vector.broadcast %jit3A_2067 : i32 to vector<16xi32>
      %min3A_2071 = arith.minsi %min3A_2070, %max3A_2069 : vector<16xi32>
      tpu.vector_store_idx %arg6[%broadcast_in_dim3A_2006, %min3A_2071], %broadcast_in_dim3A_122 masked %and3A_2065 : memref<72x256xf32, #tpu.memory_space<vmem>>[vector<16xi32>, vector<16xi32>], vector<16xf32>, vector<16xi1>
    }
    %mul3A_142 = arith.constant 2 : i32
    %mul3A_143 = arith.muli %add3A, %mul3A_142 : i32
    %add3A_144 = arith.constant 0 : i32
    %add3A_145 = arith.addi %mul3A_143, %add3A_144 : i32
    %dma_wait3A_146 = arith.constant 0 : i32
    %dma_wait3A_147 = arith.constant 0 : i32
    %dma_wait3A_148 = arith.constant 0 : i32
    %dma_wait3A_149 = tpu.memref_slice %arg5[%arg1, %dma_wait3A_146, %dma_wait3A_147, %dma_wait3A_148] : memref<16x3x8x4096xf32, #tpu.memory_space<vmem_shared>> -> memref<1x1x8x4096xf32, #tpu.memory_space<vmem_shared>>
    %dma_wait3A_150 = tpu.memref_squeeze %dma_wait3A_149 : memref<1x1x8x4096xf32, #tpu.memory_space<vmem_shared>> -> memref<8x4096xf32, #tpu.memory_space<vmem_shared>>
    %dma_wait3A_151 = arith.constant 0 : i32
    %dma_wait3A_152 = arith.constant 0 : i32
    %dma_wait3A_153 = tpu.memref_slice %arg2[%add3A_145, %dma_wait3A_151, %dma_wait3A_152] : memref<64x128x4096xf32, #tpu.memory_space<hbm>> -> memref<1x8x4096xf32, #tpu.memory_space<hbm>>
    %dma_wait3A_154 = tpu.memref_squeeze %dma_wait3A_153 : memref<1x8x4096xf32, #tpu.memory_space<hbm>> -> memref<8x4096xf32, #tpu.memory_space<hbm>>
    tpu.wait_dma2 semaphore(%arg8 : memref<!tpu.dma_semaphore, #tpu.memory_space<semaphore_mem>>) src(%dma_wait3A_154 : memref<8x4096xf32, #tpu.memory_space<hbm>>) dst(%dma_wait3A_150 : memref<8x4096xf32, #tpu.memory_space<vmem_shared>>)
    %mul3A_155 = arith.constant 2 : i32
    %mul3A_156 = arith.muli %add3A, %mul3A_155 : i32
    %add3A_157 = arith.constant 0 : i32
    %add3A_158 = arith.addi %mul3A_156, %add3A_157 : i32
    %dma_start3A_159 = arith.constant 0 : i32
    %dma_start3A_160 = arith.constant 0 : i32
    %dma_start3A_161 = arith.constant 0 : i32
    %dma_start3A_162 = tpu.memref_slice %arg4[%add3A_158, %dma_start3A_160, %dma_start3A_161] : memref<64x128x4096xf32, #tpu.memory_space<hbm>> -> memref<1x8x4096xf32, #tpu.memory_space<hbm>>
    %dma_start3A_163 = tpu.memref_squeeze %dma_start3A_162 : memref<1x8x4096xf32, #tpu.memory_space<hbm>> -> memref<8x4096xf32, #tpu.memory_space<hbm>>
    %dma_start3A_164 = arith.constant 0 : i32
    %dma_start3A_165 = arith.constant 0 : i32
    %dma_start3A_166 = tpu.memref_slice %arg5[%arg1, %dma_start3A_159, %dma_start3A_164, %dma_start3A_165] : memref<16x3x8x4096xf32, #tpu.memory_space<vmem_shared>> -> memref<1x1x8x4096xf32, #tpu.memory_space<vmem_shared>>
    %dma_start3A_167 = tpu.memref_squeeze %dma_start3A_166 : memref<1x1x8x4096xf32, #tpu.memory_space<vmem_shared>> -> memref<8x4096xf32, #tpu.memory_space<vmem_shared>>
    tpu.enqueue_dma source(%dma_start3A_167 : memref<8x4096xf32, #tpu.memory_space<vmem_shared>>) target(%dma_start3A_163 : memref<8x4096xf32, #tpu.memory_space<hbm>>) target_semaphore(%arg11 : memref<!tpu.dma_semaphore, #tpu.memory_space<semaphore_mem>>)
    %mul3A_168 = arith.constant 2 : i32
    %mul3A_169 = arith.muli %add3A, %mul3A_168 : i32
    %add3A_170 = arith.constant 0 : i32
    %add3A_171 = arith.addi %mul3A_169, %add3A_170 : i32
    %dma_start3A_172 = arith.constant 2 : i32
    %dma_start3A_173 = arith.constant 0 : i32
    %dma_start3A_174 = arith.constant 0 : i32
    %dma_start3A_175 = tpu.memref_slice %arg5[%arg1, %dma_start3A_172, %dma_start3A_173, %dma_start3A_174] : memref<16x3x8x4096xf32, #tpu.memory_space<vmem_shared>> -> memref<1x1x8x4096xf32, #tpu.memory_space<vmem_shared>>
    %dma_start3A_176 = tpu.memref_squeeze %dma_start3A_175 : memref<1x1x8x4096xf32, #tpu.memory_space<vmem_shared>> -> memref<8x4096xf32, #tpu.memory_space<vmem_shared>>
    %dma_start3A_177 = arith.constant 16 : i32
    %dma_start3A_178 = arith.constant 0 : i32
    %dma_start3A_179 = tpu.memref_slice %arg2[%add3A_171, %dma_start3A_177, %dma_start3A_178] : memref<64x128x4096xf32, #tpu.memory_space<hbm>> -> memref<1x8x4096xf32, #tpu.memory_space<hbm>>
    %dma_start3A_180 = tpu.memref_squeeze %dma_start3A_179 : memref<1x8x4096xf32, #tpu.memory_space<hbm>> -> memref<8x4096xf32, #tpu.memory_space<hbm>>
    tpu.enqueue_dma source(%dma_start3A_180 : memref<8x4096xf32, #tpu.memory_space<hbm>>) target(%dma_start3A_176 : memref<8x4096xf32, #tpu.memory_space<vmem_shared>>) target_semaphore(%arg10 : memref<!tpu.dma_semaphore, #tpu.memory_space<semaphore_mem>>)
    %mul3A_181 = arith.constant 2 : i32
    %mul3A_182 = arith.muli %add3A, %mul3A_181 : i32
    %add3A_183 = arith.constant 0 : i32
    %add3A_184 = arith.addi %mul3A_182, %add3A_183 : i32
    %dma_wait3A_185 = arith.constant 1 : i32
    %dma_wait3A_186 = arith.constant 0 : i32
    %dma_wait3A_187 = arith.constant 0 : i32
    %dma_wait3A_188 = tpu.memref_slice %arg5[%arg1, %dma_wait3A_185, %dma_wait3A_186, %dma_wait3A_187] : memref<16x3x8x4096xf32, #tpu.memory_space<vmem_shared>> -> memref<1x1x8x4096xf32, #tpu.memory_space<vmem_shared>>
    %dma_wait3A_189 = tpu.memref_squeeze %dma_wait3A_188 : memref<1x1x8x4096xf32, #tpu.memory_space<vmem_shared>> -> memref<8x4096xf32, #tpu.memory_space<vmem_shared>>
    %dma_wait3A_190 = arith.constant 8 : i32
    %dma_wait3A_191 = arith.constant 0 : i32
    %dma_wait3A_192 = tpu.memref_slice %arg2[%add3A_184, %dma_wait3A_190, %dma_wait3A_191] : memref<64x128x4096xf32, #tpu.memory_space<hbm>> -> memref<1x8x4096xf32, #tpu.memory_space<hbm>>
    %dma_wait3A_193 = tpu.memref_squeeze %dma_wait3A_192 : memref<1x8x4096xf32, #tpu.memory_space<hbm>> -> memref<8x4096xf32, #tpu.memory_space<hbm>>
    tpu.wait_dma2 semaphore(%arg9 : memref<!tpu.dma_semaphore, #tpu.memory_space<semaphore_mem>>) src(%dma_wait3A_193 : memref<8x4096xf32, #tpu.memory_space<hbm>>) dst(%dma_wait3A_189 : memref<8x4096xf32, #tpu.memory_space<vmem_shared>>)
    %mul3A_194 = arith.constant 2 : i32
    %mul3A_195 = arith.muli %add3A, %mul3A_194 : i32
    %add3A_196 = arith.constant 0 : i32
    %add3A_197 = arith.addi %mul3A_195, %add3A_196 : i32
    %dma_start3A_198 = arith.constant 1 : i32
    %dma_start3A_199 = arith.constant 8 : i32
    %dma_start3A_200 = arith.constant 0 : i32
    %dma_start3A_201 = tpu.memref_slice %arg4[%add3A_197, %dma_start3A_199, %dma_start3A_200] : memref<64x128x4096xf32, #tpu.memory_space<hbm>> -> memref<1x8x4096xf32, #tpu.memory_space<hbm>>
    %dma_start3A_202 = tpu.memref_squeeze %dma_start3A_201 : memref<1x8x4096xf32, #tpu.memory_space<hbm>> -> memref<8x4096xf32, #tpu.memory_space<hbm>>
    %dma_start3A_203 = arith.constant 0 : i32
    %dma_start3A_204 = arith.constant 0 : i32
    %dma_start3A_205 = tpu.memref_slice %arg5[%arg1, %dma_start3A_198, %dma_start3A_203, %dma_start3A_204] : memref<16x3x8x4096xf32, #tpu.memory_space<vmem_shared>> -> memref<1x1x8x4096xf32, #tpu.memory_space<vmem_shared>>
    %dma_start3A_206 = tpu.memref_squeeze %dma_start3A_205 : memref<1x1x8x4096xf32, #tpu.memory_space<vmem_shared>> -> memref<8x4096xf32, #tpu.memory_space<vmem_shared>>
    tpu.enqueue_dma source(%dma_start3A_206 : memref<8x4096xf32, #tpu.memory_space<vmem_shared>>) target(%dma_start3A_202 : memref<8x4096xf32, #tpu.memory_space<hbm>>) target_semaphore(%arg12 : memref<!tpu.dma_semaphore, #tpu.memory_space<semaphore_mem>>)
    %mul3A_207 = arith.constant 2 : i32
    %mul3A_208 = arith.muli %add3A, %mul3A_207 : i32
    %add3A_209 = arith.constant 0 : i32
    %add3A_210 = arith.addi %mul3A_208, %add3A_209 : i32
    %dma_wait3A_211 = arith.constant 0 : i32
    %dma_wait3A_212 = arith.constant 0 : i32
    %dma_wait3A_213 = arith.constant 0 : i32
    %dma_wait3A_214 = tpu.memref_slice %arg4[%add3A_210, %dma_wait3A_212, %dma_wait3A_213] : memref<64x128x4096xf32, #tpu.memory_space<hbm>> -> memref<1x8x4096xf32, #tpu.memory_space<hbm>>
    %dma_wait3A_215 = tpu.memref_squeeze %dma_wait3A_214 : memref<1x8x4096xf32, #tpu.memory_space<hbm>> -> memref<8x4096xf32, #tpu.memory_space<hbm>>
    %dma_wait3A_216 = arith.constant 0 : i32
    %dma_wait3A_217 = arith.constant 0 : i32
    %dma_wait3A_218 = tpu.memref_slice %arg5[%arg1, %dma_wait3A_211, %dma_wait3A_216, %dma_wait3A_217] : memref<16x3x8x4096xf32, #tpu.memory_space<vmem_shared>> -> memref<1x1x8x4096xf32, #tpu.memory_space<vmem_shared>>
    %dma_wait3A_219 = tpu.memref_squeeze %dma_wait3A_218 : memref<1x1x8x4096xf32, #tpu.memory_space<vmem_shared>> -> memref<8x4096xf32, #tpu.memory_space<vmem_shared>>
    tpu.wait_dma2 semaphore(%arg11 : memref<!tpu.dma_semaphore, #tpu.memory_space<semaphore_mem>>) src(%dma_wait3A_219 : memref<8x4096xf32, #tpu.memory_space<vmem_shared>>) dst(%dma_wait3A_215 : memref<8x4096xf32, #tpu.memory_space<hbm>>)
    %mul3A_220 = arith.constant 2 : i32
    %mul3A_221 = arith.muli %add3A, %mul3A_220 : i32
    %add3A_222 = arith.constant 0 : i32
    %add3A_223 = arith.addi %mul3A_221, %add3A_222 : i32
    %dma_start3A_224 = arith.constant 0 : i32
    %dma_start3A_225 = arith.constant 0 : i32
    %dma_start3A_226 = arith.constant 0 : i32
    %dma_start3A_227 = tpu.memref_slice %arg5[%arg1, %dma_start3A_224, %dma_start3A_225, %dma_start3A_226] : memref<16x3x8x4096xf32, #tpu.memory_space<vmem_shared>> -> memref<1x1x8x4096xf32, #tpu.memory_space<vmem_shared>>
    %dma_start3A_228 = tpu.memref_squeeze %dma_start3A_227 : memref<1x1x8x4096xf32, #tpu.memory_space<vmem_shared>> -> memref<8x4096xf32, #tpu.memory_space<vmem_shared>>
    %dma_start3A_229 = arith.constant 24 : i32
    %dma_start3A_230 = arith.constant 0 : i32
    %dma_start3A_231 = tpu.memref_slice %arg2[%add3A_223, %dma_start3A_229, %dma_start3A_230] : memref<64x128x4096xf32, #tpu.memory_space<hbm>> -> memref<1x8x4096xf32, #tpu.memory_space<hbm>>
    %dma_start3A_232 = tpu.memref_squeeze %dma_start3A_231 : memref<1x8x4096xf32, #tpu.memory_space<hbm>> -> memref<8x4096xf32, #tpu.memory_space<hbm>>
    tpu.enqueue_dma source(%dma_start3A_232 : memref<8x4096xf32, #tpu.memory_space<hbm>>) target(%dma_start3A_228 : memref<8x4096xf32, #tpu.memory_space<vmem_shared>>) target_semaphore(%arg8 : memref<!tpu.dma_semaphore, #tpu.memory_space<semaphore_mem>>)
    %mul3A_233 = arith.constant 2 : i32
    %mul3A_234 = arith.muli %add3A, %mul3A_233 : i32
    %add3A_235 = arith.constant 0 : i32
    %add3A_236 = arith.addi %mul3A_234, %add3A_235 : i32
    %dma_wait3A_237 = arith.constant 2 : i32
    %dma_wait3A_238 = arith.constant 0 : i32
    %dma_wait3A_239 = arith.constant 0 : i32
    %dma_wait3A_240 = tpu.memref_slice %arg5[%arg1, %dma_wait3A_237, %dma_wait3A_238, %dma_wait3A_239] : memref<16x3x8x4096xf32, #tpu.memory_space<vmem_shared>> -> memref<1x1x8x4096xf32, #tpu.memory_space<vmem_shared>>
    %dma_wait3A_241 = tpu.memref_squeeze %dma_wait3A_240 : memref<1x1x8x4096xf32, #tpu.memory_space<vmem_shared>> -> memref<8x4096xf32, #tpu.memory_space<vmem_shared>>
    %dma_wait3A_242 = arith.constant 16 : i32
    %dma_wait3A_243 = arith.constant 0 : i32
    %dma_wait3A_244 = tpu.memref_slice %arg2[%add3A_236, %dma_wait3A_242, %dma_wait3A_243] : memref<64x128x4096xf32, #tpu.memory_space<hbm>> -> memref<1x8x4096xf32, #tpu.memory_space<hbm>>
    %dma_wait3A_245 = tpu.memref_squeeze %dma_wait3A_244 : memref<1x8x4096xf32, #tpu.memory_space<hbm>> -> memref<8x4096xf32, #tpu.memory_space<hbm>>
    tpu.wait_dma2 semaphore(%arg10 : memref<!tpu.dma_semaphore, #tpu.memory_space<semaphore_mem>>) src(%dma_wait3A_245 : memref<8x4096xf32, #tpu.memory_space<hbm>>) dst(%dma_wait3A_241 : memref<8x4096xf32, #tpu.memory_space<vmem_shared>>)
    %mul3A_246 = arith.constant 2 : i32
    %mul3A_247 = arith.muli %add3A, %mul3A_246 : i32
    %add3A_248 = arith.constant 0 : i32
    %add3A_249 = arith.addi %mul3A_247, %add3A_248 : i32
    %dma_start3A_250 = arith.constant 2 : i32
    %dma_start3A_251 = arith.constant 16 : i32
    %dma_start3A_252 = arith.constant 0 : i32
    %dma_start3A_253 = tpu.memref_slice %arg4[%add3A_249, %dma_start3A_251, %dma_start3A_252] : memref<64x128x4096xf32, #tpu.memory_space<hbm>> -> memref<1x8x4096xf32, #tpu.memory_space<hbm>>
    %dma_start3A_254 = tpu.memref_squeeze %dma_start3A_253 : memref<1x8x4096xf32, #tpu.memory_space<hbm>> -> memref<8x4096xf32, #tpu.memory_space<hbm>>
    %dma_start3A_255 = arith.constant 0 : i32
    %dma_start3A_256 = arith.constant 0 : i32
    %dma_start3A_257 = tpu.memref_slice %arg5[%arg1, %dma_start3A_250, %dma_start3A_255, %dma_start3A_256] : memref<16x3x8x4096xf32, #tpu.memory_space<vmem_shared>> -> memref<1x1x8x4096xf32, #tpu.memory_space<vmem_shared>>
    %dma_start3A_258 = tpu.memref_squeeze %dma_start3A_257 : memref<1x1x8x4096xf32, #tpu.memory_space<vmem_shared>> -> memref<8x4096xf32, #tpu.memory_space<vmem_shared>>
    tpu.enqueue_dma source(%dma_start3A_258 : memref<8x4096xf32, #tpu.memory_space<vmem_shared>>) target(%dma_start3A_254 : memref<8x4096xf32, #tpu.memory_space<hbm>>) target_semaphore(%arg13 : memref<!tpu.dma_semaphore, #tpu.memory_space<semaphore_mem>>)
    %mul3A_259 = arith.constant 2 : i32
    %mul3A_260 = arith.muli %add3A, %mul3A_259 : i32
    %add3A_261 = arith.constant 0 : i32
    %add3A_262 = arith.addi %mul3A_260, %add3A_261 : i32
    %dma_wait3A_263 = arith.constant 1 : i32
    %dma_wait3A_264 = arith.constant 8 : i32
    %dma_wait3A_265 = arith.constant 0 : i32
    %dma_wait3A_266 = tpu.memref_slice %arg4[%add3A_262, %dma_wait3A_264, %dma_wait3A_265] : memref<64x128x4096xf32, #tpu.memory_space<hbm>> -> memref<1x8x4096xf32, #tpu.memory_space<hbm>>
    %dma_wait3A_267 = tpu.memref_squeeze %dma_wait3A_266 : memref<1x8x4096xf32, #tpu.memory_space<hbm>> -> memref<8x4096xf32, #tpu.memory_space<hbm>>
    %dma_wait3A_268 = arith.constant 0 : i32
    %dma_wait3A_269 = arith.constant 0 : i32
    %dma_wait3A_270 = tpu.memref_slice %arg5[%arg1, %dma_wait3A_263, %dma_wait3A_268, %dma_wait3A_269] : memref<16x3x8x4096xf32, #tpu.memory_space<vmem_shared>> -> memref<1x1x8x4096xf32, #tpu.memory_space<vmem_shared>>
    %dma_wait3A_271 = tpu.memref_squeeze %dma_wait3A_270 : memref<1x1x8x4096xf32, #tpu.memory_space<vmem_shared>> -> memref<8x4096xf32, #tpu.memory_space<vmem_shared>>
    tpu.wait_dma2 semaphore(%arg12 : memref<!tpu.dma_semaphore, #tpu.memory_space<semaphore_mem>>) src(%dma_wait3A_271 : memref<8x4096xf32, #tpu.memory_space<vmem_shared>>) dst(%dma_wait3A_267 : memref<8x4096xf32, #tpu.memory_space<hbm>>)
    %mul3A_272 = arith.constant 2 : i32
    %mul3A_273 = arith.muli %add3A, %mul3A_272 : i32
    %add3A_274 = arith.constant 0 : i32
    %add3A_275 = arith.addi %mul3A_273, %add3A_274 : i32
    %dma_start3A_276 = arith.constant 1 : i32
    %dma_start3A_277 = arith.constant 0 : i32
    %dma_start3A_278 = arith.constant 0 : i32
    %dma_start3A_279 = tpu.memref_slice %arg5[%arg1, %dma_start3A_276, %dma_start3A_277, %dma_start3A_278] : memref<16x3x8x4096xf32, #tpu.memory_space<vmem_shared>> -> memref<1x1x8x4096xf32, #tpu.memory_space<vmem_shared>>
    %dma_start3A_280 = tpu.memref_squeeze %dma_start3A_279 : memref<1x1x8x4096xf32, #tpu.memory_space<vmem_shared>> -> memref<8x4096xf32, #tpu.memory_space<vmem_shared>>
    %dma_start3A_281 = arith.constant 32 : i32
    %dma_start3A_282 = arith.constant 0 : i32
    %dma_start3A_283 = tpu.memref_slice %arg2[%add3A_275, %dma_start3A_281, %dma_start3A_282] : memref<64x128x4096xf32, #tpu.memory_space<hbm>> -> memref<1x8x4096xf32, #tpu.memory_space<hbm>>
    %dma_start3A_284 = tpu.memref_squeeze %dma_start3A_283 : memref<1x8x4096xf32, #tpu.memory_space<hbm>> -> memref<8x4096xf32, #tpu.memory_space<hbm>>
    tpu.enqueue_dma source(%dma_start3A_284 : memref<8x4096xf32, #tpu.memory_space<hbm>>) target(%dma_start3A_280 : memref<8x4096xf32, #tpu.memory_space<vmem_shared>>) target_semaphore(%arg9 : memref<!tpu.dma_semaphore, #tpu.memory_space<semaphore_mem>>)
    %mul3A_285 = arith.constant 2 : i32
    %mul3A_286 = arith.muli %add3A, %mul3A_285 : i32
    %add3A_287 = arith.constant 0 : i32
    %add3A_288 = arith.addi %mul3A_286, %add3A_287 : i32
    %dma_wait3A_289 = arith.constant 0 : i32
    %dma_wait3A_290 = arith.constant 0 : i32
    %dma_wait3A_291 = arith.constant 0 : i32
    %dma_wait3A_292 = tpu.memref_slice %arg5[%arg1, %dma_wait3A_289, %dma_wait3A_290, %dma_wait3A_291] : memref<16x3x8x4096xf32, #tpu.memory_space<vmem_shared>> -> memref<1x1x8x4096xf32, #tpu.memory_space<vmem_shared>>
    %dma_wait3A_293 = tpu.memref_squeeze %dma_wait3A_292 : memref<1x1x8x4096xf32, #tpu.memory_space<vmem_shared>> -> memref<8x4096xf32, #tpu.memory_space<vmem_shared>>
    %dma_wait3A_294 = arith.constant 24 : i32
    %dma_wait3A_295 = arith.constant 0 : i32
    %dma_wait3A_296 = tpu.memref_slice %arg2[%add3A_288, %dma_wait3A_294, %dma_wait3A_295] : memref<64x128x4096xf32, #tpu.memory_space<hbm>> -> memref<1x8x4096xf32, #tpu.memory_space<hbm>>
    %dma_wait3A_297 = tpu.memref_squeeze %dma_wait3A_296 : memref<1x8x4096xf32, #tpu.memory_space<hbm>> -> memref<8x4096xf32, #tpu.memory_space<hbm>>
    tpu.wait_dma2 semaphore(%arg8 : memref<!tpu.dma_semaphore, #tpu.memory_space<semaphore_mem>>) src(%dma_wait3A_297 : memref<8x4096xf32, #tpu.memory_space<hbm>>) dst(%dma_wait3A_293 : memref<8x4096xf32, #tpu.memory_space<vmem_shared>>)
    %mul3A_298 = arith.constant 2 : i32
    %mul3A_299 = arith.muli %add3A, %mul3A_298 : i32
    %add3A_300 = arith.constant 0 : i32
    %add3A_301 = arith.addi %mul3A_299, %add3A_300 : i32
    %dma_start3A_302 = arith.constant 0 : i32
    %dma_start3A_303 = arith.constant 24 : i32
    %dma_start3A_304 = arith.constant 0 : i32
    %dma_start3A_305 = tpu.memref_slice %arg4[%add3A_301, %dma_start3A_303, %dma_start3A_304] : memref<64x128x4096xf32, #tpu.memory_space<hbm>> -> memref<1x8x4096xf32, #tpu.memory_space<hbm>>
    %dma_start3A_306 = tpu.memref_squeeze %dma_start3A_305 : memref<1x8x4096xf32, #tpu.memory_space<hbm>> -> memref<8x4096xf32, #tpu.memory_space<hbm>>
    %dma_start3A_307 = arith.constant 0 : i32
    %dma_start3A_308 = arith.constant 0 : i32
    %dma_start3A_309 = tpu.memref_slice %arg5[%arg1, %dma_start3A_302, %dma_start3A_307, %dma_start3A_308] : memref<16x3x8x4096xf32, #tpu.memory_space<vmem_shared>> -> memref<1x1x8x4096xf32, #tpu.memory_space<vmem_shared>>
    %dma_start3A_310 = tpu.memref_squeeze %dma_start3A_309 : memref<1x1x8x4096xf32, #tpu.memory_space<vmem_shared>> -> memref<8x4096xf32, #tpu.memory_space<vmem_shared>>
    tpu.enqueue_dma source(%dma_start3A_310 : memref<8x4096xf32, #tpu.memory_space<vmem_shared>>) target(%dma_start3A_306 : memref<8x4096xf32, #tpu.memory_space<hbm>>) target_semaphore(%arg11 : memref<!tpu.dma_semaphore, #tpu.memory_space<semaphore_mem>>)
    %mul3A_311 = arith.constant 2 : i32
    %mul3A_312 = arith.muli %add3A, %mul3A_311 : i32
    %add3A_313 = arith.constant 0 : i32
    %add3A_314 = arith.addi %mul3A_312, %add3A_313 : i32
    %dma_wait3A_315 = arith.constant 2 : i32
    %dma_wait3A_316 = arith.constant 16 : i32
    %dma_wait3A_317 = arith.constant 0 : i32
    %dma_wait3A_318 = tpu.memref_slice %arg4[%add3A_314, %dma_wait3A_316, %dma_wait3A_317] : memref<64x128x4096xf32, #tpu.memory_space<hbm>> -> memref<1x8x4096xf32, #tpu.memory_space<hbm>>
    %dma_wait3A_319 = tpu.memref_squeeze %dma_wait3A_318 : memref<1x8x4096xf32, #tpu.memory_space<hbm>> -> memref<8x4096xf32, #tpu.memory_space<hbm>>
    %dma_wait3A_320 = arith.constant 0 : i32
    %dma_wait3A_321 = arith.constant 0 : i32
    %dma_wait3A_322 = tpu.memref_slice %arg5[%arg1, %dma_wait3A_315, %dma_wait3A_320, %dma_wait3A_321] : memref<16x3x8x4096xf32, #tpu.memory_space<vmem_shared>> -> memref<1x1x8x4096xf32, #tpu.memory_space<vmem_shared>>
    %dma_wait3A_323 = tpu.memref_squeeze %dma_wait3A_322 : memref<1x1x8x4096xf32, #tpu.memory_space<vmem_shared>> -> memref<8x4096xf32, #tpu.memory_space<vmem_shared>>
    tpu.wait_dma2 semaphore(%arg13 : memref<!tpu.dma_semaphore, #tpu.memory_space<semaphore_mem>>) src(%dma_wait3A_323 : memref<8x4096xf32, #tpu.memory_space<vmem_shared>>) dst(%dma_wait3A_319 : memref<8x4096xf32, #tpu.memory_space<hbm>>)
    %mul3A_324 = arith.constant 2 : i32
    %mul3A_325 = arith.muli %add3A, %mul3A_324 : i32
    %add3A_326 = arith.constant 0 : i32
    %add3A_327 = arith.addi %mul3A_325, %add3A_326 : i32
    %dma_start3A_328 = arith.constant 2 : i32
    %dma_start3A_329 = arith.constant 0 : i32
    %dma_start3A_330 = arith.constant 0 : i32
    %dma_start3A_331 = tpu.memref_slice %arg5[%arg1, %dma_start3A_328, %dma_start3A_329, %dma_start3A_330] : memref<16x3x8x4096xf32, #tpu.memory_space<vmem_shared>> -> memref<1x1x8x4096xf32, #tpu.memory_space<vmem_shared>>
    %dma_start3A_332 = tpu.memref_squeeze %dma_start3A_331 : memref<1x1x8x4096xf32, #tpu.memory_space<vmem_shared>> -> memref<8x4096xf32, #tpu.memory_space<vmem_shared>>
    %dma_start3A_333 = arith.constant 40 : i32
    %dma_start3A_334 = arith.constant 0 : i32
    %dma_start3A_335 = tpu.memref_slice %arg2[%add3A_327, %dma_start3A_333, %dma_start3A_334] : memref<64x128x4096xf32, #tpu.memory_space<hbm>> -> memref<1x8x4096xf32, #tpu.memory_space<hbm>>
    %dma_start3A_336 = tpu.memref_squeeze %dma_start3A_335 : memref<1x8x4096xf32, #tpu.memory_space<hbm>> -> memref<8x4096xf32, #tpu.memory_space<hbm>>
    tpu.enqueue_dma source(%dma_start3A_336 : memref<8x4096xf32, #tpu.memory_space<hbm>>) target(%dma_start3A_332 : memref<8x4096xf32, #tpu.memory_space<vmem_shared>>) target_semaphore(%arg10 : memref<!tpu.dma_semaphore, #tpu.memory_space<semaphore_mem>>)
    %mul3A_337 = arith.constant 2 : i32
    %mul3A_338 = arith.muli %add3A, %mul3A_337 : i32
    %add3A_339 = arith.constant 0 : i32
    %add3A_340 = arith.addi %mul3A_338, %add3A_339 : i32
    %dma_wait3A_341 = arith.constant 1 : i32
    %dma_wait3A_342 = arith.constant 0 : i32
    %dma_wait3A_343 = arith.constant 0 : i32
    %dma_wait3A_344 = tpu.memref_slice %arg5[%arg1, %dma_wait3A_341, %dma_wait3A_342, %dma_wait3A_343] : memref<16x3x8x4096xf32, #tpu.memory_space<vmem_shared>> -> memref<1x1x8x4096xf32, #tpu.memory_space<vmem_shared>>
    %dma_wait3A_345 = tpu.memref_squeeze %dma_wait3A_344 : memref<1x1x8x4096xf32, #tpu.memory_space<vmem_shared>> -> memref<8x4096xf32, #tpu.memory_space<vmem_shared>>
    %dma_wait3A_346 = arith.constant 32 : i32
    %dma_wait3A_347 = arith.constant 0 : i32
    %dma_wait3A_348 = tpu.memref_slice %arg2[%add3A_340, %dma_wait3A_346, %dma_wait3A_347] : memref<64x128x4096xf32, #tpu.memory_space<hbm>> -> memref<1x8x4096xf32, #tpu.memory_space<hbm>>
    %dma_wait3A_349 = tpu.memref_squeeze %dma_wait3A_348 : memref<1x8x4096xf32, #tpu.memory_space<hbm>> -> memref<8x4096xf32, #tpu.memory_space<hbm>>
    tpu.wait_dma2 semaphore(%arg9 : memref<!tpu.dma_semaphore, #tpu.memory_space<semaphore_mem>>) src(%dma_wait3A_349 : memref<8x4096xf32, #tpu.memory_space<hbm>>) dst(%dma_wait3A_345 : memref<8x4096xf32, #tpu.memory_space<vmem_shared>>)
    %mul3A_350 = arith.constant 2 : i32
    %mul3A_351 = arith.muli %add3A, %mul3A_350 : i32
    %add3A_352 = arith.constant 0 : i32
    %add3A_353 = arith.addi %mul3A_351, %add3A_352 : i32
    %dma_start3A_354 = arith.constant 1 : i32
    %dma_start3A_355 = arith.constant 32 : i32
    %dma_start3A_356 = arith.constant 0 : i32
    %dma_start3A_357 = tpu.memref_slice %arg4[%add3A_353, %dma_start3A_355, %dma_start3A_356] : memref<64x128x4096xf32, #tpu.memory_space<hbm>> -> memref<1x8x4096xf32, #tpu.memory_space<hbm>>
    %dma_start3A_358 = tpu.memref_squeeze %dma_start3A_357 : memref<1x8x4096xf32, #tpu.memory_space<hbm>> -> memref<8x4096xf32, #tpu.memory_space<hbm>>
    %dma_start3A_359 = arith.constant 0 : i32
    %dma_start3A_360 = arith.constant 0 : i32
    %dma_start3A_361 = tpu.memref_slice %arg5[%arg1, %dma_start3A_354, %dma_start3A_359, %dma_start3A_360] : memref<16x3x8x4096xf32, #tpu.memory_space<vmem_shared>> -> memref<1x1x8x4096xf32, #tpu.memory_space<vmem_shared>>
    %dma_start3A_362 = tpu.memref_squeeze %dma_start3A_361 : memref<1x1x8x4096xf32, #tpu.memory_space<vmem_shared>> -> memref<8x4096xf32, #tpu.memory_space<vmem_shared>>
    tpu.enqueue_dma source(%dma_start3A_362 : memref<8x4096xf32, #tpu.memory_space<vmem_shared>>) target(%dma_start3A_358 : memref<8x4096xf32, #tpu.memory_space<hbm>>) target_semaphore(%arg12 : memref<!tpu.dma_semaphore, #tpu.memory_space<semaphore_mem>>)
    %mul3A_363 = arith.constant 2 : i32
    %mul3A_364 = arith.muli %add3A, %mul3A_363 : i32
    %add3A_365 = arith.constant 0 : i32
    %add3A_366 = arith.addi %mul3A_364, %add3A_365 : i32
    %dma_wait3A_367 = arith.constant 0 : i32
    %dma_wait3A_368 = arith.constant 24 : i32
    %dma_wait3A_369 = arith.constant 0 : i32
    %dma_wait3A_370 = tpu.memref_slice %arg4[%add3A_366, %dma_wait3A_368, %dma_wait3A_369] : memref<64x128x4096xf32, #tpu.memory_space<hbm>> -> memref<1x8x4096xf32, #tpu.memory_space<hbm>>
    %dma_wait3A_371 = tpu.memref_squeeze %dma_wait3A_370 : memref<1x8x4096xf32, #tpu.memory_space<hbm>> -> memref<8x4096xf32, #tpu.memory_space<hbm>>
    %dma_wait3A_372 = arith.constant 0 : i32
    %dma_wait3A_373 = arith.constant 0 : i32
    %dma_wait3A_374 = tpu.memref_slice %arg5[%arg1, %dma_wait3A_367, %dma_wait3A_372, %dma_wait3A_373] : memref<16x3x8x4096xf32, #tpu.memory_space<vmem_shared>> -> memref<1x1x8x4096xf32, #tpu.memory_space<vmem_shared>>
    %dma_wait3A_375 = tpu.memref_squeeze %dma_wait3A_374 : memref<1x1x8x4096xf32, #tpu.memory_space<vmem_shared>> -> memref<8x4096xf32, #tpu.memory_space<vmem_shared>>
    tpu.wait_dma2 semaphore(%arg11 : memref<!tpu.dma_semaphore, #tpu.memory_space<semaphore_mem>>) src(%dma_wait3A_375 : memref<8x4096xf32, #tpu.memory_space<vmem_shared>>) dst(%dma_wait3A_371 : memref<8x4096xf32, #tpu.memory_space<hbm>>)
    %mul3A_376 = arith.constant 2 : i32
    %mul3A_377 = arith.muli %add3A, %mul3A_376 : i32
    %add3A_378 = arith.constant 0 : i32
    %add3A_379 = arith.addi %mul3A_377, %add3A_378 : i32
    %dma_start3A_380 = arith.constant 0 : i32
    %dma_start3A_381 = arith.constant 0 : i32
    %dma_start3A_382 = arith.constant 0 : i32
    %dma_start3A_383 = tpu.memref_slice %arg5[%arg1, %dma_start3A_380, %dma_start3A_381, %dma_start3A_382] : memref<16x3x8x4096xf32, #tpu.memory_space<vmem_shared>> -> memref<1x1x8x4096xf32, #tpu.memory_space<vmem_shared>>
    %dma_start3A_384 = tpu.memref_squeeze %dma_start3A_383 : memref<1x1x8x4096xf32, #tpu.memory_space<vmem_shared>> -> memref<8x4096xf32, #tpu.memory_space<vmem_shared>>
    %dma_start3A_385 = arith.constant 48 : i32
    %dma_start3A_386 = arith.constant 0 : i32
    %dma_start3A_387 = tpu.memref_slice %arg2[%add3A_379, %dma_start3A_385, %dma_start3A_386] : memref<64x128x4096xf32, #tpu.memory_space<hbm>> -> memref<1x8x4096xf32, #tpu.memory_space<hbm>>
    %dma_start3A_388 = tpu.memref_squeeze %dma_start3A_387 : memref<1x8x4096xf32, #tpu.memory_space<hbm>> -> memref<8x4096xf32, #tpu.memory_space<hbm>>
    tpu.enqueue_dma source(%dma_start3A_388 : memref<8x4096xf32, #tpu.memory_space<hbm>>) target(%dma_start3A_384 : memref<8x4096xf32, #tpu.memory_space<vmem_shared>>) target_semaphore(%arg8 : memref<!tpu.dma_semaphore, #tpu.memory_space<semaphore_mem>>)
    %mul3A_389 = arith.constant 2 : i32
    %mul3A_390 = arith.muli %add3A, %mul3A_389 : i32
    %add3A_391 = arith.constant 0 : i32
    %add3A_392 = arith.addi %mul3A_390, %add3A_391 : i32
    %dma_wait3A_393 = arith.constant 2 : i32
    %dma_wait3A_394 = arith.constant 0 : i32
    %dma_wait3A_395 = arith.constant 0 : i32
    %dma_wait3A_396 = tpu.memref_slice %arg5[%arg1, %dma_wait3A_393, %dma_wait3A_394, %dma_wait3A_395] : memref<16x3x8x4096xf32, #tpu.memory_space<vmem_shared>> -> memref<1x1x8x4096xf32, #tpu.memory_space<vmem_shared>>
    %dma_wait3A_397 = tpu.memref_squeeze %dma_wait3A_396 : memref<1x1x8x4096xf32, #tpu.memory_space<vmem_shared>> -> memref<8x4096xf32, #tpu.memory_space<vmem_shared>>
    %dma_wait3A_398 = arith.constant 40 : i32
    %dma_wait3A_399 = arith.constant 0 : i32
    %dma_wait3A_400 = tpu.memref_slice %arg2[%add3A_392, %dma_wait3A_398, %dma_wait3A_399] : memref<64x128x4096xf32, #tpu.memory_space<hbm>> -> memref<1x8x4096xf32, #tpu.memory_space<hbm>>
    %dma_wait3A_401 = tpu.memref_squeeze %dma_wait3A_400 : memref<1x8x4096xf32, #tpu.memory_space<hbm>> -> memref<8x4096xf32, #tpu.memory_space<hbm>>
    tpu.wait_dma2 semaphore(%arg10 : memref<!tpu.dma_semaphore, #tpu.memory_space<semaphore_mem>>) src(%dma_wait3A_401 : memref<8x4096xf32, #tpu.memory_space<hbm>>) dst(%dma_wait3A_397 : memref<8x4096xf32, #tpu.memory_space<vmem_shared>>)
    %mul3A_402 = arith.constant 2 : i32
    %mul3A_403 = arith.muli %add3A, %mul3A_402 : i32
    %add3A_404 = arith.constant 0 : i32
    %add3A_405 = arith.addi %mul3A_403, %add3A_404 : i32
    %dma_start3A_406 = arith.constant 2 : i32
    %dma_start3A_407 = arith.constant 40 : i32
    %dma_start3A_408 = arith.constant 0 : i32
    %dma_start3A_409 = tpu.memref_slice %arg4[%add3A_405, %dma_start3A_407, %dma_start3A_408] : memref<64x128x4096xf32, #tpu.memory_space<hbm>> -> memref<1x8x4096xf32, #tpu.memory_space<hbm>>
    %dma_start3A_410 = tpu.memref_squeeze %dma_start3A_409 : memref<1x8x4096xf32, #tpu.memory_space<hbm>> -> memref<8x4096xf32, #tpu.memory_space<hbm>>
    %dma_start3A_411 = arith.constant 0 : i32
    %dma_start3A_412 = arith.constant 0 : i32
    %dma_start3A_413 = tpu.memref_slice %arg5[%arg1, %dma_start3A_406, %dma_start3A_411, %dma_start3A_412] : memref<16x3x8x4096xf32, #tpu.memory_space<vmem_shared>> -> memref<1x1x8x4096xf32, #tpu.memory_space<vmem_shared>>
    %dma_start3A_414 = tpu.memref_squeeze %dma_start3A_413 : memref<1x1x8x4096xf32, #tpu.memory_space<vmem_shared>> -> memref<8x4096xf32, #tpu.memory_space<vmem_shared>>
    tpu.enqueue_dma source(%dma_start3A_414 : memref<8x4096xf32, #tpu.memory_space<vmem_shared>>) target(%dma_start3A_410 : memref<8x4096xf32, #tpu.memory_space<hbm>>) target_semaphore(%arg13 : memref<!tpu.dma_semaphore, #tpu.memory_space<semaphore_mem>>)
    %mul3A_415 = arith.constant 2 : i32
    %mul3A_416 = arith.muli %add3A, %mul3A_415 : i32
    %add3A_417 = arith.constant 0 : i32
    %add3A_418 = arith.addi %mul3A_416, %add3A_417 : i32
    %dma_wait3A_419 = arith.constant 1 : i32
    %dma_wait3A_420 = arith.constant 32 : i32
    %dma_wait3A_421 = arith.constant 0 : i32
    %dma_wait3A_422 = tpu.memref_slice %arg4[%add3A_418, %dma_wait3A_420, %dma_wait3A_421] : memref<64x128x4096xf32, #tpu.memory_space<hbm>> -> memref<1x8x4096xf32, #tpu.memory_space<hbm>>
    %dma_wait3A_423 = tpu.memref_squeeze %dma_wait3A_422 : memref<1x8x4096xf32, #tpu.memory_space<hbm>> -> memref<8x4096xf32, #tpu.memory_space<hbm>>
    %dma_wait3A_424 = arith.constant 0 : i32
    %dma_wait3A_425 = arith.constant 0 : i32
    %dma_wait3A_426 = tpu.memref_slice %arg5[%arg1, %dma_wait3A_419, %dma_wait3A_424, %dma_wait3A_425] : memref<16x3x8x4096xf32, #tpu.memory_space<vmem_shared>> -> memref<1x1x8x4096xf32, #tpu.memory_space<vmem_shared>>
    %dma_wait3A_427 = tpu.memref_squeeze %dma_wait3A_426 : memref<1x1x8x4096xf32, #tpu.memory_space<vmem_shared>> -> memref<8x4096xf32, #tpu.memory_space<vmem_shared>>
    tpu.wait_dma2 semaphore(%arg12 : memref<!tpu.dma_semaphore, #tpu.memory_space<semaphore_mem>>) src(%dma_wait3A_427 : memref<8x4096xf32, #tpu.memory_space<vmem_shared>>) dst(%dma_wait3A_423 : memref<8x4096xf32, #tpu.memory_space<hbm>>)
    %mul3A_428 = arith.constant 2 : i32
    %mul3A_429 = arith.muli %add3A, %mul3A_428 : i32
    %add3A_430 = arith.constant 0 : i32
    %add3A_431 = arith.addi %mul3A_429, %add3A_430 : i32
    %dma_start3A_432 = arith.constant 1 : i32
    %dma_start3A_433 = arith.constant 0 : i32
    %dma_start3A_434 = arith.constant 0 : i32
    %dma_start3A_435 = tpu.memref_slice %arg5[%arg1, %dma_start3A_432, %dma_start3A_433, %dma_start3A_434] : memref<16x3x8x4096xf32, #tpu.memory_space<vmem_shared>> -> memref<1x1x8x4096xf32, #tpu.memory_space<vmem_shared>>
    %dma_start3A_436 = tpu.memref_squeeze %dma_start3A_435 : memref<1x1x8x4096xf32, #tpu.memory_space<vmem_shared>> -> memref<8x4096xf32, #tpu.memory_space<vmem_shared>>
    %dma_start3A_437 = arith.constant 56 : i32
    %dma_start3A_438 = arith.constant 0 : i32
    %dma_start3A_439 = tpu.memref_slice %arg2[%add3A_431, %dma_start3A_437, %dma_start3A_438] : memref<64x128x4096xf32, #tpu.memory_space<hbm>> -> memref<1x8x4096xf32, #tpu.memory_space<hbm>>
    %dma_start3A_440 = tpu.memref_squeeze %dma_start3A_439 : memref<1x8x4096xf32, #tpu.memory_space<hbm>> -> memref<8x4096xf32, #tpu.memory_space<hbm>>
    tpu.enqueue_dma source(%dma_start3A_440 : memref<8x4096xf32, #tpu.memory_space<hbm>>) target(%dma_start3A_436 : memref<8x4096xf32, #tpu.memory_space<vmem_shared>>) target_semaphore(%arg9 : memref<!tpu.dma_semaphore, #tpu.memory_space<semaphore_mem>>)
    %mul3A_441 = arith.constant 2 : i32
    %mul3A_442 = arith.muli %add3A, %mul3A_441 : i32
    %add3A_443 = arith.constant 0 : i32
    %add3A_444 = arith.addi %mul3A_442, %add3A_443 : i32
    %dma_wait3A_445 = arith.constant 0 : i32
    %dma_wait3A_446 = arith.constant 0 : i32
    %dma_wait3A_447 = arith.constant 0 : i32
    %dma_wait3A_448 = tpu.memref_slice %arg5[%arg1, %dma_wait3A_445, %dma_wait3A_446, %dma_wait3A_447] : memref<16x3x8x4096xf32, #tpu.memory_space<vmem_shared>> -> memref<1x1x8x4096xf32, #tpu.memory_space<vmem_shared>>
    %dma_wait3A_449 = tpu.memref_squeeze %dma_wait3A_448 : memref<1x1x8x4096xf32, #tpu.memory_space<vmem_shared>> -> memref<8x4096xf32, #tpu.memory_space<vmem_shared>>
    %dma_wait3A_450 = arith.constant 48 : i32
    %dma_wait3A_451 = arith.constant 0 : i32
    %dma_wait3A_452 = tpu.memref_slice %arg2[%add3A_444, %dma_wait3A_450, %dma_wait3A_451] : memref<64x128x4096xf32, #tpu.memory_space<hbm>> -> memref<1x8x4096xf32, #tpu.memory_space<hbm>>
    %dma_wait3A_453 = tpu.memref_squeeze %dma_wait3A_452 : memref<1x8x4096xf32, #tpu.memory_space<hbm>> -> memref<8x4096xf32, #tpu.memory_space<hbm>>
    tpu.wait_dma2 semaphore(%arg8 : memref<!tpu.dma_semaphore, #tpu.memory_space<semaphore_mem>>) src(%dma_wait3A_453 : memref<8x4096xf32, #tpu.memory_space<hbm>>) dst(%dma_wait3A_449 : memref<8x4096xf32, #tpu.memory_space<vmem_shared>>)
    %mul3A_454 = arith.constant 2 : i32
    %mul3A_455 = arith.muli %add3A, %mul3A_454 : i32
    %add3A_456 = arith.constant 0 : i32
    %add3A_457 = arith.addi %mul3A_455, %add3A_456 : i32
    %dma_start3A_458 = arith.constant 0 : i32
    %dma_start3A_459 = arith.constant 48 : i32
    %dma_start3A_460 = arith.constant 0 : i32
    %dma_start3A_461 = tpu.memref_slice %arg4[%add3A_457, %dma_start3A_459, %dma_start3A_460] : memref<64x128x4096xf32, #tpu.memory_space<hbm>> -> memref<1x8x4096xf32, #tpu.memory_space<hbm>>
    %dma_start3A_462 = tpu.memref_squeeze %dma_start3A_461 : memref<1x8x4096xf32, #tpu.memory_space<hbm>> -> memref<8x4096xf32, #tpu.memory_space<hbm>>
    %dma_start3A_463 = arith.constant 0 : i32
    %dma_start3A_464 = arith.constant 0 : i32
    %dma_start3A_465 = tpu.memref_slice %arg5[%arg1, %dma_start3A_458, %dma_start3A_463, %dma_start3A_464] : memref<16x3x8x4096xf32, #tpu.memory_space<vmem_shared>> -> memref<1x1x8x4096xf32, #tpu.memory_space<vmem_shared>>
    %dma_start3A_466 = tpu.memref_squeeze %dma_start3A_465 : memref<1x1x8x4096xf32, #tpu.memory_space<vmem_shared>> -> memref<8x4096xf32, #tpu.memory_space<vmem_shared>>
    tpu.enqueue_dma source(%dma_start3A_466 : memref<8x4096xf32, #tpu.memory_space<vmem_shared>>) target(%dma_start3A_462 : memref<8x4096xf32, #tpu.memory_space<hbm>>) target_semaphore(%arg11 : memref<!tpu.dma_semaphore, #tpu.memory_space<semaphore_mem>>)
    %mul3A_467 = arith.constant 2 : i32
    %mul3A_468 = arith.muli %add3A, %mul3A_467 : i32
    %add3A_469 = arith.constant 0 : i32
    %add3A_470 = arith.addi %mul3A_468, %add3A_469 : i32
    %dma_wait3A_471 = arith.constant 2 : i32
    %dma_wait3A_472 = arith.constant 40 : i32
    %dma_wait3A_473 = arith.constant 0 : i32
    %dma_wait3A_474 = tpu.memref_slice %arg4[%add3A_470, %dma_wait3A_472, %dma_wait3A_473] : memref<64x128x4096xf32, #tpu.memory_space<hbm>> -> memref<1x8x4096xf32, #tpu.memory_space<hbm>>
    %dma_wait3A_475 = tpu.memref_squeeze %dma_wait3A_474 : memref<1x8x4096xf32, #tpu.memory_space<hbm>> -> memref<8x4096xf32, #tpu.memory_space<hbm>>
    %dma_wait3A_476 = arith.constant 0 : i32
    %dma_wait3A_477 = arith.constant 0 : i32
    %dma_wait3A_478 = tpu.memref_slice %arg5[%arg1, %dma_wait3A_471, %dma_wait3A_476, %dma_wait3A_477] : memref<16x3x8x4096xf32, #tpu.memory_space<vmem_shared>> -> memref<1x1x8x4096xf32, #tpu.memory_space<vmem_shared>>
    %dma_wait3A_479 = tpu.memref_squeeze %dma_wait3A_478 : memref<1x1x8x4096xf32, #tpu.memory_space<vmem_shared>> -> memref<8x4096xf32, #tpu.memory_space<vmem_shared>>
    tpu.wait_dma2 semaphore(%arg13 : memref<!tpu.dma_semaphore, #tpu.memory_space<semaphore_mem>>) src(%dma_wait3A_479 : memref<8x4096xf32, #tpu.memory_space<vmem_shared>>) dst(%dma_wait3A_475 : memref<8x4096xf32, #tpu.memory_space<hbm>>)
    %mul3A_480 = arith.constant 2 : i32
    %mul3A_481 = arith.muli %add3A, %mul3A_480 : i32
    %add3A_482 = arith.constant 0 : i32
    %add3A_483 = arith.addi %mul3A_481, %add3A_482 : i32
    %dma_start3A_484 = arith.constant 2 : i32
    %dma_start3A_485 = arith.constant 0 : i32
    %dma_start3A_486 = arith.constant 0 : i32
    %dma_start3A_487 = tpu.memref_slice %arg5[%arg1, %dma_start3A_484, %dma_start3A_485, %dma_start3A_486] : memref<16x3x8x4096xf32, #tpu.memory_space<vmem_shared>> -> memref<1x1x8x4096xf32, #tpu.memory_space<vmem_shared>>
    %dma_start3A_488 = tpu.memref_squeeze %dma_start3A_487 : memref<1x1x8x4096xf32, #tpu.memory_space<vmem_shared>> -> memref<8x4096xf32, #tpu.memory_space<vmem_shared>>
    %dma_start3A_489 = arith.constant 64 : i32
    %dma_start3A_490 = arith.constant 0 : i32
    %dma_start3A_491 = tpu.memref_slice %arg2[%add3A_483, %dma_start3A_489, %dma_start3A_490] : memref<64x128x4096xf32, #tpu.memory_space<hbm>> -> memref<1x8x4096xf32, #tpu.memory_space<hbm>>
    %dma_start3A_492 = tpu.memref_squeeze %dma_start3A_491 : memref<1x8x4096xf32, #tpu.memory_space<hbm>> -> memref<8x4096xf32, #tpu.memory_space<hbm>>
    tpu.enqueue_dma source(%dma_start3A_492 : memref<8x4096xf32, #tpu.memory_space<hbm>>) target(%dma_start3A_488 : memref<8x4096xf32, #tpu.memory_space<vmem_shared>>) target_semaphore(%arg10 : memref<!tpu.dma_semaphore, #tpu.memory_space<semaphore_mem>>)
    %mul3A_493 = arith.constant 2 : i32
    %mul3A_494 = arith.muli %add3A, %mul3A_493 : i32
    %add3A_495 = arith.constant 0 : i32
    %add3A_496 = arith.addi %mul3A_494, %add3A_495 : i32
    %dma_wait3A_497 = arith.constant 1 : i32
    %dma_wait3A_498 = arith.constant 0 : i32
    %dma_wait3A_499 = arith.constant 0 : i32
    %dma_wait3A_500 = tpu.memref_slice %arg5[%arg1, %dma_wait3A_497, %dma_wait3A_498, %dma_wait3A_499] : memref<16x3x8x4096xf32, #tpu.memory_space<vmem_shared>> -> memref<1x1x8x4096xf32, #tpu.memory_space<vmem_shared>>
    %dma_wait3A_501 = tpu.memref_squeeze %dma_wait3A_500 : memref<1x1x8x4096xf32, #tpu.memory_space<vmem_shared>> -> memref<8x4096xf32, #tpu.memory_space<vmem_shared>>
    %dma_wait3A_502 = arith.constant 56 : i32
    %dma_wait3A_503 = arith.constant 0 : i32
    %dma_wait3A_504 = tpu.memref_slice %arg2[%add3A_496, %dma_wait3A_502, %dma_wait3A_503] : memref<64x128x4096xf32, #tpu.memory_space<hbm>> -> memref<1x8x4096xf32, #tpu.memory_space<hbm>>
    %dma_wait3A_505 = tpu.memref_squeeze %dma_wait3A_504 : memref<1x8x4096xf32, #tpu.memory_space<hbm>> -> memref<8x4096xf32, #tpu.memory_space<hbm>>
    tpu.wait_dma2 semaphore(%arg9 : memref<!tpu.dma_semaphore, #tpu.memory_space<semaphore_mem>>) src(%dma_wait3A_505 : memref<8x4096xf32, #tpu.memory_space<hbm>>) dst(%dma_wait3A_501 : memref<8x4096xf32, #tpu.memory_space<vmem_shared>>)
    %mul3A_506 = arith.constant 2 : i32
    %mul3A_507 = arith.muli %add3A, %mul3A_506 : i32
    %add3A_508 = arith.constant 0 : i32
    %add3A_509 = arith.addi %mul3A_507, %add3A_508 : i32
    %dma_start3A_510 = arith.constant 1 : i32
    %dma_start3A_511 = arith.constant 56 : i32
    %dma_start3A_512 = arith.constant 0 : i32
    %dma_start3A_513 = tpu.memref_slice %arg4[%add3A_509, %dma_start3A_511, %dma_start3A_512] : memref<64x128x4096xf32, #tpu.memory_space<hbm>> -> memref<1x8x4096xf32, #tpu.memory_space<hbm>>
    %dma_start3A_514 = tpu.memref_squeeze %dma_start3A_513 : memref<1x8x4096xf32, #tpu.memory_space<hbm>> -> memref<8x4096xf32, #tpu.memory_space<hbm>>
    %dma_start3A_515 = arith.constant 0 : i32
    %dma_start3A_516 = arith.constant 0 : i32
    %dma_start3A_517 = tpu.memref_slice %arg5[%arg1, %dma_start3A_510, %dma_start3A_515, %dma_start3A_516] : memref<16x3x8x4096xf32, #tpu.memory_space<vmem_shared>> -> memref<1x1x8x4096xf32, #tpu.memory_space<vmem_shared>>
    %dma_start3A_518 = tpu.memref_squeeze %dma_start3A_517 : memref<1x1x8x4096xf32, #tpu.memory_space<vmem_shared>> -> memref<8x4096xf32, #tpu.memory_space<vmem_shared>>
    tpu.enqueue_dma source(%dma_start3A_518 : memref<8x4096xf32, #tpu.memory_space<vmem_shared>>) target(%dma_start3A_514 : memref<8x4096xf32, #tpu.memory_space<hbm>>) target_semaphore(%arg12 : memref<!tpu.dma_semaphore, #tpu.memory_space<semaphore_mem>>)
    %mul3A_519 = arith.constant 2 : i32
    %mul3A_520 = arith.muli %add3A, %mul3A_519 : i32
    %add3A_521 = arith.constant 0 : i32
    %add3A_522 = arith.addi %mul3A_520, %add3A_521 : i32
    %dma_wait3A_523 = arith.constant 0 : i32
    %dma_wait3A_524 = arith.constant 48 : i32
    %dma_wait3A_525 = arith.constant 0 : i32
    %dma_wait3A_526 = tpu.memref_slice %arg4[%add3A_522, %dma_wait3A_524, %dma_wait3A_525] : memref<64x128x4096xf32, #tpu.memory_space<hbm>> -> memref<1x8x4096xf32, #tpu.memory_space<hbm>>
    %dma_wait3A_527 = tpu.memref_squeeze %dma_wait3A_526 : memref<1x8x4096xf32, #tpu.memory_space<hbm>> -> memref<8x4096xf32, #tpu.memory_space<hbm>>
    %dma_wait3A_528 = arith.constant 0 : i32
    %dma_wait3A_529 = arith.constant 0 : i32
    %dma_wait3A_530 = tpu.memref_slice %arg5[%arg1, %dma_wait3A_523, %dma_wait3A_528, %dma_wait3A_529] : memref<16x3x8x4096xf32, #tpu.memory_space<vmem_shared>> -> memref<1x1x8x4096xf32, #tpu.memory_space<vmem_shared>>
    %dma_wait3A_531 = tpu.memref_squeeze %dma_wait3A_530 : memref<1x1x8x4096xf32, #tpu.memory_space<vmem_shared>> -> memref<8x4096xf32, #tpu.memory_space<vmem_shared>>
    tpu.wait_dma2 semaphore(%arg11 : memref<!tpu.dma_semaphore, #tpu.memory_space<semaphore_mem>>) src(%dma_wait3A_531 : memref<8x4096xf32, #tpu.memory_space<vmem_shared>>) dst(%dma_wait3A_527 : memref<8x4096xf32, #tpu.memory_space<hbm>>)
    %mul3A_532 = arith.constant 2 : i32
    %mul3A_533 = arith.muli %add3A, %mul3A_532 : i32
    %add3A_534 = arith.constant 0 : i32
    %add3A_535 = arith.addi %mul3A_533, %add3A_534 : i32
    %dma_start3A_536 = arith.constant 0 : i32
    %dma_start3A_537 = arith.constant 0 : i32
    %dma_start3A_538 = arith.constant 0 : i32
    %dma_start3A_539 = tpu.memref_slice %arg5[%arg1, %dma_start3A_536, %dma_start3A_537, %dma_start3A_538] : memref<16x3x8x4096xf32, #tpu.memory_space<vmem_shared>> -> memref<1x1x8x4096xf32, #tpu.memory_space<vmem_shared>>
    %dma_start3A_540 = tpu.memref_squeeze %dma_start3A_539 : memref<1x1x8x4096xf32, #tpu.memory_space<vmem_shared>> -> memref<8x4096xf32, #tpu.memory_space<vmem_shared>>
    %dma_start3A_541 = arith.constant 72 : i32
    %dma_start3A_542 = arith.constant 0 : i32
    %dma_start3A_543 = tpu.memref_slice %arg2[%add3A_535, %dma_start3A_541, %dma_start3A_542] : memref<64x128x4096xf32, #tpu.memory_space<hbm>> -> memref<1x8x4096xf32, #tpu.memory_space<hbm>>
    %dma_start3A_544 = tpu.memref_squeeze %dma_start3A_543 : memref<1x8x4096xf32, #tpu.memory_space<hbm>> -> memref<8x4096xf32, #tpu.memory_space<hbm>>
    tpu.enqueue_dma source(%dma_start3A_544 : memref<8x4096xf32, #tpu.memory_space<hbm>>) target(%dma_start3A_540 : memref<8x4096xf32, #tpu.memory_space<vmem_shared>>) target_semaphore(%arg8 : memref<!tpu.dma_semaphore, #tpu.memory_space<semaphore_mem>>)
    %mul3A_545 = arith.constant 2 : i32
    %mul3A_546 = arith.muli %add3A, %mul3A_545 : i32
    %add3A_547 = arith.constant 0 : i32
    %add3A_548 = arith.addi %mul3A_546, %add3A_547 : i32
    %dma_wait3A_549 = arith.constant 2 : i32
    %dma_wait3A_550 = arith.constant 0 : i32
    %dma_wait3A_551 = arith.constant 0 : i32
    %dma_wait3A_552 = tpu.memref_slice %arg5[%arg1, %dma_wait3A_549, %dma_wait3A_550, %dma_wait3A_551] : memref<16x3x8x4096xf32, #tpu.memory_space<vmem_shared>> -> memref<1x1x8x4096xf32, #tpu.memory_space<vmem_shared>>
    %dma_wait3A_553 = tpu.memref_squeeze %dma_wait3A_552 : memref<1x1x8x4096xf32, #tpu.memory_space<vmem_shared>> -> memref<8x4096xf32, #tpu.memory_space<vmem_shared>>
    %dma_wait3A_554 = arith.constant 64 : i32
    %dma_wait3A_555 = arith.constant 0 : i32
    %dma_wait3A_556 = tpu.memref_slice %arg2[%add3A_548, %dma_wait3A_554, %dma_wait3A_555] : memref<64x128x4096xf32, #tpu.memory_space<hbm>> -> memref<1x8x4096xf32, #tpu.memory_space<hbm>>
    %dma_wait3A_557 = tpu.memref_squeeze %dma_wait3A_556 : memref<1x8x4096xf32, #tpu.memory_space<hbm>> -> memref<8x4096xf32, #tpu.memory_space<hbm>>
    tpu.wait_dma2 semaphore(%arg10 : memref<!tpu.dma_semaphore, #tpu.memory_space<semaphore_mem>>) src(%dma_wait3A_557 : memref<8x4096xf32, #tpu.memory_space<hbm>>) dst(%dma_wait3A_553 : memref<8x4096xf32, #tpu.memory_space<vmem_shared>>)
    %mul3A_558 = arith.constant 2 : i32
    %mul3A_559 = arith.muli %add3A, %mul3A_558 : i32
    %add3A_560 = arith.constant 0 : i32
    %add3A_561 = arith.addi %mul3A_559, %add3A_560 : i32
    %dma_start3A_562 = arith.constant 2 : i32
    %dma_start3A_563 = arith.constant 64 : i32
    %dma_start3A_564 = arith.constant 0 : i32
    %dma_start3A_565 = tpu.memref_slice %arg4[%add3A_561, %dma_start3A_563, %dma_start3A_564] : memref<64x128x4096xf32, #tpu.memory_space<hbm>> -> memref<1x8x4096xf32, #tpu.memory_space<hbm>>
    %dma_start3A_566 = tpu.memref_squeeze %dma_start3A_565 : memref<1x8x4096xf32, #tpu.memory_space<hbm>> -> memref<8x4096xf32, #tpu.memory_space<hbm>>
    %dma_start3A_567 = arith.constant 0 : i32
    %dma_start3A_568 = arith.constant 0 : i32
    %dma_start3A_569 = tpu.memref_slice %arg5[%arg1, %dma_start3A_562, %dma_start3A_567, %dma_start3A_568] : memref<16x3x8x4096xf32, #tpu.memory_space<vmem_shared>> -> memref<1x1x8x4096xf32, #tpu.memory_space<vmem_shared>>
    %dma_start3A_570 = tpu.memref_squeeze %dma_start3A_569 : memref<1x1x8x4096xf32, #tpu.memory_space<vmem_shared>> -> memref<8x4096xf32, #tpu.memory_space<vmem_shared>>
    tpu.enqueue_dma source(%dma_start3A_570 : memref<8x4096xf32, #tpu.memory_space<vmem_shared>>) target(%dma_start3A_566 : memref<8x4096xf32, #tpu.memory_space<hbm>>) target_semaphore(%arg13 : memref<!tpu.dma_semaphore, #tpu.memory_space<semaphore_mem>>)
    %mul3A_571 = arith.constant 2 : i32
    %mul3A_572 = arith.muli %add3A, %mul3A_571 : i32
    %add3A_573 = arith.constant 0 : i32
    %add3A_574 = arith.addi %mul3A_572, %add3A_573 : i32
    %dma_wait3A_575 = arith.constant 1 : i32
    %dma_wait3A_576 = arith.constant 56 : i32
    %dma_wait3A_577 = arith.constant 0 : i32
    %dma_wait3A_578 = tpu.memref_slice %arg4[%add3A_574, %dma_wait3A_576, %dma_wait3A_577] : memref<64x128x4096xf32, #tpu.memory_space<hbm>> -> memref<1x8x4096xf32, #tpu.memory_space<hbm>>
    %dma_wait3A_579 = tpu.memref_squeeze %dma_wait3A_578 : memref<1x8x4096xf32, #tpu.memory_space<hbm>> -> memref<8x4096xf32, #tpu.memory_space<hbm>>
    %dma_wait3A_580 = arith.constant 0 : i32
    %dma_wait3A_581 = arith.constant 0 : i32
    %dma_wait3A_582 = tpu.memref_slice %arg5[%arg1, %dma_wait3A_575, %dma_wait3A_580, %dma_wait3A_581] : memref<16x3x8x4096xf32, #tpu.memory_space<vmem_shared>> -> memref<1x1x8x4096xf32, #tpu.memory_space<vmem_shared>>
    %dma_wait3A_583 = tpu.memref_squeeze %dma_wait3A_582 : memref<1x1x8x4096xf32, #tpu.memory_space<vmem_shared>> -> memref<8x4096xf32, #tpu.memory_space<vmem_shared>>
    tpu.wait_dma2 semaphore(%arg12 : memref<!tpu.dma_semaphore, #tpu.memory_space<semaphore_mem>>) src(%dma_wait3A_583 : memref<8x4096xf32, #tpu.memory_space<vmem_shared>>) dst(%dma_wait3A_579 : memref<8x4096xf32, #tpu.memory_space<hbm>>)
    %mul3A_584 = arith.constant 2 : i32
    %mul3A_585 = arith.muli %add3A, %mul3A_584 : i32
    %add3A_586 = arith.constant 0 : i32
    %add3A_587 = arith.addi %mul3A_585, %add3A_586 : i32
    %dma_start3A_588 = arith.constant 1 : i32
    %dma_start3A_589 = arith.constant 0 : i32
    %dma_start3A_590 = arith.constant 0 : i32
    %dma_start3A_591 = tpu.memref_slice %arg5[%arg1, %dma_start3A_588, %dma_start3A_589, %dma_start3A_590] : memref<16x3x8x4096xf32, #tpu.memory_space<vmem_shared>> -> memref<1x1x8x4096xf32, #tpu.memory_space<vmem_shared>>
    %dma_start3A_592 = tpu.memref_squeeze %dma_start3A_591 : memref<1x1x8x4096xf32, #tpu.memory_space<vmem_shared>> -> memref<8x4096xf32, #tpu.memory_space<vmem_shared>>
    %dma_start3A_593 = arith.constant 80 : i32
    %dma_start3A_594 = arith.constant 0 : i32
    %dma_start3A_595 = tpu.memref_slice %arg2[%add3A_587, %dma_start3A_593, %dma_start3A_594] : memref<64x128x4096xf32, #tpu.memory_space<hbm>> -> memref<1x8x4096xf32, #tpu.memory_space<hbm>>
    %dma_start3A_596 = tpu.memref_squeeze %dma_start3A_595 : memref<1x8x4096xf32, #tpu.memory_space<hbm>> -> memref<8x4096xf32, #tpu.memory_space<hbm>>
    tpu.enqueue_dma source(%dma_start3A_596 : memref<8x4096xf32, #tpu.memory_space<hbm>>) target(%dma_start3A_592 : memref<8x4096xf32, #tpu.memory_space<vmem_shared>>) target_semaphore(%arg9 : memref<!tpu.dma_semaphore, #tpu.memory_space<semaphore_mem>>)
    %mul3A_597 = arith.constant 2 : i32
    %mul3A_598 = arith.muli %add3A, %mul3A_597 : i32
    %add3A_599 = arith.constant 0 : i32
    %add3A_600 = arith.addi %mul3A_598, %add3A_599 : i32
    %dma_wait3A_601 = arith.constant 0 : i32
    %dma_wait3A_602 = arith.constant 0 : i32
    %dma_wait3A_603 = arith.constant 0 : i32
    %dma_wait3A_604 = tpu.memref_slice %arg5[%arg1, %dma_wait3A_601, %dma_wait3A_602, %dma_wait3A_603] : memref<16x3x8x4096xf32, #tpu.memory_space<vmem_shared>> -> memref<1x1x8x4096xf32, #tpu.memory_space<vmem_shared>>
    %dma_wait3A_605 = tpu.memref_squeeze %dma_wait3A_604 : memref<1x1x8x4096xf32, #tpu.memory_space<vmem_shared>> -> memref<8x4096xf32, #tpu.memory_space<vmem_shared>>
    %dma_wait3A_606 = arith.constant 72 : i32
    %dma_wait3A_607 = arith.constant 0 : i32
    %dma_wait3A_608 = tpu.memref_slice %arg2[%add3A_600, %dma_wait3A_606, %dma_wait3A_607] : memref<64x128x4096xf32, #tpu.memory_space<hbm>> -> memref<1x8x4096xf32, #tpu.memory_space<hbm>>
    %dma_wait3A_609 = tpu.memref_squeeze %dma_wait3A_608 : memref<1x8x4096xf32, #tpu.memory_space<hbm>> -> memref<8x4096xf32, #tpu.memory_space<hbm>>
    tpu.wait_dma2 semaphore(%arg8 : memref<!tpu.dma_semaphore, #tpu.memory_space<semaphore_mem>>) src(%dma_wait3A_609 : memref<8x4096xf32, #tpu.memory_space<hbm>>) dst(%dma_wait3A_605 : memref<8x4096xf32, #tpu.memory_space<vmem_shared>>)
    %mul3A_610 = arith.constant 2 : i32
    %mul3A_611 = arith.muli %add3A, %mul3A_610 : i32
    %add3A_612 = arith.constant 0 : i32
    %add3A_613 = arith.addi %mul3A_611, %add3A_612 : i32
    %dma_start3A_614 = arith.constant 0 : i32
    %dma_start3A_615 = arith.constant 72 : i32
    %dma_start3A_616 = arith.constant 0 : i32
    %dma_start3A_617 = tpu.memref_slice %arg4[%add3A_613, %dma_start3A_615, %dma_start3A_616] : memref<64x128x4096xf32, #tpu.memory_space<hbm>> -> memref<1x8x4096xf32, #tpu.memory_space<hbm>>
    %dma_start3A_618 = tpu.memref_squeeze %dma_start3A_617 : memref<1x8x4096xf32, #tpu.memory_space<hbm>> -> memref<8x4096xf32, #tpu.memory_space<hbm>>
    %dma_start3A_619 = arith.constant 0 : i32
    %dma_start3A_620 = arith.constant 0 : i32
    %dma_start3A_621 = tpu.memref_slice %arg5[%arg1, %dma_start3A_614, %dma_start3A_619, %dma_start3A_620] : memref<16x3x8x4096xf32, #tpu.memory_space<vmem_shared>> -> memref<1x1x8x4096xf32, #tpu.memory_space<vmem_shared>>
    %dma_start3A_622 = tpu.memref_squeeze %dma_start3A_621 : memref<1x1x8x4096xf32, #tpu.memory_space<vmem_shared>> -> memref<8x4096xf32, #tpu.memory_space<vmem_shared>>
    tpu.enqueue_dma source(%dma_start3A_622 : memref<8x4096xf32, #tpu.memory_space<vmem_shared>>) target(%dma_start3A_618 : memref<8x4096xf32, #tpu.memory_space<hbm>>) target_semaphore(%arg11 : memref<!tpu.dma_semaphore, #tpu.memory_space<semaphore_mem>>)
    %mul3A_623 = arith.constant 2 : i32
    %mul3A_624 = arith.muli %add3A, %mul3A_623 : i32
    %add3A_625 = arith.constant 0 : i32
    %add3A_626 = arith.addi %mul3A_624, %add3A_625 : i32
    %dma_wait3A_627 = arith.constant 2 : i32
    %dma_wait3A_628 = arith.constant 64 : i32
    %dma_wait3A_629 = arith.constant 0 : i32
    %dma_wait3A_630 = tpu.memref_slice %arg4[%add3A_626, %dma_wait3A_628, %dma_wait3A_629] : memref<64x128x4096xf32, #tpu.memory_space<hbm>> -> memref<1x8x4096xf32, #tpu.memory_space<hbm>>
    %dma_wait3A_631 = tpu.memref_squeeze %dma_wait3A_630 : memref<1x8x4096xf32, #tpu.memory_space<hbm>> -> memref<8x4096xf32, #tpu.memory_space<hbm>>
    %dma_wait3A_632 = arith.constant 0 : i32
    %dma_wait3A_633 = arith.constant 0 : i32
    %dma_wait3A_634 = tpu.memref_slice %arg5[%arg1, %dma_wait3A_627, %dma_wait3A_632, %dma_wait3A_633] : memref<16x3x8x4096xf32, #tpu.memory_space<vmem_shared>> -> memref<1x1x8x4096xf32, #tpu.memory_space<vmem_shared>>
    %dma_wait3A_635 = tpu.memref_squeeze %dma_wait3A_634 : memref<1x1x8x4096xf32, #tpu.memory_space<vmem_shared>> -> memref<8x4096xf32, #tpu.memory_space<vmem_shared>>
    tpu.wait_dma2 semaphore(%arg13 : memref<!tpu.dma_semaphore, #tpu.memory_space<semaphore_mem>>) src(%dma_wait3A_635 : memref<8x4096xf32, #tpu.memory_space<vmem_shared>>) dst(%dma_wait3A_631 : memref<8x4096xf32, #tpu.memory_space<hbm>>)
    %mul3A_636 = arith.constant 2 : i32
    %mul3A_637 = arith.muli %add3A, %mul3A_636 : i32
    %add3A_638 = arith.constant 0 : i32
    %add3A_639 = arith.addi %mul3A_637, %add3A_638 : i32
    %dma_start3A_640 = arith.constant 2 : i32
    %dma_start3A_641 = arith.constant 0 : i32
    %dma_start3A_642 = arith.constant 0 : i32
    %dma_start3A_643 = tpu.memref_slice %arg5[%arg1, %dma_start3A_640, %dma_start3A_641, %dma_start3A_642] : memref<16x3x8x4096xf32, #tpu.memory_space<vmem_shared>> -> memref<1x1x8x4096xf32, #tpu.memory_space<vmem_shared>>
    %dma_start3A_644 = tpu.memref_squeeze %dma_start3A_643 : memref<1x1x8x4096xf32, #tpu.memory_space<vmem_shared>> -> memref<8x4096xf32, #tpu.memory_space<vmem_shared>>
    %dma_start3A_645 = arith.constant 88 : i32
    %dma_start3A_646 = arith.constant 0 : i32
    %dma_start3A_647 = tpu.memref_slice %arg2[%add3A_639, %dma_start3A_645, %dma_start3A_646] : memref<64x128x4096xf32, #tpu.memory_space<hbm>> -> memref<1x8x4096xf32, #tpu.memory_space<hbm>>
    %dma_start3A_648 = tpu.memref_squeeze %dma_start3A_647 : memref<1x8x4096xf32, #tpu.memory_space<hbm>> -> memref<8x4096xf32, #tpu.memory_space<hbm>>
    tpu.enqueue_dma source(%dma_start3A_648 : memref<8x4096xf32, #tpu.memory_space<hbm>>) target(%dma_start3A_644 : memref<8x4096xf32, #tpu.memory_space<vmem_shared>>) target_semaphore(%arg10 : memref<!tpu.dma_semaphore, #tpu.memory_space<semaphore_mem>>)
    %mul3A_649 = arith.constant 2 : i32
    %mul3A_650 = arith.muli %add3A, %mul3A_649 : i32
    %add3A_651 = arith.constant 0 : i32
    %add3A_652 = arith.addi %mul3A_650, %add3A_651 : i32
    %dma_wait3A_653 = arith.constant 1 : i32
    %dma_wait3A_654 = arith.constant 0 : i32
    %dma_wait3A_655 = arith.constant 0 : i32
    %dma_wait3A_656 = tpu.memref_slice %arg5[%arg1, %dma_wait3A_653, %dma_wait3A_654, %dma_wait3A_655] : memref<16x3x8x4096xf32, #tpu.memory_space<vmem_shared>> -> memref<1x1x8x4096xf32, #tpu.memory_space<vmem_shared>>
    %dma_wait3A_657 = tpu.memref_squeeze %dma_wait3A_656 : memref<1x1x8x4096xf32, #tpu.memory_space<vmem_shared>> -> memref<8x4096xf32, #tpu.memory_space<vmem_shared>>
    %dma_wait3A_658 = arith.constant 80 : i32
    %dma_wait3A_659 = arith.constant 0 : i32
    %dma_wait3A_660 = tpu.memref_slice %arg2[%add3A_652, %dma_wait3A_658, %dma_wait3A_659] : memref<64x128x4096xf32, #tpu.memory_space<hbm>> -> memref<1x8x4096xf32, #tpu.memory_space<hbm>>
    %dma_wait3A_661 = tpu.memref_squeeze %dma_wait3A_660 : memref<1x8x4096xf32, #tpu.memory_space<hbm>> -> memref<8x4096xf32, #tpu.memory_space<hbm>>
    tpu.wait_dma2 semaphore(%arg9 : memref<!tpu.dma_semaphore, #tpu.memory_space<semaphore_mem>>) src(%dma_wait3A_661 : memref<8x4096xf32, #tpu.memory_space<hbm>>) dst(%dma_wait3A_657 : memref<8x4096xf32, #tpu.memory_space<vmem_shared>>)
    %mul3A_662 = arith.constant 2 : i32
    %mul3A_663 = arith.muli %add3A, %mul3A_662 : i32
    %add3A_664 = arith.constant 0 : i32
    %add3A_665 = arith.addi %mul3A_663, %add3A_664 : i32
    %dma_start3A_666 = arith.constant 1 : i32
    %dma_start3A_667 = arith.constant 80 : i32
    %dma_start3A_668 = arith.constant 0 : i32
    %dma_start3A_669 = tpu.memref_slice %arg4[%add3A_665, %dma_start3A_667, %dma_start3A_668] : memref<64x128x4096xf32, #tpu.memory_space<hbm>> -> memref<1x8x4096xf32, #tpu.memory_space<hbm>>
    %dma_start3A_670 = tpu.memref_squeeze %dma_start3A_669 : memref<1x8x4096xf32, #tpu.memory_space<hbm>> -> memref<8x4096xf32, #tpu.memory_space<hbm>>
    %dma_start3A_671 = arith.constant 0 : i32
    %dma_start3A_672 = arith.constant 0 : i32
    %dma_start3A_673 = tpu.memref_slice %arg5[%arg1, %dma_start3A_666, %dma_start3A_671, %dma_start3A_672] : memref<16x3x8x4096xf32, #tpu.memory_space<vmem_shared>> -> memref<1x1x8x4096xf32, #tpu.memory_space<vmem_shared>>
    %dma_start3A_674 = tpu.memref_squeeze %dma_start3A_673 : memref<1x1x8x4096xf32, #tpu.memory_space<vmem_shared>> -> memref<8x4096xf32, #tpu.memory_space<vmem_shared>>
    tpu.enqueue_dma source(%dma_start3A_674 : memref<8x4096xf32, #tpu.memory_space<vmem_shared>>) target(%dma_start3A_670 : memref<8x4096xf32, #tpu.memory_space<hbm>>) target_semaphore(%arg12 : memref<!tpu.dma_semaphore, #tpu.memory_space<semaphore_mem>>)
    %mul3A_675 = arith.constant 2 : i32
    %mul3A_676 = arith.muli %add3A, %mul3A_675 : i32
    %add3A_677 = arith.constant 0 : i32
    %add3A_678 = arith.addi %mul3A_676, %add3A_677 : i32
    %dma_wait3A_679 = arith.constant 0 : i32
    %dma_wait3A_680 = arith.constant 72 : i32
    %dma_wait3A_681 = arith.constant 0 : i32
    %dma_wait3A_682 = tpu.memref_slice %arg4[%add3A_678, %dma_wait3A_680, %dma_wait3A_681] : memref<64x128x4096xf32, #tpu.memory_space<hbm>> -> memref<1x8x4096xf32, #tpu.memory_space<hbm>>
    %dma_wait3A_683 = tpu.memref_squeeze %dma_wait3A_682 : memref<1x8x4096xf32, #tpu.memory_space<hbm>> -> memref<8x4096xf32, #tpu.memory_space<hbm>>
    %dma_wait3A_684 = arith.constant 0 : i32
    %dma_wait3A_685 = arith.constant 0 : i32
    %dma_wait3A_686 = tpu.memref_slice %arg5[%arg1, %dma_wait3A_679, %dma_wait3A_684, %dma_wait3A_685] : memref<16x3x8x4096xf32, #tpu.memory_space<vmem_shared>> -> memref<1x1x8x4096xf32, #tpu.memory_space<vmem_shared>>
    %dma_wait3A_687 = tpu.memref_squeeze %dma_wait3A_686 : memref<1x1x8x4096xf32, #tpu.memory_space<vmem_shared>> -> memref<8x4096xf32, #tpu.memory_space<vmem_shared>>
    tpu.wait_dma2 semaphore(%arg11 : memref<!tpu.dma_semaphore, #tpu.memory_space<semaphore_mem>>) src(%dma_wait3A_687 : memref<8x4096xf32, #tpu.memory_space<vmem_shared>>) dst(%dma_wait3A_683 : memref<8x4096xf32, #tpu.memory_space<hbm>>)
    %mul3A_688 = arith.constant 2 : i32
    %mul3A_689 = arith.muli %add3A, %mul3A_688 : i32
    %add3A_690 = arith.constant 0 : i32
    %add3A_691 = arith.addi %mul3A_689, %add3A_690 : i32
    %dma_start3A_692 = arith.constant 0 : i32
    %dma_start3A_693 = arith.constant 0 : i32
    %dma_start3A_694 = arith.constant 0 : i32
    %dma_start3A_695 = tpu.memref_slice %arg5[%arg1, %dma_start3A_692, %dma_start3A_693, %dma_start3A_694] : memref<16x3x8x4096xf32, #tpu.memory_space<vmem_shared>> -> memref<1x1x8x4096xf32, #tpu.memory_space<vmem_shared>>
    %dma_start3A_696 = tpu.memref_squeeze %dma_start3A_695 : memref<1x1x8x4096xf32, #tpu.memory_space<vmem_shared>> -> memref<8x4096xf32, #tpu.memory_space<vmem_shared>>
    %dma_start3A_697 = arith.constant 96 : i32
    %dma_start3A_698 = arith.constant 0 : i32
    %dma_start3A_699 = tpu.memref_slice %arg2[%add3A_691, %dma_start3A_697, %dma_start3A_698] : memref<64x128x4096xf32, #tpu.memory_space<hbm>> -> memref<1x8x4096xf32, #tpu.memory_space<hbm>>
    %dma_start3A_700 = tpu.memref_squeeze %dma_start3A_699 : memref<1x8x4096xf32, #tpu.memory_space<hbm>> -> memref<8x4096xf32, #tpu.memory_space<hbm>>
    tpu.enqueue_dma source(%dma_start3A_700 : memref<8x4096xf32, #tpu.memory_space<hbm>>) target(%dma_start3A_696 : memref<8x4096xf32, #tpu.memory_space<vmem_shared>>) target_semaphore(%arg8 : memref<!tpu.dma_semaphore, #tpu.memory_space<semaphore_mem>>)
    %mul3A_701 = arith.constant 2 : i32
    %mul3A_702 = arith.muli %add3A, %mul3A_701 : i32
    %add3A_703 = arith.constant 0 : i32
    %add3A_704 = arith.addi %mul3A_702, %add3A_703 : i32
    %dma_wait3A_705 = arith.constant 2 : i32
    %dma_wait3A_706 = arith.constant 0 : i32
    %dma_wait3A_707 = arith.constant 0 : i32
    %dma_wait3A_708 = tpu.memref_slice %arg5[%arg1, %dma_wait3A_705, %dma_wait3A_706, %dma_wait3A_707] : memref<16x3x8x4096xf32, #tpu.memory_space<vmem_shared>> -> memref<1x1x8x4096xf32, #tpu.memory_space<vmem_shared>>
    %dma_wait3A_709 = tpu.memref_squeeze %dma_wait3A_708 : memref<1x1x8x4096xf32, #tpu.memory_space<vmem_shared>> -> memref<8x4096xf32, #tpu.memory_space<vmem_shared>>
    %dma_wait3A_710 = arith.constant 88 : i32
    %dma_wait3A_711 = arith.constant 0 : i32
    %dma_wait3A_712 = tpu.memref_slice %arg2[%add3A_704, %dma_wait3A_710, %dma_wait3A_711] : memref<64x128x4096xf32, #tpu.memory_space<hbm>> -> memref<1x8x4096xf32, #tpu.memory_space<hbm>>
    %dma_wait3A_713 = tpu.memref_squeeze %dma_wait3A_712 : memref<1x8x4096xf32, #tpu.memory_space<hbm>> -> memref<8x4096xf32, #tpu.memory_space<hbm>>
    tpu.wait_dma2 semaphore(%arg10 : memref<!tpu.dma_semaphore, #tpu.memory_space<semaphore_mem>>) src(%dma_wait3A_713 : memref<8x4096xf32, #tpu.memory_space<hbm>>) dst(%dma_wait3A_709 : memref<8x4096xf32, #tpu.memory_space<vmem_shared>>)
    %mul3A_714 = arith.constant 2 : i32
    %mul3A_715 = arith.muli %add3A, %mul3A_714 : i32
    %add3A_716 = arith.constant 0 : i32
    %add3A_717 = arith.addi %mul3A_715, %add3A_716 : i32
    %dma_start3A_718 = arith.constant 2 : i32
    %dma_start3A_719 = arith.constant 88 : i32
    %dma_start3A_720 = arith.constant 0 : i32
    %dma_start3A_721 = tpu.memref_slice %arg4[%add3A_717, %dma_start3A_719, %dma_start3A_720] : memref<64x128x4096xf32, #tpu.memory_space<hbm>> -> memref<1x8x4096xf32, #tpu.memory_space<hbm>>
    %dma_start3A_722 = tpu.memref_squeeze %dma_start3A_721 : memref<1x8x4096xf32, #tpu.memory_space<hbm>> -> memref<8x4096xf32, #tpu.memory_space<hbm>>
    %dma_start3A_723 = arith.constant 0 : i32
    %dma_start3A_724 = arith.constant 0 : i32
    %dma_start3A_725 = tpu.memref_slice %arg5[%arg1, %dma_start3A_718, %dma_start3A_723, %dma_start3A_724] : memref<16x3x8x4096xf32, #tpu.memory_space<vmem_shared>> -> memref<1x1x8x4096xf32, #tpu.memory_space<vmem_shared>>
    %dma_start3A_726 = tpu.memref_squeeze %dma_start3A_725 : memref<1x1x8x4096xf32, #tpu.memory_space<vmem_shared>> -> memref<8x4096xf32, #tpu.memory_space<vmem_shared>>
    tpu.enqueue_dma source(%dma_start3A_726 : memref<8x4096xf32, #tpu.memory_space<vmem_shared>>) target(%dma_start3A_722 : memref<8x4096xf32, #tpu.memory_space<hbm>>) target_semaphore(%arg13 : memref<!tpu.dma_semaphore, #tpu.memory_space<semaphore_mem>>)
    %mul3A_727 = arith.constant 2 : i32
    %mul3A_728 = arith.muli %add3A, %mul3A_727 : i32
    %add3A_729 = arith.constant 0 : i32
    %add3A_730 = arith.addi %mul3A_728, %add3A_729 : i32
    %dma_wait3A_731 = arith.constant 1 : i32
    %dma_wait3A_732 = arith.constant 80 : i32
    %dma_wait3A_733 = arith.constant 0 : i32
    %dma_wait3A_734 = tpu.memref_slice %arg4[%add3A_730, %dma_wait3A_732, %dma_wait3A_733] : memref<64x128x4096xf32, #tpu.memory_space<hbm>> -> memref<1x8x4096xf32, #tpu.memory_space<hbm>>
    %dma_wait3A_735 = tpu.memref_squeeze %dma_wait3A_734 : memref<1x8x4096xf32, #tpu.memory_space<hbm>> -> memref<8x4096xf32, #tpu.memory_space<hbm>>
    %dma_wait3A_736 = arith.constant 0 : i32
    %dma_wait3A_737 = arith.constant 0 : i32
    %dma_wait3A_738 = tpu.memref_slice %arg5[%arg1, %dma_wait3A_731, %dma_wait3A_736, %dma_wait3A_737] : memref<16x3x8x4096xf32, #tpu.memory_space<vmem_shared>> -> memref<1x1x8x4096xf32, #tpu.memory_space<vmem_shared>>
    %dma_wait3A_739 = tpu.memref_squeeze %dma_wait3A_738 : memref<1x1x8x4096xf32, #tpu.memory_space<vmem_shared>> -> memref<8x4096xf32, #tpu.memory_space<vmem_shared>>
    tpu.wait_dma2 semaphore(%arg12 : memref<!tpu.dma_semaphore, #tpu.memory_space<semaphore_mem>>) src(%dma_wait3A_739 : memref<8x4096xf32, #tpu.memory_space<vmem_shared>>) dst(%dma_wait3A_735 : memref<8x4096xf32, #tpu.memory_space<hbm>>)
    %mul3A_740 = arith.constant 2 : i32
    %mul3A_741 = arith.muli %add3A, %mul3A_740 : i32
    %add3A_742 = arith.constant 0 : i32
    %add3A_743 = arith.addi %mul3A_741, %add3A_742 : i32
    %dma_start3A_744 = arith.constant 1 : i32
    %dma_start3A_745 = arith.constant 0 : i32
    %dma_start3A_746 = arith.constant 0 : i32
    %dma_start3A_747 = tpu.memref_slice %arg5[%arg1, %dma_start3A_744, %dma_start3A_745, %dma_start3A_746] : memref<16x3x8x4096xf32, #tpu.memory_space<vmem_shared>> -> memref<1x1x8x4096xf32, #tpu.memory_space<vmem_shared>>
    %dma_start3A_748 = tpu.memref_squeeze %dma_start3A_747 : memref<1x1x8x4096xf32, #tpu.memory_space<vmem_shared>> -> memref<8x4096xf32, #tpu.memory_space<vmem_shared>>
    %dma_start3A_749 = arith.constant 104 : i32
    %dma_start3A_750 = arith.constant 0 : i32
    %dma_start3A_751 = tpu.memref_slice %arg2[%add3A_743, %dma_start3A_749, %dma_start3A_750] : memref<64x128x4096xf32, #tpu.memory_space<hbm>> -> memref<1x8x4096xf32, #tpu.memory_space<hbm>>
    %dma_start3A_752 = tpu.memref_squeeze %dma_start3A_751 : memref<1x8x4096xf32, #tpu.memory_space<hbm>> -> memref<8x4096xf32, #tpu.memory_space<hbm>>
    tpu.enqueue_dma source(%dma_start3A_752 : memref<8x4096xf32, #tpu.memory_space<hbm>>) target(%dma_start3A_748 : memref<8x4096xf32, #tpu.memory_space<vmem_shared>>) target_semaphore(%arg9 : memref<!tpu.dma_semaphore, #tpu.memory_space<semaphore_mem>>)
    %mul3A_753 = arith.constant 2 : i32
    %mul3A_754 = arith.muli %add3A, %mul3A_753 : i32
    %add3A_755 = arith.constant 0 : i32
    %add3A_756 = arith.addi %mul3A_754, %add3A_755 : i32
    %dma_wait3A_757 = arith.constant 0 : i32
    %dma_wait3A_758 = arith.constant 0 : i32
    %dma_wait3A_759 = arith.constant 0 : i32
    %dma_wait3A_760 = tpu.memref_slice %arg5[%arg1, %dma_wait3A_757, %dma_wait3A_758, %dma_wait3A_759] : memref<16x3x8x4096xf32, #tpu.memory_space<vmem_shared>> -> memref<1x1x8x4096xf32, #tpu.memory_space<vmem_shared>>
    %dma_wait3A_761 = tpu.memref_squeeze %dma_wait3A_760 : memref<1x1x8x4096xf32, #tpu.memory_space<vmem_shared>> -> memref<8x4096xf32, #tpu.memory_space<vmem_shared>>
    %dma_wait3A_762 = arith.constant 96 : i32
    %dma_wait3A_763 = arith.constant 0 : i32
    %dma_wait3A_764 = tpu.memref_slice %arg2[%add3A_756, %dma_wait3A_762, %dma_wait3A_763] : memref<64x128x4096xf32, #tpu.memory_space<hbm>> -> memref<1x8x4096xf32, #tpu.memory_space<hbm>>
    %dma_wait3A_765 = tpu.memref_squeeze %dma_wait3A_764 : memref<1x8x4096xf32, #tpu.memory_space<hbm>> -> memref<8x4096xf32, #tpu.memory_space<hbm>>
    tpu.wait_dma2 semaphore(%arg8 : memref<!tpu.dma_semaphore, #tpu.memory_space<semaphore_mem>>) src(%dma_wait3A_765 : memref<8x4096xf32, #tpu.memory_space<hbm>>) dst(%dma_wait3A_761 : memref<8x4096xf32, #tpu.memory_space<vmem_shared>>)
    %mul3A_766 = arith.constant 2 : i32
    %mul3A_767 = arith.muli %add3A, %mul3A_766 : i32
    %add3A_768 = arith.constant 0 : i32
    %add3A_769 = arith.addi %mul3A_767, %add3A_768 : i32
    %dma_start3A_770 = arith.constant 0 : i32
    %dma_start3A_771 = arith.constant 96 : i32
    %dma_start3A_772 = arith.constant 0 : i32
    %dma_start3A_773 = tpu.memref_slice %arg4[%add3A_769, %dma_start3A_771, %dma_start3A_772] : memref<64x128x4096xf32, #tpu.memory_space<hbm>> -> memref<1x8x4096xf32, #tpu.memory_space<hbm>>
    %dma_start3A_774 = tpu.memref_squeeze %dma_start3A_773 : memref<1x8x4096xf32, #tpu.memory_space<hbm>> -> memref<8x4096xf32, #tpu.memory_space<hbm>>
    %dma_start3A_775 = arith.constant 0 : i32
    %dma_start3A_776 = arith.constant 0 : i32
    %dma_start3A_777 = tpu.memref_slice %arg5[%arg1, %dma_start3A_770, %dma_start3A_775, %dma_start3A_776] : memref<16x3x8x4096xf32, #tpu.memory_space<vmem_shared>> -> memref<1x1x8x4096xf32, #tpu.memory_space<vmem_shared>>
    %dma_start3A_778 = tpu.memref_squeeze %dma_start3A_777 : memref<1x1x8x4096xf32, #tpu.memory_space<vmem_shared>> -> memref<8x4096xf32, #tpu.memory_space<vmem_shared>>
    tpu.enqueue_dma source(%dma_start3A_778 : memref<8x4096xf32, #tpu.memory_space<vmem_shared>>) target(%dma_start3A_774 : memref<8x4096xf32, #tpu.memory_space<hbm>>) target_semaphore(%arg11 : memref<!tpu.dma_semaphore, #tpu.memory_space<semaphore_mem>>)
    %mul3A_779 = arith.constant 2 : i32
    %mul3A_780 = arith.muli %add3A, %mul3A_779 : i32
    %add3A_781 = arith.constant 0 : i32
    %add3A_782 = arith.addi %mul3A_780, %add3A_781 : i32
    %dma_wait3A_783 = arith.constant 2 : i32
    %dma_wait3A_784 = arith.constant 88 : i32
    %dma_wait3A_785 = arith.constant 0 : i32
    %dma_wait3A_786 = tpu.memref_slice %arg4[%add3A_782, %dma_wait3A_784, %dma_wait3A_785] : memref<64x128x4096xf32, #tpu.memory_space<hbm>> -> memref<1x8x4096xf32, #tpu.memory_space<hbm>>
    %dma_wait3A_787 = tpu.memref_squeeze %dma_wait3A_786 : memref<1x8x4096xf32, #tpu.memory_space<hbm>> -> memref<8x4096xf32, #tpu.memory_space<hbm>>
    %dma_wait3A_788 = arith.constant 0 : i32
    %dma_wait3A_789 = arith.constant 0 : i32
    %dma_wait3A_790 = tpu.memref_slice %arg5[%arg1, %dma_wait3A_783, %dma_wait3A_788, %dma_wait3A_789] : memref<16x3x8x4096xf32, #tpu.memory_space<vmem_shared>> -> memref<1x1x8x4096xf32, #tpu.memory_space<vmem_shared>>
    %dma_wait3A_791 = tpu.memref_squeeze %dma_wait3A_790 : memref<1x1x8x4096xf32, #tpu.memory_space<vmem_shared>> -> memref<8x4096xf32, #tpu.memory_space<vmem_shared>>
    tpu.wait_dma2 semaphore(%arg13 : memref<!tpu.dma_semaphore, #tpu.memory_space<semaphore_mem>>) src(%dma_wait3A_791 : memref<8x4096xf32, #tpu.memory_space<vmem_shared>>) dst(%dma_wait3A_787 : memref<8x4096xf32, #tpu.memory_space<hbm>>)
    %mul3A_792 = arith.constant 2 : i32
    %mul3A_793 = arith.muli %add3A, %mul3A_792 : i32
    %add3A_794 = arith.constant 0 : i32
    %add3A_795 = arith.addi %mul3A_793, %add3A_794 : i32
    %dma_start3A_796 = arith.constant 2 : i32
    %dma_start3A_797 = arith.constant 0 : i32
    %dma_start3A_798 = arith.constant 0 : i32
    %dma_start3A_799 = tpu.memref_slice %arg5[%arg1, %dma_start3A_796, %dma_start3A_797, %dma_start3A_798] : memref<16x3x8x4096xf32, #tpu.memory_space<vmem_shared>> -> memref<1x1x8x4096xf32, #tpu.memory_space<vmem_shared>>
    %dma_start3A_800 = tpu.memref_squeeze %dma_start3A_799 : memref<1x1x8x4096xf32, #tpu.memory_space<vmem_shared>> -> memref<8x4096xf32, #tpu.memory_space<vmem_shared>>
    %dma_start3A_801 = arith.constant 112 : i32
    %dma_start3A_802 = arith.constant 0 : i32
    %dma_start3A_803 = tpu.memref_slice %arg2[%add3A_795, %dma_start3A_801, %dma_start3A_802] : memref<64x128x4096xf32, #tpu.memory_space<hbm>> -> memref<1x8x4096xf32, #tpu.memory_space<hbm>>
    %dma_start3A_804 = tpu.memref_squeeze %dma_start3A_803 : memref<1x8x4096xf32, #tpu.memory_space<hbm>> -> memref<8x4096xf32, #tpu.memory_space<hbm>>
    tpu.enqueue_dma source(%dma_start3A_804 : memref<8x4096xf32, #tpu.memory_space<hbm>>) target(%dma_start3A_800 : memref<8x4096xf32, #tpu.memory_space<vmem_shared>>) target_semaphore(%arg10 : memref<!tpu.dma_semaphore, #tpu.memory_space<semaphore_mem>>)
    %mul3A_805 = arith.constant 2 : i32
    %mul3A_806 = arith.muli %add3A, %mul3A_805 : i32
    %add3A_807 = arith.constant 0 : i32
    %add3A_808 = arith.addi %mul3A_806, %add3A_807 : i32
    %dma_wait3A_809 = arith.constant 1 : i32
    %dma_wait3A_810 = arith.constant 0 : i32
    %dma_wait3A_811 = arith.constant 0 : i32
    %dma_wait3A_812 = tpu.memref_slice %arg5[%arg1, %dma_wait3A_809, %dma_wait3A_810, %dma_wait3A_811] : memref<16x3x8x4096xf32, #tpu.memory_space<vmem_shared>> -> memref<1x1x8x4096xf32, #tpu.memory_space<vmem_shared>>
    %dma_wait3A_813 = tpu.memref_squeeze %dma_wait3A_812 : memref<1x1x8x4096xf32, #tpu.memory_space<vmem_shared>> -> memref<8x4096xf32, #tpu.memory_space<vmem_shared>>
    %dma_wait3A_814 = arith.constant 104 : i32
    %dma_wait3A_815 = arith.constant 0 : i32
    %dma_wait3A_816 = tpu.memref_slice %arg2[%add3A_808, %dma_wait3A_814, %dma_wait3A_815] : memref<64x128x4096xf32, #tpu.memory_space<hbm>> -> memref<1x8x4096xf32, #tpu.memory_space<hbm>>
    %dma_wait3A_817 = tpu.memref_squeeze %dma_wait3A_816 : memref<1x8x4096xf32, #tpu.memory_space<hbm>> -> memref<8x4096xf32, #tpu.memory_space<hbm>>
    tpu.wait_dma2 semaphore(%arg9 : memref<!tpu.dma_semaphore, #tpu.memory_space<semaphore_mem>>) src(%dma_wait3A_817 : memref<8x4096xf32, #tpu.memory_space<hbm>>) dst(%dma_wait3A_813 : memref<8x4096xf32, #tpu.memory_space<vmem_shared>>)
    %mul3A_818 = arith.constant 2 : i32
    %mul3A_819 = arith.muli %add3A, %mul3A_818 : i32
    %add3A_820 = arith.constant 0 : i32
    %add3A_821 = arith.addi %mul3A_819, %add3A_820 : i32
    %dma_start3A_822 = arith.constant 1 : i32
    %dma_start3A_823 = arith.constant 104 : i32
    %dma_start3A_824 = arith.constant 0 : i32
    %dma_start3A_825 = tpu.memref_slice %arg4[%add3A_821, %dma_start3A_823, %dma_start3A_824] : memref<64x128x4096xf32, #tpu.memory_space<hbm>> -> memref<1x8x4096xf32, #tpu.memory_space<hbm>>
    %dma_start3A_826 = tpu.memref_squeeze %dma_start3A_825 : memref<1x8x4096xf32, #tpu.memory_space<hbm>> -> memref<8x4096xf32, #tpu.memory_space<hbm>>
    %dma_start3A_827 = arith.constant 0 : i32
    %dma_start3A_828 = arith.constant 0 : i32
    %dma_start3A_829 = tpu.memref_slice %arg5[%arg1, %dma_start3A_822, %dma_start3A_827, %dma_start3A_828] : memref<16x3x8x4096xf32, #tpu.memory_space<vmem_shared>> -> memref<1x1x8x4096xf32, #tpu.memory_space<vmem_shared>>
    %dma_start3A_830 = tpu.memref_squeeze %dma_start3A_829 : memref<1x1x8x4096xf32, #tpu.memory_space<vmem_shared>> -> memref<8x4096xf32, #tpu.memory_space<vmem_shared>>
    tpu.enqueue_dma source(%dma_start3A_830 : memref<8x4096xf32, #tpu.memory_space<vmem_shared>>) target(%dma_start3A_826 : memref<8x4096xf32, #tpu.memory_space<hbm>>) target_semaphore(%arg12 : memref<!tpu.dma_semaphore, #tpu.memory_space<semaphore_mem>>)
    %mul3A_831 = arith.constant 2 : i32
    %mul3A_832 = arith.muli %add3A, %mul3A_831 : i32
    %add3A_833 = arith.constant 0 : i32
    %add3A_834 = arith.addi %mul3A_832, %add3A_833 : i32
    %dma_wait3A_835 = arith.constant 0 : i32
    %dma_wait3A_836 = arith.constant 96 : i32
    %dma_wait3A_837 = arith.constant 0 : i32
    %dma_wait3A_838 = tpu.memref_slice %arg4[%add3A_834, %dma_wait3A_836, %dma_wait3A_837] : memref<64x128x4096xf32, #tpu.memory_space<hbm>> -> memref<1x8x4096xf32, #tpu.memory_space<hbm>>
    %dma_wait3A_839 = tpu.memref_squeeze %dma_wait3A_838 : memref<1x8x4096xf32, #tpu.memory_space<hbm>> -> memref<8x4096xf32, #tpu.memory_space<hbm>>
    %dma_wait3A_840 = arith.constant 0 : i32
    %dma_wait3A_841 = arith.constant 0 : i32
    %dma_wait3A_842 = tpu.memref_slice %arg5[%arg1, %dma_wait3A_835, %dma_wait3A_840, %dma_wait3A_841] : memref<16x3x8x4096xf32, #tpu.memory_space<vmem_shared>> -> memref<1x1x8x4096xf32, #tpu.memory_space<vmem_shared>>
    %dma_wait3A_843 = tpu.memref_squeeze %dma_wait3A_842 : memref<1x1x8x4096xf32, #tpu.memory_space<vmem_shared>> -> memref<8x4096xf32, #tpu.memory_space<vmem_shared>>
    tpu.wait_dma2 semaphore(%arg11 : memref<!tpu.dma_semaphore, #tpu.memory_space<semaphore_mem>>) src(%dma_wait3A_843 : memref<8x4096xf32, #tpu.memory_space<vmem_shared>>) dst(%dma_wait3A_839 : memref<8x4096xf32, #tpu.memory_space<hbm>>)
    %mul3A_844 = arith.constant 2 : i32
    %mul3A_845 = arith.muli %add3A, %mul3A_844 : i32
    %add3A_846 = arith.constant 0 : i32
    %add3A_847 = arith.addi %mul3A_845, %add3A_846 : i32
    %dma_start3A_848 = arith.constant 0 : i32
    %dma_start3A_849 = arith.constant 0 : i32
    %dma_start3A_850 = arith.constant 0 : i32
    %dma_start3A_851 = tpu.memref_slice %arg5[%arg1, %dma_start3A_848, %dma_start3A_849, %dma_start3A_850] : memref<16x3x8x4096xf32, #tpu.memory_space<vmem_shared>> -> memref<1x1x8x4096xf32, #tpu.memory_space<vmem_shared>>
    %dma_start3A_852 = tpu.memref_squeeze %dma_start3A_851 : memref<1x1x8x4096xf32, #tpu.memory_space<vmem_shared>> -> memref<8x4096xf32, #tpu.memory_space<vmem_shared>>
    %dma_start3A_853 = arith.constant 120 : i32
    %dma_start3A_854 = arith.constant 0 : i32
    %dma_start3A_855 = tpu.memref_slice %arg2[%add3A_847, %dma_start3A_853, %dma_start3A_854] : memref<64x128x4096xf32, #tpu.memory_space<hbm>> -> memref<1x8x4096xf32, #tpu.memory_space<hbm>>
    %dma_start3A_856 = tpu.memref_squeeze %dma_start3A_855 : memref<1x8x4096xf32, #tpu.memory_space<hbm>> -> memref<8x4096xf32, #tpu.memory_space<hbm>>
    tpu.enqueue_dma source(%dma_start3A_856 : memref<8x4096xf32, #tpu.memory_space<hbm>>) target(%dma_start3A_852 : memref<8x4096xf32, #tpu.memory_space<vmem_shared>>) target_semaphore(%arg8 : memref<!tpu.dma_semaphore, #tpu.memory_space<semaphore_mem>>)
    %mul3A_857 = arith.constant 2 : i32
    %mul3A_858 = arith.muli %add3A, %mul3A_857 : i32
    %add3A_859 = arith.constant 0 : i32
    %add3A_860 = arith.addi %mul3A_858, %add3A_859 : i32
    %dma_wait3A_861 = arith.constant 2 : i32
    %dma_wait3A_862 = arith.constant 0 : i32
    %dma_wait3A_863 = arith.constant 0 : i32
    %dma_wait3A_864 = tpu.memref_slice %arg5[%arg1, %dma_wait3A_861, %dma_wait3A_862, %dma_wait3A_863] : memref<16x3x8x4096xf32, #tpu.memory_space<vmem_shared>> -> memref<1x1x8x4096xf32, #tpu.memory_space<vmem_shared>>
    %dma_wait3A_865 = tpu.memref_squeeze %dma_wait3A_864 : memref<1x1x8x4096xf32, #tpu.memory_space<vmem_shared>> -> memref<8x4096xf32, #tpu.memory_space<vmem_shared>>
    %dma_wait3A_866 = arith.constant 112 : i32
    %dma_wait3A_867 = arith.constant 0 : i32
    %dma_wait3A_868 = tpu.memref_slice %arg2[%add3A_860, %dma_wait3A_866, %dma_wait3A_867] : memref<64x128x4096xf32, #tpu.memory_space<hbm>> -> memref<1x8x4096xf32, #tpu.memory_space<hbm>>
    %dma_wait3A_869 = tpu.memref_squeeze %dma_wait3A_868 : memref<1x8x4096xf32, #tpu.memory_space<hbm>> -> memref<8x4096xf32, #tpu.memory_space<hbm>>
    tpu.wait_dma2 semaphore(%arg10 : memref<!tpu.dma_semaphore, #tpu.memory_space<semaphore_mem>>) src(%dma_wait3A_869 : memref<8x4096xf32, #tpu.memory_space<hbm>>) dst(%dma_wait3A_865 : memref<8x4096xf32, #tpu.memory_space<vmem_shared>>)
    %mul3A_870 = arith.constant 2 : i32
    %mul3A_871 = arith.muli %add3A, %mul3A_870 : i32
    %add3A_872 = arith.constant 0 : i32
    %add3A_873 = arith.addi %mul3A_871, %add3A_872 : i32
    %dma_start3A_874 = arith.constant 2 : i32
    %dma_start3A_875 = arith.constant 112 : i32
    %dma_start3A_876 = arith.constant 0 : i32
    %dma_start3A_877 = tpu.memref_slice %arg4[%add3A_873, %dma_start3A_875, %dma_start3A_876] : memref<64x128x4096xf32, #tpu.memory_space<hbm>> -> memref<1x8x4096xf32, #tpu.memory_space<hbm>>
    %dma_start3A_878 = tpu.memref_squeeze %dma_start3A_877 : memref<1x8x4096xf32, #tpu.memory_space<hbm>> -> memref<8x4096xf32, #tpu.memory_space<hbm>>
    %dma_start3A_879 = arith.constant 0 : i32
    %dma_start3A_880 = arith.constant 0 : i32
    %dma_start3A_881 = tpu.memref_slice %arg5[%arg1, %dma_start3A_874, %dma_start3A_879, %dma_start3A_880] : memref<16x3x8x4096xf32, #tpu.memory_space<vmem_shared>> -> memref<1x1x8x4096xf32, #tpu.memory_space<vmem_shared>>
    %dma_start3A_882 = tpu.memref_squeeze %dma_start3A_881 : memref<1x1x8x4096xf32, #tpu.memory_space<vmem_shared>> -> memref<8x4096xf32, #tpu.memory_space<vmem_shared>>
    tpu.enqueue_dma source(%dma_start3A_882 : memref<8x4096xf32, #tpu.memory_space<vmem_shared>>) target(%dma_start3A_878 : memref<8x4096xf32, #tpu.memory_space<hbm>>) target_semaphore(%arg13 : memref<!tpu.dma_semaphore, #tpu.memory_space<semaphore_mem>>)
    %mul3A_883 = arith.constant 2 : i32
    %mul3A_884 = arith.muli %add3A, %mul3A_883 : i32
    %add3A_885 = arith.constant 0 : i32
    %add3A_886 = arith.addi %mul3A_884, %add3A_885 : i32
    %dma_wait3A_887 = arith.constant 1 : i32
    %dma_wait3A_888 = arith.constant 104 : i32
    %dma_wait3A_889 = arith.constant 0 : i32
    %dma_wait3A_890 = tpu.memref_slice %arg4[%add3A_886, %dma_wait3A_888, %dma_wait3A_889] : memref<64x128x4096xf32, #tpu.memory_space<hbm>> -> memref<1x8x4096xf32, #tpu.memory_space<hbm>>
    %dma_wait3A_891 = tpu.memref_squeeze %dma_wait3A_890 : memref<1x8x4096xf32, #tpu.memory_space<hbm>> -> memref<8x4096xf32, #tpu.memory_space<hbm>>
    %dma_wait3A_892 = arith.constant 0 : i32
    %dma_wait3A_893 = arith.constant 0 : i32
    %dma_wait3A_894 = tpu.memref_slice %arg5[%arg1, %dma_wait3A_887, %dma_wait3A_892, %dma_wait3A_893] : memref<16x3x8x4096xf32, #tpu.memory_space<vmem_shared>> -> memref<1x1x8x4096xf32, #tpu.memory_space<vmem_shared>>
    %dma_wait3A_895 = tpu.memref_squeeze %dma_wait3A_894 : memref<1x1x8x4096xf32, #tpu.memory_space<vmem_shared>> -> memref<8x4096xf32, #tpu.memory_space<vmem_shared>>
    tpu.wait_dma2 semaphore(%arg12 : memref<!tpu.dma_semaphore, #tpu.memory_space<semaphore_mem>>) src(%dma_wait3A_895 : memref<8x4096xf32, #tpu.memory_space<vmem_shared>>) dst(%dma_wait3A_891 : memref<8x4096xf32, #tpu.memory_space<hbm>>)
    %mul3A_896 = arith.constant 2 : i32
    %mul3A_897 = arith.muli %add3A, %mul3A_896 : i32
    %add3A_898 = arith.constant 1 : i32
    %add3A_899 = arith.addi %mul3A_897, %add3A_898 : i32
    %dma_start3A_900 = arith.constant 1 : i32
    %dma_start3A_901 = arith.constant 0 : i32
    %dma_start3A_902 = arith.constant 0 : i32
    %dma_start3A_903 = tpu.memref_slice %arg5[%arg1, %dma_start3A_900, %dma_start3A_901, %dma_start3A_902] : memref<16x3x8x4096xf32, #tpu.memory_space<vmem_shared>> -> memref<1x1x8x4096xf32, #tpu.memory_space<vmem_shared>>
    %dma_start3A_904 = tpu.memref_squeeze %dma_start3A_903 : memref<1x1x8x4096xf32, #tpu.memory_space<vmem_shared>> -> memref<8x4096xf32, #tpu.memory_space<vmem_shared>>
    %dma_start3A_905 = arith.constant 0 : i32
    %dma_start3A_906 = arith.constant 0 : i32
    %dma_start3A_907 = tpu.memref_slice %arg2[%add3A_899, %dma_start3A_905, %dma_start3A_906] : memref<64x128x4096xf32, #tpu.memory_space<hbm>> -> memref<1x8x4096xf32, #tpu.memory_space<hbm>>
    %dma_start3A_908 = tpu.memref_squeeze %dma_start3A_907 : memref<1x8x4096xf32, #tpu.memory_space<hbm>> -> memref<8x4096xf32, #tpu.memory_space<hbm>>
    tpu.enqueue_dma source(%dma_start3A_908 : memref<8x4096xf32, #tpu.memory_space<hbm>>) target(%dma_start3A_904 : memref<8x4096xf32, #tpu.memory_space<vmem_shared>>) target_semaphore(%arg9 : memref<!tpu.dma_semaphore, #tpu.memory_space<semaphore_mem>>)
    %mul3A_909 = arith.constant 2 : i32
    %mul3A_910 = arith.muli %add3A, %mul3A_909 : i32
    %add3A_911 = arith.constant 0 : i32
    %add3A_912 = arith.addi %mul3A_910, %add3A_911 : i32
    %dma_wait3A_913 = arith.constant 0 : i32
    %dma_wait3A_914 = arith.constant 0 : i32
    %dma_wait3A_915 = arith.constant 0 : i32
    %dma_wait3A_916 = tpu.memref_slice %arg5[%arg1, %dma_wait3A_913, %dma_wait3A_914, %dma_wait3A_915] : memref<16x3x8x4096xf32, #tpu.memory_space<vmem_shared>> -> memref<1x1x8x4096xf32, #tpu.memory_space<vmem_shared>>
    %dma_wait3A_917 = tpu.memref_squeeze %dma_wait3A_916 : memref<1x1x8x4096xf32, #tpu.memory_space<vmem_shared>> -> memref<8x4096xf32, #tpu.memory_space<vmem_shared>>
    %dma_wait3A_918 = arith.constant 120 : i32
    %dma_wait3A_919 = arith.constant 0 : i32
    %dma_wait3A_920 = tpu.memref_slice %arg2[%add3A_912, %dma_wait3A_918, %dma_wait3A_919] : memref<64x128x4096xf32, #tpu.memory_space<hbm>> -> memref<1x8x4096xf32, #tpu.memory_space<hbm>>
    %dma_wait3A_921 = tpu.memref_squeeze %dma_wait3A_920 : memref<1x8x4096xf32, #tpu.memory_space<hbm>> -> memref<8x4096xf32, #tpu.memory_space<hbm>>
    tpu.wait_dma2 semaphore(%arg8 : memref<!tpu.dma_semaphore, #tpu.memory_space<semaphore_mem>>) src(%dma_wait3A_921 : memref<8x4096xf32, #tpu.memory_space<hbm>>) dst(%dma_wait3A_917 : memref<8x4096xf32, #tpu.memory_space<vmem_shared>>)
    %mul3A_922 = arith.constant 2 : i32
    %mul3A_923 = arith.muli %add3A, %mul3A_922 : i32
    %add3A_924 = arith.constant 0 : i32
    %add3A_925 = arith.addi %mul3A_923, %add3A_924 : i32
    %dma_start3A_926 = arith.constant 0 : i32
    %dma_start3A_927 = arith.constant 120 : i32
    %dma_start3A_928 = arith.constant 0 : i32
    %dma_start3A_929 = tpu.memref_slice %arg4[%add3A_925, %dma_start3A_927, %dma_start3A_928] : memref<64x128x4096xf32, #tpu.memory_space<hbm>> -> memref<1x8x4096xf32, #tpu.memory_space<hbm>>
    %dma_start3A_930 = tpu.memref_squeeze %dma_start3A_929 : memref<1x8x4096xf32, #tpu.memory_space<hbm>> -> memref<8x4096xf32, #tpu.memory_space<hbm>>
    %dma_start3A_931 = arith.constant 0 : i32
    %dma_start3A_932 = arith.constant 0 : i32
    %dma_start3A_933 = tpu.memref_slice %arg5[%arg1, %dma_start3A_926, %dma_start3A_931, %dma_start3A_932] : memref<16x3x8x4096xf32, #tpu.memory_space<vmem_shared>> -> memref<1x1x8x4096xf32, #tpu.memory_space<vmem_shared>>
    %dma_start3A_934 = tpu.memref_squeeze %dma_start3A_933 : memref<1x1x8x4096xf32, #tpu.memory_space<vmem_shared>> -> memref<8x4096xf32, #tpu.memory_space<vmem_shared>>
    tpu.enqueue_dma source(%dma_start3A_934 : memref<8x4096xf32, #tpu.memory_space<vmem_shared>>) target(%dma_start3A_930 : memref<8x4096xf32, #tpu.memory_space<hbm>>) target_semaphore(%arg11 : memref<!tpu.dma_semaphore, #tpu.memory_space<semaphore_mem>>)
    %mul3A_935 = arith.constant 2 : i32
    %mul3A_936 = arith.muli %add3A, %mul3A_935 : i32
    %add3A_937 = arith.constant 0 : i32
    %add3A_938 = arith.addi %mul3A_936, %add3A_937 : i32
    %dma_wait3A_939 = arith.constant 2 : i32
    %dma_wait3A_940 = arith.constant 112 : i32
    %dma_wait3A_941 = arith.constant 0 : i32
    %dma_wait3A_942 = tpu.memref_slice %arg4[%add3A_938, %dma_wait3A_940, %dma_wait3A_941] : memref<64x128x4096xf32, #tpu.memory_space<hbm>> -> memref<1x8x4096xf32, #tpu.memory_space<hbm>>
    %dma_wait3A_943 = tpu.memref_squeeze %dma_wait3A_942 : memref<1x8x4096xf32, #tpu.memory_space<hbm>> -> memref<8x4096xf32, #tpu.memory_space<hbm>>
    %dma_wait3A_944 = arith.constant 0 : i32
    %dma_wait3A_945 = arith.constant 0 : i32
    %dma_wait3A_946 = tpu.memref_slice %arg5[%arg1, %dma_wait3A_939, %dma_wait3A_944, %dma_wait3A_945] : memref<16x3x8x4096xf32, #tpu.memory_space<vmem_shared>> -> memref<1x1x8x4096xf32, #tpu.memory_space<vmem_shared>>
    %dma_wait3A_947 = tpu.memref_squeeze %dma_wait3A_946 : memref<1x1x8x4096xf32, #tpu.memory_space<vmem_shared>> -> memref<8x4096xf32, #tpu.memory_space<vmem_shared>>
    tpu.wait_dma2 semaphore(%arg13 : memref<!tpu.dma_semaphore, #tpu.memory_space<semaphore_mem>>) src(%dma_wait3A_947 : memref<8x4096xf32, #tpu.memory_space<vmem_shared>>) dst(%dma_wait3A_943 : memref<8x4096xf32, #tpu.memory_space<hbm>>)
    %mul3A_948 = arith.constant 2 : i32
    %mul3A_949 = arith.muli %add3A, %mul3A_948 : i32
    %add3A_950 = arith.constant 1 : i32
    %add3A_951 = arith.addi %mul3A_949, %add3A_950 : i32
    %dma_start3A_952 = arith.constant 2 : i32
    %dma_start3A_953 = arith.constant 0 : i32
    %dma_start3A_954 = arith.constant 0 : i32
    %dma_start3A_955 = tpu.memref_slice %arg5[%arg1, %dma_start3A_952, %dma_start3A_953, %dma_start3A_954] : memref<16x3x8x4096xf32, #tpu.memory_space<vmem_shared>> -> memref<1x1x8x4096xf32, #tpu.memory_space<vmem_shared>>
    %dma_start3A_956 = tpu.memref_squeeze %dma_start3A_955 : memref<1x1x8x4096xf32, #tpu.memory_space<vmem_shared>> -> memref<8x4096xf32, #tpu.memory_space<vmem_shared>>
    %dma_start3A_957 = arith.constant 8 : i32
    %dma_start3A_958 = arith.constant 0 : i32
    %dma_start3A_959 = tpu.memref_slice %arg2[%add3A_951, %dma_start3A_957, %dma_start3A_958] : memref<64x128x4096xf32, #tpu.memory_space<hbm>> -> memref<1x8x4096xf32, #tpu.memory_space<hbm>>
    %dma_start3A_960 = tpu.memref_squeeze %dma_start3A_959 : memref<1x8x4096xf32, #tpu.memory_space<hbm>> -> memref<8x4096xf32, #tpu.memory_space<hbm>>
    tpu.enqueue_dma source(%dma_start3A_960 : memref<8x4096xf32, #tpu.memory_space<hbm>>) target(%dma_start3A_956 : memref<8x4096xf32, #tpu.memory_space<vmem_shared>>) target_semaphore(%arg10 : memref<!tpu.dma_semaphore, #tpu.memory_space<semaphore_mem>>)
    %mul3A_961 = arith.constant 2 : i32
    %mul3A_962 = arith.muli %add3A, %mul3A_961 : i32
    %add3A_963 = arith.constant 1 : i32
    %add3A_964 = arith.addi %mul3A_962, %add3A_963 : i32
    %dma_wait3A_965 = arith.constant 1 : i32
    %dma_wait3A_966 = arith.constant 0 : i32
    %dma_wait3A_967 = arith.constant 0 : i32
    %dma_wait3A_968 = tpu.memref_slice %arg5[%arg1, %dma_wait3A_965, %dma_wait3A_966, %dma_wait3A_967] : memref<16x3x8x4096xf32, #tpu.memory_space<vmem_shared>> -> memref<1x1x8x4096xf32, #tpu.memory_space<vmem_shared>>
    %dma_wait3A_969 = tpu.memref_squeeze %dma_wait3A_968 : memref<1x1x8x4096xf32, #tpu.memory_space<vmem_shared>> -> memref<8x4096xf32, #tpu.memory_space<vmem_shared>>
    %dma_wait3A_970 = arith.constant 0 : i32
    %dma_wait3A_971 = arith.constant 0 : i32
    %dma_wait3A_972 = tpu.memref_slice %arg2[%add3A_964, %dma_wait3A_970, %dma_wait3A_971] : memref<64x128x4096xf32, #tpu.memory_space<hbm>> -> memref<1x8x4096xf32, #tpu.memory_space<hbm>>
    %dma_wait3A_973 = tpu.memref_squeeze %dma_wait3A_972 : memref<1x8x4096xf32, #tpu.memory_space<hbm>> -> memref<8x4096xf32, #tpu.memory_space<hbm>>
    tpu.wait_dma2 semaphore(%arg9 : memref<!tpu.dma_semaphore, #tpu.memory_space<semaphore_mem>>) src(%dma_wait3A_973 : memref<8x4096xf32, #tpu.memory_space<hbm>>) dst(%dma_wait3A_969 : memref<8x4096xf32, #tpu.memory_space<vmem_shared>>)
    %mul3A_974 = arith.constant 2 : i32
    %mul3A_975 = arith.muli %add3A, %mul3A_974 : i32
    %add3A_976 = arith.constant 1 : i32
    %add3A_977 = arith.addi %mul3A_975, %add3A_976 : i32
    %dma_start3A_978 = arith.constant 1 : i32
    %dma_start3A_979 = arith.constant 0 : i32
    %dma_start3A_980 = arith.constant 0 : i32
    %dma_start3A_981 = tpu.memref_slice %arg4[%add3A_977, %dma_start3A_979, %dma_start3A_980] : memref<64x128x4096xf32, #tpu.memory_space<hbm>> -> memref<1x8x4096xf32, #tpu.memory_space<hbm>>
    %dma_start3A_982 = tpu.memref_squeeze %dma_start3A_981 : memref<1x8x4096xf32, #tpu.memory_space<hbm>> -> memref<8x4096xf32, #tpu.memory_space<hbm>>
    %dma_start3A_983 = arith.constant 0 : i32
    %dma_start3A_984 = arith.constant 0 : i32
    %dma_start3A_985 = tpu.memref_slice %arg5[%arg1, %dma_start3A_978, %dma_start3A_983, %dma_start3A_984] : memref<16x3x8x4096xf32, #tpu.memory_space<vmem_shared>> -> memref<1x1x8x4096xf32, #tpu.memory_space<vmem_shared>>
    %dma_start3A_986 = tpu.memref_squeeze %dma_start3A_985 : memref<1x1x8x4096xf32, #tpu.memory_space<vmem_shared>> -> memref<8x4096xf32, #tpu.memory_space<vmem_shared>>
    tpu.enqueue_dma source(%dma_start3A_986 : memref<8x4096xf32, #tpu.memory_space<vmem_shared>>) target(%dma_start3A_982 : memref<8x4096xf32, #tpu.memory_space<hbm>>) target_semaphore(%arg12 : memref<!tpu.dma_semaphore, #tpu.memory_space<semaphore_mem>>)
    %mul3A_987 = arith.constant 2 : i32
    %mul3A_988 = arith.muli %add3A, %mul3A_987 : i32
    %add3A_989 = arith.constant 0 : i32
    %add3A_990 = arith.addi %mul3A_988, %add3A_989 : i32
    %dma_wait3A_991 = arith.constant 0 : i32
    %dma_wait3A_992 = arith.constant 120 : i32
    %dma_wait3A_993 = arith.constant 0 : i32
    %dma_wait3A_994 = tpu.memref_slice %arg4[%add3A_990, %dma_wait3A_992, %dma_wait3A_993] : memref<64x128x4096xf32, #tpu.memory_space<hbm>> -> memref<1x8x4096xf32, #tpu.memory_space<hbm>>
    %dma_wait3A_995 = tpu.memref_squeeze %dma_wait3A_994 : memref<1x8x4096xf32, #tpu.memory_space<hbm>> -> memref<8x4096xf32, #tpu.memory_space<hbm>>
    %dma_wait3A_996 = arith.constant 0 : i32
    %dma_wait3A_997 = arith.constant 0 : i32
    %dma_wait3A_998 = tpu.memref_slice %arg5[%arg1, %dma_wait3A_991, %dma_wait3A_996, %dma_wait3A_997] : memref<16x3x8x4096xf32, #tpu.memory_space<vmem_shared>> -> memref<1x1x8x4096xf32, #tpu.memory_space<vmem_shared>>
    %dma_wait3A_999 = tpu.memref_squeeze %dma_wait3A_998 : memref<1x1x8x4096xf32, #tpu.memory_space<vmem_shared>> -> memref<8x4096xf32, #tpu.memory_space<vmem_shared>>
    tpu.wait_dma2 semaphore(%arg11 : memref<!tpu.dma_semaphore, #tpu.memory_space<semaphore_mem>>) src(%dma_wait3A_999 : memref<8x4096xf32, #tpu.memory_space<vmem_shared>>) dst(%dma_wait3A_995 : memref<8x4096xf32, #tpu.memory_space<hbm>>)
    %mul3A_1000 = arith.constant 2 : i32
    %mul3A_1001 = arith.muli %add3A, %mul3A_1000 : i32
    %add3A_1002 = arith.constant 0 : i32
    %add3A_1003 = arith.addi %mul3A_1001, %add3A_1002 : i32
    %dma_start3A_1004 = tpu.memref_slice %arg4[%add3A_1003, %multiple_of3A, %multiple_of3A_15] : memref<64x128x4096xf32, #tpu.memory_space<hbm>> -> memref<1x72x256xf32, #tpu.memory_space<hbm>>
    %dma_start3A_1005 = tpu.memref_squeeze %dma_start3A_1004 : memref<1x72x256xf32, #tpu.memory_space<hbm>> -> memref<72x256xf32, #tpu.memory_space<hbm>>
    %dma_start3A_1006 = tpu.memref_slice %arg4[%add3A_1003, %multiple_of3A, %multiple_of3A_15] : memref<64x128x4096xf32, #tpu.memory_space<hbm>> -> memref<1x72x256xf32, #tpu.memory_space<hbm>>
    %dma_start3A_1007 = tpu.memref_squeeze %dma_start3A_1006 : memref<1x72x256xf32, #tpu.memory_space<hbm>> -> memref<72x256xf32, #tpu.memory_space<hbm>>
    tpu.enqueue_dma source(%arg6 : memref<72x256xf32, #tpu.memory_space<vmem>>) target(%dma_start3A_1007 : memref<72x256xf32, #tpu.memory_space<hbm>>) target_semaphore(%arg15 : memref<!tpu.dma_semaphore, #tpu.memory_space<semaphore_mem>>)
    %mul3A_1008 = arith.constant 2 : i32
    %mul3A_1009 = arith.muli %add3A, %mul3A_1008 : i32
    %add3A_1010 = arith.constant 0 : i32
    %add3A_1011 = arith.addi %mul3A_1009, %add3A_1010 : i32
    %dma_wait3A_1012 = tpu.memref_slice %arg4[%add3A_1011, %multiple_of3A, %multiple_of3A_15] : memref<64x128x4096xf32, #tpu.memory_space<hbm>> -> memref<1x72x256xf32, #tpu.memory_space<hbm>>
    %dma_wait3A_1013 = tpu.memref_squeeze %dma_wait3A_1012 : memref<1x72x256xf32, #tpu.memory_space<hbm>> -> memref<72x256xf32, #tpu.memory_space<hbm>>
    %dma_wait3A_1014 = tpu.memref_slice %arg4[%add3A_1011, %multiple_of3A, %multiple_of3A_15] : memref<64x128x4096xf32, #tpu.memory_space<hbm>> -> memref<1x72x256xf32, #tpu.memory_space<hbm>>
    %dma_wait3A_1015 = tpu.memref_squeeze %dma_wait3A_1014 : memref<1x72x256xf32, #tpu.memory_space<hbm>> -> memref<72x256xf32, #tpu.memory_space<hbm>>
    tpu.wait_dma2 semaphore(%arg15 : memref<!tpu.dma_semaphore, #tpu.memory_space<semaphore_mem>>) src(%arg6 : memref<72x256xf32, #tpu.memory_space<vmem>>) dst(%dma_wait3A_1015 : memref<72x256xf32, #tpu.memory_space<hbm>>)
    %mul3A_1016 = arith.constant 2 : i32
    %mul3A_1017 = arith.muli %add3A, %mul3A_1016 : i32
    %add3A_1018 = arith.constant 0 : i32
    %add3A_1019 = arith.addi %mul3A_1017, %add3A_1018 : i32
    %dma_start3A_1020 = tpu.memref_slice %arg2[%add3A_1019, %multiple_of3A_24, %multiple_of3A_29] : memref<64x128x4096xf32, #tpu.memory_space<hbm>> -> memref<1x72x256xf32, #tpu.memory_space<hbm>>
    %dma_start3A_1021 = tpu.memref_squeeze %dma_start3A_1020 : memref<1x72x256xf32, #tpu.memory_space<hbm>> -> memref<72x256xf32, #tpu.memory_space<hbm>>
    %dma_start3A_1022 = tpu.memref_slice %arg2[%add3A_1019, %multiple_of3A_24, %multiple_of3A_29] : memref<64x128x4096xf32, #tpu.memory_space<hbm>> -> memref<1x72x256xf32, #tpu.memory_space<hbm>>
    %dma_start3A_1023 = tpu.memref_squeeze %dma_start3A_1022 : memref<1x72x256xf32, #tpu.memory_space<hbm>> -> memref<72x256xf32, #tpu.memory_space<hbm>>
    tpu.enqueue_dma source(%dma_start3A_1023 : memref<72x256xf32, #tpu.memory_space<hbm>>) target(%arg6 : memref<72x256xf32, #tpu.memory_space<vmem>>) target_semaphore(%arg14 : memref<!tpu.dma_semaphore, #tpu.memory_space<semaphore_mem>>)
    %mul3A_1024 = arith.constant 2 : i32
    %mul3A_1025 = arith.muli %add3A, %mul3A_1024 : i32
    %add3A_1026 = arith.constant 0 : i32
    %add3A_1027 = arith.addi %mul3A_1025, %add3A_1026 : i32
    %dma_wait3A_1028 = tpu.memref_slice %arg2[%add3A_1027, %multiple_of3A_24, %multiple_of3A_29] : memref<64x128x4096xf32, #tpu.memory_space<hbm>> -> memref<1x72x256xf32, #tpu.memory_space<hbm>>
    %dma_wait3A_1029 = tpu.memref_squeeze %dma_wait3A_1028 : memref<1x72x256xf32, #tpu.memory_space<hbm>> -> memref<72x256xf32, #tpu.memory_space<hbm>>
    %dma_wait3A_1030 = tpu.memref_slice %arg2[%add3A_1027, %multiple_of3A_24, %multiple_of3A_29] : memref<64x128x4096xf32, #tpu.memory_space<hbm>> -> memref<1x72x256xf32, #tpu.memory_space<hbm>>
    %dma_wait3A_1031 = tpu.memref_squeeze %dma_wait3A_1030 : memref<1x72x256xf32, #tpu.memory_space<hbm>> -> memref<72x256xf32, #tpu.memory_space<hbm>>
    tpu.wait_dma2 semaphore(%arg14 : memref<!tpu.dma_semaphore, #tpu.memory_space<semaphore_mem>>) src(%dma_wait3A_1031 : memref<72x256xf32, #tpu.memory_space<hbm>>) dst(%arg6 : memref<72x256xf32, #tpu.memory_space<vmem>>)
    %broadcast_in_dim3A_1032 = arith.constant 0.000000e+00 : f32
    %broadcast_in_dim3A_1033 = vector.broadcast %broadcast_in_dim3A_1032 : f32 to vector<16xf32>
    %iota3A_1034 = tpu.iota {dimensions = array<i32: 0>} : vector<16xi32>
    %sub3A_1035 = arith.subi %squeeze3A, %multiple_of3A_24 : i32
    %max3A_1036 = arith.constant 0 : i32
    %max3A_1037 = arith.maxsi %sub3A_1035, %max3A_1036 : i32
    %add3A_1038 = arith.constant 64 : i32
    %add3A_1039 = arith.addi %squeeze3A, %add3A_1038 : i32
    %sub3A_1040 = arith.subi %add3A_1039, %multiple_of3A_24 : i32
    %min3A_1041 = arith.constant 72 : i32
    %min3A_1042 = arith.minsi %sub3A_1040, %min3A_1041 : i32
    %sub3A_1043 = arith.subi %squeeze3A_8, %multiple_of3A_29 : i32
    %while3A_1044 = arith.constant 0 : i32
    %while3A_1045 = arith.subi %min3A_1042, %max3A_1037 : i32
    %while3A_1046 = arith.addi %max3A_1037, %while3A_1045 : i32
    %while3A_1047 = arith.constant 1 : i32
    %while3A_1048 = arith.divsi %while3A_1045, %while3A_1047 : i32
    %while3A_1049 = arith.muli %while3A_1048, %while3A_1047 : i32
    %while3A_1050 = arith.addi %max3A_1037, %while3A_1049 : i32
    %while3A_1051 = arith.constant 1 : i32
    scf.for %while3A_2005 = %max3A_1037 to %while3A_1050 step %while3A_1051  : i32 {
      %broadcast_in_dim3A_2006 = vector.broadcast %while3A_2005 : i32 to vector<16xi32>
      %add3A_2007 = arith.constant 0 : i32
      %add3A_2008 = arith.addi %sub3A_1043, %add3A_2007 : i32
      %add3A_2009 = vector.broadcast %add3A_2008 : i32 to vector<16xi32>
      %add3A_2010 = arith.addi %add3A_2009, %iota3A_1034 : vector<16xi32>
      %ge3A = arith.constant 0 : i32
      %ge3A_2011 = vector.broadcast %ge3A : i32 to vector<16xi32>
      %ge3A_2012 = arith.cmpi sge, %add3A_2010, %ge3A_2011 : vector<16xi32>
      %lt3A = arith.constant 256 : i32
      %lt3A_2013 = vector.broadcast %lt3A : i32 to vector<16xi32>
      %lt3A_2014 = arith.cmpi slt, %add3A_2010, %lt3A_2013 : vector<16xi32>
      %and3A_2015 = arith.andi %ge3A_2012, %lt3A_2014 : vector<16xi1>
      %jit3A = arith.constant 0 : i32
      %jit3A_2016 = arith.constant 255 : i32
      %max3A_2017 = vector.broadcast %jit3A : i32 to vector<16xi32>
      %max3A_2018 = arith.maxsi %max3A_2017, %add3A_2010 : vector<16xi32>
      %min3A_2019 = vector.broadcast %jit3A_2016 : i32 to vector<16xi32>
      %min3A_2020 = arith.minsi %min3A_2019, %max3A_2018 : vector<16xi32>
      tpu.vector_store_idx %arg6[%broadcast_in_dim3A_2006, %min3A_2020], %broadcast_in_dim3A_1033 masked %and3A_2015 : memref<72x256xf32, #tpu.memory_space<vmem>>[vector<16xi32>, vector<16xi32>], vector<16xf32>, vector<16xi1>
      %add3A_2021 = arith.constant 16 : i32
      %add3A_2022 = arith.addi %sub3A_1043, %add3A_2021 : i32
      %add3A_2023 = vector.broadcast %add3A_2022 : i32 to vector<16xi32>
      %add3A_2024 = arith.addi %add3A_2023, %iota3A_1034 : vector<16xi32>
      %ge3A_2025 = arith.constant 0 : i32
      %ge3A_2026 = vector.broadcast %ge3A_2025 : i32 to vector<16xi32>
      %ge3A_2027 = arith.cmpi sge, %add3A_2024, %ge3A_2026 : vector<16xi32>
      %lt3A_2028 = arith.constant 256 : i32
      %lt3A_2029 = vector.broadcast %lt3A_2028 : i32 to vector<16xi32>
      %lt3A_2030 = arith.cmpi slt, %add3A_2024, %lt3A_2029 : vector<16xi32>
      %and3A_2031 = arith.andi %ge3A_2027, %lt3A_2030 : vector<16xi1>
      %jit3A_2032 = arith.constant 0 : i32
      %jit3A_2033 = arith.constant 255 : i32
      %max3A_2034 = vector.broadcast %jit3A_2032 : i32 to vector<16xi32>
      %max3A_2035 = arith.maxsi %max3A_2034, %add3A_2024 : vector<16xi32>
      %min3A_2036 = vector.broadcast %jit3A_2033 : i32 to vector<16xi32>
      %min3A_2037 = arith.minsi %min3A_2036, %max3A_2035 : vector<16xi32>
      tpu.vector_store_idx %arg6[%broadcast_in_dim3A_2006, %min3A_2037], %broadcast_in_dim3A_1033 masked %and3A_2031 : memref<72x256xf32, #tpu.memory_space<vmem>>[vector<16xi32>, vector<16xi32>], vector<16xf32>, vector<16xi1>
      %add3A_2038 = arith.constant 32 : i32
      %add3A_2039 = arith.addi %sub3A_1043, %add3A_2038 : i32
      %add3A_2040 = vector.broadcast %add3A_2039 : i32 to vector<16xi32>
      %add3A_2041 = arith.addi %add3A_2040, %iota3A_1034 : vector<16xi32>
      %ge3A_2042 = arith.constant 0 : i32
      %ge3A_2043 = vector.broadcast %ge3A_2042 : i32 to vector<16xi32>
      %ge3A_2044 = arith.cmpi sge, %add3A_2041, %ge3A_2043 : vector<16xi32>
      %lt3A_2045 = arith.constant 256 : i32
      %lt3A_2046 = vector.broadcast %lt3A_2045 : i32 to vector<16xi32>
      %lt3A_2047 = arith.cmpi slt, %add3A_2041, %lt3A_2046 : vector<16xi32>
      %and3A_2048 = arith.andi %ge3A_2044, %lt3A_2047 : vector<16xi1>
      %jit3A_2049 = arith.constant 0 : i32
      %jit3A_2050 = arith.constant 255 : i32
      %max3A_2051 = vector.broadcast %jit3A_2049 : i32 to vector<16xi32>
      %max3A_2052 = arith.maxsi %max3A_2051, %add3A_2041 : vector<16xi32>
      %min3A_2053 = vector.broadcast %jit3A_2050 : i32 to vector<16xi32>
      %min3A_2054 = arith.minsi %min3A_2053, %max3A_2052 : vector<16xi32>
      tpu.vector_store_idx %arg6[%broadcast_in_dim3A_2006, %min3A_2054], %broadcast_in_dim3A_1033 masked %and3A_2048 : memref<72x256xf32, #tpu.memory_space<vmem>>[vector<16xi32>, vector<16xi32>], vector<16xf32>, vector<16xi1>
      %add3A_2055 = arith.constant 48 : i32
      %add3A_2056 = arith.addi %sub3A_1043, %add3A_2055 : i32
      %add3A_2057 = vector.broadcast %add3A_2056 : i32 to vector<16xi32>
      %add3A_2058 = arith.addi %add3A_2057, %iota3A_1034 : vector<16xi32>
      %ge3A_2059 = arith.constant 0 : i32
      %ge3A_2060 = vector.broadcast %ge3A_2059 : i32 to vector<16xi32>
      %ge3A_2061 = arith.cmpi sge, %add3A_2058, %ge3A_2060 : vector<16xi32>
      %lt3A_2062 = arith.constant 256 : i32
      %lt3A_2063 = vector.broadcast %lt3A_2062 : i32 to vector<16xi32>
      %lt3A_2064 = arith.cmpi slt, %add3A_2058, %lt3A_2063 : vector<16xi32>
      %and3A_2065 = arith.andi %ge3A_2061, %lt3A_2064 : vector<16xi1>
      %jit3A_2066 = arith.constant 0 : i32
      %jit3A_2067 = arith.constant 255 : i32
      %max3A_2068 = vector.broadcast %jit3A_2066 : i32 to vector<16xi32>
      %max3A_2069 = arith.maxsi %max3A_2068, %add3A_2058 : vector<16xi32>
      %min3A_2070 = vector.broadcast %jit3A_2067 : i32 to vector<16xi32>
      %min3A_2071 = arith.minsi %min3A_2070, %max3A_2069 : vector<16xi32>
      tpu.vector_store_idx %arg6[%broadcast_in_dim3A_2006, %min3A_2071], %broadcast_in_dim3A_1033 masked %and3A_2065 : memref<72x256xf32, #tpu.memory_space<vmem>>[vector<16xi32>, vector<16xi32>], vector<16xf32>, vector<16xi1>
    }
    %while3A_1052 = arith.constant 1 : i32
    scf.for %while3A_2005 = %while3A_1050 to %while3A_1046 step %while3A_1052  : i32 {
      %broadcast_in_dim3A_2006 = vector.broadcast %while3A_2005 : i32 to vector<16xi32>
      %add3A_2007 = arith.constant 0 : i32
      %add3A_2008 = arith.addi %sub3A_1043, %add3A_2007 : i32
      %add3A_2009 = vector.broadcast %add3A_2008 : i32 to vector<16xi32>
      %add3A_2010 = arith.addi %add3A_2009, %iota3A_1034 : vector<16xi32>
      %ge3A = arith.constant 0 : i32
      %ge3A_2011 = vector.broadcast %ge3A : i32 to vector<16xi32>
      %ge3A_2012 = arith.cmpi sge, %add3A_2010, %ge3A_2011 : vector<16xi32>
      %lt3A = arith.constant 256 : i32
      %lt3A_2013 = vector.broadcast %lt3A : i32 to vector<16xi32>
      %lt3A_2014 = arith.cmpi slt, %add3A_2010, %lt3A_2013 : vector<16xi32>
      %and3A_2015 = arith.andi %ge3A_2012, %lt3A_2014 : vector<16xi1>
      %jit3A = arith.constant 0 : i32
      %jit3A_2016 = arith.constant 255 : i32
      %max3A_2017 = vector.broadcast %jit3A : i32 to vector<16xi32>
      %max3A_2018 = arith.maxsi %max3A_2017, %add3A_2010 : vector<16xi32>
      %min3A_2019 = vector.broadcast %jit3A_2016 : i32 to vector<16xi32>
      %min3A_2020 = arith.minsi %min3A_2019, %max3A_2018 : vector<16xi32>
      tpu.vector_store_idx %arg6[%broadcast_in_dim3A_2006, %min3A_2020], %broadcast_in_dim3A_1033 masked %and3A_2015 : memref<72x256xf32, #tpu.memory_space<vmem>>[vector<16xi32>, vector<16xi32>], vector<16xf32>, vector<16xi1>
      %add3A_2021 = arith.constant 16 : i32
      %add3A_2022 = arith.addi %sub3A_1043, %add3A_2021 : i32
      %add3A_2023 = vector.broadcast %add3A_2022 : i32 to vector<16xi32>
      %add3A_2024 = arith.addi %add3A_2023, %iota3A_1034 : vector<16xi32>
      %ge3A_2025 = arith.constant 0 : i32
      %ge3A_2026 = vector.broadcast %ge3A_2025 : i32 to vector<16xi32>
      %ge3A_2027 = arith.cmpi sge, %add3A_2024, %ge3A_2026 : vector<16xi32>
      %lt3A_2028 = arith.constant 256 : i32
      %lt3A_2029 = vector.broadcast %lt3A_2028 : i32 to vector<16xi32>
      %lt3A_2030 = arith.cmpi slt, %add3A_2024, %lt3A_2029 : vector<16xi32>
      %and3A_2031 = arith.andi %ge3A_2027, %lt3A_2030 : vector<16xi1>
      %jit3A_2032 = arith.constant 0 : i32
      %jit3A_2033 = arith.constant 255 : i32
      %max3A_2034 = vector.broadcast %jit3A_2032 : i32 to vector<16xi32>
      %max3A_2035 = arith.maxsi %max3A_2034, %add3A_2024 : vector<16xi32>
      %min3A_2036 = vector.broadcast %jit3A_2033 : i32 to vector<16xi32>
      %min3A_2037 = arith.minsi %min3A_2036, %max3A_2035 : vector<16xi32>
      tpu.vector_store_idx %arg6[%broadcast_in_dim3A_2006, %min3A_2037], %broadcast_in_dim3A_1033 masked %and3A_2031 : memref<72x256xf32, #tpu.memory_space<vmem>>[vector<16xi32>, vector<16xi32>], vector<16xf32>, vector<16xi1>
      %add3A_2038 = arith.constant 32 : i32
      %add3A_2039 = arith.addi %sub3A_1043, %add3A_2038 : i32
      %add3A_2040 = vector.broadcast %add3A_2039 : i32 to vector<16xi32>
      %add3A_2041 = arith.addi %add3A_2040, %iota3A_1034 : vector<16xi32>
      %ge3A_2042 = arith.constant 0 : i32
      %ge3A_2043 = vector.broadcast %ge3A_2042 : i32 to vector<16xi32>
      %ge3A_2044 = arith.cmpi sge, %add3A_2041, %ge3A_2043 : vector<16xi32>
      %lt3A_2045 = arith.constant 256 : i32
      %lt3A_2046 = vector.broadcast %lt3A_2045 : i32 to vector<16xi32>
      %lt3A_2047 = arith.cmpi slt, %add3A_2041, %lt3A_2046 : vector<16xi32>
      %and3A_2048 = arith.andi %ge3A_2044, %lt3A_2047 : vector<16xi1>
      %jit3A_2049 = arith.constant 0 : i32
      %jit3A_2050 = arith.constant 255 : i32
      %max3A_2051 = vector.broadcast %jit3A_2049 : i32 to vector<16xi32>
      %max3A_2052 = arith.maxsi %max3A_2051, %add3A_2041 : vector<16xi32>
      %min3A_2053 = vector.broadcast %jit3A_2050 : i32 to vector<16xi32>
      %min3A_2054 = arith.minsi %min3A_2053, %max3A_2052 : vector<16xi32>
      tpu.vector_store_idx %arg6[%broadcast_in_dim3A_2006, %min3A_2054], %broadcast_in_dim3A_1033 masked %and3A_2048 : memref<72x256xf32, #tpu.memory_space<vmem>>[vector<16xi32>, vector<16xi32>], vector<16xf32>, vector<16xi1>
      %add3A_2055 = arith.constant 48 : i32
      %add3A_2056 = arith.addi %sub3A_1043, %add3A_2055 : i32
      %add3A_2057 = vector.broadcast %add3A_2056 : i32 to vector<16xi32>
      %add3A_2058 = arith.addi %add3A_2057, %iota3A_1034 : vector<16xi32>
      %ge3A_2059 = arith.constant 0 : i32
      %ge3A_2060 = vector.broadcast %ge3A_2059 : i32 to vector<16xi32>
      %ge3A_2061 = arith.cmpi sge, %add3A_2058, %ge3A_2060 : vector<16xi32>
      %lt3A_2062 = arith.constant 256 : i32
      %lt3A_2063 = vector.broadcast %lt3A_2062 : i32 to vector<16xi32>
      %lt3A_2064 = arith.cmpi slt, %add3A_2058, %lt3A_2063 : vector<16xi32>
      %and3A_2065 = arith.andi %ge3A_2061, %lt3A_2064 : vector<16xi1>
      %jit3A_2066 = arith.constant 0 : i32
      %jit3A_2067 = arith.constant 255 : i32
      %max3A_2068 = vector.broadcast %jit3A_2066 : i32 to vector<16xi32>
      %max3A_2069 = arith.maxsi %max3A_2068, %add3A_2058 : vector<16xi32>
      %min3A_2070 = vector.broadcast %jit3A_2067 : i32 to vector<16xi32>
      %min3A_2071 = arith.minsi %min3A_2070, %max3A_2069 : vector<16xi32>
      tpu.vector_store_idx %arg6[%broadcast_in_dim3A_2006, %min3A_2071], %broadcast_in_dim3A_1033 masked %and3A_2065 : memref<72x256xf32, #tpu.memory_space<vmem>>[vector<16xi32>, vector<16xi32>], vector<16xf32>, vector<16xi1>
    }
    %broadcast_in_dim3A_1053 = arith.constant 0.000000e+00 : f32
    %broadcast_in_dim3A_1054 = vector.broadcast %broadcast_in_dim3A_1053 : f32 to vector<16xf32>
    %iota3A_1055 = tpu.iota {dimensions = array<i32: 0>} : vector<16xi32>
    %sub3A_1056 = arith.subi %squeeze3A_17, %multiple_of3A_24 : i32
    %max3A_1057 = arith.constant 0 : i32
    %max3A_1058 = arith.maxsi %sub3A_1056, %max3A_1057 : i32
    %add3A_1059 = arith.constant 64 : i32
    %add3A_1060 = arith.addi %squeeze3A_17, %add3A_1059 : i32
    %sub3A_1061 = arith.subi %add3A_1060, %multiple_of3A_24 : i32
    %min3A_1062 = arith.constant 72 : i32
    %min3A_1063 = arith.minsi %sub3A_1061, %min3A_1062 : i32
    %sub3A_1064 = arith.subi %squeeze3A_19, %multiple_of3A_29 : i32
    %while3A_1065 = arith.constant 0 : i32
    %while3A_1066 = arith.subi %min3A_1063, %max3A_1058 : i32
    %while3A_1067 = arith.addi %max3A_1058, %while3A_1066 : i32
    %while3A_1068 = arith.constant 1 : i32
    %while3A_1069 = arith.divsi %while3A_1066, %while3A_1068 : i32
    %while3A_1070 = arith.muli %while3A_1069, %while3A_1068 : i32
    %while3A_1071 = arith.addi %max3A_1058, %while3A_1070 : i32
    %while3A_1072 = arith.constant 1 : i32
    scf.for %while3A_2005 = %max3A_1058 to %while3A_1071 step %while3A_1072  : i32 {
      %broadcast_in_dim3A_2006 = vector.broadcast %while3A_2005 : i32 to vector<16xi32>
      %add3A_2007 = arith.constant 0 : i32
      %add3A_2008 = arith.addi %sub3A_1064, %add3A_2007 : i32
      %add3A_2009 = vector.broadcast %add3A_2008 : i32 to vector<16xi32>
      %add3A_2010 = arith.addi %add3A_2009, %iota3A_1055 : vector<16xi32>
      %ge3A = arith.constant 0 : i32
      %ge3A_2011 = vector.broadcast %ge3A : i32 to vector<16xi32>
      %ge3A_2012 = arith.cmpi sge, %add3A_2010, %ge3A_2011 : vector<16xi32>
      %lt3A = arith.constant 256 : i32
      %lt3A_2013 = vector.broadcast %lt3A : i32 to vector<16xi32>
      %lt3A_2014 = arith.cmpi slt, %add3A_2010, %lt3A_2013 : vector<16xi32>
      %and3A_2015 = arith.andi %ge3A_2012, %lt3A_2014 : vector<16xi1>
      %jit3A = arith.constant 0 : i32
      %jit3A_2016 = arith.constant 255 : i32
      %max3A_2017 = vector.broadcast %jit3A : i32 to vector<16xi32>
      %max3A_2018 = arith.maxsi %max3A_2017, %add3A_2010 : vector<16xi32>
      %min3A_2019 = vector.broadcast %jit3A_2016 : i32 to vector<16xi32>
      %min3A_2020 = arith.minsi %min3A_2019, %max3A_2018 : vector<16xi32>
      tpu.vector_store_idx %arg6[%broadcast_in_dim3A_2006, %min3A_2020], %broadcast_in_dim3A_1054 masked %and3A_2015 : memref<72x256xf32, #tpu.memory_space<vmem>>[vector<16xi32>, vector<16xi32>], vector<16xf32>, vector<16xi1>
      %add3A_2021 = arith.constant 16 : i32
      %add3A_2022 = arith.addi %sub3A_1064, %add3A_2021 : i32
      %add3A_2023 = vector.broadcast %add3A_2022 : i32 to vector<16xi32>
      %add3A_2024 = arith.addi %add3A_2023, %iota3A_1055 : vector<16xi32>
      %ge3A_2025 = arith.constant 0 : i32
      %ge3A_2026 = vector.broadcast %ge3A_2025 : i32 to vector<16xi32>
      %ge3A_2027 = arith.cmpi sge, %add3A_2024, %ge3A_2026 : vector<16xi32>
      %lt3A_2028 = arith.constant 256 : i32
      %lt3A_2029 = vector.broadcast %lt3A_2028 : i32 to vector<16xi32>
      %lt3A_2030 = arith.cmpi slt, %add3A_2024, %lt3A_2029 : vector<16xi32>
      %and3A_2031 = arith.andi %ge3A_2027, %lt3A_2030 : vector<16xi1>
      %jit3A_2032 = arith.constant 0 : i32
      %jit3A_2033 = arith.constant 255 : i32
      %max3A_2034 = vector.broadcast %jit3A_2032 : i32 to vector<16xi32>
      %max3A_2035 = arith.maxsi %max3A_2034, %add3A_2024 : vector<16xi32>
      %min3A_2036 = vector.broadcast %jit3A_2033 : i32 to vector<16xi32>
      %min3A_2037 = arith.minsi %min3A_2036, %max3A_2035 : vector<16xi32>
      tpu.vector_store_idx %arg6[%broadcast_in_dim3A_2006, %min3A_2037], %broadcast_in_dim3A_1054 masked %and3A_2031 : memref<72x256xf32, #tpu.memory_space<vmem>>[vector<16xi32>, vector<16xi32>], vector<16xf32>, vector<16xi1>
      %add3A_2038 = arith.constant 32 : i32
      %add3A_2039 = arith.addi %sub3A_1064, %add3A_2038 : i32
      %add3A_2040 = vector.broadcast %add3A_2039 : i32 to vector<16xi32>
      %add3A_2041 = arith.addi %add3A_2040, %iota3A_1055 : vector<16xi32>
      %ge3A_2042 = arith.constant 0 : i32
      %ge3A_2043 = vector.broadcast %ge3A_2042 : i32 to vector<16xi32>
      %ge3A_2044 = arith.cmpi sge, %add3A_2041, %ge3A_2043 : vector<16xi32>
      %lt3A_2045 = arith.constant 256 : i32
      %lt3A_2046 = vector.broadcast %lt3A_2045 : i32 to vector<16xi32>
      %lt3A_2047 = arith.cmpi slt, %add3A_2041, %lt3A_2046 : vector<16xi32>
      %and3A_2048 = arith.andi %ge3A_2044, %lt3A_2047 : vector<16xi1>
      %jit3A_2049 = arith.constant 0 : i32
      %jit3A_2050 = arith.constant 255 : i32
      %max3A_2051 = vector.broadcast %jit3A_2049 : i32 to vector<16xi32>
      %max3A_2052 = arith.maxsi %max3A_2051, %add3A_2041 : vector<16xi32>
      %min3A_2053 = vector.broadcast %jit3A_2050 : i32 to vector<16xi32>
      %min3A_2054 = arith.minsi %min3A_2053, %max3A_2052 : vector<16xi32>
      tpu.vector_store_idx %arg6[%broadcast_in_dim3A_2006, %min3A_2054], %broadcast_in_dim3A_1054 masked %and3A_2048 : memref<72x256xf32, #tpu.memory_space<vmem>>[vector<16xi32>, vector<16xi32>], vector<16xf32>, vector<16xi1>
      %add3A_2055 = arith.constant 48 : i32
      %add3A_2056 = arith.addi %sub3A_1064, %add3A_2055 : i32
      %add3A_2057 = vector.broadcast %add3A_2056 : i32 to vector<16xi32>
      %add3A_2058 = arith.addi %add3A_2057, %iota3A_1055 : vector<16xi32>
      %ge3A_2059 = arith.constant 0 : i32
      %ge3A_2060 = vector.broadcast %ge3A_2059 : i32 to vector<16xi32>
      %ge3A_2061 = arith.cmpi sge, %add3A_2058, %ge3A_2060 : vector<16xi32>
      %lt3A_2062 = arith.constant 256 : i32
      %lt3A_2063 = vector.broadcast %lt3A_2062 : i32 to vector<16xi32>
      %lt3A_2064 = arith.cmpi slt, %add3A_2058, %lt3A_2063 : vector<16xi32>
      %and3A_2065 = arith.andi %ge3A_2061, %lt3A_2064 : vector<16xi1>
      %jit3A_2066 = arith.constant 0 : i32
      %jit3A_2067 = arith.constant 255 : i32
      %max3A_2068 = vector.broadcast %jit3A_2066 : i32 to vector<16xi32>
      %max3A_2069 = arith.maxsi %max3A_2068, %add3A_2058 : vector<16xi32>
      %min3A_2070 = vector.broadcast %jit3A_2067 : i32 to vector<16xi32>
      %min3A_2071 = arith.minsi %min3A_2070, %max3A_2069 : vector<16xi32>
      tpu.vector_store_idx %arg6[%broadcast_in_dim3A_2006, %min3A_2071], %broadcast_in_dim3A_1054 masked %and3A_2065 : memref<72x256xf32, #tpu.memory_space<vmem>>[vector<16xi32>, vector<16xi32>], vector<16xf32>, vector<16xi1>
    }
    %while3A_1073 = arith.constant 1 : i32
    scf.for %while3A_2005 = %while3A_1071 to %while3A_1067 step %while3A_1073  : i32 {
      %broadcast_in_dim3A_2006 = vector.broadcast %while3A_2005 : i32 to vector<16xi32>
      %add3A_2007 = arith.constant 0 : i32
      %add3A_2008 = arith.addi %sub3A_1064, %add3A_2007 : i32
      %add3A_2009 = vector.broadcast %add3A_2008 : i32 to vector<16xi32>
      %add3A_2010 = arith.addi %add3A_2009, %iota3A_1055 : vector<16xi32>
      %ge3A = arith.constant 0 : i32
      %ge3A_2011 = vector.broadcast %ge3A : i32 to vector<16xi32>
      %ge3A_2012 = arith.cmpi sge, %add3A_2010, %ge3A_2011 : vector<16xi32>
      %lt3A = arith.constant 256 : i32
      %lt3A_2013 = vector.broadcast %lt3A : i32 to vector<16xi32>
      %lt3A_2014 = arith.cmpi slt, %add3A_2010, %lt3A_2013 : vector<16xi32>
      %and3A_2015 = arith.andi %ge3A_2012, %lt3A_2014 : vector<16xi1>
      %jit3A = arith.constant 0 : i32
      %jit3A_2016 = arith.constant 255 : i32
      %max3A_2017 = vector.broadcast %jit3A : i32 to vector<16xi32>
      %max3A_2018 = arith.maxsi %max3A_2017, %add3A_2010 : vector<16xi32>
      %min3A_2019 = vector.broadcast %jit3A_2016 : i32 to vector<16xi32>
      %min3A_2020 = arith.minsi %min3A_2019, %max3A_2018 : vector<16xi32>
      tpu.vector_store_idx %arg6[%broadcast_in_dim3A_2006, %min3A_2020], %broadcast_in_dim3A_1054 masked %and3A_2015 : memref<72x256xf32, #tpu.memory_space<vmem>>[vector<16xi32>, vector<16xi32>], vector<16xf32>, vector<16xi1>
      %add3A_2021 = arith.constant 16 : i32
      %add3A_2022 = arith.addi %sub3A_1064, %add3A_2021 : i32
      %add3A_2023 = vector.broadcast %add3A_2022 : i32 to vector<16xi32>
      %add3A_2024 = arith.addi %add3A_2023, %iota3A_1055 : vector<16xi32>
      %ge3A_2025 = arith.constant 0 : i32
      %ge3A_2026 = vector.broadcast %ge3A_2025 : i32 to vector<16xi32>
      %ge3A_2027 = arith.cmpi sge, %add3A_2024, %ge3A_2026 : vector<16xi32>
      %lt3A_2028 = arith.constant 256 : i32
      %lt3A_2029 = vector.broadcast %lt3A_2028 : i32 to vector<16xi32>
      %lt3A_2030 = arith.cmpi slt, %add3A_2024, %lt3A_2029 : vector<16xi32>
      %and3A_2031 = arith.andi %ge3A_2027, %lt3A_2030 : vector<16xi1>
      %jit3A_2032 = arith.constant 0 : i32
      %jit3A_2033 = arith.constant 255 : i32
      %max3A_2034 = vector.broadcast %jit3A_2032 : i32 to vector<16xi32>
      %max3A_2035 = arith.maxsi %max3A_2034, %add3A_2024 : vector<16xi32>
      %min3A_2036 = vector.broadcast %jit3A_2033 : i32 to vector<16xi32>
      %min3A_2037 = arith.minsi %min3A_2036, %max3A_2035 : vector<16xi32>
      tpu.vector_store_idx %arg6[%broadcast_in_dim3A_2006, %min3A_2037], %broadcast_in_dim3A_1054 masked %and3A_2031 : memref<72x256xf32, #tpu.memory_space<vmem>>[vector<16xi32>, vector<16xi32>], vector<16xf32>, vector<16xi1>
      %add3A_2038 = arith.constant 32 : i32
      %add3A_2039 = arith.addi %sub3A_1064, %add3A_2038 : i32
      %add3A_2040 = vector.broadcast %add3A_2039 : i32 to vector<16xi32>
      %add3A_2041 = arith.addi %add3A_2040, %iota3A_1055 : vector<16xi32>
      %ge3A_2042 = arith.constant 0 : i32
      %ge3A_2043 = vector.broadcast %ge3A_2042 : i32 to vector<16xi32>
      %ge3A_2044 = arith.cmpi sge, %add3A_2041, %ge3A_2043 : vector<16xi32>
      %lt3A_2045 = arith.constant 256 : i32
      %lt3A_2046 = vector.broadcast %lt3A_2045 : i32 to vector<16xi32>
      %lt3A_2047 = arith.cmpi slt, %add3A_2041, %lt3A_2046 : vector<16xi32>
      %and3A_2048 = arith.andi %ge3A_2044, %lt3A_2047 : vector<16xi1>
      %jit3A_2049 = arith.constant 0 : i32
      %jit3A_2050 = arith.constant 255 : i32
      %max3A_2051 = vector.broadcast %jit3A_2049 : i32 to vector<16xi32>
      %max3A_2052 = arith.maxsi %max3A_2051, %add3A_2041 : vector<16xi32>
      %min3A_2053 = vector.broadcast %jit3A_2050 : i32 to vector<16xi32>
      %min3A_2054 = arith.minsi %min3A_2053, %max3A_2052 : vector<16xi32>
      tpu.vector_store_idx %arg6[%broadcast_in_dim3A_2006, %min3A_2054], %broadcast_in_dim3A_1054 masked %and3A_2048 : memref<72x256xf32, #tpu.memory_space<vmem>>[vector<16xi32>, vector<16xi32>], vector<16xf32>, vector<16xi1>
      %add3A_2055 = arith.constant 48 : i32
      %add3A_2056 = arith.addi %sub3A_1064, %add3A_2055 : i32
      %add3A_2057 = vector.broadcast %add3A_2056 : i32 to vector<16xi32>
      %add3A_2058 = arith.addi %add3A_2057, %iota3A_1055 : vector<16xi32>
      %ge3A_2059 = arith.constant 0 : i32
      %ge3A_2060 = vector.broadcast %ge3A_2059 : i32 to vector<16xi32>
      %ge3A_2061 = arith.cmpi sge, %add3A_2058, %ge3A_2060 : vector<16xi32>
      %lt3A_2062 = arith.constant 256 : i32
      %lt3A_2063 = vector.broadcast %lt3A_2062 : i32 to vector<16xi32>
      %lt3A_2064 = arith.cmpi slt, %add3A_2058, %lt3A_2063 : vector<16xi32>
      %and3A_2065 = arith.andi %ge3A_2061, %lt3A_2064 : vector<16xi1>
      %jit3A_2066 = arith.constant 0 : i32
      %jit3A_2067 = arith.constant 255 : i32
      %max3A_2068 = vector.broadcast %jit3A_2066 : i32 to vector<16xi32>
      %max3A_2069 = arith.maxsi %max3A_2068, %add3A_2058 : vector<16xi32>
      %min3A_2070 = vector.broadcast %jit3A_2067 : i32 to vector<16xi32>
      %min3A_2071 = arith.minsi %min3A_2070, %max3A_2069 : vector<16xi32>
      tpu.vector_store_idx %arg6[%broadcast_in_dim3A_2006, %min3A_2071], %broadcast_in_dim3A_1054 masked %and3A_2065 : memref<72x256xf32, #tpu.memory_space<vmem>>[vector<16xi32>, vector<16xi32>], vector<16xf32>, vector<16xi1>
    }
    %mul3A_1074 = arith.constant 2 : i32
    %mul3A_1075 = arith.muli %add3A, %mul3A_1074 : i32
    %add3A_1076 = arith.constant 0 : i32
    %add3A_1077 = arith.addi %mul3A_1075, %add3A_1076 : i32
    %dma_start3A_1078 = tpu.memref_slice %arg4[%add3A_1077, %multiple_of3A_24, %multiple_of3A_29] : memref<64x128x4096xf32, #tpu.memory_space<hbm>> -> memref<1x72x256xf32, #tpu.memory_space<hbm>>
    %dma_start3A_1079 = tpu.memref_squeeze %dma_start3A_1078 : memref<1x72x256xf32, #tpu.memory_space<hbm>> -> memref<72x256xf32, #tpu.memory_space<hbm>>
    %dma_start3A_1080 = tpu.memref_slice %arg4[%add3A_1077, %multiple_of3A_24, %multiple_of3A_29] : memref<64x128x4096xf32, #tpu.memory_space<hbm>> -> memref<1x72x256xf32, #tpu.memory_space<hbm>>
    %dma_start3A_1081 = tpu.memref_squeeze %dma_start3A_1080 : memref<1x72x256xf32, #tpu.memory_space<hbm>> -> memref<72x256xf32, #tpu.memory_space<hbm>>
    tpu.enqueue_dma source(%arg6 : memref<72x256xf32, #tpu.memory_space<vmem>>) target(%dma_start3A_1081 : memref<72x256xf32, #tpu.memory_space<hbm>>) target_semaphore(%arg15 : memref<!tpu.dma_semaphore, #tpu.memory_space<semaphore_mem>>)
    %mul3A_1082 = arith.constant 2 : i32
    %mul3A_1083 = arith.muli %add3A, %mul3A_1082 : i32
    %add3A_1084 = arith.constant 0 : i32
    %add3A_1085 = arith.addi %mul3A_1083, %add3A_1084 : i32
    %dma_wait3A_1086 = tpu.memref_slice %arg4[%add3A_1085, %multiple_of3A_24, %multiple_of3A_29] : memref<64x128x4096xf32, #tpu.memory_space<hbm>> -> memref<1x72x256xf32, #tpu.memory_space<hbm>>
    %dma_wait3A_1087 = tpu.memref_squeeze %dma_wait3A_1086 : memref<1x72x256xf32, #tpu.memory_space<hbm>> -> memref<72x256xf32, #tpu.memory_space<hbm>>
    %dma_wait3A_1088 = tpu.memref_slice %arg4[%add3A_1085, %multiple_of3A_24, %multiple_of3A_29] : memref<64x128x4096xf32, #tpu.memory_space<hbm>> -> memref<1x72x256xf32, #tpu.memory_space<hbm>>
    %dma_wait3A_1089 = tpu.memref_squeeze %dma_wait3A_1088 : memref<1x72x256xf32, #tpu.memory_space<hbm>> -> memref<72x256xf32, #tpu.memory_space<hbm>>
    tpu.wait_dma2 semaphore(%arg15 : memref<!tpu.dma_semaphore, #tpu.memory_space<semaphore_mem>>) src(%arg6 : memref<72x256xf32, #tpu.memory_space<vmem>>) dst(%dma_wait3A_1089 : memref<72x256xf32, #tpu.memory_space<hbm>>)
    %mul3A_1090 = arith.constant 2 : i32
    %mul3A_1091 = arith.muli %add3A, %mul3A_1090 : i32
    %add3A_1092 = arith.constant 1 : i32
    %add3A_1093 = arith.addi %mul3A_1091, %add3A_1092 : i32
    %dma_start3A_1094 = tpu.memref_slice %arg2[%add3A_1093, %multiple_of3A_45, %multiple_of3A_50] : memref<64x128x4096xf32, #tpu.memory_space<hbm>> -> memref<1x72x256xf32, #tpu.memory_space<hbm>>
    %dma_start3A_1095 = tpu.memref_squeeze %dma_start3A_1094 : memref<1x72x256xf32, #tpu.memory_space<hbm>> -> memref<72x256xf32, #tpu.memory_space<hbm>>
    %dma_start3A_1096 = tpu.memref_slice %arg2[%add3A_1093, %multiple_of3A_45, %multiple_of3A_50] : memref<64x128x4096xf32, #tpu.memory_space<hbm>> -> memref<1x72x256xf32, #tpu.memory_space<hbm>>
    %dma_start3A_1097 = tpu.memref_squeeze %dma_start3A_1096 : memref<1x72x256xf32, #tpu.memory_space<hbm>> -> memref<72x256xf32, #tpu.memory_space<hbm>>
    tpu.enqueue_dma source(%dma_start3A_1097 : memref<72x256xf32, #tpu.memory_space<hbm>>) target(%arg6 : memref<72x256xf32, #tpu.memory_space<vmem>>) target_semaphore(%arg14 : memref<!tpu.dma_semaphore, #tpu.memory_space<semaphore_mem>>)
    %mul3A_1098 = arith.constant 2 : i32
    %mul3A_1099 = arith.muli %add3A, %mul3A_1098 : i32
    %add3A_1100 = arith.constant 1 : i32
    %add3A_1101 = arith.addi %mul3A_1099, %add3A_1100 : i32
    %dma_wait3A_1102 = tpu.memref_slice %arg2[%add3A_1101, %multiple_of3A_45, %multiple_of3A_50] : memref<64x128x4096xf32, #tpu.memory_space<hbm>> -> memref<1x72x256xf32, #tpu.memory_space<hbm>>
    %dma_wait3A_1103 = tpu.memref_squeeze %dma_wait3A_1102 : memref<1x72x256xf32, #tpu.memory_space<hbm>> -> memref<72x256xf32, #tpu.memory_space<hbm>>
    %dma_wait3A_1104 = tpu.memref_slice %arg2[%add3A_1101, %multiple_of3A_45, %multiple_of3A_50] : memref<64x128x4096xf32, #tpu.memory_space<hbm>> -> memref<1x72x256xf32, #tpu.memory_space<hbm>>
    %dma_wait3A_1105 = tpu.memref_squeeze %dma_wait3A_1104 : memref<1x72x256xf32, #tpu.memory_space<hbm>> -> memref<72x256xf32, #tpu.memory_space<hbm>>
    tpu.wait_dma2 semaphore(%arg14 : memref<!tpu.dma_semaphore, #tpu.memory_space<semaphore_mem>>) src(%dma_wait3A_1105 : memref<72x256xf32, #tpu.memory_space<hbm>>) dst(%arg6 : memref<72x256xf32, #tpu.memory_space<vmem>>)
    %broadcast_in_dim3A_1106 = arith.constant 0.000000e+00 : f32
    %broadcast_in_dim3A_1107 = vector.broadcast %broadcast_in_dim3A_1106 : f32 to vector<16xf32>
    %iota3A_1108 = tpu.iota {dimensions = array<i32: 0>} : vector<16xi32>
    %sub3A_1109 = arith.subi %squeeze3A_38, %multiple_of3A_45 : i32
    %max3A_1110 = arith.constant 0 : i32
    %max3A_1111 = arith.maxsi %sub3A_1109, %max3A_1110 : i32
    %add3A_1112 = arith.constant 64 : i32
    %add3A_1113 = arith.addi %squeeze3A_38, %add3A_1112 : i32
    %sub3A_1114 = arith.subi %add3A_1113, %multiple_of3A_45 : i32
    %min3A_1115 = arith.constant 72 : i32
    %min3A_1116 = arith.minsi %sub3A_1114, %min3A_1115 : i32
    %sub3A_1117 = arith.subi %squeeze3A_40, %multiple_of3A_50 : i32
    %while3A_1118 = arith.constant 0 : i32
    %while3A_1119 = arith.subi %min3A_1116, %max3A_1111 : i32
    %while3A_1120 = arith.addi %max3A_1111, %while3A_1119 : i32
    %while3A_1121 = arith.constant 1 : i32
    %while3A_1122 = arith.divsi %while3A_1119, %while3A_1121 : i32
    %while3A_1123 = arith.muli %while3A_1122, %while3A_1121 : i32
    %while3A_1124 = arith.addi %max3A_1111, %while3A_1123 : i32
    %while3A_1125 = arith.constant 1 : i32
    scf.for %while3A_2005 = %max3A_1111 to %while3A_1124 step %while3A_1125  : i32 {
      %broadcast_in_dim3A_2006 = vector.broadcast %while3A_2005 : i32 to vector<16xi32>
      %add3A_2007 = arith.constant 0 : i32
      %add3A_2008 = arith.addi %sub3A_1117, %add3A_2007 : i32
      %add3A_2009 = vector.broadcast %add3A_2008 : i32 to vector<16xi32>
      %add3A_2010 = arith.addi %add3A_2009, %iota3A_1108 : vector<16xi32>
      %ge3A = arith.constant 0 : i32
      %ge3A_2011 = vector.broadcast %ge3A : i32 to vector<16xi32>
      %ge3A_2012 = arith.cmpi sge, %add3A_2010, %ge3A_2011 : vector<16xi32>
      %lt3A = arith.constant 256 : i32
      %lt3A_2013 = vector.broadcast %lt3A : i32 to vector<16xi32>
      %lt3A_2014 = arith.cmpi slt, %add3A_2010, %lt3A_2013 : vector<16xi32>
      %and3A_2015 = arith.andi %ge3A_2012, %lt3A_2014 : vector<16xi1>
      %jit3A = arith.constant 0 : i32
      %jit3A_2016 = arith.constant 255 : i32
      %max3A_2017 = vector.broadcast %jit3A : i32 to vector<16xi32>
      %max3A_2018 = arith.maxsi %max3A_2017, %add3A_2010 : vector<16xi32>
      %min3A_2019 = vector.broadcast %jit3A_2016 : i32 to vector<16xi32>
      %min3A_2020 = arith.minsi %min3A_2019, %max3A_2018 : vector<16xi32>
      tpu.vector_store_idx %arg6[%broadcast_in_dim3A_2006, %min3A_2020], %broadcast_in_dim3A_1107 masked %and3A_2015 : memref<72x256xf32, #tpu.memory_space<vmem>>[vector<16xi32>, vector<16xi32>], vector<16xf32>, vector<16xi1>
      %add3A_2021 = arith.constant 16 : i32
      %add3A_2022 = arith.addi %sub3A_1117, %add3A_2021 : i32
      %add3A_2023 = vector.broadcast %add3A_2022 : i32 to vector<16xi32>
      %add3A_2024 = arith.addi %add3A_2023, %iota3A_1108 : vector<16xi32>
      %ge3A_2025 = arith.constant 0 : i32
      %ge3A_2026 = vector.broadcast %ge3A_2025 : i32 to vector<16xi32>
      %ge3A_2027 = arith.cmpi sge, %add3A_2024, %ge3A_2026 : vector<16xi32>
      %lt3A_2028 = arith.constant 256 : i32
      %lt3A_2029 = vector.broadcast %lt3A_2028 : i32 to vector<16xi32>
      %lt3A_2030 = arith.cmpi slt, %add3A_2024, %lt3A_2029 : vector<16xi32>
      %and3A_2031 = arith.andi %ge3A_2027, %lt3A_2030 : vector<16xi1>
      %jit3A_2032 = arith.constant 0 : i32
      %jit3A_2033 = arith.constant 255 : i32
      %max3A_2034 = vector.broadcast %jit3A_2032 : i32 to vector<16xi32>
      %max3A_2035 = arith.maxsi %max3A_2034, %add3A_2024 : vector<16xi32>
      %min3A_2036 = vector.broadcast %jit3A_2033 : i32 to vector<16xi32>
      %min3A_2037 = arith.minsi %min3A_2036, %max3A_2035 : vector<16xi32>
      tpu.vector_store_idx %arg6[%broadcast_in_dim3A_2006, %min3A_2037], %broadcast_in_dim3A_1107 masked %and3A_2031 : memref<72x256xf32, #tpu.memory_space<vmem>>[vector<16xi32>, vector<16xi32>], vector<16xf32>, vector<16xi1>
      %add3A_2038 = arith.constant 32 : i32
      %add3A_2039 = arith.addi %sub3A_1117, %add3A_2038 : i32
      %add3A_2040 = vector.broadcast %add3A_2039 : i32 to vector<16xi32>
      %add3A_2041 = arith.addi %add3A_2040, %iota3A_1108 : vector<16xi32>
      %ge3A_2042 = arith.constant 0 : i32
      %ge3A_2043 = vector.broadcast %ge3A_2042 : i32 to vector<16xi32>
      %ge3A_2044 = arith.cmpi sge, %add3A_2041, %ge3A_2043 : vector<16xi32>
      %lt3A_2045 = arith.constant 256 : i32
      %lt3A_2046 = vector.broadcast %lt3A_2045 : i32 to vector<16xi32>
      %lt3A_2047 = arith.cmpi slt, %add3A_2041, %lt3A_2046 : vector<16xi32>
      %and3A_2048 = arith.andi %ge3A_2044, %lt3A_2047 : vector<16xi1>
      %jit3A_2049 = arith.constant 0 : i32
      %jit3A_2050 = arith.constant 255 : i32
      %max3A_2051 = vector.broadcast %jit3A_2049 : i32 to vector<16xi32>
      %max3A_2052 = arith.maxsi %max3A_2051, %add3A_2041 : vector<16xi32>
      %min3A_2053 = vector.broadcast %jit3A_2050 : i32 to vector<16xi32>
      %min3A_2054 = arith.minsi %min3A_2053, %max3A_2052 : vector<16xi32>
      tpu.vector_store_idx %arg6[%broadcast_in_dim3A_2006, %min3A_2054], %broadcast_in_dim3A_1107 masked %and3A_2048 : memref<72x256xf32, #tpu.memory_space<vmem>>[vector<16xi32>, vector<16xi32>], vector<16xf32>, vector<16xi1>
      %add3A_2055 = arith.constant 48 : i32
      %add3A_2056 = arith.addi %sub3A_1117, %add3A_2055 : i32
      %add3A_2057 = vector.broadcast %add3A_2056 : i32 to vector<16xi32>
      %add3A_2058 = arith.addi %add3A_2057, %iota3A_1108 : vector<16xi32>
      %ge3A_2059 = arith.constant 0 : i32
      %ge3A_2060 = vector.broadcast %ge3A_2059 : i32 to vector<16xi32>
      %ge3A_2061 = arith.cmpi sge, %add3A_2058, %ge3A_2060 : vector<16xi32>
      %lt3A_2062 = arith.constant 256 : i32
      %lt3A_2063 = vector.broadcast %lt3A_2062 : i32 to vector<16xi32>
      %lt3A_2064 = arith.cmpi slt, %add3A_2058, %lt3A_2063 : vector<16xi32>
      %and3A_2065 = arith.andi %ge3A_2061, %lt3A_2064 : vector<16xi1>
      %jit3A_2066 = arith.constant 0 : i32
      %jit3A_2067 = arith.constant 255 : i32
      %max3A_2068 = vector.broadcast %jit3A_2066 : i32 to vector<16xi32>
      %max3A_2069 = arith.maxsi %max3A_2068, %add3A_2058 : vector<16xi32>
      %min3A_2070 = vector.broadcast %jit3A_2067 : i32 to vector<16xi32>
      %min3A_2071 = arith.minsi %min3A_2070, %max3A_2069 : vector<16xi32>
      tpu.vector_store_idx %arg6[%broadcast_in_dim3A_2006, %min3A_2071], %broadcast_in_dim3A_1107 masked %and3A_2065 : memref<72x256xf32, #tpu.memory_space<vmem>>[vector<16xi32>, vector<16xi32>], vector<16xf32>, vector<16xi1>
    }
    %while3A_1126 = arith.constant 1 : i32
    scf.for %while3A_2005 = %while3A_1124 to %while3A_1120 step %while3A_1126  : i32 {
      %broadcast_in_dim3A_2006 = vector.broadcast %while3A_2005 : i32 to vector<16xi32>
      %add3A_2007 = arith.constant 0 : i32
      %add3A_2008 = arith.addi %sub3A_1117, %add3A_2007 : i32
      %add3A_2009 = vector.broadcast %add3A_2008 : i32 to vector<16xi32>
      %add3A_2010 = arith.addi %add3A_2009, %iota3A_1108 : vector<16xi32>
      %ge3A = arith.constant 0 : i32
      %ge3A_2011 = vector.broadcast %ge3A : i32 to vector<16xi32>
      %ge3A_2012 = arith.cmpi sge, %add3A_2010, %ge3A_2011 : vector<16xi32>
      %lt3A = arith.constant 256 : i32
      %lt3A_2013 = vector.broadcast %lt3A : i32 to vector<16xi32>
      %lt3A_2014 = arith.cmpi slt, %add3A_2010, %lt3A_2013 : vector<16xi32>
      %and3A_2015 = arith.andi %ge3A_2012, %lt3A_2014 : vector<16xi1>
      %jit3A = arith.constant 0 : i32
      %jit3A_2016 = arith.constant 255 : i32
      %max3A_2017 = vector.broadcast %jit3A : i32 to vector<16xi32>
      %max3A_2018 = arith.maxsi %max3A_2017, %add3A_2010 : vector<16xi32>
      %min3A_2019 = vector.broadcast %jit3A_2016 : i32 to vector<16xi32>
      %min3A_2020 = arith.minsi %min3A_2019, %max3A_2018 : vector<16xi32>
      tpu.vector_store_idx %arg6[%broadcast_in_dim3A_2006, %min3A_2020], %broadcast_in_dim3A_1107 masked %and3A_2015 : memref<72x256xf32, #tpu.memory_space<vmem>>[vector<16xi32>, vector<16xi32>], vector<16xf32>, vector<16xi1>
      %add3A_2021 = arith.constant 16 : i32
      %add3A_2022 = arith.addi %sub3A_1117, %add3A_2021 : i32
      %add3A_2023 = vector.broadcast %add3A_2022 : i32 to vector<16xi32>
      %add3A_2024 = arith.addi %add3A_2023, %iota3A_1108 : vector<16xi32>
      %ge3A_2025 = arith.constant 0 : i32
      %ge3A_2026 = vector.broadcast %ge3A_2025 : i32 to vector<16xi32>
      %ge3A_2027 = arith.cmpi sge, %add3A_2024, %ge3A_2026 : vector<16xi32>
      %lt3A_2028 = arith.constant 256 : i32
      %lt3A_2029 = vector.broadcast %lt3A_2028 : i32 to vector<16xi32>
      %lt3A_2030 = arith.cmpi slt, %add3A_2024, %lt3A_2029 : vector<16xi32>
      %and3A_2031 = arith.andi %ge3A_2027, %lt3A_2030 : vector<16xi1>
      %jit3A_2032 = arith.constant 0 : i32
      %jit3A_2033 = arith.constant 255 : i32
      %max3A_2034 = vector.broadcast %jit3A_2032 : i32 to vector<16xi32>
      %max3A_2035 = arith.maxsi %max3A_2034, %add3A_2024 : vector<16xi32>
      %min3A_2036 = vector.broadcast %jit3A_2033 : i32 to vector<16xi32>
      %min3A_2037 = arith.minsi %min3A_2036, %max3A_2035 : vector<16xi32>
      tpu.vector_store_idx %arg6[%broadcast_in_dim3A_2006, %min3A_2037], %broadcast_in_dim3A_1107 masked %and3A_2031 : memref<72x256xf32, #tpu.memory_space<vmem>>[vector<16xi32>, vector<16xi32>], vector<16xf32>, vector<16xi1>
      %add3A_2038 = arith.constant 32 : i32
      %add3A_2039 = arith.addi %sub3A_1117, %add3A_2038 : i32
      %add3A_2040 = vector.broadcast %add3A_2039 : i32 to vector<16xi32>
      %add3A_2041 = arith.addi %add3A_2040, %iota3A_1108 : vector<16xi32>
      %ge3A_2042 = arith.constant 0 : i32
      %ge3A_2043 = vector.broadcast %ge3A_2042 : i32 to vector<16xi32>
      %ge3A_2044 = arith.cmpi sge, %add3A_2041, %ge3A_2043 : vector<16xi32>
      %lt3A_2045 = arith.constant 256 : i32
      %lt3A_2046 = vector.broadcast %lt3A_2045 : i32 to vector<16xi32>
      %lt3A_2047 = arith.cmpi slt, %add3A_2041, %lt3A_2046 : vector<16xi32>
      %and3A_2048 = arith.andi %ge3A_2044, %lt3A_2047 : vector<16xi1>
      %jit3A_2049 = arith.constant 0 : i32
      %jit3A_2050 = arith.constant 255 : i32
      %max3A_2051 = vector.broadcast %jit3A_2049 : i32 to vector<16xi32>
      %max3A_2052 = arith.maxsi %max3A_2051, %add3A_2041 : vector<16xi32>
      %min3A_2053 = vector.broadcast %jit3A_2050 : i32 to vector<16xi32>
      %min3A_2054 = arith.minsi %min3A_2053, %max3A_2052 : vector<16xi32>
      tpu.vector_store_idx %arg6[%broadcast_in_dim3A_2006, %min3A_2054], %broadcast_in_dim3A_1107 masked %and3A_2048 : memref<72x256xf32, #tpu.memory_space<vmem>>[vector<16xi32>, vector<16xi32>], vector<16xf32>, vector<16xi1>
      %add3A_2055 = arith.constant 48 : i32
      %add3A_2056 = arith.addi %sub3A_1117, %add3A_2055 : i32
      %add3A_2057 = vector.broadcast %add3A_2056 : i32 to vector<16xi32>
      %add3A_2058 = arith.addi %add3A_2057, %iota3A_1108 : vector<16xi32>
      %ge3A_2059 = arith.constant 0 : i32
      %ge3A_2060 = vector.broadcast %ge3A_2059 : i32 to vector<16xi32>
      %ge3A_2061 = arith.cmpi sge, %add3A_2058, %ge3A_2060 : vector<16xi32>
      %lt3A_2062 = arith.constant 256 : i32
      %lt3A_2063 = vector.broadcast %lt3A_2062 : i32 to vector<16xi32>
      %lt3A_2064 = arith.cmpi slt, %add3A_2058, %lt3A_2063 : vector<16xi32>
      %and3A_2065 = arith.andi %ge3A_2061, %lt3A_2064 : vector<16xi1>
      %jit3A_2066 = arith.constant 0 : i32
      %jit3A_2067 = arith.constant 255 : i32
      %max3A_2068 = vector.broadcast %jit3A_2066 : i32 to vector<16xi32>
      %max3A_2069 = arith.maxsi %max3A_2068, %add3A_2058 : vector<16xi32>
      %min3A_2070 = vector.broadcast %jit3A_2067 : i32 to vector<16xi32>
      %min3A_2071 = arith.minsi %min3A_2070, %max3A_2069 : vector<16xi32>
      tpu.vector_store_idx %arg6[%broadcast_in_dim3A_2006, %min3A_2071], %broadcast_in_dim3A_1107 masked %and3A_2065 : memref<72x256xf32, #tpu.memory_space<vmem>>[vector<16xi32>, vector<16xi32>], vector<16xf32>, vector<16xi1>
    }
    %broadcast_in_dim3A_1127 = arith.constant 0.000000e+00 : f32
    %broadcast_in_dim3A_1128 = vector.broadcast %broadcast_in_dim3A_1127 : f32 to vector<16xf32>
    %iota3A_1129 = tpu.iota {dimensions = array<i32: 0>} : vector<16xi32>
    %sub3A_1130 = arith.subi %squeeze3A_52, %multiple_of3A_45 : i32
    %max3A_1131 = arith.constant 0 : i32
    %max3A_1132 = arith.maxsi %sub3A_1130, %max3A_1131 : i32
    %add3A_1133 = arith.constant 64 : i32
    %add3A_1134 = arith.addi %squeeze3A_52, %add3A_1133 : i32
    %sub3A_1135 = arith.subi %add3A_1134, %multiple_of3A_45 : i32
    %min3A_1136 = arith.constant 72 : i32
    %min3A_1137 = arith.minsi %sub3A_1135, %min3A_1136 : i32
    %sub3A_1138 = arith.subi %squeeze3A_54, %multiple_of3A_50 : i32
    %while3A_1139 = arith.constant 0 : i32
    %while3A_1140 = arith.subi %min3A_1137, %max3A_1132 : i32
    %while3A_1141 = arith.addi %max3A_1132, %while3A_1140 : i32
    %while3A_1142 = arith.constant 1 : i32
    %while3A_1143 = arith.divsi %while3A_1140, %while3A_1142 : i32
    %while3A_1144 = arith.muli %while3A_1143, %while3A_1142 : i32
    %while3A_1145 = arith.addi %max3A_1132, %while3A_1144 : i32
    %while3A_1146 = arith.constant 1 : i32
    scf.for %while3A_2005 = %max3A_1132 to %while3A_1145 step %while3A_1146  : i32 {
      %broadcast_in_dim3A_2006 = vector.broadcast %while3A_2005 : i32 to vector<16xi32>
      %add3A_2007 = arith.constant 0 : i32
      %add3A_2008 = arith.addi %sub3A_1138, %add3A_2007 : i32
      %add3A_2009 = vector.broadcast %add3A_2008 : i32 to vector<16xi32>
      %add3A_2010 = arith.addi %add3A_2009, %iota3A_1129 : vector<16xi32>
      %ge3A = arith.constant 0 : i32
      %ge3A_2011 = vector.broadcast %ge3A : i32 to vector<16xi32>
      %ge3A_2012 = arith.cmpi sge, %add3A_2010, %ge3A_2011 : vector<16xi32>
      %lt3A = arith.constant 256 : i32
      %lt3A_2013 = vector.broadcast %lt3A : i32 to vector<16xi32>
      %lt3A_2014 = arith.cmpi slt, %add3A_2010, %lt3A_2013 : vector<16xi32>
      %and3A_2015 = arith.andi %ge3A_2012, %lt3A_2014 : vector<16xi1>
      %jit3A = arith.constant 0 : i32
      %jit3A_2016 = arith.constant 255 : i32
      %max3A_2017 = vector.broadcast %jit3A : i32 to vector<16xi32>
      %max3A_2018 = arith.maxsi %max3A_2017, %add3A_2010 : vector<16xi32>
      %min3A_2019 = vector.broadcast %jit3A_2016 : i32 to vector<16xi32>
      %min3A_2020 = arith.minsi %min3A_2019, %max3A_2018 : vector<16xi32>
      tpu.vector_store_idx %arg6[%broadcast_in_dim3A_2006, %min3A_2020], %broadcast_in_dim3A_1128 masked %and3A_2015 : memref<72x256xf32, #tpu.memory_space<vmem>>[vector<16xi32>, vector<16xi32>], vector<16xf32>, vector<16xi1>
      %add3A_2021 = arith.constant 16 : i32
      %add3A_2022 = arith.addi %sub3A_1138, %add3A_2021 : i32
      %add3A_2023 = vector.broadcast %add3A_2022 : i32 to vector<16xi32>
      %add3A_2024 = arith.addi %add3A_2023, %iota3A_1129 : vector<16xi32>
      %ge3A_2025 = arith.constant 0 : i32
      %ge3A_2026 = vector.broadcast %ge3A_2025 : i32 to vector<16xi32>
      %ge3A_2027 = arith.cmpi sge, %add3A_2024, %ge3A_2026 : vector<16xi32>
      %lt3A_2028 = arith.constant 256 : i32
      %lt3A_2029 = vector.broadcast %lt3A_2028 : i32 to vector<16xi32>
      %lt3A_2030 = arith.cmpi slt, %add3A_2024, %lt3A_2029 : vector<16xi32>
      %and3A_2031 = arith.andi %ge3A_2027, %lt3A_2030 : vector<16xi1>
      %jit3A_2032 = arith.constant 0 : i32
      %jit3A_2033 = arith.constant 255 : i32
      %max3A_2034 = vector.broadcast %jit3A_2032 : i32 to vector<16xi32>
      %max3A_2035 = arith.maxsi %max3A_2034, %add3A_2024 : vector<16xi32>
      %min3A_2036 = vector.broadcast %jit3A_2033 : i32 to vector<16xi32>
      %min3A_2037 = arith.minsi %min3A_2036, %max3A_2035 : vector<16xi32>
      tpu.vector_store_idx %arg6[%broadcast_in_dim3A_2006, %min3A_2037], %broadcast_in_dim3A_1128 masked %and3A_2031 : memref<72x256xf32, #tpu.memory_space<vmem>>[vector<16xi32>, vector<16xi32>], vector<16xf32>, vector<16xi1>
      %add3A_2038 = arith.constant 32 : i32
      %add3A_2039 = arith.addi %sub3A_1138, %add3A_2038 : i32
      %add3A_2040 = vector.broadcast %add3A_2039 : i32 to vector<16xi32>
      %add3A_2041 = arith.addi %add3A_2040, %iota3A_1129 : vector<16xi32>
      %ge3A_2042 = arith.constant 0 : i32
      %ge3A_2043 = vector.broadcast %ge3A_2042 : i32 to vector<16xi32>
      %ge3A_2044 = arith.cmpi sge, %add3A_2041, %ge3A_2043 : vector<16xi32>
      %lt3A_2045 = arith.constant 256 : i32
      %lt3A_2046 = vector.broadcast %lt3A_2045 : i32 to vector<16xi32>
      %lt3A_2047 = arith.cmpi slt, %add3A_2041, %lt3A_2046 : vector<16xi32>
      %and3A_2048 = arith.andi %ge3A_2044, %lt3A_2047 : vector<16xi1>
      %jit3A_2049 = arith.constant 0 : i32
      %jit3A_2050 = arith.constant 255 : i32
      %max3A_2051 = vector.broadcast %jit3A_2049 : i32 to vector<16xi32>
      %max3A_2052 = arith.maxsi %max3A_2051, %add3A_2041 : vector<16xi32>
      %min3A_2053 = vector.broadcast %jit3A_2050 : i32 to vector<16xi32>
      %min3A_2054 = arith.minsi %min3A_2053, %max3A_2052 : vector<16xi32>
      tpu.vector_store_idx %arg6[%broadcast_in_dim3A_2006, %min3A_2054], %broadcast_in_dim3A_1128 masked %and3A_2048 : memref<72x256xf32, #tpu.memory_space<vmem>>[vector<16xi32>, vector<16xi32>], vector<16xf32>, vector<16xi1>
      %add3A_2055 = arith.constant 48 : i32
      %add3A_2056 = arith.addi %sub3A_1138, %add3A_2055 : i32
      %add3A_2057 = vector.broadcast %add3A_2056 : i32 to vector<16xi32>
      %add3A_2058 = arith.addi %add3A_2057, %iota3A_1129 : vector<16xi32>
      %ge3A_2059 = arith.constant 0 : i32
      %ge3A_2060 = vector.broadcast %ge3A_2059 : i32 to vector<16xi32>
      %ge3A_2061 = arith.cmpi sge, %add3A_2058, %ge3A_2060 : vector<16xi32>
      %lt3A_2062 = arith.constant 256 : i32
      %lt3A_2063 = vector.broadcast %lt3A_2062 : i32 to vector<16xi32>
      %lt3A_2064 = arith.cmpi slt, %add3A_2058, %lt3A_2063 : vector<16xi32>
      %and3A_2065 = arith.andi %ge3A_2061, %lt3A_2064 : vector<16xi1>
      %jit3A_2066 = arith.constant 0 : i32
      %jit3A_2067 = arith.constant 255 : i32
      %max3A_2068 = vector.broadcast %jit3A_2066 : i32 to vector<16xi32>
      %max3A_2069 = arith.maxsi %max3A_2068, %add3A_2058 : vector<16xi32>
      %min3A_2070 = vector.broadcast %jit3A_2067 : i32 to vector<16xi32>
      %min3A_2071 = arith.minsi %min3A_2070, %max3A_2069 : vector<16xi32>
      tpu.vector_store_idx %arg6[%broadcast_in_dim3A_2006, %min3A_2071], %broadcast_in_dim3A_1128 masked %and3A_2065 : memref<72x256xf32, #tpu.memory_space<vmem>>[vector<16xi32>, vector<16xi32>], vector<16xf32>, vector<16xi1>
    }
    %while3A_1147 = arith.constant 1 : i32
    scf.for %while3A_2005 = %while3A_1145 to %while3A_1141 step %while3A_1147  : i32 {
      %broadcast_in_dim3A_2006 = vector.broadcast %while3A_2005 : i32 to vector<16xi32>
      %add3A_2007 = arith.constant 0 : i32
      %add3A_2008 = arith.addi %sub3A_1138, %add3A_2007 : i32
      %add3A_2009 = vector.broadcast %add3A_2008 : i32 to vector<16xi32>
      %add3A_2010 = arith.addi %add3A_2009, %iota3A_1129 : vector<16xi32>
      %ge3A = arith.constant 0 : i32
      %ge3A_2011 = vector.broadcast %ge3A : i32 to vector<16xi32>
      %ge3A_2012 = arith.cmpi sge, %add3A_2010, %ge3A_2011 : vector<16xi32>
      %lt3A = arith.constant 256 : i32
      %lt3A_2013 = vector.broadcast %lt3A : i32 to vector<16xi32>
      %lt3A_2014 = arith.cmpi slt, %add3A_2010, %lt3A_2013 : vector<16xi32>
      %and3A_2015 = arith.andi %ge3A_2012, %lt3A_2014 : vector<16xi1>
      %jit3A = arith.constant 0 : i32
      %jit3A_2016 = arith.constant 255 : i32
      %max3A_2017 = vector.broadcast %jit3A : i32 to vector<16xi32>
      %max3A_2018 = arith.maxsi %max3A_2017, %add3A_2010 : vector<16xi32>
      %min3A_2019 = vector.broadcast %jit3A_2016 : i32 to vector<16xi32>
      %min3A_2020 = arith.minsi %min3A_2019, %max3A_2018 : vector<16xi32>
      tpu.vector_store_idx %arg6[%broadcast_in_dim3A_2006, %min3A_2020], %broadcast_in_dim3A_1128 masked %and3A_2015 : memref<72x256xf32, #tpu.memory_space<vmem>>[vector<16xi32>, vector<16xi32>], vector<16xf32>, vector<16xi1>
      %add3A_2021 = arith.constant 16 : i32
      %add3A_2022 = arith.addi %sub3A_1138, %add3A_2021 : i32
      %add3A_2023 = vector.broadcast %add3A_2022 : i32 to vector<16xi32>
      %add3A_2024 = arith.addi %add3A_2023, %iota3A_1129 : vector<16xi32>
      %ge3A_2025 = arith.constant 0 : i32
      %ge3A_2026 = vector.broadcast %ge3A_2025 : i32 to vector<16xi32>
      %ge3A_2027 = arith.cmpi sge, %add3A_2024, %ge3A_2026 : vector<16xi32>
      %lt3A_2028 = arith.constant 256 : i32
      %lt3A_2029 = vector.broadcast %lt3A_2028 : i32 to vector<16xi32>
      %lt3A_2030 = arith.cmpi slt, %add3A_2024, %lt3A_2029 : vector<16xi32>
      %and3A_2031 = arith.andi %ge3A_2027, %lt3A_2030 : vector<16xi1>
      %jit3A_2032 = arith.constant 0 : i32
      %jit3A_2033 = arith.constant 255 : i32
      %max3A_2034 = vector.broadcast %jit3A_2032 : i32 to vector<16xi32>
      %max3A_2035 = arith.maxsi %max3A_2034, %add3A_2024 : vector<16xi32>
      %min3A_2036 = vector.broadcast %jit3A_2033 : i32 to vector<16xi32>
      %min3A_2037 = arith.minsi %min3A_2036, %max3A_2035 : vector<16xi32>
      tpu.vector_store_idx %arg6[%broadcast_in_dim3A_2006, %min3A_2037], %broadcast_in_dim3A_1128 masked %and3A_2031 : memref<72x256xf32, #tpu.memory_space<vmem>>[vector<16xi32>, vector<16xi32>], vector<16xf32>, vector<16xi1>
      %add3A_2038 = arith.constant 32 : i32
      %add3A_2039 = arith.addi %sub3A_1138, %add3A_2038 : i32
      %add3A_2040 = vector.broadcast %add3A_2039 : i32 to vector<16xi32>
      %add3A_2041 = arith.addi %add3A_2040, %iota3A_1129 : vector<16xi32>
      %ge3A_2042 = arith.constant 0 : i32
      %ge3A_2043 = vector.broadcast %ge3A_2042 : i32 to vector<16xi32>
      %ge3A_2044 = arith.cmpi sge, %add3A_2041, %ge3A_2043 : vector<16xi32>
      %lt3A_2045 = arith.constant 256 : i32
      %lt3A_2046 = vector.broadcast %lt3A_2045 : i32 to vector<16xi32>
      %lt3A_2047 = arith.cmpi slt, %add3A_2041, %lt3A_2046 : vector<16xi32>
      %and3A_2048 = arith.andi %ge3A_2044, %lt3A_2047 : vector<16xi1>
      %jit3A_2049 = arith.constant 0 : i32
      %jit3A_2050 = arith.constant 255 : i32
      %max3A_2051 = vector.broadcast %jit3A_2049 : i32 to vector<16xi32>
      %max3A_2052 = arith.maxsi %max3A_2051, %add3A_2041 : vector<16xi32>
      %min3A_2053 = vector.broadcast %jit3A_2050 : i32 to vector<16xi32>
      %min3A_2054 = arith.minsi %min3A_2053, %max3A_2052 : vector<16xi32>
      tpu.vector_store_idx %arg6[%broadcast_in_dim3A_2006, %min3A_2054], %broadcast_in_dim3A_1128 masked %and3A_2048 : memref<72x256xf32, #tpu.memory_space<vmem>>[vector<16xi32>, vector<16xi32>], vector<16xf32>, vector<16xi1>
      %add3A_2055 = arith.constant 48 : i32
      %add3A_2056 = arith.addi %sub3A_1138, %add3A_2055 : i32
      %add3A_2057 = vector.broadcast %add3A_2056 : i32 to vector<16xi32>
      %add3A_2058 = arith.addi %add3A_2057, %iota3A_1129 : vector<16xi32>
      %ge3A_2059 = arith.constant 0 : i32
      %ge3A_2060 = vector.broadcast %ge3A_2059 : i32 to vector<16xi32>
      %ge3A_2061 = arith.cmpi sge, %add3A_2058, %ge3A_2060 : vector<16xi32>
      %lt3A_2062 = arith.constant 256 : i32
      %lt3A_2063 = vector.broadcast %lt3A_2062 : i32 to vector<16xi32>
      %lt3A_2064 = arith.cmpi slt, %add3A_2058, %lt3A_2063 : vector<16xi32>
      %and3A_2065 = arith.andi %ge3A_2061, %lt3A_2064 : vector<16xi1>
      %jit3A_2066 = arith.constant 0 : i32
      %jit3A_2067 = arith.constant 255 : i32
      %max3A_2068 = vector.broadcast %jit3A_2066 : i32 to vector<16xi32>
      %max3A_2069 = arith.maxsi %max3A_2068, %add3A_2058 : vector<16xi32>
      %min3A_2070 = vector.broadcast %jit3A_2067 : i32 to vector<16xi32>
      %min3A_2071 = arith.minsi %min3A_2070, %max3A_2069 : vector<16xi32>
      tpu.vector_store_idx %arg6[%broadcast_in_dim3A_2006, %min3A_2071], %broadcast_in_dim3A_1128 masked %and3A_2065 : memref<72x256xf32, #tpu.memory_space<vmem>>[vector<16xi32>, vector<16xi32>], vector<16xf32>, vector<16xi1>
    }
    %mul3A_1148 = arith.constant 2 : i32
    %mul3A_1149 = arith.muli %add3A, %mul3A_1148 : i32
    %add3A_1150 = arith.constant 1 : i32
    %add3A_1151 = arith.addi %mul3A_1149, %add3A_1150 : i32
    %dma_start3A_1152 = arith.constant 0 : i32
    %dma_start3A_1153 = arith.constant 0 : i32
    %dma_start3A_1154 = arith.constant 0 : i32
    %dma_start3A_1155 = tpu.memref_slice %arg5[%arg1, %dma_start3A_1152, %dma_start3A_1153, %dma_start3A_1154] : memref<16x3x8x4096xf32, #tpu.memory_space<vmem_shared>> -> memref<1x1x8x4096xf32, #tpu.memory_space<vmem_shared>>
    %dma_start3A_1156 = tpu.memref_squeeze %dma_start3A_1155 : memref<1x1x8x4096xf32, #tpu.memory_space<vmem_shared>> -> memref<8x4096xf32, #tpu.memory_space<vmem_shared>>
    %dma_start3A_1157 = arith.constant 16 : i32
    %dma_start3A_1158 = arith.constant 0 : i32
    %dma_start3A_1159 = tpu.memref_slice %arg2[%add3A_1151, %dma_start3A_1157, %dma_start3A_1158] : memref<64x128x4096xf32, #tpu.memory_space<hbm>> -> memref<1x8x4096xf32, #tpu.memory_space<hbm>>
    %dma_start3A_1160 = tpu.memref_squeeze %dma_start3A_1159 : memref<1x8x4096xf32, #tpu.memory_space<hbm>> -> memref<8x4096xf32, #tpu.memory_space<hbm>>
    tpu.enqueue_dma source(%dma_start3A_1160 : memref<8x4096xf32, #tpu.memory_space<hbm>>) target(%dma_start3A_1156 : memref<8x4096xf32, #tpu.memory_space<vmem_shared>>) target_semaphore(%arg8 : memref<!tpu.dma_semaphore, #tpu.memory_space<semaphore_mem>>)
    %mul3A_1161 = arith.constant 2 : i32
    %mul3A_1162 = arith.muli %add3A, %mul3A_1161 : i32
    %add3A_1163 = arith.constant 1 : i32
    %add3A_1164 = arith.addi %mul3A_1162, %add3A_1163 : i32
    %dma_wait3A_1165 = arith.constant 2 : i32
    %dma_wait3A_1166 = arith.constant 0 : i32
    %dma_wait3A_1167 = arith.constant 0 : i32
    %dma_wait3A_1168 = tpu.memref_slice %arg5[%arg1, %dma_wait3A_1165, %dma_wait3A_1166, %dma_wait3A_1167] : memref<16x3x8x4096xf32, #tpu.memory_space<vmem_shared>> -> memref<1x1x8x4096xf32, #tpu.memory_space<vmem_shared>>
    %dma_wait3A_1169 = tpu.memref_squeeze %dma_wait3A_1168 : memref<1x1x8x4096xf32, #tpu.memory_space<vmem_shared>> -> memref<8x4096xf32, #tpu.memory_space<vmem_shared>>
    %dma_wait3A_1170 = arith.constant 8 : i32
    %dma_wait3A_1171 = arith.constant 0 : i32
    %dma_wait3A_1172 = tpu.memref_slice %arg2[%add3A_1164, %dma_wait3A_1170, %dma_wait3A_1171] : memref<64x128x4096xf32, #tpu.memory_space<hbm>> -> memref<1x8x4096xf32, #tpu.memory_space<hbm>>
    %dma_wait3A_1173 = tpu.memref_squeeze %dma_wait3A_1172 : memref<1x8x4096xf32, #tpu.memory_space<hbm>> -> memref<8x4096xf32, #tpu.memory_space<hbm>>
    tpu.wait_dma2 semaphore(%arg10 : memref<!tpu.dma_semaphore, #tpu.memory_space<semaphore_mem>>) src(%dma_wait3A_1173 : memref<8x4096xf32, #tpu.memory_space<hbm>>) dst(%dma_wait3A_1169 : memref<8x4096xf32, #tpu.memory_space<vmem_shared>>)
    %mul3A_1174 = arith.constant 2 : i32
    %mul3A_1175 = arith.muli %add3A, %mul3A_1174 : i32
    %add3A_1176 = arith.constant 1 : i32
    %add3A_1177 = arith.addi %mul3A_1175, %add3A_1176 : i32
    %dma_start3A_1178 = arith.constant 2 : i32
    %dma_start3A_1179 = arith.constant 8 : i32
    %dma_start3A_1180 = arith.constant 0 : i32
    %dma_start3A_1181 = tpu.memref_slice %arg4[%add3A_1177, %dma_start3A_1179, %dma_start3A_1180] : memref<64x128x4096xf32, #tpu.memory_space<hbm>> -> memref<1x8x4096xf32, #tpu.memory_space<hbm>>
    %dma_start3A_1182 = tpu.memref_squeeze %dma_start3A_1181 : memref<1x8x4096xf32, #tpu.memory_space<hbm>> -> memref<8x4096xf32, #tpu.memory_space<hbm>>
    %dma_start3A_1183 = arith.constant 0 : i32
    %dma_start3A_1184 = arith.constant 0 : i32
    %dma_start3A_1185 = tpu.memref_slice %arg5[%arg1, %dma_start3A_1178, %dma_start3A_1183, %dma_start3A_1184] : memref<16x3x8x4096xf32, #tpu.memory_space<vmem_shared>> -> memref<1x1x8x4096xf32, #tpu.memory_space<vmem_shared>>
    %dma_start3A_1186 = tpu.memref_squeeze %dma_start3A_1185 : memref<1x1x8x4096xf32, #tpu.memory_space<vmem_shared>> -> memref<8x4096xf32, #tpu.memory_space<vmem_shared>>
    tpu.enqueue_dma source(%dma_start3A_1186 : memref<8x4096xf32, #tpu.memory_space<vmem_shared>>) target(%dma_start3A_1182 : memref<8x4096xf32, #tpu.memory_space<hbm>>) target_semaphore(%arg13 : memref<!tpu.dma_semaphore, #tpu.memory_space<semaphore_mem>>)
    %mul3A_1187 = arith.constant 2 : i32
    %mul3A_1188 = arith.muli %add3A, %mul3A_1187 : i32
    %add3A_1189 = arith.constant 1 : i32
    %add3A_1190 = arith.addi %mul3A_1188, %add3A_1189 : i32
    %dma_wait3A_1191 = arith.constant 1 : i32
    %dma_wait3A_1192 = arith.constant 0 : i32
    %dma_wait3A_1193 = arith.constant 0 : i32
    %dma_wait3A_1194 = tpu.memref_slice %arg4[%add3A_1190, %dma_wait3A_1192, %dma_wait3A_1193] : memref<64x128x4096xf32, #tpu.memory_space<hbm>> -> memref<1x8x4096xf32, #tpu.memory_space<hbm>>
    %dma_wait3A_1195 = tpu.memref_squeeze %dma_wait3A_1194 : memref<1x8x4096xf32, #tpu.memory_space<hbm>> -> memref<8x4096xf32, #tpu.memory_space<hbm>>
    %dma_wait3A_1196 = arith.constant 0 : i32
    %dma_wait3A_1197 = arith.constant 0 : i32
    %dma_wait3A_1198 = tpu.memref_slice %arg5[%arg1, %dma_wait3A_1191, %dma_wait3A_1196, %dma_wait3A_1197] : memref<16x3x8x4096xf32, #tpu.memory_space<vmem_shared>> -> memref<1x1x8x4096xf32, #tpu.memory_space<vmem_shared>>
    %dma_wait3A_1199 = tpu.memref_squeeze %dma_wait3A_1198 : memref<1x1x8x4096xf32, #tpu.memory_space<vmem_shared>> -> memref<8x4096xf32, #tpu.memory_space<vmem_shared>>
    tpu.wait_dma2 semaphore(%arg12 : memref<!tpu.dma_semaphore, #tpu.memory_space<semaphore_mem>>) src(%dma_wait3A_1199 : memref<8x4096xf32, #tpu.memory_space<vmem_shared>>) dst(%dma_wait3A_1195 : memref<8x4096xf32, #tpu.memory_space<hbm>>)
    %mul3A_1200 = arith.constant 2 : i32
    %mul3A_1201 = arith.muli %add3A, %mul3A_1200 : i32
    %add3A_1202 = arith.constant 1 : i32
    %add3A_1203 = arith.addi %mul3A_1201, %add3A_1202 : i32
    %dma_start3A_1204 = arith.constant 1 : i32
    %dma_start3A_1205 = arith.constant 0 : i32
    %dma_start3A_1206 = arith.constant 0 : i32
    %dma_start3A_1207 = tpu.memref_slice %arg5[%arg1, %dma_start3A_1204, %dma_start3A_1205, %dma_start3A_1206] : memref<16x3x8x4096xf32, #tpu.memory_space<vmem_shared>> -> memref<1x1x8x4096xf32, #tpu.memory_space<vmem_shared>>
    %dma_start3A_1208 = tpu.memref_squeeze %dma_start3A_1207 : memref<1x1x8x4096xf32, #tpu.memory_space<vmem_shared>> -> memref<8x4096xf32, #tpu.memory_space<vmem_shared>>
    %dma_start3A_1209 = arith.constant 24 : i32
    %dma_start3A_1210 = arith.constant 0 : i32
    %dma_start3A_1211 = tpu.memref_slice %arg2[%add3A_1203, %dma_start3A_1209, %dma_start3A_1210] : memref<64x128x4096xf32, #tpu.memory_space<hbm>> -> memref<1x8x4096xf32, #tpu.memory_space<hbm>>
    %dma_start3A_1212 = tpu.memref_squeeze %dma_start3A_1211 : memref<1x8x4096xf32, #tpu.memory_space<hbm>> -> memref<8x4096xf32, #tpu.memory_space<hbm>>
    tpu.enqueue_dma source(%dma_start3A_1212 : memref<8x4096xf32, #tpu.memory_space<hbm>>) target(%dma_start3A_1208 : memref<8x4096xf32, #tpu.memory_space<vmem_shared>>) target_semaphore(%arg9 : memref<!tpu.dma_semaphore, #tpu.memory_space<semaphore_mem>>)
    %mul3A_1213 = arith.constant 2 : i32
    %mul3A_1214 = arith.muli %add3A, %mul3A_1213 : i32
    %add3A_1215 = arith.constant 1 : i32
    %add3A_1216 = arith.addi %mul3A_1214, %add3A_1215 : i32
    %dma_wait3A_1217 = arith.constant 0 : i32
    %dma_wait3A_1218 = arith.constant 0 : i32
    %dma_wait3A_1219 = arith.constant 0 : i32
    %dma_wait3A_1220 = tpu.memref_slice %arg5[%arg1, %dma_wait3A_1217, %dma_wait3A_1218, %dma_wait3A_1219] : memref<16x3x8x4096xf32, #tpu.memory_space<vmem_shared>> -> memref<1x1x8x4096xf32, #tpu.memory_space<vmem_shared>>
    %dma_wait3A_1221 = tpu.memref_squeeze %dma_wait3A_1220 : memref<1x1x8x4096xf32, #tpu.memory_space<vmem_shared>> -> memref<8x4096xf32, #tpu.memory_space<vmem_shared>>
    %dma_wait3A_1222 = arith.constant 16 : i32
    %dma_wait3A_1223 = arith.constant 0 : i32
    %dma_wait3A_1224 = tpu.memref_slice %arg2[%add3A_1216, %dma_wait3A_1222, %dma_wait3A_1223] : memref<64x128x4096xf32, #tpu.memory_space<hbm>> -> memref<1x8x4096xf32, #tpu.memory_space<hbm>>
    %dma_wait3A_1225 = tpu.memref_squeeze %dma_wait3A_1224 : memref<1x8x4096xf32, #tpu.memory_space<hbm>> -> memref<8x4096xf32, #tpu.memory_space<hbm>>
    tpu.wait_dma2 semaphore(%arg8 : memref<!tpu.dma_semaphore, #tpu.memory_space<semaphore_mem>>) src(%dma_wait3A_1225 : memref<8x4096xf32, #tpu.memory_space<hbm>>) dst(%dma_wait3A_1221 : memref<8x4096xf32, #tpu.memory_space<vmem_shared>>)
    %mul3A_1226 = arith.constant 2 : i32
    %mul3A_1227 = arith.muli %add3A, %mul3A_1226 : i32
    %add3A_1228 = arith.constant 1 : i32
    %add3A_1229 = arith.addi %mul3A_1227, %add3A_1228 : i32
    %dma_start3A_1230 = arith.constant 0 : i32
    %dma_start3A_1231 = arith.constant 16 : i32
    %dma_start3A_1232 = arith.constant 0 : i32
    %dma_start3A_1233 = tpu.memref_slice %arg4[%add3A_1229, %dma_start3A_1231, %dma_start3A_1232] : memref<64x128x4096xf32, #tpu.memory_space<hbm>> -> memref<1x8x4096xf32, #tpu.memory_space<hbm>>
    %dma_start3A_1234 = tpu.memref_squeeze %dma_start3A_1233 : memref<1x8x4096xf32, #tpu.memory_space<hbm>> -> memref<8x4096xf32, #tpu.memory_space<hbm>>
    %dma_start3A_1235 = arith.constant 0 : i32
    %dma_start3A_1236 = arith.constant 0 : i32
    %dma_start3A_1237 = tpu.memref_slice %arg5[%arg1, %dma_start3A_1230, %dma_start3A_1235, %dma_start3A_1236] : memref<16x3x8x4096xf32, #tpu.memory_space<vmem_shared>> -> memref<1x1x8x4096xf32, #tpu.memory_space<vmem_shared>>
    %dma_start3A_1238 = tpu.memref_squeeze %dma_start3A_1237 : memref<1x1x8x4096xf32, #tpu.memory_space<vmem_shared>> -> memref<8x4096xf32, #tpu.memory_space<vmem_shared>>
    tpu.enqueue_dma source(%dma_start3A_1238 : memref<8x4096xf32, #tpu.memory_space<vmem_shared>>) target(%dma_start3A_1234 : memref<8x4096xf32, #tpu.memory_space<hbm>>) target_semaphore(%arg11 : memref<!tpu.dma_semaphore, #tpu.memory_space<semaphore_mem>>)
    %mul3A_1239 = arith.constant 2 : i32
    %mul3A_1240 = arith.muli %add3A, %mul3A_1239 : i32
    %add3A_1241 = arith.constant 1 : i32
    %add3A_1242 = arith.addi %mul3A_1240, %add3A_1241 : i32
    %dma_wait3A_1243 = arith.constant 2 : i32
    %dma_wait3A_1244 = arith.constant 8 : i32
    %dma_wait3A_1245 = arith.constant 0 : i32
    %dma_wait3A_1246 = tpu.memref_slice %arg4[%add3A_1242, %dma_wait3A_1244, %dma_wait3A_1245] : memref<64x128x4096xf32, #tpu.memory_space<hbm>> -> memref<1x8x4096xf32, #tpu.memory_space<hbm>>
    %dma_wait3A_1247 = tpu.memref_squeeze %dma_wait3A_1246 : memref<1x8x4096xf32, #tpu.memory_space<hbm>> -> memref<8x4096xf32, #tpu.memory_space<hbm>>
    %dma_wait3A_1248 = arith.constant 0 : i32
    %dma_wait3A_1249 = arith.constant 0 : i32
    %dma_wait3A_1250 = tpu.memref_slice %arg5[%arg1, %dma_wait3A_1243, %dma_wait3A_1248, %dma_wait3A_1249] : memref<16x3x8x4096xf32, #tpu.memory_space<vmem_shared>> -> memref<1x1x8x4096xf32, #tpu.memory_space<vmem_shared>>
    %dma_wait3A_1251 = tpu.memref_squeeze %dma_wait3A_1250 : memref<1x1x8x4096xf32, #tpu.memory_space<vmem_shared>> -> memref<8x4096xf32, #tpu.memory_space<vmem_shared>>
    tpu.wait_dma2 semaphore(%arg13 : memref<!tpu.dma_semaphore, #tpu.memory_space<semaphore_mem>>) src(%dma_wait3A_1251 : memref<8x4096xf32, #tpu.memory_space<vmem_shared>>) dst(%dma_wait3A_1247 : memref<8x4096xf32, #tpu.memory_space<hbm>>)
    %mul3A_1252 = arith.constant 2 : i32
    %mul3A_1253 = arith.muli %add3A, %mul3A_1252 : i32
    %add3A_1254 = arith.constant 1 : i32
    %add3A_1255 = arith.addi %mul3A_1253, %add3A_1254 : i32
    %dma_start3A_1256 = arith.constant 2 : i32
    %dma_start3A_1257 = arith.constant 0 : i32
    %dma_start3A_1258 = arith.constant 0 : i32
    %dma_start3A_1259 = tpu.memref_slice %arg5[%arg1, %dma_start3A_1256, %dma_start3A_1257, %dma_start3A_1258] : memref<16x3x8x4096xf32, #tpu.memory_space<vmem_shared>> -> memref<1x1x8x4096xf32, #tpu.memory_space<vmem_shared>>
    %dma_start3A_1260 = tpu.memref_squeeze %dma_start3A_1259 : memref<1x1x8x4096xf32, #tpu.memory_space<vmem_shared>> -> memref<8x4096xf32, #tpu.memory_space<vmem_shared>>
    %dma_start3A_1261 = arith.constant 32 : i32
    %dma_start3A_1262 = arith.constant 0 : i32
    %dma_start3A_1263 = tpu.memref_slice %arg2[%add3A_1255, %dma_start3A_1261, %dma_start3A_1262] : memref<64x128x4096xf32, #tpu.memory_space<hbm>> -> memref<1x8x4096xf32, #tpu.memory_space<hbm>>
    %dma_start3A_1264 = tpu.memref_squeeze %dma_start3A_1263 : memref<1x8x4096xf32, #tpu.memory_space<hbm>> -> memref<8x4096xf32, #tpu.memory_space<hbm>>
    tpu.enqueue_dma source(%dma_start3A_1264 : memref<8x4096xf32, #tpu.memory_space<hbm>>) target(%dma_start3A_1260 : memref<8x4096xf32, #tpu.memory_space<vmem_shared>>) target_semaphore(%arg10 : memref<!tpu.dma_semaphore, #tpu.memory_space<semaphore_mem>>)
    %mul3A_1265 = arith.constant 2 : i32
    %mul3A_1266 = arith.muli %add3A, %mul3A_1265 : i32
    %add3A_1267 = arith.constant 1 : i32
    %add3A_1268 = arith.addi %mul3A_1266, %add3A_1267 : i32
    %dma_wait3A_1269 = arith.constant 1 : i32
    %dma_wait3A_1270 = arith.constant 0 : i32
    %dma_wait3A_1271 = arith.constant 0 : i32
    %dma_wait3A_1272 = tpu.memref_slice %arg5[%arg1, %dma_wait3A_1269, %dma_wait3A_1270, %dma_wait3A_1271] : memref<16x3x8x4096xf32, #tpu.memory_space<vmem_shared>> -> memref<1x1x8x4096xf32, #tpu.memory_space<vmem_shared>>
    %dma_wait3A_1273 = tpu.memref_squeeze %dma_wait3A_1272 : memref<1x1x8x4096xf32, #tpu.memory_space<vmem_shared>> -> memref<8x4096xf32, #tpu.memory_space<vmem_shared>>
    %dma_wait3A_1274 = arith.constant 24 : i32
    %dma_wait3A_1275 = arith.constant 0 : i32
    %dma_wait3A_1276 = tpu.memref_slice %arg2[%add3A_1268, %dma_wait3A_1274, %dma_wait3A_1275] : memref<64x128x4096xf32, #tpu.memory_space<hbm>> -> memref<1x8x4096xf32, #tpu.memory_space<hbm>>
    %dma_wait3A_1277 = tpu.memref_squeeze %dma_wait3A_1276 : memref<1x8x4096xf32, #tpu.memory_space<hbm>> -> memref<8x4096xf32, #tpu.memory_space<hbm>>
    tpu.wait_dma2 semaphore(%arg9 : memref<!tpu.dma_semaphore, #tpu.memory_space<semaphore_mem>>) src(%dma_wait3A_1277 : memref<8x4096xf32, #tpu.memory_space<hbm>>) dst(%dma_wait3A_1273 : memref<8x4096xf32, #tpu.memory_space<vmem_shared>>)
    %mul3A_1278 = arith.constant 2 : i32
    %mul3A_1279 = arith.muli %add3A, %mul3A_1278 : i32
    %add3A_1280 = arith.constant 1 : i32
    %add3A_1281 = arith.addi %mul3A_1279, %add3A_1280 : i32
    %dma_start3A_1282 = arith.constant 1 : i32
    %dma_start3A_1283 = arith.constant 24 : i32
    %dma_start3A_1284 = arith.constant 0 : i32
    %dma_start3A_1285 = tpu.memref_slice %arg4[%add3A_1281, %dma_start3A_1283, %dma_start3A_1284] : memref<64x128x4096xf32, #tpu.memory_space<hbm>> -> memref<1x8x4096xf32, #tpu.memory_space<hbm>>
    %dma_start3A_1286 = tpu.memref_squeeze %dma_start3A_1285 : memref<1x8x4096xf32, #tpu.memory_space<hbm>> -> memref<8x4096xf32, #tpu.memory_space<hbm>>
    %dma_start3A_1287 = arith.constant 0 : i32
    %dma_start3A_1288 = arith.constant 0 : i32
    %dma_start3A_1289 = tpu.memref_slice %arg5[%arg1, %dma_start3A_1282, %dma_start3A_1287, %dma_start3A_1288] : memref<16x3x8x4096xf32, #tpu.memory_space<vmem_shared>> -> memref<1x1x8x4096xf32, #tpu.memory_space<vmem_shared>>
    %dma_start3A_1290 = tpu.memref_squeeze %dma_start3A_1289 : memref<1x1x8x4096xf32, #tpu.memory_space<vmem_shared>> -> memref<8x4096xf32, #tpu.memory_space<vmem_shared>>
    tpu.enqueue_dma source(%dma_start3A_1290 : memref<8x4096xf32, #tpu.memory_space<vmem_shared>>) target(%dma_start3A_1286 : memref<8x4096xf32, #tpu.memory_space<hbm>>) target_semaphore(%arg12 : memref<!tpu.dma_semaphore, #tpu.memory_space<semaphore_mem>>)
    %mul3A_1291 = arith.constant 2 : i32
    %mul3A_1292 = arith.muli %add3A, %mul3A_1291 : i32
    %add3A_1293 = arith.constant 1 : i32
    %add3A_1294 = arith.addi %mul3A_1292, %add3A_1293 : i32
    %dma_wait3A_1295 = arith.constant 0 : i32
    %dma_wait3A_1296 = arith.constant 16 : i32
    %dma_wait3A_1297 = arith.constant 0 : i32
    %dma_wait3A_1298 = tpu.memref_slice %arg4[%add3A_1294, %dma_wait3A_1296, %dma_wait3A_1297] : memref<64x128x4096xf32, #tpu.memory_space<hbm>> -> memref<1x8x4096xf32, #tpu.memory_space<hbm>>
    %dma_wait3A_1299 = tpu.memref_squeeze %dma_wait3A_1298 : memref<1x8x4096xf32, #tpu.memory_space<hbm>> -> memref<8x4096xf32, #tpu.memory_space<hbm>>
    %dma_wait3A_1300 = arith.constant 0 : i32
    %dma_wait3A_1301 = arith.constant 0 : i32
    %dma_wait3A_1302 = tpu.memref_slice %arg5[%arg1, %dma_wait3A_1295, %dma_wait3A_1300, %dma_wait3A_1301] : memref<16x3x8x4096xf32, #tpu.memory_space<vmem_shared>> -> memref<1x1x8x4096xf32, #tpu.memory_space<vmem_shared>>
    %dma_wait3A_1303 = tpu.memref_squeeze %dma_wait3A_1302 : memref<1x1x8x4096xf32, #tpu.memory_space<vmem_shared>> -> memref<8x4096xf32, #tpu.memory_space<vmem_shared>>
    tpu.wait_dma2 semaphore(%arg11 : memref<!tpu.dma_semaphore, #tpu.memory_space<semaphore_mem>>) src(%dma_wait3A_1303 : memref<8x4096xf32, #tpu.memory_space<vmem_shared>>) dst(%dma_wait3A_1299 : memref<8x4096xf32, #tpu.memory_space<hbm>>)
    %mul3A_1304 = arith.constant 2 : i32
    %mul3A_1305 = arith.muli %add3A, %mul3A_1304 : i32
    %add3A_1306 = arith.constant 1 : i32
    %add3A_1307 = arith.addi %mul3A_1305, %add3A_1306 : i32
    %dma_start3A_1308 = arith.constant 0 : i32
    %dma_start3A_1309 = arith.constant 0 : i32
    %dma_start3A_1310 = arith.constant 0 : i32
    %dma_start3A_1311 = tpu.memref_slice %arg5[%arg1, %dma_start3A_1308, %dma_start3A_1309, %dma_start3A_1310] : memref<16x3x8x4096xf32, #tpu.memory_space<vmem_shared>> -> memref<1x1x8x4096xf32, #tpu.memory_space<vmem_shared>>
    %dma_start3A_1312 = tpu.memref_squeeze %dma_start3A_1311 : memref<1x1x8x4096xf32, #tpu.memory_space<vmem_shared>> -> memref<8x4096xf32, #tpu.memory_space<vmem_shared>>
    %dma_start3A_1313 = arith.constant 40 : i32
    %dma_start3A_1314 = arith.constant 0 : i32
    %dma_start3A_1315 = tpu.memref_slice %arg2[%add3A_1307, %dma_start3A_1313, %dma_start3A_1314] : memref<64x128x4096xf32, #tpu.memory_space<hbm>> -> memref<1x8x4096xf32, #tpu.memory_space<hbm>>
    %dma_start3A_1316 = tpu.memref_squeeze %dma_start3A_1315 : memref<1x8x4096xf32, #tpu.memory_space<hbm>> -> memref<8x4096xf32, #tpu.memory_space<hbm>>
    tpu.enqueue_dma source(%dma_start3A_1316 : memref<8x4096xf32, #tpu.memory_space<hbm>>) target(%dma_start3A_1312 : memref<8x4096xf32, #tpu.memory_space<vmem_shared>>) target_semaphore(%arg8 : memref<!tpu.dma_semaphore, #tpu.memory_space<semaphore_mem>>)
    %mul3A_1317 = arith.constant 2 : i32
    %mul3A_1318 = arith.muli %add3A, %mul3A_1317 : i32
    %add3A_1319 = arith.constant 1 : i32
    %add3A_1320 = arith.addi %mul3A_1318, %add3A_1319 : i32
    %dma_wait3A_1321 = arith.constant 2 : i32
    %dma_wait3A_1322 = arith.constant 0 : i32
    %dma_wait3A_1323 = arith.constant 0 : i32
    %dma_wait3A_1324 = tpu.memref_slice %arg5[%arg1, %dma_wait3A_1321, %dma_wait3A_1322, %dma_wait3A_1323] : memref<16x3x8x4096xf32, #tpu.memory_space<vmem_shared>> -> memref<1x1x8x4096xf32, #tpu.memory_space<vmem_shared>>
    %dma_wait3A_1325 = tpu.memref_squeeze %dma_wait3A_1324 : memref<1x1x8x4096xf32, #tpu.memory_space<vmem_shared>> -> memref<8x4096xf32, #tpu.memory_space<vmem_shared>>
    %dma_wait3A_1326 = arith.constant 32 : i32
    %dma_wait3A_1327 = arith.constant 0 : i32
    %dma_wait3A_1328 = tpu.memref_slice %arg2[%add3A_1320, %dma_wait3A_1326, %dma_wait3A_1327] : memref<64x128x4096xf32, #tpu.memory_space<hbm>> -> memref<1x8x4096xf32, #tpu.memory_space<hbm>>
    %dma_wait3A_1329 = tpu.memref_squeeze %dma_wait3A_1328 : memref<1x8x4096xf32, #tpu.memory_space<hbm>> -> memref<8x4096xf32, #tpu.memory_space<hbm>>
    tpu.wait_dma2 semaphore(%arg10 : memref<!tpu.dma_semaphore, #tpu.memory_space<semaphore_mem>>) src(%dma_wait3A_1329 : memref<8x4096xf32, #tpu.memory_space<hbm>>) dst(%dma_wait3A_1325 : memref<8x4096xf32, #tpu.memory_space<vmem_shared>>)
    %mul3A_1330 = arith.constant 2 : i32
    %mul3A_1331 = arith.muli %add3A, %mul3A_1330 : i32
    %add3A_1332 = arith.constant 1 : i32
    %add3A_1333 = arith.addi %mul3A_1331, %add3A_1332 : i32
    %dma_start3A_1334 = arith.constant 2 : i32
    %dma_start3A_1335 = arith.constant 32 : i32
    %dma_start3A_1336 = arith.constant 0 : i32
    %dma_start3A_1337 = tpu.memref_slice %arg4[%add3A_1333, %dma_start3A_1335, %dma_start3A_1336] : memref<64x128x4096xf32, #tpu.memory_space<hbm>> -> memref<1x8x4096xf32, #tpu.memory_space<hbm>>
    %dma_start3A_1338 = tpu.memref_squeeze %dma_start3A_1337 : memref<1x8x4096xf32, #tpu.memory_space<hbm>> -> memref<8x4096xf32, #tpu.memory_space<hbm>>
    %dma_start3A_1339 = arith.constant 0 : i32
    %dma_start3A_1340 = arith.constant 0 : i32
    %dma_start3A_1341 = tpu.memref_slice %arg5[%arg1, %dma_start3A_1334, %dma_start3A_1339, %dma_start3A_1340] : memref<16x3x8x4096xf32, #tpu.memory_space<vmem_shared>> -> memref<1x1x8x4096xf32, #tpu.memory_space<vmem_shared>>
    %dma_start3A_1342 = tpu.memref_squeeze %dma_start3A_1341 : memref<1x1x8x4096xf32, #tpu.memory_space<vmem_shared>> -> memref<8x4096xf32, #tpu.memory_space<vmem_shared>>
    tpu.enqueue_dma source(%dma_start3A_1342 : memref<8x4096xf32, #tpu.memory_space<vmem_shared>>) target(%dma_start3A_1338 : memref<8x4096xf32, #tpu.memory_space<hbm>>) target_semaphore(%arg13 : memref<!tpu.dma_semaphore, #tpu.memory_space<semaphore_mem>>)
    %mul3A_1343 = arith.constant 2 : i32
    %mul3A_1344 = arith.muli %add3A, %mul3A_1343 : i32
    %add3A_1345 = arith.constant 1 : i32
    %add3A_1346 = arith.addi %mul3A_1344, %add3A_1345 : i32
    %dma_wait3A_1347 = arith.constant 1 : i32
    %dma_wait3A_1348 = arith.constant 24 : i32
    %dma_wait3A_1349 = arith.constant 0 : i32
    %dma_wait3A_1350 = tpu.memref_slice %arg4[%add3A_1346, %dma_wait3A_1348, %dma_wait3A_1349] : memref<64x128x4096xf32, #tpu.memory_space<hbm>> -> memref<1x8x4096xf32, #tpu.memory_space<hbm>>
    %dma_wait3A_1351 = tpu.memref_squeeze %dma_wait3A_1350 : memref<1x8x4096xf32, #tpu.memory_space<hbm>> -> memref<8x4096xf32, #tpu.memory_space<hbm>>
    %dma_wait3A_1352 = arith.constant 0 : i32
    %dma_wait3A_1353 = arith.constant 0 : i32
    %dma_wait3A_1354 = tpu.memref_slice %arg5[%arg1, %dma_wait3A_1347, %dma_wait3A_1352, %dma_wait3A_1353] : memref<16x3x8x4096xf32, #tpu.memory_space<vmem_shared>> -> memref<1x1x8x4096xf32, #tpu.memory_space<vmem_shared>>
    %dma_wait3A_1355 = tpu.memref_squeeze %dma_wait3A_1354 : memref<1x1x8x4096xf32, #tpu.memory_space<vmem_shared>> -> memref<8x4096xf32, #tpu.memory_space<vmem_shared>>
    tpu.wait_dma2 semaphore(%arg12 : memref<!tpu.dma_semaphore, #tpu.memory_space<semaphore_mem>>) src(%dma_wait3A_1355 : memref<8x4096xf32, #tpu.memory_space<vmem_shared>>) dst(%dma_wait3A_1351 : memref<8x4096xf32, #tpu.memory_space<hbm>>)
    %mul3A_1356 = arith.constant 2 : i32
    %mul3A_1357 = arith.muli %add3A, %mul3A_1356 : i32
    %add3A_1358 = arith.constant 1 : i32
    %add3A_1359 = arith.addi %mul3A_1357, %add3A_1358 : i32
    %dma_start3A_1360 = arith.constant 1 : i32
    %dma_start3A_1361 = arith.constant 0 : i32
    %dma_start3A_1362 = arith.constant 0 : i32
    %dma_start3A_1363 = tpu.memref_slice %arg5[%arg1, %dma_start3A_1360, %dma_start3A_1361, %dma_start3A_1362] : memref<16x3x8x4096xf32, #tpu.memory_space<vmem_shared>> -> memref<1x1x8x4096xf32, #tpu.memory_space<vmem_shared>>
    %dma_start3A_1364 = tpu.memref_squeeze %dma_start3A_1363 : memref<1x1x8x4096xf32, #tpu.memory_space<vmem_shared>> -> memref<8x4096xf32, #tpu.memory_space<vmem_shared>>
    %dma_start3A_1365 = arith.constant 48 : i32
    %dma_start3A_1366 = arith.constant 0 : i32
    %dma_start3A_1367 = tpu.memref_slice %arg2[%add3A_1359, %dma_start3A_1365, %dma_start3A_1366] : memref<64x128x4096xf32, #tpu.memory_space<hbm>> -> memref<1x8x4096xf32, #tpu.memory_space<hbm>>
    %dma_start3A_1368 = tpu.memref_squeeze %dma_start3A_1367 : memref<1x8x4096xf32, #tpu.memory_space<hbm>> -> memref<8x4096xf32, #tpu.memory_space<hbm>>
    tpu.enqueue_dma source(%dma_start3A_1368 : memref<8x4096xf32, #tpu.memory_space<hbm>>) target(%dma_start3A_1364 : memref<8x4096xf32, #tpu.memory_space<vmem_shared>>) target_semaphore(%arg9 : memref<!tpu.dma_semaphore, #tpu.memory_space<semaphore_mem>>)
    %mul3A_1369 = arith.constant 2 : i32
    %mul3A_1370 = arith.muli %add3A, %mul3A_1369 : i32
    %add3A_1371 = arith.constant 1 : i32
    %add3A_1372 = arith.addi %mul3A_1370, %add3A_1371 : i32
    %dma_wait3A_1373 = arith.constant 0 : i32
    %dma_wait3A_1374 = arith.constant 0 : i32
    %dma_wait3A_1375 = arith.constant 0 : i32
    %dma_wait3A_1376 = tpu.memref_slice %arg5[%arg1, %dma_wait3A_1373, %dma_wait3A_1374, %dma_wait3A_1375] : memref<16x3x8x4096xf32, #tpu.memory_space<vmem_shared>> -> memref<1x1x8x4096xf32, #tpu.memory_space<vmem_shared>>
    %dma_wait3A_1377 = tpu.memref_squeeze %dma_wait3A_1376 : memref<1x1x8x4096xf32, #tpu.memory_space<vmem_shared>> -> memref<8x4096xf32, #tpu.memory_space<vmem_shared>>
    %dma_wait3A_1378 = arith.constant 40 : i32
    %dma_wait3A_1379 = arith.constant 0 : i32
    %dma_wait3A_1380 = tpu.memref_slice %arg2[%add3A_1372, %dma_wait3A_1378, %dma_wait3A_1379] : memref<64x128x4096xf32, #tpu.memory_space<hbm>> -> memref<1x8x4096xf32, #tpu.memory_space<hbm>>
    %dma_wait3A_1381 = tpu.memref_squeeze %dma_wait3A_1380 : memref<1x8x4096xf32, #tpu.memory_space<hbm>> -> memref<8x4096xf32, #tpu.memory_space<hbm>>
    tpu.wait_dma2 semaphore(%arg8 : memref<!tpu.dma_semaphore, #tpu.memory_space<semaphore_mem>>) src(%dma_wait3A_1381 : memref<8x4096xf32, #tpu.memory_space<hbm>>) dst(%dma_wait3A_1377 : memref<8x4096xf32, #tpu.memory_space<vmem_shared>>)
    %mul3A_1382 = arith.constant 2 : i32
    %mul3A_1383 = arith.muli %add3A, %mul3A_1382 : i32
    %add3A_1384 = arith.constant 1 : i32
    %add3A_1385 = arith.addi %mul3A_1383, %add3A_1384 : i32
    %dma_start3A_1386 = arith.constant 0 : i32
    %dma_start3A_1387 = arith.constant 40 : i32
    %dma_start3A_1388 = arith.constant 0 : i32
    %dma_start3A_1389 = tpu.memref_slice %arg4[%add3A_1385, %dma_start3A_1387, %dma_start3A_1388] : memref<64x128x4096xf32, #tpu.memory_space<hbm>> -> memref<1x8x4096xf32, #tpu.memory_space<hbm>>
    %dma_start3A_1390 = tpu.memref_squeeze %dma_start3A_1389 : memref<1x8x4096xf32, #tpu.memory_space<hbm>> -> memref<8x4096xf32, #tpu.memory_space<hbm>>
    %dma_start3A_1391 = arith.constant 0 : i32
    %dma_start3A_1392 = arith.constant 0 : i32
    %dma_start3A_1393 = tpu.memref_slice %arg5[%arg1, %dma_start3A_1386, %dma_start3A_1391, %dma_start3A_1392] : memref<16x3x8x4096xf32, #tpu.memory_space<vmem_shared>> -> memref<1x1x8x4096xf32, #tpu.memory_space<vmem_shared>>
    %dma_start3A_1394 = tpu.memref_squeeze %dma_start3A_1393 : memref<1x1x8x4096xf32, #tpu.memory_space<vmem_shared>> -> memref<8x4096xf32, #tpu.memory_space<vmem_shared>>
    tpu.enqueue_dma source(%dma_start3A_1394 : memref<8x4096xf32, #tpu.memory_space<vmem_shared>>) target(%dma_start3A_1390 : memref<8x4096xf32, #tpu.memory_space<hbm>>) target_semaphore(%arg11 : memref<!tpu.dma_semaphore, #tpu.memory_space<semaphore_mem>>)
    %mul3A_1395 = arith.constant 2 : i32
    %mul3A_1396 = arith.muli %add3A, %mul3A_1395 : i32
    %add3A_1397 = arith.constant 1 : i32
    %add3A_1398 = arith.addi %mul3A_1396, %add3A_1397 : i32
    %dma_wait3A_1399 = arith.constant 2 : i32
    %dma_wait3A_1400 = arith.constant 32 : i32
    %dma_wait3A_1401 = arith.constant 0 : i32
    %dma_wait3A_1402 = tpu.memref_slice %arg4[%add3A_1398, %dma_wait3A_1400, %dma_wait3A_1401] : memref<64x128x4096xf32, #tpu.memory_space<hbm>> -> memref<1x8x4096xf32, #tpu.memory_space<hbm>>
    %dma_wait3A_1403 = tpu.memref_squeeze %dma_wait3A_1402 : memref<1x8x4096xf32, #tpu.memory_space<hbm>> -> memref<8x4096xf32, #tpu.memory_space<hbm>>
    %dma_wait3A_1404 = arith.constant 0 : i32
    %dma_wait3A_1405 = arith.constant 0 : i32
    %dma_wait3A_1406 = tpu.memref_slice %arg5[%arg1, %dma_wait3A_1399, %dma_wait3A_1404, %dma_wait3A_1405] : memref<16x3x8x4096xf32, #tpu.memory_space<vmem_shared>> -> memref<1x1x8x4096xf32, #tpu.memory_space<vmem_shared>>
    %dma_wait3A_1407 = tpu.memref_squeeze %dma_wait3A_1406 : memref<1x1x8x4096xf32, #tpu.memory_space<vmem_shared>> -> memref<8x4096xf32, #tpu.memory_space<vmem_shared>>
    tpu.wait_dma2 semaphore(%arg13 : memref<!tpu.dma_semaphore, #tpu.memory_space<semaphore_mem>>) src(%dma_wait3A_1407 : memref<8x4096xf32, #tpu.memory_space<vmem_shared>>) dst(%dma_wait3A_1403 : memref<8x4096xf32, #tpu.memory_space<hbm>>)
    %mul3A_1408 = arith.constant 2 : i32
    %mul3A_1409 = arith.muli %add3A, %mul3A_1408 : i32
    %add3A_1410 = arith.constant 1 : i32
    %add3A_1411 = arith.addi %mul3A_1409, %add3A_1410 : i32
    %dma_start3A_1412 = arith.constant 2 : i32
    %dma_start3A_1413 = arith.constant 0 : i32
    %dma_start3A_1414 = arith.constant 0 : i32
    %dma_start3A_1415 = tpu.memref_slice %arg5[%arg1, %dma_start3A_1412, %dma_start3A_1413, %dma_start3A_1414] : memref<16x3x8x4096xf32, #tpu.memory_space<vmem_shared>> -> memref<1x1x8x4096xf32, #tpu.memory_space<vmem_shared>>
    %dma_start3A_1416 = tpu.memref_squeeze %dma_start3A_1415 : memref<1x1x8x4096xf32, #tpu.memory_space<vmem_shared>> -> memref<8x4096xf32, #tpu.memory_space<vmem_shared>>
    %dma_start3A_1417 = arith.constant 56 : i32
    %dma_start3A_1418 = arith.constant 0 : i32
    %dma_start3A_1419 = tpu.memref_slice %arg2[%add3A_1411, %dma_start3A_1417, %dma_start3A_1418] : memref<64x128x4096xf32, #tpu.memory_space<hbm>> -> memref<1x8x4096xf32, #tpu.memory_space<hbm>>
    %dma_start3A_1420 = tpu.memref_squeeze %dma_start3A_1419 : memref<1x8x4096xf32, #tpu.memory_space<hbm>> -> memref<8x4096xf32, #tpu.memory_space<hbm>>
    tpu.enqueue_dma source(%dma_start3A_1420 : memref<8x4096xf32, #tpu.memory_space<hbm>>) target(%dma_start3A_1416 : memref<8x4096xf32, #tpu.memory_space<vmem_shared>>) target_semaphore(%arg10 : memref<!tpu.dma_semaphore, #tpu.memory_space<semaphore_mem>>)
    %mul3A_1421 = arith.constant 2 : i32
    %mul3A_1422 = arith.muli %add3A, %mul3A_1421 : i32
    %add3A_1423 = arith.constant 1 : i32
    %add3A_1424 = arith.addi %mul3A_1422, %add3A_1423 : i32
    %dma_wait3A_1425 = arith.constant 1 : i32
    %dma_wait3A_1426 = arith.constant 0 : i32
    %dma_wait3A_1427 = arith.constant 0 : i32
    %dma_wait3A_1428 = tpu.memref_slice %arg5[%arg1, %dma_wait3A_1425, %dma_wait3A_1426, %dma_wait3A_1427] : memref<16x3x8x4096xf32, #tpu.memory_space<vmem_shared>> -> memref<1x1x8x4096xf32, #tpu.memory_space<vmem_shared>>
    %dma_wait3A_1429 = tpu.memref_squeeze %dma_wait3A_1428 : memref<1x1x8x4096xf32, #tpu.memory_space<vmem_shared>> -> memref<8x4096xf32, #tpu.memory_space<vmem_shared>>
    %dma_wait3A_1430 = arith.constant 48 : i32
    %dma_wait3A_1431 = arith.constant 0 : i32
    %dma_wait3A_1432 = tpu.memref_slice %arg2[%add3A_1424, %dma_wait3A_1430, %dma_wait3A_1431] : memref<64x128x4096xf32, #tpu.memory_space<hbm>> -> memref<1x8x4096xf32, #tpu.memory_space<hbm>>
    %dma_wait3A_1433 = tpu.memref_squeeze %dma_wait3A_1432 : memref<1x8x4096xf32, #tpu.memory_space<hbm>> -> memref<8x4096xf32, #tpu.memory_space<hbm>>
    tpu.wait_dma2 semaphore(%arg9 : memref<!tpu.dma_semaphore, #tpu.memory_space<semaphore_mem>>) src(%dma_wait3A_1433 : memref<8x4096xf32, #tpu.memory_space<hbm>>) dst(%dma_wait3A_1429 : memref<8x4096xf32, #tpu.memory_space<vmem_shared>>)
    %mul3A_1434 = arith.constant 2 : i32
    %mul3A_1435 = arith.muli %add3A, %mul3A_1434 : i32
    %add3A_1436 = arith.constant 1 : i32
    %add3A_1437 = arith.addi %mul3A_1435, %add3A_1436 : i32
    %dma_start3A_1438 = arith.constant 1 : i32
    %dma_start3A_1439 = arith.constant 48 : i32
    %dma_start3A_1440 = arith.constant 0 : i32
    %dma_start3A_1441 = tpu.memref_slice %arg4[%add3A_1437, %dma_start3A_1439, %dma_start3A_1440] : memref<64x128x4096xf32, #tpu.memory_space<hbm>> -> memref<1x8x4096xf32, #tpu.memory_space<hbm>>
    %dma_start3A_1442 = tpu.memref_squeeze %dma_start3A_1441 : memref<1x8x4096xf32, #tpu.memory_space<hbm>> -> memref<8x4096xf32, #tpu.memory_space<hbm>>
    %dma_start3A_1443 = arith.constant 0 : i32
    %dma_start3A_1444 = arith.constant 0 : i32
    %dma_start3A_1445 = tpu.memref_slice %arg5[%arg1, %dma_start3A_1438, %dma_start3A_1443, %dma_start3A_1444] : memref<16x3x8x4096xf32, #tpu.memory_space<vmem_shared>> -> memref<1x1x8x4096xf32, #tpu.memory_space<vmem_shared>>
    %dma_start3A_1446 = tpu.memref_squeeze %dma_start3A_1445 : memref<1x1x8x4096xf32, #tpu.memory_space<vmem_shared>> -> memref<8x4096xf32, #tpu.memory_space<vmem_shared>>
    tpu.enqueue_dma source(%dma_start3A_1446 : memref<8x4096xf32, #tpu.memory_space<vmem_shared>>) target(%dma_start3A_1442 : memref<8x4096xf32, #tpu.memory_space<hbm>>) target_semaphore(%arg12 : memref<!tpu.dma_semaphore, #tpu.memory_space<semaphore_mem>>)
    %mul3A_1447 = arith.constant 2 : i32
    %mul3A_1448 = arith.muli %add3A, %mul3A_1447 : i32
    %add3A_1449 = arith.constant 1 : i32
    %add3A_1450 = arith.addi %mul3A_1448, %add3A_1449 : i32
    %dma_wait3A_1451 = arith.constant 0 : i32
    %dma_wait3A_1452 = arith.constant 40 : i32
    %dma_wait3A_1453 = arith.constant 0 : i32
    %dma_wait3A_1454 = tpu.memref_slice %arg4[%add3A_1450, %dma_wait3A_1452, %dma_wait3A_1453] : memref<64x128x4096xf32, #tpu.memory_space<hbm>> -> memref<1x8x4096xf32, #tpu.memory_space<hbm>>
    %dma_wait3A_1455 = tpu.memref_squeeze %dma_wait3A_1454 : memref<1x8x4096xf32, #tpu.memory_space<hbm>> -> memref<8x4096xf32, #tpu.memory_space<hbm>>
    %dma_wait3A_1456 = arith.constant 0 : i32
    %dma_wait3A_1457 = arith.constant 0 : i32
    %dma_wait3A_1458 = tpu.memref_slice %arg5[%arg1, %dma_wait3A_1451, %dma_wait3A_1456, %dma_wait3A_1457] : memref<16x3x8x4096xf32, #tpu.memory_space<vmem_shared>> -> memref<1x1x8x4096xf32, #tpu.memory_space<vmem_shared>>
    %dma_wait3A_1459 = tpu.memref_squeeze %dma_wait3A_1458 : memref<1x1x8x4096xf32, #tpu.memory_space<vmem_shared>> -> memref<8x4096xf32, #tpu.memory_space<vmem_shared>>
    tpu.wait_dma2 semaphore(%arg11 : memref<!tpu.dma_semaphore, #tpu.memory_space<semaphore_mem>>) src(%dma_wait3A_1459 : memref<8x4096xf32, #tpu.memory_space<vmem_shared>>) dst(%dma_wait3A_1455 : memref<8x4096xf32, #tpu.memory_space<hbm>>)
    %mul3A_1460 = arith.constant 2 : i32
    %mul3A_1461 = arith.muli %add3A, %mul3A_1460 : i32
    %add3A_1462 = arith.constant 1 : i32
    %add3A_1463 = arith.addi %mul3A_1461, %add3A_1462 : i32
    %dma_start3A_1464 = arith.constant 0 : i32
    %dma_start3A_1465 = arith.constant 0 : i32
    %dma_start3A_1466 = arith.constant 0 : i32
    %dma_start3A_1467 = tpu.memref_slice %arg5[%arg1, %dma_start3A_1464, %dma_start3A_1465, %dma_start3A_1466] : memref<16x3x8x4096xf32, #tpu.memory_space<vmem_shared>> -> memref<1x1x8x4096xf32, #tpu.memory_space<vmem_shared>>
    %dma_start3A_1468 = tpu.memref_squeeze %dma_start3A_1467 : memref<1x1x8x4096xf32, #tpu.memory_space<vmem_shared>> -> memref<8x4096xf32, #tpu.memory_space<vmem_shared>>
    %dma_start3A_1469 = arith.constant 64 : i32
    %dma_start3A_1470 = arith.constant 0 : i32
    %dma_start3A_1471 = tpu.memref_slice %arg2[%add3A_1463, %dma_start3A_1469, %dma_start3A_1470] : memref<64x128x4096xf32, #tpu.memory_space<hbm>> -> memref<1x8x4096xf32, #tpu.memory_space<hbm>>
    %dma_start3A_1472 = tpu.memref_squeeze %dma_start3A_1471 : memref<1x8x4096xf32, #tpu.memory_space<hbm>> -> memref<8x4096xf32, #tpu.memory_space<hbm>>
    tpu.enqueue_dma source(%dma_start3A_1472 : memref<8x4096xf32, #tpu.memory_space<hbm>>) target(%dma_start3A_1468 : memref<8x4096xf32, #tpu.memory_space<vmem_shared>>) target_semaphore(%arg8 : memref<!tpu.dma_semaphore, #tpu.memory_space<semaphore_mem>>)
    %mul3A_1473 = arith.constant 2 : i32
    %mul3A_1474 = arith.muli %add3A, %mul3A_1473 : i32
    %add3A_1475 = arith.constant 1 : i32
    %add3A_1476 = arith.addi %mul3A_1474, %add3A_1475 : i32
    %dma_wait3A_1477 = arith.constant 2 : i32
    %dma_wait3A_1478 = arith.constant 0 : i32
    %dma_wait3A_1479 = arith.constant 0 : i32
    %dma_wait3A_1480 = tpu.memref_slice %arg5[%arg1, %dma_wait3A_1477, %dma_wait3A_1478, %dma_wait3A_1479] : memref<16x3x8x4096xf32, #tpu.memory_space<vmem_shared>> -> memref<1x1x8x4096xf32, #tpu.memory_space<vmem_shared>>
    %dma_wait3A_1481 = tpu.memref_squeeze %dma_wait3A_1480 : memref<1x1x8x4096xf32, #tpu.memory_space<vmem_shared>> -> memref<8x4096xf32, #tpu.memory_space<vmem_shared>>
    %dma_wait3A_1482 = arith.constant 56 : i32
    %dma_wait3A_1483 = arith.constant 0 : i32
    %dma_wait3A_1484 = tpu.memref_slice %arg2[%add3A_1476, %dma_wait3A_1482, %dma_wait3A_1483] : memref<64x128x4096xf32, #tpu.memory_space<hbm>> -> memref<1x8x4096xf32, #tpu.memory_space<hbm>>
    %dma_wait3A_1485 = tpu.memref_squeeze %dma_wait3A_1484 : memref<1x8x4096xf32, #tpu.memory_space<hbm>> -> memref<8x4096xf32, #tpu.memory_space<hbm>>
    tpu.wait_dma2 semaphore(%arg10 : memref<!tpu.dma_semaphore, #tpu.memory_space<semaphore_mem>>) src(%dma_wait3A_1485 : memref<8x4096xf32, #tpu.memory_space<hbm>>) dst(%dma_wait3A_1481 : memref<8x4096xf32, #tpu.memory_space<vmem_shared>>)
    %mul3A_1486 = arith.constant 2 : i32
    %mul3A_1487 = arith.muli %add3A, %mul3A_1486 : i32
    %add3A_1488 = arith.constant 1 : i32
    %add3A_1489 = arith.addi %mul3A_1487, %add3A_1488 : i32
    %dma_start3A_1490 = arith.constant 2 : i32
    %dma_start3A_1491 = arith.constant 56 : i32
    %dma_start3A_1492 = arith.constant 0 : i32
    %dma_start3A_1493 = tpu.memref_slice %arg4[%add3A_1489, %dma_start3A_1491, %dma_start3A_1492] : memref<64x128x4096xf32, #tpu.memory_space<hbm>> -> memref<1x8x4096xf32, #tpu.memory_space<hbm>>
    %dma_start3A_1494 = tpu.memref_squeeze %dma_start3A_1493 : memref<1x8x4096xf32, #tpu.memory_space<hbm>> -> memref<8x4096xf32, #tpu.memory_space<hbm>>
    %dma_start3A_1495 = arith.constant 0 : i32
    %dma_start3A_1496 = arith.constant 0 : i32
    %dma_start3A_1497 = tpu.memref_slice %arg5[%arg1, %dma_start3A_1490, %dma_start3A_1495, %dma_start3A_1496] : memref<16x3x8x4096xf32, #tpu.memory_space<vmem_shared>> -> memref<1x1x8x4096xf32, #tpu.memory_space<vmem_shared>>
    %dma_start3A_1498 = tpu.memref_squeeze %dma_start3A_1497 : memref<1x1x8x4096xf32, #tpu.memory_space<vmem_shared>> -> memref<8x4096xf32, #tpu.memory_space<vmem_shared>>
    tpu.enqueue_dma source(%dma_start3A_1498 : memref<8x4096xf32, #tpu.memory_space<vmem_shared>>) target(%dma_start3A_1494 : memref<8x4096xf32, #tpu.memory_space<hbm>>) target_semaphore(%arg13 : memref<!tpu.dma_semaphore, #tpu.memory_space<semaphore_mem>>)
    %mul3A_1499 = arith.constant 2 : i32
    %mul3A_1500 = arith.muli %add3A, %mul3A_1499 : i32
    %add3A_1501 = arith.constant 1 : i32
    %add3A_1502 = arith.addi %mul3A_1500, %add3A_1501 : i32
    %dma_wait3A_1503 = arith.constant 1 : i32
    %dma_wait3A_1504 = arith.constant 48 : i32
    %dma_wait3A_1505 = arith.constant 0 : i32
    %dma_wait3A_1506 = tpu.memref_slice %arg4[%add3A_1502, %dma_wait3A_1504, %dma_wait3A_1505] : memref<64x128x4096xf32, #tpu.memory_space<hbm>> -> memref<1x8x4096xf32, #tpu.memory_space<hbm>>
    %dma_wait3A_1507 = tpu.memref_squeeze %dma_wait3A_1506 : memref<1x8x4096xf32, #tpu.memory_space<hbm>> -> memref<8x4096xf32, #tpu.memory_space<hbm>>
    %dma_wait3A_1508 = arith.constant 0 : i32
    %dma_wait3A_1509 = arith.constant 0 : i32
    %dma_wait3A_1510 = tpu.memref_slice %arg5[%arg1, %dma_wait3A_1503, %dma_wait3A_1508, %dma_wait3A_1509] : memref<16x3x8x4096xf32, #tpu.memory_space<vmem_shared>> -> memref<1x1x8x4096xf32, #tpu.memory_space<vmem_shared>>
    %dma_wait3A_1511 = tpu.memref_squeeze %dma_wait3A_1510 : memref<1x1x8x4096xf32, #tpu.memory_space<vmem_shared>> -> memref<8x4096xf32, #tpu.memory_space<vmem_shared>>
    tpu.wait_dma2 semaphore(%arg12 : memref<!tpu.dma_semaphore, #tpu.memory_space<semaphore_mem>>) src(%dma_wait3A_1511 : memref<8x4096xf32, #tpu.memory_space<vmem_shared>>) dst(%dma_wait3A_1507 : memref<8x4096xf32, #tpu.memory_space<hbm>>)
    %mul3A_1512 = arith.constant 2 : i32
    %mul3A_1513 = arith.muli %add3A, %mul3A_1512 : i32
    %add3A_1514 = arith.constant 1 : i32
    %add3A_1515 = arith.addi %mul3A_1513, %add3A_1514 : i32
    %dma_start3A_1516 = arith.constant 1 : i32
    %dma_start3A_1517 = arith.constant 0 : i32
    %dma_start3A_1518 = arith.constant 0 : i32
    %dma_start3A_1519 = tpu.memref_slice %arg5[%arg1, %dma_start3A_1516, %dma_start3A_1517, %dma_start3A_1518] : memref<16x3x8x4096xf32, #tpu.memory_space<vmem_shared>> -> memref<1x1x8x4096xf32, #tpu.memory_space<vmem_shared>>
    %dma_start3A_1520 = tpu.memref_squeeze %dma_start3A_1519 : memref<1x1x8x4096xf32, #tpu.memory_space<vmem_shared>> -> memref<8x4096xf32, #tpu.memory_space<vmem_shared>>
    %dma_start3A_1521 = arith.constant 72 : i32
    %dma_start3A_1522 = arith.constant 0 : i32
    %dma_start3A_1523 = tpu.memref_slice %arg2[%add3A_1515, %dma_start3A_1521, %dma_start3A_1522] : memref<64x128x4096xf32, #tpu.memory_space<hbm>> -> memref<1x8x4096xf32, #tpu.memory_space<hbm>>
    %dma_start3A_1524 = tpu.memref_squeeze %dma_start3A_1523 : memref<1x8x4096xf32, #tpu.memory_space<hbm>> -> memref<8x4096xf32, #tpu.memory_space<hbm>>
    tpu.enqueue_dma source(%dma_start3A_1524 : memref<8x4096xf32, #tpu.memory_space<hbm>>) target(%dma_start3A_1520 : memref<8x4096xf32, #tpu.memory_space<vmem_shared>>) target_semaphore(%arg9 : memref<!tpu.dma_semaphore, #tpu.memory_space<semaphore_mem>>)
    %mul3A_1525 = arith.constant 2 : i32
    %mul3A_1526 = arith.muli %add3A, %mul3A_1525 : i32
    %add3A_1527 = arith.constant 1 : i32
    %add3A_1528 = arith.addi %mul3A_1526, %add3A_1527 : i32
    %dma_wait3A_1529 = arith.constant 0 : i32
    %dma_wait3A_1530 = arith.constant 0 : i32
    %dma_wait3A_1531 = arith.constant 0 : i32
    %dma_wait3A_1532 = tpu.memref_slice %arg5[%arg1, %dma_wait3A_1529, %dma_wait3A_1530, %dma_wait3A_1531] : memref<16x3x8x4096xf32, #tpu.memory_space<vmem_shared>> -> memref<1x1x8x4096xf32, #tpu.memory_space<vmem_shared>>
    %dma_wait3A_1533 = tpu.memref_squeeze %dma_wait3A_1532 : memref<1x1x8x4096xf32, #tpu.memory_space<vmem_shared>> -> memref<8x4096xf32, #tpu.memory_space<vmem_shared>>
    %dma_wait3A_1534 = arith.constant 64 : i32
    %dma_wait3A_1535 = arith.constant 0 : i32
    %dma_wait3A_1536 = tpu.memref_slice %arg2[%add3A_1528, %dma_wait3A_1534, %dma_wait3A_1535] : memref<64x128x4096xf32, #tpu.memory_space<hbm>> -> memref<1x8x4096xf32, #tpu.memory_space<hbm>>
    %dma_wait3A_1537 = tpu.memref_squeeze %dma_wait3A_1536 : memref<1x8x4096xf32, #tpu.memory_space<hbm>> -> memref<8x4096xf32, #tpu.memory_space<hbm>>
    tpu.wait_dma2 semaphore(%arg8 : memref<!tpu.dma_semaphore, #tpu.memory_space<semaphore_mem>>) src(%dma_wait3A_1537 : memref<8x4096xf32, #tpu.memory_space<hbm>>) dst(%dma_wait3A_1533 : memref<8x4096xf32, #tpu.memory_space<vmem_shared>>)
    %mul3A_1538 = arith.constant 2 : i32
    %mul3A_1539 = arith.muli %add3A, %mul3A_1538 : i32
    %add3A_1540 = arith.constant 1 : i32
    %add3A_1541 = arith.addi %mul3A_1539, %add3A_1540 : i32
    %dma_start3A_1542 = arith.constant 0 : i32
    %dma_start3A_1543 = arith.constant 64 : i32
    %dma_start3A_1544 = arith.constant 0 : i32
    %dma_start3A_1545 = tpu.memref_slice %arg4[%add3A_1541, %dma_start3A_1543, %dma_start3A_1544] : memref<64x128x4096xf32, #tpu.memory_space<hbm>> -> memref<1x8x4096xf32, #tpu.memory_space<hbm>>
    %dma_start3A_1546 = tpu.memref_squeeze %dma_start3A_1545 : memref<1x8x4096xf32, #tpu.memory_space<hbm>> -> memref<8x4096xf32, #tpu.memory_space<hbm>>
    %dma_start3A_1547 = arith.constant 0 : i32
    %dma_start3A_1548 = arith.constant 0 : i32
    %dma_start3A_1549 = tpu.memref_slice %arg5[%arg1, %dma_start3A_1542, %dma_start3A_1547, %dma_start3A_1548] : memref<16x3x8x4096xf32, #tpu.memory_space<vmem_shared>> -> memref<1x1x8x4096xf32, #tpu.memory_space<vmem_shared>>
    %dma_start3A_1550 = tpu.memref_squeeze %dma_start3A_1549 : memref<1x1x8x4096xf32, #tpu.memory_space<vmem_shared>> -> memref<8x4096xf32, #tpu.memory_space<vmem_shared>>
    tpu.enqueue_dma source(%dma_start3A_1550 : memref<8x4096xf32, #tpu.memory_space<vmem_shared>>) target(%dma_start3A_1546 : memref<8x4096xf32, #tpu.memory_space<hbm>>) target_semaphore(%arg11 : memref<!tpu.dma_semaphore, #tpu.memory_space<semaphore_mem>>)
    %mul3A_1551 = arith.constant 2 : i32
    %mul3A_1552 = arith.muli %add3A, %mul3A_1551 : i32
    %add3A_1553 = arith.constant 1 : i32
    %add3A_1554 = arith.addi %mul3A_1552, %add3A_1553 : i32
    %dma_wait3A_1555 = arith.constant 2 : i32
    %dma_wait3A_1556 = arith.constant 56 : i32
    %dma_wait3A_1557 = arith.constant 0 : i32
    %dma_wait3A_1558 = tpu.memref_slice %arg4[%add3A_1554, %dma_wait3A_1556, %dma_wait3A_1557] : memref<64x128x4096xf32, #tpu.memory_space<hbm>> -> memref<1x8x4096xf32, #tpu.memory_space<hbm>>
    %dma_wait3A_1559 = tpu.memref_squeeze %dma_wait3A_1558 : memref<1x8x4096xf32, #tpu.memory_space<hbm>> -> memref<8x4096xf32, #tpu.memory_space<hbm>>
    %dma_wait3A_1560 = arith.constant 0 : i32
    %dma_wait3A_1561 = arith.constant 0 : i32
    %dma_wait3A_1562 = tpu.memref_slice %arg5[%arg1, %dma_wait3A_1555, %dma_wait3A_1560, %dma_wait3A_1561] : memref<16x3x8x4096xf32, #tpu.memory_space<vmem_shared>> -> memref<1x1x8x4096xf32, #tpu.memory_space<vmem_shared>>
    %dma_wait3A_1563 = tpu.memref_squeeze %dma_wait3A_1562 : memref<1x1x8x4096xf32, #tpu.memory_space<vmem_shared>> -> memref<8x4096xf32, #tpu.memory_space<vmem_shared>>
    tpu.wait_dma2 semaphore(%arg13 : memref<!tpu.dma_semaphore, #tpu.memory_space<semaphore_mem>>) src(%dma_wait3A_1563 : memref<8x4096xf32, #tpu.memory_space<vmem_shared>>) dst(%dma_wait3A_1559 : memref<8x4096xf32, #tpu.memory_space<hbm>>)
    %mul3A_1564 = arith.constant 2 : i32
    %mul3A_1565 = arith.muli %add3A, %mul3A_1564 : i32
    %add3A_1566 = arith.constant 1 : i32
    %add3A_1567 = arith.addi %mul3A_1565, %add3A_1566 : i32
    %dma_start3A_1568 = arith.constant 2 : i32
    %dma_start3A_1569 = arith.constant 0 : i32
    %dma_start3A_1570 = arith.constant 0 : i32
    %dma_start3A_1571 = tpu.memref_slice %arg5[%arg1, %dma_start3A_1568, %dma_start3A_1569, %dma_start3A_1570] : memref<16x3x8x4096xf32, #tpu.memory_space<vmem_shared>> -> memref<1x1x8x4096xf32, #tpu.memory_space<vmem_shared>>
    %dma_start3A_1572 = tpu.memref_squeeze %dma_start3A_1571 : memref<1x1x8x4096xf32, #tpu.memory_space<vmem_shared>> -> memref<8x4096xf32, #tpu.memory_space<vmem_shared>>
    %dma_start3A_1573 = arith.constant 80 : i32
    %dma_start3A_1574 = arith.constant 0 : i32
    %dma_start3A_1575 = tpu.memref_slice %arg2[%add3A_1567, %dma_start3A_1573, %dma_start3A_1574] : memref<64x128x4096xf32, #tpu.memory_space<hbm>> -> memref<1x8x4096xf32, #tpu.memory_space<hbm>>
    %dma_start3A_1576 = tpu.memref_squeeze %dma_start3A_1575 : memref<1x8x4096xf32, #tpu.memory_space<hbm>> -> memref<8x4096xf32, #tpu.memory_space<hbm>>
    tpu.enqueue_dma source(%dma_start3A_1576 : memref<8x4096xf32, #tpu.memory_space<hbm>>) target(%dma_start3A_1572 : memref<8x4096xf32, #tpu.memory_space<vmem_shared>>) target_semaphore(%arg10 : memref<!tpu.dma_semaphore, #tpu.memory_space<semaphore_mem>>)
    %mul3A_1577 = arith.constant 2 : i32
    %mul3A_1578 = arith.muli %add3A, %mul3A_1577 : i32
    %add3A_1579 = arith.constant 1 : i32
    %add3A_1580 = arith.addi %mul3A_1578, %add3A_1579 : i32
    %dma_wait3A_1581 = arith.constant 1 : i32
    %dma_wait3A_1582 = arith.constant 0 : i32
    %dma_wait3A_1583 = arith.constant 0 : i32
    %dma_wait3A_1584 = tpu.memref_slice %arg5[%arg1, %dma_wait3A_1581, %dma_wait3A_1582, %dma_wait3A_1583] : memref<16x3x8x4096xf32, #tpu.memory_space<vmem_shared>> -> memref<1x1x8x4096xf32, #tpu.memory_space<vmem_shared>>
    %dma_wait3A_1585 = tpu.memref_squeeze %dma_wait3A_1584 : memref<1x1x8x4096xf32, #tpu.memory_space<vmem_shared>> -> memref<8x4096xf32, #tpu.memory_space<vmem_shared>>
    %dma_wait3A_1586 = arith.constant 72 : i32
    %dma_wait3A_1587 = arith.constant 0 : i32
    %dma_wait3A_1588 = tpu.memref_slice %arg2[%add3A_1580, %dma_wait3A_1586, %dma_wait3A_1587] : memref<64x128x4096xf32, #tpu.memory_space<hbm>> -> memref<1x8x4096xf32, #tpu.memory_space<hbm>>
    %dma_wait3A_1589 = tpu.memref_squeeze %dma_wait3A_1588 : memref<1x8x4096xf32, #tpu.memory_space<hbm>> -> memref<8x4096xf32, #tpu.memory_space<hbm>>
    tpu.wait_dma2 semaphore(%arg9 : memref<!tpu.dma_semaphore, #tpu.memory_space<semaphore_mem>>) src(%dma_wait3A_1589 : memref<8x4096xf32, #tpu.memory_space<hbm>>) dst(%dma_wait3A_1585 : memref<8x4096xf32, #tpu.memory_space<vmem_shared>>)
    %mul3A_1590 = arith.constant 2 : i32
    %mul3A_1591 = arith.muli %add3A, %mul3A_1590 : i32
    %add3A_1592 = arith.constant 1 : i32
    %add3A_1593 = arith.addi %mul3A_1591, %add3A_1592 : i32
    %dma_start3A_1594 = arith.constant 1 : i32
    %dma_start3A_1595 = arith.constant 72 : i32
    %dma_start3A_1596 = arith.constant 0 : i32
    %dma_start3A_1597 = tpu.memref_slice %arg4[%add3A_1593, %dma_start3A_1595, %dma_start3A_1596] : memref<64x128x4096xf32, #tpu.memory_space<hbm>> -> memref<1x8x4096xf32, #tpu.memory_space<hbm>>
    %dma_start3A_1598 = tpu.memref_squeeze %dma_start3A_1597 : memref<1x8x4096xf32, #tpu.memory_space<hbm>> -> memref<8x4096xf32, #tpu.memory_space<hbm>>
    %dma_start3A_1599 = arith.constant 0 : i32
    %dma_start3A_1600 = arith.constant 0 : i32
    %dma_start3A_1601 = tpu.memref_slice %arg5[%arg1, %dma_start3A_1594, %dma_start3A_1599, %dma_start3A_1600] : memref<16x3x8x4096xf32, #tpu.memory_space<vmem_shared>> -> memref<1x1x8x4096xf32, #tpu.memory_space<vmem_shared>>
    %dma_start3A_1602 = tpu.memref_squeeze %dma_start3A_1601 : memref<1x1x8x4096xf32, #tpu.memory_space<vmem_shared>> -> memref<8x4096xf32, #tpu.memory_space<vmem_shared>>
    tpu.enqueue_dma source(%dma_start3A_1602 : memref<8x4096xf32, #tpu.memory_space<vmem_shared>>) target(%dma_start3A_1598 : memref<8x4096xf32, #tpu.memory_space<hbm>>) target_semaphore(%arg12 : memref<!tpu.dma_semaphore, #tpu.memory_space<semaphore_mem>>)
    %mul3A_1603 = arith.constant 2 : i32
    %mul3A_1604 = arith.muli %add3A, %mul3A_1603 : i32
    %add3A_1605 = arith.constant 1 : i32
    %add3A_1606 = arith.addi %mul3A_1604, %add3A_1605 : i32
    %dma_wait3A_1607 = arith.constant 0 : i32
    %dma_wait3A_1608 = arith.constant 64 : i32
    %dma_wait3A_1609 = arith.constant 0 : i32
    %dma_wait3A_1610 = tpu.memref_slice %arg4[%add3A_1606, %dma_wait3A_1608, %dma_wait3A_1609] : memref<64x128x4096xf32, #tpu.memory_space<hbm>> -> memref<1x8x4096xf32, #tpu.memory_space<hbm>>
    %dma_wait3A_1611 = tpu.memref_squeeze %dma_wait3A_1610 : memref<1x8x4096xf32, #tpu.memory_space<hbm>> -> memref<8x4096xf32, #tpu.memory_space<hbm>>
    %dma_wait3A_1612 = arith.constant 0 : i32
    %dma_wait3A_1613 = arith.constant 0 : i32
    %dma_wait3A_1614 = tpu.memref_slice %arg5[%arg1, %dma_wait3A_1607, %dma_wait3A_1612, %dma_wait3A_1613] : memref<16x3x8x4096xf32, #tpu.memory_space<vmem_shared>> -> memref<1x1x8x4096xf32, #tpu.memory_space<vmem_shared>>
    %dma_wait3A_1615 = tpu.memref_squeeze %dma_wait3A_1614 : memref<1x1x8x4096xf32, #tpu.memory_space<vmem_shared>> -> memref<8x4096xf32, #tpu.memory_space<vmem_shared>>
    tpu.wait_dma2 semaphore(%arg11 : memref<!tpu.dma_semaphore, #tpu.memory_space<semaphore_mem>>) src(%dma_wait3A_1615 : memref<8x4096xf32, #tpu.memory_space<vmem_shared>>) dst(%dma_wait3A_1611 : memref<8x4096xf32, #tpu.memory_space<hbm>>)
    %mul3A_1616 = arith.constant 2 : i32
    %mul3A_1617 = arith.muli %add3A, %mul3A_1616 : i32
    %add3A_1618 = arith.constant 1 : i32
    %add3A_1619 = arith.addi %mul3A_1617, %add3A_1618 : i32
    %dma_start3A_1620 = arith.constant 0 : i32
    %dma_start3A_1621 = arith.constant 0 : i32
    %dma_start3A_1622 = arith.constant 0 : i32
    %dma_start3A_1623 = tpu.memref_slice %arg5[%arg1, %dma_start3A_1620, %dma_start3A_1621, %dma_start3A_1622] : memref<16x3x8x4096xf32, #tpu.memory_space<vmem_shared>> -> memref<1x1x8x4096xf32, #tpu.memory_space<vmem_shared>>
    %dma_start3A_1624 = tpu.memref_squeeze %dma_start3A_1623 : memref<1x1x8x4096xf32, #tpu.memory_space<vmem_shared>> -> memref<8x4096xf32, #tpu.memory_space<vmem_shared>>
    %dma_start3A_1625 = arith.constant 88 : i32
    %dma_start3A_1626 = arith.constant 0 : i32
    %dma_start3A_1627 = tpu.memref_slice %arg2[%add3A_1619, %dma_start3A_1625, %dma_start3A_1626] : memref<64x128x4096xf32, #tpu.memory_space<hbm>> -> memref<1x8x4096xf32, #tpu.memory_space<hbm>>
    %dma_start3A_1628 = tpu.memref_squeeze %dma_start3A_1627 : memref<1x8x4096xf32, #tpu.memory_space<hbm>> -> memref<8x4096xf32, #tpu.memory_space<hbm>>
    tpu.enqueue_dma source(%dma_start3A_1628 : memref<8x4096xf32, #tpu.memory_space<hbm>>) target(%dma_start3A_1624 : memref<8x4096xf32, #tpu.memory_space<vmem_shared>>) target_semaphore(%arg8 : memref<!tpu.dma_semaphore, #tpu.memory_space<semaphore_mem>>)
    %mul3A_1629 = arith.constant 2 : i32
    %mul3A_1630 = arith.muli %add3A, %mul3A_1629 : i32
    %add3A_1631 = arith.constant 1 : i32
    %add3A_1632 = arith.addi %mul3A_1630, %add3A_1631 : i32
    %dma_wait3A_1633 = arith.constant 2 : i32
    %dma_wait3A_1634 = arith.constant 0 : i32
    %dma_wait3A_1635 = arith.constant 0 : i32
    %dma_wait3A_1636 = tpu.memref_slice %arg5[%arg1, %dma_wait3A_1633, %dma_wait3A_1634, %dma_wait3A_1635] : memref<16x3x8x4096xf32, #tpu.memory_space<vmem_shared>> -> memref<1x1x8x4096xf32, #tpu.memory_space<vmem_shared>>
    %dma_wait3A_1637 = tpu.memref_squeeze %dma_wait3A_1636 : memref<1x1x8x4096xf32, #tpu.memory_space<vmem_shared>> -> memref<8x4096xf32, #tpu.memory_space<vmem_shared>>
    %dma_wait3A_1638 = arith.constant 80 : i32
    %dma_wait3A_1639 = arith.constant 0 : i32
    %dma_wait3A_1640 = tpu.memref_slice %arg2[%add3A_1632, %dma_wait3A_1638, %dma_wait3A_1639] : memref<64x128x4096xf32, #tpu.memory_space<hbm>> -> memref<1x8x4096xf32, #tpu.memory_space<hbm>>
    %dma_wait3A_1641 = tpu.memref_squeeze %dma_wait3A_1640 : memref<1x8x4096xf32, #tpu.memory_space<hbm>> -> memref<8x4096xf32, #tpu.memory_space<hbm>>
    tpu.wait_dma2 semaphore(%arg10 : memref<!tpu.dma_semaphore, #tpu.memory_space<semaphore_mem>>) src(%dma_wait3A_1641 : memref<8x4096xf32, #tpu.memory_space<hbm>>) dst(%dma_wait3A_1637 : memref<8x4096xf32, #tpu.memory_space<vmem_shared>>)
    %mul3A_1642 = arith.constant 2 : i32
    %mul3A_1643 = arith.muli %add3A, %mul3A_1642 : i32
    %add3A_1644 = arith.constant 1 : i32
    %add3A_1645 = arith.addi %mul3A_1643, %add3A_1644 : i32
    %dma_start3A_1646 = arith.constant 2 : i32
    %dma_start3A_1647 = arith.constant 80 : i32
    %dma_start3A_1648 = arith.constant 0 : i32
    %dma_start3A_1649 = tpu.memref_slice %arg4[%add3A_1645, %dma_start3A_1647, %dma_start3A_1648] : memref<64x128x4096xf32, #tpu.memory_space<hbm>> -> memref<1x8x4096xf32, #tpu.memory_space<hbm>>
    %dma_start3A_1650 = tpu.memref_squeeze %dma_start3A_1649 : memref<1x8x4096xf32, #tpu.memory_space<hbm>> -> memref<8x4096xf32, #tpu.memory_space<hbm>>
    %dma_start3A_1651 = arith.constant 0 : i32
    %dma_start3A_1652 = arith.constant 0 : i32
    %dma_start3A_1653 = tpu.memref_slice %arg5[%arg1, %dma_start3A_1646, %dma_start3A_1651, %dma_start3A_1652] : memref<16x3x8x4096xf32, #tpu.memory_space<vmem_shared>> -> memref<1x1x8x4096xf32, #tpu.memory_space<vmem_shared>>
    %dma_start3A_1654 = tpu.memref_squeeze %dma_start3A_1653 : memref<1x1x8x4096xf32, #tpu.memory_space<vmem_shared>> -> memref<8x4096xf32, #tpu.memory_space<vmem_shared>>
    tpu.enqueue_dma source(%dma_start3A_1654 : memref<8x4096xf32, #tpu.memory_space<vmem_shared>>) target(%dma_start3A_1650 : memref<8x4096xf32, #tpu.memory_space<hbm>>) target_semaphore(%arg13 : memref<!tpu.dma_semaphore, #tpu.memory_space<semaphore_mem>>)
    %mul3A_1655 = arith.constant 2 : i32
    %mul3A_1656 = arith.muli %add3A, %mul3A_1655 : i32
    %add3A_1657 = arith.constant 1 : i32
    %add3A_1658 = arith.addi %mul3A_1656, %add3A_1657 : i32
    %dma_wait3A_1659 = arith.constant 1 : i32
    %dma_wait3A_1660 = arith.constant 72 : i32
    %dma_wait3A_1661 = arith.constant 0 : i32
    %dma_wait3A_1662 = tpu.memref_slice %arg4[%add3A_1658, %dma_wait3A_1660, %dma_wait3A_1661] : memref<64x128x4096xf32, #tpu.memory_space<hbm>> -> memref<1x8x4096xf32, #tpu.memory_space<hbm>>
    %dma_wait3A_1663 = tpu.memref_squeeze %dma_wait3A_1662 : memref<1x8x4096xf32, #tpu.memory_space<hbm>> -> memref<8x4096xf32, #tpu.memory_space<hbm>>
    %dma_wait3A_1664 = arith.constant 0 : i32
    %dma_wait3A_1665 = arith.constant 0 : i32
    %dma_wait3A_1666 = tpu.memref_slice %arg5[%arg1, %dma_wait3A_1659, %dma_wait3A_1664, %dma_wait3A_1665] : memref<16x3x8x4096xf32, #tpu.memory_space<vmem_shared>> -> memref<1x1x8x4096xf32, #tpu.memory_space<vmem_shared>>
    %dma_wait3A_1667 = tpu.memref_squeeze %dma_wait3A_1666 : memref<1x1x8x4096xf32, #tpu.memory_space<vmem_shared>> -> memref<8x4096xf32, #tpu.memory_space<vmem_shared>>
    tpu.wait_dma2 semaphore(%arg12 : memref<!tpu.dma_semaphore, #tpu.memory_space<semaphore_mem>>) src(%dma_wait3A_1667 : memref<8x4096xf32, #tpu.memory_space<vmem_shared>>) dst(%dma_wait3A_1663 : memref<8x4096xf32, #tpu.memory_space<hbm>>)
    %mul3A_1668 = arith.constant 2 : i32
    %mul3A_1669 = arith.muli %add3A, %mul3A_1668 : i32
    %add3A_1670 = arith.constant 1 : i32
    %add3A_1671 = arith.addi %mul3A_1669, %add3A_1670 : i32
    %dma_start3A_1672 = arith.constant 1 : i32
    %dma_start3A_1673 = arith.constant 0 : i32
    %dma_start3A_1674 = arith.constant 0 : i32
    %dma_start3A_1675 = tpu.memref_slice %arg5[%arg1, %dma_start3A_1672, %dma_start3A_1673, %dma_start3A_1674] : memref<16x3x8x4096xf32, #tpu.memory_space<vmem_shared>> -> memref<1x1x8x4096xf32, #tpu.memory_space<vmem_shared>>
    %dma_start3A_1676 = tpu.memref_squeeze %dma_start3A_1675 : memref<1x1x8x4096xf32, #tpu.memory_space<vmem_shared>> -> memref<8x4096xf32, #tpu.memory_space<vmem_shared>>
    %dma_start3A_1677 = arith.constant 96 : i32
    %dma_start3A_1678 = arith.constant 0 : i32
    %dma_start3A_1679 = tpu.memref_slice %arg2[%add3A_1671, %dma_start3A_1677, %dma_start3A_1678] : memref<64x128x4096xf32, #tpu.memory_space<hbm>> -> memref<1x8x4096xf32, #tpu.memory_space<hbm>>
    %dma_start3A_1680 = tpu.memref_squeeze %dma_start3A_1679 : memref<1x8x4096xf32, #tpu.memory_space<hbm>> -> memref<8x4096xf32, #tpu.memory_space<hbm>>
    tpu.enqueue_dma source(%dma_start3A_1680 : memref<8x4096xf32, #tpu.memory_space<hbm>>) target(%dma_start3A_1676 : memref<8x4096xf32, #tpu.memory_space<vmem_shared>>) target_semaphore(%arg9 : memref<!tpu.dma_semaphore, #tpu.memory_space<semaphore_mem>>)
    %mul3A_1681 = arith.constant 2 : i32
    %mul3A_1682 = arith.muli %add3A, %mul3A_1681 : i32
    %add3A_1683 = arith.constant 1 : i32
    %add3A_1684 = arith.addi %mul3A_1682, %add3A_1683 : i32
    %dma_wait3A_1685 = arith.constant 0 : i32
    %dma_wait3A_1686 = arith.constant 0 : i32
    %dma_wait3A_1687 = arith.constant 0 : i32
    %dma_wait3A_1688 = tpu.memref_slice %arg5[%arg1, %dma_wait3A_1685, %dma_wait3A_1686, %dma_wait3A_1687] : memref<16x3x8x4096xf32, #tpu.memory_space<vmem_shared>> -> memref<1x1x8x4096xf32, #tpu.memory_space<vmem_shared>>
    %dma_wait3A_1689 = tpu.memref_squeeze %dma_wait3A_1688 : memref<1x1x8x4096xf32, #tpu.memory_space<vmem_shared>> -> memref<8x4096xf32, #tpu.memory_space<vmem_shared>>
    %dma_wait3A_1690 = arith.constant 88 : i32
    %dma_wait3A_1691 = arith.constant 0 : i32
    %dma_wait3A_1692 = tpu.memref_slice %arg2[%add3A_1684, %dma_wait3A_1690, %dma_wait3A_1691] : memref<64x128x4096xf32, #tpu.memory_space<hbm>> -> memref<1x8x4096xf32, #tpu.memory_space<hbm>>
    %dma_wait3A_1693 = tpu.memref_squeeze %dma_wait3A_1692 : memref<1x8x4096xf32, #tpu.memory_space<hbm>> -> memref<8x4096xf32, #tpu.memory_space<hbm>>
    tpu.wait_dma2 semaphore(%arg8 : memref<!tpu.dma_semaphore, #tpu.memory_space<semaphore_mem>>) src(%dma_wait3A_1693 : memref<8x4096xf32, #tpu.memory_space<hbm>>) dst(%dma_wait3A_1689 : memref<8x4096xf32, #tpu.memory_space<vmem_shared>>)
    %mul3A_1694 = arith.constant 2 : i32
    %mul3A_1695 = arith.muli %add3A, %mul3A_1694 : i32
    %add3A_1696 = arith.constant 1 : i32
    %add3A_1697 = arith.addi %mul3A_1695, %add3A_1696 : i32
    %dma_start3A_1698 = arith.constant 0 : i32
    %dma_start3A_1699 = arith.constant 88 : i32
    %dma_start3A_1700 = arith.constant 0 : i32
    %dma_start3A_1701 = tpu.memref_slice %arg4[%add3A_1697, %dma_start3A_1699, %dma_start3A_1700] : memref<64x128x4096xf32, #tpu.memory_space<hbm>> -> memref<1x8x4096xf32, #tpu.memory_space<hbm>>
    %dma_start3A_1702 = tpu.memref_squeeze %dma_start3A_1701 : memref<1x8x4096xf32, #tpu.memory_space<hbm>> -> memref<8x4096xf32, #tpu.memory_space<hbm>>
    %dma_start3A_1703 = arith.constant 0 : i32
    %dma_start3A_1704 = arith.constant 0 : i32
    %dma_start3A_1705 = tpu.memref_slice %arg5[%arg1, %dma_start3A_1698, %dma_start3A_1703, %dma_start3A_1704] : memref<16x3x8x4096xf32, #tpu.memory_space<vmem_shared>> -> memref<1x1x8x4096xf32, #tpu.memory_space<vmem_shared>>
    %dma_start3A_1706 = tpu.memref_squeeze %dma_start3A_1705 : memref<1x1x8x4096xf32, #tpu.memory_space<vmem_shared>> -> memref<8x4096xf32, #tpu.memory_space<vmem_shared>>
    tpu.enqueue_dma source(%dma_start3A_1706 : memref<8x4096xf32, #tpu.memory_space<vmem_shared>>) target(%dma_start3A_1702 : memref<8x4096xf32, #tpu.memory_space<hbm>>) target_semaphore(%arg11 : memref<!tpu.dma_semaphore, #tpu.memory_space<semaphore_mem>>)
    %mul3A_1707 = arith.constant 2 : i32
    %mul3A_1708 = arith.muli %add3A, %mul3A_1707 : i32
    %add3A_1709 = arith.constant 1 : i32
    %add3A_1710 = arith.addi %mul3A_1708, %add3A_1709 : i32
    %dma_wait3A_1711 = arith.constant 2 : i32
    %dma_wait3A_1712 = arith.constant 80 : i32
    %dma_wait3A_1713 = arith.constant 0 : i32
    %dma_wait3A_1714 = tpu.memref_slice %arg4[%add3A_1710, %dma_wait3A_1712, %dma_wait3A_1713] : memref<64x128x4096xf32, #tpu.memory_space<hbm>> -> memref<1x8x4096xf32, #tpu.memory_space<hbm>>
    %dma_wait3A_1715 = tpu.memref_squeeze %dma_wait3A_1714 : memref<1x8x4096xf32, #tpu.memory_space<hbm>> -> memref<8x4096xf32, #tpu.memory_space<hbm>>
    %dma_wait3A_1716 = arith.constant 0 : i32
    %dma_wait3A_1717 = arith.constant 0 : i32
    %dma_wait3A_1718 = tpu.memref_slice %arg5[%arg1, %dma_wait3A_1711, %dma_wait3A_1716, %dma_wait3A_1717] : memref<16x3x8x4096xf32, #tpu.memory_space<vmem_shared>> -> memref<1x1x8x4096xf32, #tpu.memory_space<vmem_shared>>
    %dma_wait3A_1719 = tpu.memref_squeeze %dma_wait3A_1718 : memref<1x1x8x4096xf32, #tpu.memory_space<vmem_shared>> -> memref<8x4096xf32, #tpu.memory_space<vmem_shared>>
    tpu.wait_dma2 semaphore(%arg13 : memref<!tpu.dma_semaphore, #tpu.memory_space<semaphore_mem>>) src(%dma_wait3A_1719 : memref<8x4096xf32, #tpu.memory_space<vmem_shared>>) dst(%dma_wait3A_1715 : memref<8x4096xf32, #tpu.memory_space<hbm>>)
    %mul3A_1720 = arith.constant 2 : i32
    %mul3A_1721 = arith.muli %add3A, %mul3A_1720 : i32
    %add3A_1722 = arith.constant 1 : i32
    %add3A_1723 = arith.addi %mul3A_1721, %add3A_1722 : i32
    %dma_start3A_1724 = arith.constant 2 : i32
    %dma_start3A_1725 = arith.constant 0 : i32
    %dma_start3A_1726 = arith.constant 0 : i32
    %dma_start3A_1727 = tpu.memref_slice %arg5[%arg1, %dma_start3A_1724, %dma_start3A_1725, %dma_start3A_1726] : memref<16x3x8x4096xf32, #tpu.memory_space<vmem_shared>> -> memref<1x1x8x4096xf32, #tpu.memory_space<vmem_shared>>
    %dma_start3A_1728 = tpu.memref_squeeze %dma_start3A_1727 : memref<1x1x8x4096xf32, #tpu.memory_space<vmem_shared>> -> memref<8x4096xf32, #tpu.memory_space<vmem_shared>>
    %dma_start3A_1729 = arith.constant 104 : i32
    %dma_start3A_1730 = arith.constant 0 : i32
    %dma_start3A_1731 = tpu.memref_slice %arg2[%add3A_1723, %dma_start3A_1729, %dma_start3A_1730] : memref<64x128x4096xf32, #tpu.memory_space<hbm>> -> memref<1x8x4096xf32, #tpu.memory_space<hbm>>
    %dma_start3A_1732 = tpu.memref_squeeze %dma_start3A_1731 : memref<1x8x4096xf32, #tpu.memory_space<hbm>> -> memref<8x4096xf32, #tpu.memory_space<hbm>>
    tpu.enqueue_dma source(%dma_start3A_1732 : memref<8x4096xf32, #tpu.memory_space<hbm>>) target(%dma_start3A_1728 : memref<8x4096xf32, #tpu.memory_space<vmem_shared>>) target_semaphore(%arg10 : memref<!tpu.dma_semaphore, #tpu.memory_space<semaphore_mem>>)
    %mul3A_1733 = arith.constant 2 : i32
    %mul3A_1734 = arith.muli %add3A, %mul3A_1733 : i32
    %add3A_1735 = arith.constant 1 : i32
    %add3A_1736 = arith.addi %mul3A_1734, %add3A_1735 : i32
    %dma_wait3A_1737 = arith.constant 1 : i32
    %dma_wait3A_1738 = arith.constant 0 : i32
    %dma_wait3A_1739 = arith.constant 0 : i32
    %dma_wait3A_1740 = tpu.memref_slice %arg5[%arg1, %dma_wait3A_1737, %dma_wait3A_1738, %dma_wait3A_1739] : memref<16x3x8x4096xf32, #tpu.memory_space<vmem_shared>> -> memref<1x1x8x4096xf32, #tpu.memory_space<vmem_shared>>
    %dma_wait3A_1741 = tpu.memref_squeeze %dma_wait3A_1740 : memref<1x1x8x4096xf32, #tpu.memory_space<vmem_shared>> -> memref<8x4096xf32, #tpu.memory_space<vmem_shared>>
    %dma_wait3A_1742 = arith.constant 96 : i32
    %dma_wait3A_1743 = arith.constant 0 : i32
    %dma_wait3A_1744 = tpu.memref_slice %arg2[%add3A_1736, %dma_wait3A_1742, %dma_wait3A_1743] : memref<64x128x4096xf32, #tpu.memory_space<hbm>> -> memref<1x8x4096xf32, #tpu.memory_space<hbm>>
    %dma_wait3A_1745 = tpu.memref_squeeze %dma_wait3A_1744 : memref<1x8x4096xf32, #tpu.memory_space<hbm>> -> memref<8x4096xf32, #tpu.memory_space<hbm>>
    tpu.wait_dma2 semaphore(%arg9 : memref<!tpu.dma_semaphore, #tpu.memory_space<semaphore_mem>>) src(%dma_wait3A_1745 : memref<8x4096xf32, #tpu.memory_space<hbm>>) dst(%dma_wait3A_1741 : memref<8x4096xf32, #tpu.memory_space<vmem_shared>>)
    %mul3A_1746 = arith.constant 2 : i32
    %mul3A_1747 = arith.muli %add3A, %mul3A_1746 : i32
    %add3A_1748 = arith.constant 1 : i32
    %add3A_1749 = arith.addi %mul3A_1747, %add3A_1748 : i32
    %dma_start3A_1750 = arith.constant 1 : i32
    %dma_start3A_1751 = arith.constant 96 : i32
    %dma_start3A_1752 = arith.constant 0 : i32
    %dma_start3A_1753 = tpu.memref_slice %arg4[%add3A_1749, %dma_start3A_1751, %dma_start3A_1752] : memref<64x128x4096xf32, #tpu.memory_space<hbm>> -> memref<1x8x4096xf32, #tpu.memory_space<hbm>>
    %dma_start3A_1754 = tpu.memref_squeeze %dma_start3A_1753 : memref<1x8x4096xf32, #tpu.memory_space<hbm>> -> memref<8x4096xf32, #tpu.memory_space<hbm>>
    %dma_start3A_1755 = arith.constant 0 : i32
    %dma_start3A_1756 = arith.constant 0 : i32
    %dma_start3A_1757 = tpu.memref_slice %arg5[%arg1, %dma_start3A_1750, %dma_start3A_1755, %dma_start3A_1756] : memref<16x3x8x4096xf32, #tpu.memory_space<vmem_shared>> -> memref<1x1x8x4096xf32, #tpu.memory_space<vmem_shared>>
    %dma_start3A_1758 = tpu.memref_squeeze %dma_start3A_1757 : memref<1x1x8x4096xf32, #tpu.memory_space<vmem_shared>> -> memref<8x4096xf32, #tpu.memory_space<vmem_shared>>
    tpu.enqueue_dma source(%dma_start3A_1758 : memref<8x4096xf32, #tpu.memory_space<vmem_shared>>) target(%dma_start3A_1754 : memref<8x4096xf32, #tpu.memory_space<hbm>>) target_semaphore(%arg12 : memref<!tpu.dma_semaphore, #tpu.memory_space<semaphore_mem>>)
    %mul3A_1759 = arith.constant 2 : i32
    %mul3A_1760 = arith.muli %add3A, %mul3A_1759 : i32
    %add3A_1761 = arith.constant 1 : i32
    %add3A_1762 = arith.addi %mul3A_1760, %add3A_1761 : i32
    %dma_wait3A_1763 = arith.constant 0 : i32
    %dma_wait3A_1764 = arith.constant 88 : i32
    %dma_wait3A_1765 = arith.constant 0 : i32
    %dma_wait3A_1766 = tpu.memref_slice %arg4[%add3A_1762, %dma_wait3A_1764, %dma_wait3A_1765] : memref<64x128x4096xf32, #tpu.memory_space<hbm>> -> memref<1x8x4096xf32, #tpu.memory_space<hbm>>
    %dma_wait3A_1767 = tpu.memref_squeeze %dma_wait3A_1766 : memref<1x8x4096xf32, #tpu.memory_space<hbm>> -> memref<8x4096xf32, #tpu.memory_space<hbm>>
    %dma_wait3A_1768 = arith.constant 0 : i32
    %dma_wait3A_1769 = arith.constant 0 : i32
    %dma_wait3A_1770 = tpu.memref_slice %arg5[%arg1, %dma_wait3A_1763, %dma_wait3A_1768, %dma_wait3A_1769] : memref<16x3x8x4096xf32, #tpu.memory_space<vmem_shared>> -> memref<1x1x8x4096xf32, #tpu.memory_space<vmem_shared>>
    %dma_wait3A_1771 = tpu.memref_squeeze %dma_wait3A_1770 : memref<1x1x8x4096xf32, #tpu.memory_space<vmem_shared>> -> memref<8x4096xf32, #tpu.memory_space<vmem_shared>>
    tpu.wait_dma2 semaphore(%arg11 : memref<!tpu.dma_semaphore, #tpu.memory_space<semaphore_mem>>) src(%dma_wait3A_1771 : memref<8x4096xf32, #tpu.memory_space<vmem_shared>>) dst(%dma_wait3A_1767 : memref<8x4096xf32, #tpu.memory_space<hbm>>)
    %mul3A_1772 = arith.constant 2 : i32
    %mul3A_1773 = arith.muli %add3A, %mul3A_1772 : i32
    %add3A_1774 = arith.constant 1 : i32
    %add3A_1775 = arith.addi %mul3A_1773, %add3A_1774 : i32
    %dma_start3A_1776 = arith.constant 0 : i32
    %dma_start3A_1777 = arith.constant 0 : i32
    %dma_start3A_1778 = arith.constant 0 : i32
    %dma_start3A_1779 = tpu.memref_slice %arg5[%arg1, %dma_start3A_1776, %dma_start3A_1777, %dma_start3A_1778] : memref<16x3x8x4096xf32, #tpu.memory_space<vmem_shared>> -> memref<1x1x8x4096xf32, #tpu.memory_space<vmem_shared>>
    %dma_start3A_1780 = tpu.memref_squeeze %dma_start3A_1779 : memref<1x1x8x4096xf32, #tpu.memory_space<vmem_shared>> -> memref<8x4096xf32, #tpu.memory_space<vmem_shared>>
    %dma_start3A_1781 = arith.constant 112 : i32
    %dma_start3A_1782 = arith.constant 0 : i32
    %dma_start3A_1783 = tpu.memref_slice %arg2[%add3A_1775, %dma_start3A_1781, %dma_start3A_1782] : memref<64x128x4096xf32, #tpu.memory_space<hbm>> -> memref<1x8x4096xf32, #tpu.memory_space<hbm>>
    %dma_start3A_1784 = tpu.memref_squeeze %dma_start3A_1783 : memref<1x8x4096xf32, #tpu.memory_space<hbm>> -> memref<8x4096xf32, #tpu.memory_space<hbm>>
    tpu.enqueue_dma source(%dma_start3A_1784 : memref<8x4096xf32, #tpu.memory_space<hbm>>) target(%dma_start3A_1780 : memref<8x4096xf32, #tpu.memory_space<vmem_shared>>) target_semaphore(%arg8 : memref<!tpu.dma_semaphore, #tpu.memory_space<semaphore_mem>>)
    %mul3A_1785 = arith.constant 2 : i32
    %mul3A_1786 = arith.muli %add3A, %mul3A_1785 : i32
    %add3A_1787 = arith.constant 1 : i32
    %add3A_1788 = arith.addi %mul3A_1786, %add3A_1787 : i32
    %dma_wait3A_1789 = arith.constant 2 : i32
    %dma_wait3A_1790 = arith.constant 0 : i32
    %dma_wait3A_1791 = arith.constant 0 : i32
    %dma_wait3A_1792 = tpu.memref_slice %arg5[%arg1, %dma_wait3A_1789, %dma_wait3A_1790, %dma_wait3A_1791] : memref<16x3x8x4096xf32, #tpu.memory_space<vmem_shared>> -> memref<1x1x8x4096xf32, #tpu.memory_space<vmem_shared>>
    %dma_wait3A_1793 = tpu.memref_squeeze %dma_wait3A_1792 : memref<1x1x8x4096xf32, #tpu.memory_space<vmem_shared>> -> memref<8x4096xf32, #tpu.memory_space<vmem_shared>>
    %dma_wait3A_1794 = arith.constant 104 : i32
    %dma_wait3A_1795 = arith.constant 0 : i32
    %dma_wait3A_1796 = tpu.memref_slice %arg2[%add3A_1788, %dma_wait3A_1794, %dma_wait3A_1795] : memref<64x128x4096xf32, #tpu.memory_space<hbm>> -> memref<1x8x4096xf32, #tpu.memory_space<hbm>>
    %dma_wait3A_1797 = tpu.memref_squeeze %dma_wait3A_1796 : memref<1x8x4096xf32, #tpu.memory_space<hbm>> -> memref<8x4096xf32, #tpu.memory_space<hbm>>
    tpu.wait_dma2 semaphore(%arg10 : memref<!tpu.dma_semaphore, #tpu.memory_space<semaphore_mem>>) src(%dma_wait3A_1797 : memref<8x4096xf32, #tpu.memory_space<hbm>>) dst(%dma_wait3A_1793 : memref<8x4096xf32, #tpu.memory_space<vmem_shared>>)
    %mul3A_1798 = arith.constant 2 : i32
    %mul3A_1799 = arith.muli %add3A, %mul3A_1798 : i32
    %add3A_1800 = arith.constant 1 : i32
    %add3A_1801 = arith.addi %mul3A_1799, %add3A_1800 : i32
    %dma_start3A_1802 = arith.constant 2 : i32
    %dma_start3A_1803 = arith.constant 104 : i32
    %dma_start3A_1804 = arith.constant 0 : i32
    %dma_start3A_1805 = tpu.memref_slice %arg4[%add3A_1801, %dma_start3A_1803, %dma_start3A_1804] : memref<64x128x4096xf32, #tpu.memory_space<hbm>> -> memref<1x8x4096xf32, #tpu.memory_space<hbm>>
    %dma_start3A_1806 = tpu.memref_squeeze %dma_start3A_1805 : memref<1x8x4096xf32, #tpu.memory_space<hbm>> -> memref<8x4096xf32, #tpu.memory_space<hbm>>
    %dma_start3A_1807 = arith.constant 0 : i32
    %dma_start3A_1808 = arith.constant 0 : i32
    %dma_start3A_1809 = tpu.memref_slice %arg5[%arg1, %dma_start3A_1802, %dma_start3A_1807, %dma_start3A_1808] : memref<16x3x8x4096xf32, #tpu.memory_space<vmem_shared>> -> memref<1x1x8x4096xf32, #tpu.memory_space<vmem_shared>>
    %dma_start3A_1810 = tpu.memref_squeeze %dma_start3A_1809 : memref<1x1x8x4096xf32, #tpu.memory_space<vmem_shared>> -> memref<8x4096xf32, #tpu.memory_space<vmem_shared>>
    tpu.enqueue_dma source(%dma_start3A_1810 : memref<8x4096xf32, #tpu.memory_space<vmem_shared>>) target(%dma_start3A_1806 : memref<8x4096xf32, #tpu.memory_space<hbm>>) target_semaphore(%arg13 : memref<!tpu.dma_semaphore, #tpu.memory_space<semaphore_mem>>)
    %mul3A_1811 = arith.constant 2 : i32
    %mul3A_1812 = arith.muli %add3A, %mul3A_1811 : i32
    %add3A_1813 = arith.constant 1 : i32
    %add3A_1814 = arith.addi %mul3A_1812, %add3A_1813 : i32
    %dma_wait3A_1815 = arith.constant 1 : i32
    %dma_wait3A_1816 = arith.constant 96 : i32
    %dma_wait3A_1817 = arith.constant 0 : i32
    %dma_wait3A_1818 = tpu.memref_slice %arg4[%add3A_1814, %dma_wait3A_1816, %dma_wait3A_1817] : memref<64x128x4096xf32, #tpu.memory_space<hbm>> -> memref<1x8x4096xf32, #tpu.memory_space<hbm>>
    %dma_wait3A_1819 = tpu.memref_squeeze %dma_wait3A_1818 : memref<1x8x4096xf32, #tpu.memory_space<hbm>> -> memref<8x4096xf32, #tpu.memory_space<hbm>>
    %dma_wait3A_1820 = arith.constant 0 : i32
    %dma_wait3A_1821 = arith.constant 0 : i32
    %dma_wait3A_1822 = tpu.memref_slice %arg5[%arg1, %dma_wait3A_1815, %dma_wait3A_1820, %dma_wait3A_1821] : memref<16x3x8x4096xf32, #tpu.memory_space<vmem_shared>> -> memref<1x1x8x4096xf32, #tpu.memory_space<vmem_shared>>
    %dma_wait3A_1823 = tpu.memref_squeeze %dma_wait3A_1822 : memref<1x1x8x4096xf32, #tpu.memory_space<vmem_shared>> -> memref<8x4096xf32, #tpu.memory_space<vmem_shared>>
    tpu.wait_dma2 semaphore(%arg12 : memref<!tpu.dma_semaphore, #tpu.memory_space<semaphore_mem>>) src(%dma_wait3A_1823 : memref<8x4096xf32, #tpu.memory_space<vmem_shared>>) dst(%dma_wait3A_1819 : memref<8x4096xf32, #tpu.memory_space<hbm>>)
    %mul3A_1824 = arith.constant 2 : i32
    %mul3A_1825 = arith.muli %add3A, %mul3A_1824 : i32
    %add3A_1826 = arith.constant 1 : i32
    %add3A_1827 = arith.addi %mul3A_1825, %add3A_1826 : i32
    %dma_start3A_1828 = arith.constant 1 : i32
    %dma_start3A_1829 = arith.constant 0 : i32
    %dma_start3A_1830 = arith.constant 0 : i32
    %dma_start3A_1831 = tpu.memref_slice %arg5[%arg1, %dma_start3A_1828, %dma_start3A_1829, %dma_start3A_1830] : memref<16x3x8x4096xf32, #tpu.memory_space<vmem_shared>> -> memref<1x1x8x4096xf32, #tpu.memory_space<vmem_shared>>
    %dma_start3A_1832 = tpu.memref_squeeze %dma_start3A_1831 : memref<1x1x8x4096xf32, #tpu.memory_space<vmem_shared>> -> memref<8x4096xf32, #tpu.memory_space<vmem_shared>>
    %dma_start3A_1833 = arith.constant 120 : i32
    %dma_start3A_1834 = arith.constant 0 : i32
    %dma_start3A_1835 = tpu.memref_slice %arg2[%add3A_1827, %dma_start3A_1833, %dma_start3A_1834] : memref<64x128x4096xf32, #tpu.memory_space<hbm>> -> memref<1x8x4096xf32, #tpu.memory_space<hbm>>
    %dma_start3A_1836 = tpu.memref_squeeze %dma_start3A_1835 : memref<1x8x4096xf32, #tpu.memory_space<hbm>> -> memref<8x4096xf32, #tpu.memory_space<hbm>>
    tpu.enqueue_dma source(%dma_start3A_1836 : memref<8x4096xf32, #tpu.memory_space<hbm>>) target(%dma_start3A_1832 : memref<8x4096xf32, #tpu.memory_space<vmem_shared>>) target_semaphore(%arg9 : memref<!tpu.dma_semaphore, #tpu.memory_space<semaphore_mem>>)
    %mul3A_1837 = arith.constant 2 : i32
    %mul3A_1838 = arith.muli %add3A, %mul3A_1837 : i32
    %add3A_1839 = arith.constant 1 : i32
    %add3A_1840 = arith.addi %mul3A_1838, %add3A_1839 : i32
    %dma_wait3A_1841 = arith.constant 0 : i32
    %dma_wait3A_1842 = arith.constant 0 : i32
    %dma_wait3A_1843 = arith.constant 0 : i32
    %dma_wait3A_1844 = tpu.memref_slice %arg5[%arg1, %dma_wait3A_1841, %dma_wait3A_1842, %dma_wait3A_1843] : memref<16x3x8x4096xf32, #tpu.memory_space<vmem_shared>> -> memref<1x1x8x4096xf32, #tpu.memory_space<vmem_shared>>
    %dma_wait3A_1845 = tpu.memref_squeeze %dma_wait3A_1844 : memref<1x1x8x4096xf32, #tpu.memory_space<vmem_shared>> -> memref<8x4096xf32, #tpu.memory_space<vmem_shared>>
    %dma_wait3A_1846 = arith.constant 112 : i32
    %dma_wait3A_1847 = arith.constant 0 : i32
    %dma_wait3A_1848 = tpu.memref_slice %arg2[%add3A_1840, %dma_wait3A_1846, %dma_wait3A_1847] : memref<64x128x4096xf32, #tpu.memory_space<hbm>> -> memref<1x8x4096xf32, #tpu.memory_space<hbm>>
    %dma_wait3A_1849 = tpu.memref_squeeze %dma_wait3A_1848 : memref<1x8x4096xf32, #tpu.memory_space<hbm>> -> memref<8x4096xf32, #tpu.memory_space<hbm>>
    tpu.wait_dma2 semaphore(%arg8 : memref<!tpu.dma_semaphore, #tpu.memory_space<semaphore_mem>>) src(%dma_wait3A_1849 : memref<8x4096xf32, #tpu.memory_space<hbm>>) dst(%dma_wait3A_1845 : memref<8x4096xf32, #tpu.memory_space<vmem_shared>>)
    %mul3A_1850 = arith.constant 2 : i32
    %mul3A_1851 = arith.muli %add3A, %mul3A_1850 : i32
    %add3A_1852 = arith.constant 1 : i32
    %add3A_1853 = arith.addi %mul3A_1851, %add3A_1852 : i32
    %dma_start3A_1854 = arith.constant 0 : i32
    %dma_start3A_1855 = arith.constant 112 : i32
    %dma_start3A_1856 = arith.constant 0 : i32
    %dma_start3A_1857 = tpu.memref_slice %arg4[%add3A_1853, %dma_start3A_1855, %dma_start3A_1856] : memref<64x128x4096xf32, #tpu.memory_space<hbm>> -> memref<1x8x4096xf32, #tpu.memory_space<hbm>>
    %dma_start3A_1858 = tpu.memref_squeeze %dma_start3A_1857 : memref<1x8x4096xf32, #tpu.memory_space<hbm>> -> memref<8x4096xf32, #tpu.memory_space<hbm>>
    %dma_start3A_1859 = arith.constant 0 : i32
    %dma_start3A_1860 = arith.constant 0 : i32
    %dma_start3A_1861 = tpu.memref_slice %arg5[%arg1, %dma_start3A_1854, %dma_start3A_1859, %dma_start3A_1860] : memref<16x3x8x4096xf32, #tpu.memory_space<vmem_shared>> -> memref<1x1x8x4096xf32, #tpu.memory_space<vmem_shared>>
    %dma_start3A_1862 = tpu.memref_squeeze %dma_start3A_1861 : memref<1x1x8x4096xf32, #tpu.memory_space<vmem_shared>> -> memref<8x4096xf32, #tpu.memory_space<vmem_shared>>
    tpu.enqueue_dma source(%dma_start3A_1862 : memref<8x4096xf32, #tpu.memory_space<vmem_shared>>) target(%dma_start3A_1858 : memref<8x4096xf32, #tpu.memory_space<hbm>>) target_semaphore(%arg11 : memref<!tpu.dma_semaphore, #tpu.memory_space<semaphore_mem>>)
    %mul3A_1863 = arith.constant 2 : i32
    %mul3A_1864 = arith.muli %add3A, %mul3A_1863 : i32
    %add3A_1865 = arith.constant 1 : i32
    %add3A_1866 = arith.addi %mul3A_1864, %add3A_1865 : i32
    %dma_wait3A_1867 = arith.constant 1 : i32
    %dma_wait3A_1868 = arith.constant 0 : i32
    %dma_wait3A_1869 = arith.constant 0 : i32
    %dma_wait3A_1870 = tpu.memref_slice %arg5[%arg1, %dma_wait3A_1867, %dma_wait3A_1868, %dma_wait3A_1869] : memref<16x3x8x4096xf32, #tpu.memory_space<vmem_shared>> -> memref<1x1x8x4096xf32, #tpu.memory_space<vmem_shared>>
    %dma_wait3A_1871 = tpu.memref_squeeze %dma_wait3A_1870 : memref<1x1x8x4096xf32, #tpu.memory_space<vmem_shared>> -> memref<8x4096xf32, #tpu.memory_space<vmem_shared>>
    %dma_wait3A_1872 = arith.constant 120 : i32
    %dma_wait3A_1873 = arith.constant 0 : i32
    %dma_wait3A_1874 = tpu.memref_slice %arg2[%add3A_1866, %dma_wait3A_1872, %dma_wait3A_1873] : memref<64x128x4096xf32, #tpu.memory_space<hbm>> -> memref<1x8x4096xf32, #tpu.memory_space<hbm>>
    %dma_wait3A_1875 = tpu.memref_squeeze %dma_wait3A_1874 : memref<1x8x4096xf32, #tpu.memory_space<hbm>> -> memref<8x4096xf32, #tpu.memory_space<hbm>>
    tpu.wait_dma2 semaphore(%arg9 : memref<!tpu.dma_semaphore, #tpu.memory_space<semaphore_mem>>) src(%dma_wait3A_1875 : memref<8x4096xf32, #tpu.memory_space<hbm>>) dst(%dma_wait3A_1871 : memref<8x4096xf32, #tpu.memory_space<vmem_shared>>)
    %mul3A_1876 = arith.constant 2 : i32
    %mul3A_1877 = arith.muli %add3A, %mul3A_1876 : i32
    %add3A_1878 = arith.constant 1 : i32
    %add3A_1879 = arith.addi %mul3A_1877, %add3A_1878 : i32
    %dma_start3A_1880 = arith.constant 1 : i32
    %dma_start3A_1881 = arith.constant 120 : i32
    %dma_start3A_1882 = arith.constant 0 : i32
    %dma_start3A_1883 = tpu.memref_slice %arg4[%add3A_1879, %dma_start3A_1881, %dma_start3A_1882] : memref<64x128x4096xf32, #tpu.memory_space<hbm>> -> memref<1x8x4096xf32, #tpu.memory_space<hbm>>
    %dma_start3A_1884 = tpu.memref_squeeze %dma_start3A_1883 : memref<1x8x4096xf32, #tpu.memory_space<hbm>> -> memref<8x4096xf32, #tpu.memory_space<hbm>>
    %dma_start3A_1885 = arith.constant 0 : i32
    %dma_start3A_1886 = arith.constant 0 : i32
    %dma_start3A_1887 = tpu.memref_slice %arg5[%arg1, %dma_start3A_1880, %dma_start3A_1885, %dma_start3A_1886] : memref<16x3x8x4096xf32, #tpu.memory_space<vmem_shared>> -> memref<1x1x8x4096xf32, #tpu.memory_space<vmem_shared>>
    %dma_start3A_1888 = tpu.memref_squeeze %dma_start3A_1887 : memref<1x1x8x4096xf32, #tpu.memory_space<vmem_shared>> -> memref<8x4096xf32, #tpu.memory_space<vmem_shared>>
    tpu.enqueue_dma source(%dma_start3A_1888 : memref<8x4096xf32, #tpu.memory_space<vmem_shared>>) target(%dma_start3A_1884 : memref<8x4096xf32, #tpu.memory_space<hbm>>) target_semaphore(%arg12 : memref<!tpu.dma_semaphore, #tpu.memory_space<semaphore_mem>>)
    %mul3A_1889 = arith.constant 2 : i32
    %mul3A_1890 = arith.muli %add3A, %mul3A_1889 : i32
    %add3A_1891 = arith.constant 1 : i32
    %add3A_1892 = arith.addi %mul3A_1890, %add3A_1891 : i32
    %dma_wait3A_1893 = arith.constant 0 : i32
    %dma_wait3A_1894 = arith.constant 112 : i32
    %dma_wait3A_1895 = arith.constant 0 : i32
    %dma_wait3A_1896 = tpu.memref_slice %arg4[%add3A_1892, %dma_wait3A_1894, %dma_wait3A_1895] : memref<64x128x4096xf32, #tpu.memory_space<hbm>> -> memref<1x8x4096xf32, #tpu.memory_space<hbm>>
    %dma_wait3A_1897 = tpu.memref_squeeze %dma_wait3A_1896 : memref<1x8x4096xf32, #tpu.memory_space<hbm>> -> memref<8x4096xf32, #tpu.memory_space<hbm>>
    %dma_wait3A_1898 = arith.constant 0 : i32
    %dma_wait3A_1899 = arith.constant 0 : i32
    %dma_wait3A_1900 = tpu.memref_slice %arg5[%arg1, %dma_wait3A_1893, %dma_wait3A_1898, %dma_wait3A_1899] : memref<16x3x8x4096xf32, #tpu.memory_space<vmem_shared>> -> memref<1x1x8x4096xf32, #tpu.memory_space<vmem_shared>>
    %dma_wait3A_1901 = tpu.memref_squeeze %dma_wait3A_1900 : memref<1x1x8x4096xf32, #tpu.memory_space<vmem_shared>> -> memref<8x4096xf32, #tpu.memory_space<vmem_shared>>
    tpu.wait_dma2 semaphore(%arg11 : memref<!tpu.dma_semaphore, #tpu.memory_space<semaphore_mem>>) src(%dma_wait3A_1901 : memref<8x4096xf32, #tpu.memory_space<vmem_shared>>) dst(%dma_wait3A_1897 : memref<8x4096xf32, #tpu.memory_space<hbm>>)
    %mul3A_1902 = arith.constant 2 : i32
    %mul3A_1903 = arith.muli %add3A, %mul3A_1902 : i32
    %add3A_1904 = arith.constant 1 : i32
    %add3A_1905 = arith.addi %mul3A_1903, %add3A_1904 : i32
    %dma_wait3A_1906 = arith.constant 1 : i32
    %dma_wait3A_1907 = arith.constant 120 : i32
    %dma_wait3A_1908 = arith.constant 0 : i32
    %dma_wait3A_1909 = tpu.memref_slice %arg4[%add3A_1905, %dma_wait3A_1907, %dma_wait3A_1908] : memref<64x128x4096xf32, #tpu.memory_space<hbm>> -> memref<1x8x4096xf32, #tpu.memory_space<hbm>>
    %dma_wait3A_1910 = tpu.memref_squeeze %dma_wait3A_1909 : memref<1x8x4096xf32, #tpu.memory_space<hbm>> -> memref<8x4096xf32, #tpu.memory_space<hbm>>
    %dma_wait3A_1911 = arith.constant 0 : i32
    %dma_wait3A_1912 = arith.constant 0 : i32
    %dma_wait3A_1913 = tpu.memref_slice %arg5[%arg1, %dma_wait3A_1906, %dma_wait3A_1911, %dma_wait3A_1912] : memref<16x3x8x4096xf32, #tpu.memory_space<vmem_shared>> -> memref<1x1x8x4096xf32, #tpu.memory_space<vmem_shared>>
    %dma_wait3A_1914 = tpu.memref_squeeze %dma_wait3A_1913 : memref<1x1x8x4096xf32, #tpu.memory_space<vmem_shared>> -> memref<8x4096xf32, #tpu.memory_space<vmem_shared>>
    tpu.wait_dma2 semaphore(%arg12 : memref<!tpu.dma_semaphore, #tpu.memory_space<semaphore_mem>>) src(%dma_wait3A_1914 : memref<8x4096xf32, #tpu.memory_space<vmem_shared>>) dst(%dma_wait3A_1910 : memref<8x4096xf32, #tpu.memory_space<hbm>>)
    %mul3A_1915 = arith.constant 2 : i32
    %mul3A_1916 = arith.muli %add3A, %mul3A_1915 : i32
    %add3A_1917 = arith.constant 1 : i32
    %add3A_1918 = arith.addi %mul3A_1916, %add3A_1917 : i32
    %dma_start3A_1919 = tpu.memref_slice %arg4[%add3A_1918, %multiple_of3A_45, %multiple_of3A_50] : memref<64x128x4096xf32, #tpu.memory_space<hbm>> -> memref<1x72x256xf32, #tpu.memory_space<hbm>>
    %dma_start3A_1920 = tpu.memref_squeeze %dma_start3A_1919 : memref<1x72x256xf32, #tpu.memory_space<hbm>> -> memref<72x256xf32, #tpu.memory_space<hbm>>
    %dma_start3A_1921 = tpu.memref_slice %arg4[%add3A_1918, %multiple_of3A_45, %multiple_of3A_50] : memref<64x128x4096xf32, #tpu.memory_space<hbm>> -> memref<1x72x256xf32, #tpu.memory_space<hbm>>
    %dma_start3A_1922 = tpu.memref_squeeze %dma_start3A_1921 : memref<1x72x256xf32, #tpu.memory_space<hbm>> -> memref<72x256xf32, #tpu.memory_space<hbm>>
    tpu.enqueue_dma source(%arg6 : memref<72x256xf32, #tpu.memory_space<vmem>>) target(%dma_start3A_1922 : memref<72x256xf32, #tpu.memory_space<hbm>>) target_semaphore(%arg15 : memref<!tpu.dma_semaphore, #tpu.memory_space<semaphore_mem>>)
    %mul3A_1923 = arith.constant 2 : i32
    %mul3A_1924 = arith.muli %add3A, %mul3A_1923 : i32
    %add3A_1925 = arith.constant 1 : i32
    %add3A_1926 = arith.addi %mul3A_1924, %add3A_1925 : i32
    %dma_wait3A_1927 = tpu.memref_slice %arg4[%add3A_1926, %multiple_of3A_45, %multiple_of3A_50] : memref<64x128x4096xf32, #tpu.memory_space<hbm>> -> memref<1x72x256xf32, #tpu.memory_space<hbm>>
    %dma_wait3A_1928 = tpu.memref_squeeze %dma_wait3A_1927 : memref<1x72x256xf32, #tpu.memory_space<hbm>> -> memref<72x256xf32, #tpu.memory_space<hbm>>
    %dma_wait3A_1929 = tpu.memref_slice %arg4[%add3A_1926, %multiple_of3A_45, %multiple_of3A_50] : memref<64x128x4096xf32, #tpu.memory_space<hbm>> -> memref<1x72x256xf32, #tpu.memory_space<hbm>>
    %dma_wait3A_1930 = tpu.memref_squeeze %dma_wait3A_1929 : memref<1x72x256xf32, #tpu.memory_space<hbm>> -> memref<72x256xf32, #tpu.memory_space<hbm>>
    tpu.wait_dma2 semaphore(%arg15 : memref<!tpu.dma_semaphore, #tpu.memory_space<semaphore_mem>>) src(%arg6 : memref<72x256xf32, #tpu.memory_space<vmem>>) dst(%dma_wait3A_1930 : memref<72x256xf32, #tpu.memory_space<hbm>>)
    %mul3A_1931 = arith.constant 2 : i32
    %mul3A_1932 = arith.muli %add3A, %mul3A_1931 : i32
    %add3A_1933 = arith.constant 1 : i32
    %add3A_1934 = arith.addi %mul3A_1932, %add3A_1933 : i32
    %dma_start3A_1935 = tpu.memref_slice %arg2[%add3A_1934, %multiple_of3A_59, %multiple_of3A_64] : memref<64x128x4096xf32, #tpu.memory_space<hbm>> -> memref<1x72x256xf32, #tpu.memory_space<hbm>>
    %dma_start3A_1936 = tpu.memref_squeeze %dma_start3A_1935 : memref<1x72x256xf32, #tpu.memory_space<hbm>> -> memref<72x256xf32, #tpu.memory_space<hbm>>
    %dma_start3A_1937 = tpu.memref_slice %arg2[%add3A_1934, %multiple_of3A_59, %multiple_of3A_64] : memref<64x128x4096xf32, #tpu.memory_space<hbm>> -> memref<1x72x256xf32, #tpu.memory_space<hbm>>
    %dma_start3A_1938 = tpu.memref_squeeze %dma_start3A_1937 : memref<1x72x256xf32, #tpu.memory_space<hbm>> -> memref<72x256xf32, #tpu.memory_space<hbm>>
    tpu.enqueue_dma source(%dma_start3A_1938 : memref<72x256xf32, #tpu.memory_space<hbm>>) target(%arg6 : memref<72x256xf32, #tpu.memory_space<vmem>>) target_semaphore(%arg14 : memref<!tpu.dma_semaphore, #tpu.memory_space<semaphore_mem>>)
    %mul3A_1939 = arith.constant 2 : i32
    %mul3A_1940 = arith.muli %add3A, %mul3A_1939 : i32
    %add3A_1941 = arith.constant 1 : i32
    %add3A_1942 = arith.addi %mul3A_1940, %add3A_1941 : i32
    %dma_wait3A_1943 = tpu.memref_slice %arg2[%add3A_1942, %multiple_of3A_59, %multiple_of3A_64] : memref<64x128x4096xf32, #tpu.memory_space<hbm>> -> memref<1x72x256xf32, #tpu.memory_space<hbm>>
    %dma_wait3A_1944 = tpu.memref_squeeze %dma_wait3A_1943 : memref<1x72x256xf32, #tpu.memory_space<hbm>> -> memref<72x256xf32, #tpu.memory_space<hbm>>
    %dma_wait3A_1945 = tpu.memref_slice %arg2[%add3A_1942, %multiple_of3A_59, %multiple_of3A_64] : memref<64x128x4096xf32, #tpu.memory_space<hbm>> -> memref<1x72x256xf32, #tpu.memory_space<hbm>>
    %dma_wait3A_1946 = tpu.memref_squeeze %dma_wait3A_1945 : memref<1x72x256xf32, #tpu.memory_space<hbm>> -> memref<72x256xf32, #tpu.memory_space<hbm>>
    tpu.wait_dma2 semaphore(%arg14 : memref<!tpu.dma_semaphore, #tpu.memory_space<semaphore_mem>>) src(%dma_wait3A_1946 : memref<72x256xf32, #tpu.memory_space<hbm>>) dst(%arg6 : memref<72x256xf32, #tpu.memory_space<vmem>>)
    %broadcast_in_dim3A_1947 = arith.constant 0.000000e+00 : f32
    %broadcast_in_dim3A_1948 = vector.broadcast %broadcast_in_dim3A_1947 : f32 to vector<16xf32>
    %iota3A_1949 = tpu.iota {dimensions = array<i32: 0>} : vector<16xi32>
    %sub3A_1950 = arith.subi %squeeze3A_38, %multiple_of3A_59 : i32
    %max3A_1951 = arith.constant 0 : i32
    %max3A_1952 = arith.maxsi %sub3A_1950, %max3A_1951 : i32
    %add3A_1953 = arith.constant 64 : i32
    %add3A_1954 = arith.addi %squeeze3A_38, %add3A_1953 : i32
    %sub3A_1955 = arith.subi %add3A_1954, %multiple_of3A_59 : i32
    %min3A_1956 = arith.constant 72 : i32
    %min3A_1957 = arith.minsi %sub3A_1955, %min3A_1956 : i32
    %sub3A_1958 = arith.subi %squeeze3A_40, %multiple_of3A_64 : i32
    %while3A_1959 = arith.constant 0 : i32
    %while3A_1960 = arith.subi %min3A_1957, %max3A_1952 : i32
    %while3A_1961 = arith.addi %max3A_1952, %while3A_1960 : i32
    %while3A_1962 = arith.constant 1 : i32
    %while3A_1963 = arith.divsi %while3A_1960, %while3A_1962 : i32
    %while3A_1964 = arith.muli %while3A_1963, %while3A_1962 : i32
    %while3A_1965 = arith.addi %max3A_1952, %while3A_1964 : i32
    %while3A_1966 = arith.constant 1 : i32
    scf.for %while3A_2005 = %max3A_1952 to %while3A_1965 step %while3A_1966  : i32 {
      %broadcast_in_dim3A_2006 = vector.broadcast %while3A_2005 : i32 to vector<16xi32>
      %add3A_2007 = arith.constant 0 : i32
      %add3A_2008 = arith.addi %sub3A_1958, %add3A_2007 : i32
      %add3A_2009 = vector.broadcast %add3A_2008 : i32 to vector<16xi32>
      %add3A_2010 = arith.addi %add3A_2009, %iota3A_1949 : vector<16xi32>
      %ge3A = arith.constant 0 : i32
      %ge3A_2011 = vector.broadcast %ge3A : i32 to vector<16xi32>
      %ge3A_2012 = arith.cmpi sge, %add3A_2010, %ge3A_2011 : vector<16xi32>
      %lt3A = arith.constant 256 : i32
      %lt3A_2013 = vector.broadcast %lt3A : i32 to vector<16xi32>
      %lt3A_2014 = arith.cmpi slt, %add3A_2010, %lt3A_2013 : vector<16xi32>
      %and3A_2015 = arith.andi %ge3A_2012, %lt3A_2014 : vector<16xi1>
      %jit3A = arith.constant 0 : i32
      %jit3A_2016 = arith.constant 255 : i32
      %max3A_2017 = vector.broadcast %jit3A : i32 to vector<16xi32>
      %max3A_2018 = arith.maxsi %max3A_2017, %add3A_2010 : vector<16xi32>
      %min3A_2019 = vector.broadcast %jit3A_2016 : i32 to vector<16xi32>
      %min3A_2020 = arith.minsi %min3A_2019, %max3A_2018 : vector<16xi32>
      tpu.vector_store_idx %arg6[%broadcast_in_dim3A_2006, %min3A_2020], %broadcast_in_dim3A_1948 masked %and3A_2015 : memref<72x256xf32, #tpu.memory_space<vmem>>[vector<16xi32>, vector<16xi32>], vector<16xf32>, vector<16xi1>
      %add3A_2021 = arith.constant 16 : i32
      %add3A_2022 = arith.addi %sub3A_1958, %add3A_2021 : i32
      %add3A_2023 = vector.broadcast %add3A_2022 : i32 to vector<16xi32>
      %add3A_2024 = arith.addi %add3A_2023, %iota3A_1949 : vector<16xi32>
      %ge3A_2025 = arith.constant 0 : i32
      %ge3A_2026 = vector.broadcast %ge3A_2025 : i32 to vector<16xi32>
      %ge3A_2027 = arith.cmpi sge, %add3A_2024, %ge3A_2026 : vector<16xi32>
      %lt3A_2028 = arith.constant 256 : i32
      %lt3A_2029 = vector.broadcast %lt3A_2028 : i32 to vector<16xi32>
      %lt3A_2030 = arith.cmpi slt, %add3A_2024, %lt3A_2029 : vector<16xi32>
      %and3A_2031 = arith.andi %ge3A_2027, %lt3A_2030 : vector<16xi1>
      %jit3A_2032 = arith.constant 0 : i32
      %jit3A_2033 = arith.constant 255 : i32
      %max3A_2034 = vector.broadcast %jit3A_2032 : i32 to vector<16xi32>
      %max3A_2035 = arith.maxsi %max3A_2034, %add3A_2024 : vector<16xi32>
      %min3A_2036 = vector.broadcast %jit3A_2033 : i32 to vector<16xi32>
      %min3A_2037 = arith.minsi %min3A_2036, %max3A_2035 : vector<16xi32>
      tpu.vector_store_idx %arg6[%broadcast_in_dim3A_2006, %min3A_2037], %broadcast_in_dim3A_1948 masked %and3A_2031 : memref<72x256xf32, #tpu.memory_space<vmem>>[vector<16xi32>, vector<16xi32>], vector<16xf32>, vector<16xi1>
      %add3A_2038 = arith.constant 32 : i32
      %add3A_2039 = arith.addi %sub3A_1958, %add3A_2038 : i32
      %add3A_2040 = vector.broadcast %add3A_2039 : i32 to vector<16xi32>
      %add3A_2041 = arith.addi %add3A_2040, %iota3A_1949 : vector<16xi32>
      %ge3A_2042 = arith.constant 0 : i32
      %ge3A_2043 = vector.broadcast %ge3A_2042 : i32 to vector<16xi32>
      %ge3A_2044 = arith.cmpi sge, %add3A_2041, %ge3A_2043 : vector<16xi32>
      %lt3A_2045 = arith.constant 256 : i32
      %lt3A_2046 = vector.broadcast %lt3A_2045 : i32 to vector<16xi32>
      %lt3A_2047 = arith.cmpi slt, %add3A_2041, %lt3A_2046 : vector<16xi32>
      %and3A_2048 = arith.andi %ge3A_2044, %lt3A_2047 : vector<16xi1>
      %jit3A_2049 = arith.constant 0 : i32
      %jit3A_2050 = arith.constant 255 : i32
      %max3A_2051 = vector.broadcast %jit3A_2049 : i32 to vector<16xi32>
      %max3A_2052 = arith.maxsi %max3A_2051, %add3A_2041 : vector<16xi32>
      %min3A_2053 = vector.broadcast %jit3A_2050 : i32 to vector<16xi32>
      %min3A_2054 = arith.minsi %min3A_2053, %max3A_2052 : vector<16xi32>
      tpu.vector_store_idx %arg6[%broadcast_in_dim3A_2006, %min3A_2054], %broadcast_in_dim3A_1948 masked %and3A_2048 : memref<72x256xf32, #tpu.memory_space<vmem>>[vector<16xi32>, vector<16xi32>], vector<16xf32>, vector<16xi1>
      %add3A_2055 = arith.constant 48 : i32
      %add3A_2056 = arith.addi %sub3A_1958, %add3A_2055 : i32
      %add3A_2057 = vector.broadcast %add3A_2056 : i32 to vector<16xi32>
      %add3A_2058 = arith.addi %add3A_2057, %iota3A_1949 : vector<16xi32>
      %ge3A_2059 = arith.constant 0 : i32
      %ge3A_2060 = vector.broadcast %ge3A_2059 : i32 to vector<16xi32>
      %ge3A_2061 = arith.cmpi sge, %add3A_2058, %ge3A_2060 : vector<16xi32>
      %lt3A_2062 = arith.constant 256 : i32
      %lt3A_2063 = vector.broadcast %lt3A_2062 : i32 to vector<16xi32>
      %lt3A_2064 = arith.cmpi slt, %add3A_2058, %lt3A_2063 : vector<16xi32>
      %and3A_2065 = arith.andi %ge3A_2061, %lt3A_2064 : vector<16xi1>
      %jit3A_2066 = arith.constant 0 : i32
      %jit3A_2067 = arith.constant 255 : i32
      %max3A_2068 = vector.broadcast %jit3A_2066 : i32 to vector<16xi32>
      %max3A_2069 = arith.maxsi %max3A_2068, %add3A_2058 : vector<16xi32>
      %min3A_2070 = vector.broadcast %jit3A_2067 : i32 to vector<16xi32>
      %min3A_2071 = arith.minsi %min3A_2070, %max3A_2069 : vector<16xi32>
      tpu.vector_store_idx %arg6[%broadcast_in_dim3A_2006, %min3A_2071], %broadcast_in_dim3A_1948 masked %and3A_2065 : memref<72x256xf32, #tpu.memory_space<vmem>>[vector<16xi32>, vector<16xi32>], vector<16xf32>, vector<16xi1>
    }
    %while3A_1967 = arith.constant 1 : i32
    scf.for %while3A_2005 = %while3A_1965 to %while3A_1961 step %while3A_1967  : i32 {
      %broadcast_in_dim3A_2006 = vector.broadcast %while3A_2005 : i32 to vector<16xi32>
      %add3A_2007 = arith.constant 0 : i32
      %add3A_2008 = arith.addi %sub3A_1958, %add3A_2007 : i32
      %add3A_2009 = vector.broadcast %add3A_2008 : i32 to vector<16xi32>
      %add3A_2010 = arith.addi %add3A_2009, %iota3A_1949 : vector<16xi32>
      %ge3A = arith.constant 0 : i32
      %ge3A_2011 = vector.broadcast %ge3A : i32 to vector<16xi32>
      %ge3A_2012 = arith.cmpi sge, %add3A_2010, %ge3A_2011 : vector<16xi32>
      %lt3A = arith.constant 256 : i32
      %lt3A_2013 = vector.broadcast %lt3A : i32 to vector<16xi32>
      %lt3A_2014 = arith.cmpi slt, %add3A_2010, %lt3A_2013 : vector<16xi32>
      %and3A_2015 = arith.andi %ge3A_2012, %lt3A_2014 : vector<16xi1>
      %jit3A = arith.constant 0 : i32
      %jit3A_2016 = arith.constant 255 : i32
      %max3A_2017 = vector.broadcast %jit3A : i32 to vector<16xi32>
      %max3A_2018 = arith.maxsi %max3A_2017, %add3A_2010 : vector<16xi32>
      %min3A_2019 = vector.broadcast %jit3A_2016 : i32 to vector<16xi32>
      %min3A_2020 = arith.minsi %min3A_2019, %max3A_2018 : vector<16xi32>
      tpu.vector_store_idx %arg6[%broadcast_in_dim3A_2006, %min3A_2020], %broadcast_in_dim3A_1948 masked %and3A_2015 : memref<72x256xf32, #tpu.memory_space<vmem>>[vector<16xi32>, vector<16xi32>], vector<16xf32>, vector<16xi1>
      %add3A_2021 = arith.constant 16 : i32
      %add3A_2022 = arith.addi %sub3A_1958, %add3A_2021 : i32
      %add3A_2023 = vector.broadcast %add3A_2022 : i32 to vector<16xi32>
      %add3A_2024 = arith.addi %add3A_2023, %iota3A_1949 : vector<16xi32>
      %ge3A_2025 = arith.constant 0 : i32
      %ge3A_2026 = vector.broadcast %ge3A_2025 : i32 to vector<16xi32>
      %ge3A_2027 = arith.cmpi sge, %add3A_2024, %ge3A_2026 : vector<16xi32>
      %lt3A_2028 = arith.constant 256 : i32
      %lt3A_2029 = vector.broadcast %lt3A_2028 : i32 to vector<16xi32>
      %lt3A_2030 = arith.cmpi slt, %add3A_2024, %lt3A_2029 : vector<16xi32>
      %and3A_2031 = arith.andi %ge3A_2027, %lt3A_2030 : vector<16xi1>
      %jit3A_2032 = arith.constant 0 : i32
      %jit3A_2033 = arith.constant 255 : i32
      %max3A_2034 = vector.broadcast %jit3A_2032 : i32 to vector<16xi32>
      %max3A_2035 = arith.maxsi %max3A_2034, %add3A_2024 : vector<16xi32>
      %min3A_2036 = vector.broadcast %jit3A_2033 : i32 to vector<16xi32>
      %min3A_2037 = arith.minsi %min3A_2036, %max3A_2035 : vector<16xi32>
      tpu.vector_store_idx %arg6[%broadcast_in_dim3A_2006, %min3A_2037], %broadcast_in_dim3A_1948 masked %and3A_2031 : memref<72x256xf32, #tpu.memory_space<vmem>>[vector<16xi32>, vector<16xi32>], vector<16xf32>, vector<16xi1>
      %add3A_2038 = arith.constant 32 : i32
      %add3A_2039 = arith.addi %sub3A_1958, %add3A_2038 : i32
      %add3A_2040 = vector.broadcast %add3A_2039 : i32 to vector<16xi32>
      %add3A_2041 = arith.addi %add3A_2040, %iota3A_1949 : vector<16xi32>
      %ge3A_2042 = arith.constant 0 : i32
      %ge3A_2043 = vector.broadcast %ge3A_2042 : i32 to vector<16xi32>
      %ge3A_2044 = arith.cmpi sge, %add3A_2041, %ge3A_2043 : vector<16xi32>
      %lt3A_2045 = arith.constant 256 : i32
      %lt3A_2046 = vector.broadcast %lt3A_2045 : i32 to vector<16xi32>
      %lt3A_2047 = arith.cmpi slt, %add3A_2041, %lt3A_2046 : vector<16xi32>
      %and3A_2048 = arith.andi %ge3A_2044, %lt3A_2047 : vector<16xi1>
      %jit3A_2049 = arith.constant 0 : i32
      %jit3A_2050 = arith.constant 255 : i32
      %max3A_2051 = vector.broadcast %jit3A_2049 : i32 to vector<16xi32>
      %max3A_2052 = arith.maxsi %max3A_2051, %add3A_2041 : vector<16xi32>
      %min3A_2053 = vector.broadcast %jit3A_2050 : i32 to vector<16xi32>
      %min3A_2054 = arith.minsi %min3A_2053, %max3A_2052 : vector<16xi32>
      tpu.vector_store_idx %arg6[%broadcast_in_dim3A_2006, %min3A_2054], %broadcast_in_dim3A_1948 masked %and3A_2048 : memref<72x256xf32, #tpu.memory_space<vmem>>[vector<16xi32>, vector<16xi32>], vector<16xf32>, vector<16xi1>
      %add3A_2055 = arith.constant 48 : i32
      %add3A_2056 = arith.addi %sub3A_1958, %add3A_2055 : i32
      %add3A_2057 = vector.broadcast %add3A_2056 : i32 to vector<16xi32>
      %add3A_2058 = arith.addi %add3A_2057, %iota3A_1949 : vector<16xi32>
      %ge3A_2059 = arith.constant 0 : i32
      %ge3A_2060 = vector.broadcast %ge3A_2059 : i32 to vector<16xi32>
      %ge3A_2061 = arith.cmpi sge, %add3A_2058, %ge3A_2060 : vector<16xi32>
      %lt3A_2062 = arith.constant 256 : i32
      %lt3A_2063 = vector.broadcast %lt3A_2062 : i32 to vector<16xi32>
      %lt3A_2064 = arith.cmpi slt, %add3A_2058, %lt3A_2063 : vector<16xi32>
      %and3A_2065 = arith.andi %ge3A_2061, %lt3A_2064 : vector<16xi1>
      %jit3A_2066 = arith.constant 0 : i32
      %jit3A_2067 = arith.constant 255 : i32
      %max3A_2068 = vector.broadcast %jit3A_2066 : i32 to vector<16xi32>
      %max3A_2069 = arith.maxsi %max3A_2068, %add3A_2058 : vector<16xi32>
      %min3A_2070 = vector.broadcast %jit3A_2067 : i32 to vector<16xi32>
      %min3A_2071 = arith.minsi %min3A_2070, %max3A_2069 : vector<16xi32>
      tpu.vector_store_idx %arg6[%broadcast_in_dim3A_2006, %min3A_2071], %broadcast_in_dim3A_1948 masked %and3A_2065 : memref<72x256xf32, #tpu.memory_space<vmem>>[vector<16xi32>, vector<16xi32>], vector<16xf32>, vector<16xi1>
    }
    %broadcast_in_dim3A_1968 = arith.constant 0.000000e+00 : f32
    %broadcast_in_dim3A_1969 = vector.broadcast %broadcast_in_dim3A_1968 : f32 to vector<16xf32>
    %iota3A_1970 = tpu.iota {dimensions = array<i32: 0>} : vector<16xi32>
    %sub3A_1971 = arith.subi %squeeze3A_52, %multiple_of3A_59 : i32
    %max3A_1972 = arith.constant 0 : i32
    %max3A_1973 = arith.maxsi %sub3A_1971, %max3A_1972 : i32
    %add3A_1974 = arith.constant 64 : i32
    %add3A_1975 = arith.addi %squeeze3A_52, %add3A_1974 : i32
    %sub3A_1976 = arith.subi %add3A_1975, %multiple_of3A_59 : i32
    %min3A_1977 = arith.constant 72 : i32
    %min3A_1978 = arith.minsi %sub3A_1976, %min3A_1977 : i32
    %sub3A_1979 = arith.subi %squeeze3A_54, %multiple_of3A_64 : i32
    %while3A_1980 = arith.constant 0 : i32
    %while3A_1981 = arith.subi %min3A_1978, %max3A_1973 : i32
    %while3A_1982 = arith.addi %max3A_1973, %while3A_1981 : i32
    %while3A_1983 = arith.constant 1 : i32
    %while3A_1984 = arith.divsi %while3A_1981, %while3A_1983 : i32
    %while3A_1985 = arith.muli %while3A_1984, %while3A_1983 : i32
    %while3A_1986 = arith.addi %max3A_1973, %while3A_1985 : i32
    %while3A_1987 = arith.constant 1 : i32
    scf.for %while3A_2005 = %max3A_1973 to %while3A_1986 step %while3A_1987  : i32 {
      %broadcast_in_dim3A_2006 = vector.broadcast %while3A_2005 : i32 to vector<16xi32>
      %add3A_2007 = arith.constant 0 : i32
      %add3A_2008 = arith.addi %sub3A_1979, %add3A_2007 : i32
      %add3A_2009 = vector.broadcast %add3A_2008 : i32 to vector<16xi32>
      %add3A_2010 = arith.addi %add3A_2009, %iota3A_1970 : vector<16xi32>
      %ge3A = arith.constant 0 : i32
      %ge3A_2011 = vector.broadcast %ge3A : i32 to vector<16xi32>
      %ge3A_2012 = arith.cmpi sge, %add3A_2010, %ge3A_2011 : vector<16xi32>
      %lt3A = arith.constant 256 : i32
      %lt3A_2013 = vector.broadcast %lt3A : i32 to vector<16xi32>
      %lt3A_2014 = arith.cmpi slt, %add3A_2010, %lt3A_2013 : vector<16xi32>
      %and3A_2015 = arith.andi %ge3A_2012, %lt3A_2014 : vector<16xi1>
      %jit3A = arith.constant 0 : i32
      %jit3A_2016 = arith.constant 255 : i32
      %max3A_2017 = vector.broadcast %jit3A : i32 to vector<16xi32>
      %max3A_2018 = arith.maxsi %max3A_2017, %add3A_2010 : vector<16xi32>
      %min3A_2019 = vector.broadcast %jit3A_2016 : i32 to vector<16xi32>
      %min3A_2020 = arith.minsi %min3A_2019, %max3A_2018 : vector<16xi32>
      tpu.vector_store_idx %arg6[%broadcast_in_dim3A_2006, %min3A_2020], %broadcast_in_dim3A_1969 masked %and3A_2015 : memref<72x256xf32, #tpu.memory_space<vmem>>[vector<16xi32>, vector<16xi32>], vector<16xf32>, vector<16xi1>
      %add3A_2021 = arith.constant 16 : i32
      %add3A_2022 = arith.addi %sub3A_1979, %add3A_2021 : i32
      %add3A_2023 = vector.broadcast %add3A_2022 : i32 to vector<16xi32>
      %add3A_2024 = arith.addi %add3A_2023, %iota3A_1970 : vector<16xi32>
      %ge3A_2025 = arith.constant 0 : i32
      %ge3A_2026 = vector.broadcast %ge3A_2025 : i32 to vector<16xi32>
      %ge3A_2027 = arith.cmpi sge, %add3A_2024, %ge3A_2026 : vector<16xi32>
      %lt3A_2028 = arith.constant 256 : i32
      %lt3A_2029 = vector.broadcast %lt3A_2028 : i32 to vector<16xi32>
      %lt3A_2030 = arith.cmpi slt, %add3A_2024, %lt3A_2029 : vector<16xi32>
      %and3A_2031 = arith.andi %ge3A_2027, %lt3A_2030 : vector<16xi1>
      %jit3A_2032 = arith.constant 0 : i32
      %jit3A_2033 = arith.constant 255 : i32
      %max3A_2034 = vector.broadcast %jit3A_2032 : i32 to vector<16xi32>
      %max3A_2035 = arith.maxsi %max3A_2034, %add3A_2024 : vector<16xi32>
      %min3A_2036 = vector.broadcast %jit3A_2033 : i32 to vector<16xi32>
      %min3A_2037 = arith.minsi %min3A_2036, %max3A_2035 : vector<16xi32>
      tpu.vector_store_idx %arg6[%broadcast_in_dim3A_2006, %min3A_2037], %broadcast_in_dim3A_1969 masked %and3A_2031 : memref<72x256xf32, #tpu.memory_space<vmem>>[vector<16xi32>, vector<16xi32>], vector<16xf32>, vector<16xi1>
      %add3A_2038 = arith.constant 32 : i32
      %add3A_2039 = arith.addi %sub3A_1979, %add3A_2038 : i32
      %add3A_2040 = vector.broadcast %add3A_2039 : i32 to vector<16xi32>
      %add3A_2041 = arith.addi %add3A_2040, %iota3A_1970 : vector<16xi32>
      %ge3A_2042 = arith.constant 0 : i32
      %ge3A_2043 = vector.broadcast %ge3A_2042 : i32 to vector<16xi32>
      %ge3A_2044 = arith.cmpi sge, %add3A_2041, %ge3A_2043 : vector<16xi32>
      %lt3A_2045 = arith.constant 256 : i32
      %lt3A_2046 = vector.broadcast %lt3A_2045 : i32 to vector<16xi32>
      %lt3A_2047 = arith.cmpi slt, %add3A_2041, %lt3A_2046 : vector<16xi32>
      %and3A_2048 = arith.andi %ge3A_2044, %lt3A_2047 : vector<16xi1>
      %jit3A_2049 = arith.constant 0 : i32
      %jit3A_2050 = arith.constant 255 : i32
      %max3A_2051 = vector.broadcast %jit3A_2049 : i32 to vector<16xi32>
      %max3A_2052 = arith.maxsi %max3A_2051, %add3A_2041 : vector<16xi32>
      %min3A_2053 = vector.broadcast %jit3A_2050 : i32 to vector<16xi32>
      %min3A_2054 = arith.minsi %min3A_2053, %max3A_2052 : vector<16xi32>
      tpu.vector_store_idx %arg6[%broadcast_in_dim3A_2006, %min3A_2054], %broadcast_in_dim3A_1969 masked %and3A_2048 : memref<72x256xf32, #tpu.memory_space<vmem>>[vector<16xi32>, vector<16xi32>], vector<16xf32>, vector<16xi1>
      %add3A_2055 = arith.constant 48 : i32
      %add3A_2056 = arith.addi %sub3A_1979, %add3A_2055 : i32
      %add3A_2057 = vector.broadcast %add3A_2056 : i32 to vector<16xi32>
      %add3A_2058 = arith.addi %add3A_2057, %iota3A_1970 : vector<16xi32>
      %ge3A_2059 = arith.constant 0 : i32
      %ge3A_2060 = vector.broadcast %ge3A_2059 : i32 to vector<16xi32>
      %ge3A_2061 = arith.cmpi sge, %add3A_2058, %ge3A_2060 : vector<16xi32>
      %lt3A_2062 = arith.constant 256 : i32
      %lt3A_2063 = vector.broadcast %lt3A_2062 : i32 to vector<16xi32>
      %lt3A_2064 = arith.cmpi slt, %add3A_2058, %lt3A_2063 : vector<16xi32>
      %and3A_2065 = arith.andi %ge3A_2061, %lt3A_2064 : vector<16xi1>
      %jit3A_2066 = arith.constant 0 : i32
      %jit3A_2067 = arith.constant 255 : i32
      %max3A_2068 = vector.broadcast %jit3A_2066 : i32 to vector<16xi32>
      %max3A_2069 = arith.maxsi %max3A_2068, %add3A_2058 : vector<16xi32>
      %min3A_2070 = vector.broadcast %jit3A_2067 : i32 to vector<16xi32>
      %min3A_2071 = arith.minsi %min3A_2070, %max3A_2069 : vector<16xi32>
      tpu.vector_store_idx %arg6[%broadcast_in_dim3A_2006, %min3A_2071], %broadcast_in_dim3A_1969 masked %and3A_2065 : memref<72x256xf32, #tpu.memory_space<vmem>>[vector<16xi32>, vector<16xi32>], vector<16xf32>, vector<16xi1>
    }
    %while3A_1988 = arith.constant 1 : i32
    scf.for %while3A_2005 = %while3A_1986 to %while3A_1982 step %while3A_1988  : i32 {
      %broadcast_in_dim3A_2006 = vector.broadcast %while3A_2005 : i32 to vector<16xi32>
      %add3A_2007 = arith.constant 0 : i32
      %add3A_2008 = arith.addi %sub3A_1979, %add3A_2007 : i32
      %add3A_2009 = vector.broadcast %add3A_2008 : i32 to vector<16xi32>
      %add3A_2010 = arith.addi %add3A_2009, %iota3A_1970 : vector<16xi32>
      %ge3A = arith.constant 0 : i32
      %ge3A_2011 = vector.broadcast %ge3A : i32 to vector<16xi32>
      %ge3A_2012 = arith.cmpi sge, %add3A_2010, %ge3A_2011 : vector<16xi32>
      %lt3A = arith.constant 256 : i32
      %lt3A_2013 = vector.broadcast %lt3A : i32 to vector<16xi32>
      %lt3A_2014 = arith.cmpi slt, %add3A_2010, %lt3A_2013 : vector<16xi32>
      %and3A_2015 = arith.andi %ge3A_2012, %lt3A_2014 : vector<16xi1>
      %jit3A = arith.constant 0 : i32
      %jit3A_2016 = arith.constant 255 : i32
      %max3A_2017 = vector.broadcast %jit3A : i32 to vector<16xi32>
      %max3A_2018 = arith.maxsi %max3A_2017, %add3A_2010 : vector<16xi32>
      %min3A_2019 = vector.broadcast %jit3A_2016 : i32 to vector<16xi32>
      %min3A_2020 = arith.minsi %min3A_2019, %max3A_2018 : vector<16xi32>
      tpu.vector_store_idx %arg6[%broadcast_in_dim3A_2006, %min3A_2020], %broadcast_in_dim3A_1969 masked %and3A_2015 : memref<72x256xf32, #tpu.memory_space<vmem>>[vector<16xi32>, vector<16xi32>], vector<16xf32>, vector<16xi1>
      %add3A_2021 = arith.constant 16 : i32
      %add3A_2022 = arith.addi %sub3A_1979, %add3A_2021 : i32
      %add3A_2023 = vector.broadcast %add3A_2022 : i32 to vector<16xi32>
      %add3A_2024 = arith.addi %add3A_2023, %iota3A_1970 : vector<16xi32>
      %ge3A_2025 = arith.constant 0 : i32
      %ge3A_2026 = vector.broadcast %ge3A_2025 : i32 to vector<16xi32>
      %ge3A_2027 = arith.cmpi sge, %add3A_2024, %ge3A_2026 : vector<16xi32>
      %lt3A_2028 = arith.constant 256 : i32
      %lt3A_2029 = vector.broadcast %lt3A_2028 : i32 to vector<16xi32>
      %lt3A_2030 = arith.cmpi slt, %add3A_2024, %lt3A_2029 : vector<16xi32>
      %and3A_2031 = arith.andi %ge3A_2027, %lt3A_2030 : vector<16xi1>
      %jit3A_2032 = arith.constant 0 : i32
      %jit3A_2033 = arith.constant 255 : i32
      %max3A_2034 = vector.broadcast %jit3A_2032 : i32 to vector<16xi32>
      %max3A_2035 = arith.maxsi %max3A_2034, %add3A_2024 : vector<16xi32>
      %min3A_2036 = vector.broadcast %jit3A_2033 : i32 to vector<16xi32>
      %min3A_2037 = arith.minsi %min3A_2036, %max3A_2035 : vector<16xi32>
      tpu.vector_store_idx %arg6[%broadcast_in_dim3A_2006, %min3A_2037], %broadcast_in_dim3A_1969 masked %and3A_2031 : memref<72x256xf32, #tpu.memory_space<vmem>>[vector<16xi32>, vector<16xi32>], vector<16xf32>, vector<16xi1>
      %add3A_2038 = arith.constant 32 : i32
      %add3A_2039 = arith.addi %sub3A_1979, %add3A_2038 : i32
      %add3A_2040 = vector.broadcast %add3A_2039 : i32 to vector<16xi32>
      %add3A_2041 = arith.addi %add3A_2040, %iota3A_1970 : vector<16xi32>
      %ge3A_2042 = arith.constant 0 : i32
      %ge3A_2043 = vector.broadcast %ge3A_2042 : i32 to vector<16xi32>
      %ge3A_2044 = arith.cmpi sge, %add3A_2041, %ge3A_2043 : vector<16xi32>
      %lt3A_2045 = arith.constant 256 : i32
      %lt3A_2046 = vector.broadcast %lt3A_2045 : i32 to vector<16xi32>
      %lt3A_2047 = arith.cmpi slt, %add3A_2041, %lt3A_2046 : vector<16xi32>
      %and3A_2048 = arith.andi %ge3A_2044, %lt3A_2047 : vector<16xi1>
      %jit3A_2049 = arith.constant 0 : i32
      %jit3A_2050 = arith.constant 255 : i32
      %max3A_2051 = vector.broadcast %jit3A_2049 : i32 to vector<16xi32>
      %max3A_2052 = arith.maxsi %max3A_2051, %add3A_2041 : vector<16xi32>
      %min3A_2053 = vector.broadcast %jit3A_2050 : i32 to vector<16xi32>
      %min3A_2054 = arith.minsi %min3A_2053, %max3A_2052 : vector<16xi32>
      tpu.vector_store_idx %arg6[%broadcast_in_dim3A_2006, %min3A_2054], %broadcast_in_dim3A_1969 masked %and3A_2048 : memref<72x256xf32, #tpu.memory_space<vmem>>[vector<16xi32>, vector<16xi32>], vector<16xf32>, vector<16xi1>
      %add3A_2055 = arith.constant 48 : i32
      %add3A_2056 = arith.addi %sub3A_1979, %add3A_2055 : i32
      %add3A_2057 = vector.broadcast %add3A_2056 : i32 to vector<16xi32>
      %add3A_2058 = arith.addi %add3A_2057, %iota3A_1970 : vector<16xi32>
      %ge3A_2059 = arith.constant 0 : i32
      %ge3A_2060 = vector.broadcast %ge3A_2059 : i32 to vector<16xi32>
      %ge3A_2061 = arith.cmpi sge, %add3A_2058, %ge3A_2060 : vector<16xi32>
      %lt3A_2062 = arith.constant 256 : i32
      %lt3A_2063 = vector.broadcast %lt3A_2062 : i32 to vector<16xi32>
      %lt3A_2064 = arith.cmpi slt, %add3A_2058, %lt3A_2063 : vector<16xi32>
      %and3A_2065 = arith.andi %ge3A_2061, %lt3A_2064 : vector<16xi1>
      %jit3A_2066 = arith.constant 0 : i32
      %jit3A_2067 = arith.constant 255 : i32
      %max3A_2068 = vector.broadcast %jit3A_2066 : i32 to vector<16xi32>
      %max3A_2069 = arith.maxsi %max3A_2068, %add3A_2058 : vector<16xi32>
      %min3A_2070 = vector.broadcast %jit3A_2067 : i32 to vector<16xi32>
      %min3A_2071 = arith.minsi %min3A_2070, %max3A_2069 : vector<16xi32>
      tpu.vector_store_idx %arg6[%broadcast_in_dim3A_2006, %min3A_2071], %broadcast_in_dim3A_1969 masked %and3A_2065 : memref<72x256xf32, #tpu.memory_space<vmem>>[vector<16xi32>, vector<16xi32>], vector<16xf32>, vector<16xi1>
    }
    %mul3A_1989 = arith.constant 2 : i32
    %mul3A_1990 = arith.muli %add3A, %mul3A_1989 : i32
    %add3A_1991 = arith.constant 1 : i32
    %add3A_1992 = arith.addi %mul3A_1990, %add3A_1991 : i32
    %dma_start3A_1993 = tpu.memref_slice %arg4[%add3A_1992, %multiple_of3A_59, %multiple_of3A_64] : memref<64x128x4096xf32, #tpu.memory_space<hbm>> -> memref<1x72x256xf32, #tpu.memory_space<hbm>>
    %dma_start3A_1994 = tpu.memref_squeeze %dma_start3A_1993 : memref<1x72x256xf32, #tpu.memory_space<hbm>> -> memref<72x256xf32, #tpu.memory_space<hbm>>
    %dma_start3A_1995 = tpu.memref_slice %arg4[%add3A_1992, %multiple_of3A_59, %multiple_of3A_64] : memref<64x128x4096xf32, #tpu.memory_space<hbm>> -> memref<1x72x256xf32, #tpu.memory_space<hbm>>
    %dma_start3A_1996 = tpu.memref_squeeze %dma_start3A_1995 : memref<1x72x256xf32, #tpu.memory_space<hbm>> -> memref<72x256xf32, #tpu.memory_space<hbm>>
    tpu.enqueue_dma source(%arg6 : memref<72x256xf32, #tpu.memory_space<vmem>>) target(%dma_start3A_1996 : memref<72x256xf32, #tpu.memory_space<hbm>>) target_semaphore(%arg15 : memref<!tpu.dma_semaphore, #tpu.memory_space<semaphore_mem>>)
    %mul3A_1997 = arith.constant 2 : i32
    %mul3A_1998 = arith.muli %add3A, %mul3A_1997 : i32
    %add3A_1999 = arith.constant 1 : i32
    %add3A_2000 = arith.addi %mul3A_1998, %add3A_1999 : i32
    %dma_wait3A_2001 = tpu.memref_slice %arg4[%add3A_2000, %multiple_of3A_59, %multiple_of3A_64] : memref<64x128x4096xf32, #tpu.memory_space<hbm>> -> memref<1x72x256xf32, #tpu.memory_space<hbm>>
    %dma_wait3A_2002 = tpu.memref_squeeze %dma_wait3A_2001 : memref<1x72x256xf32, #tpu.memory_space<hbm>> -> memref<72x256xf32, #tpu.memory_space<hbm>>
    %dma_wait3A_2003 = tpu.memref_slice %arg4[%add3A_2000, %multiple_of3A_59, %multiple_of3A_64] : memref<64x128x4096xf32, #tpu.memory_space<hbm>> -> memref<1x72x256xf32, #tpu.memory_space<hbm>>
    %dma_wait3A_2004 = tpu.memref_squeeze %dma_wait3A_2003 : memref<1x72x256xf32, #tpu.memory_space<hbm>> -> memref<72x256xf32, #tpu.memory_space<hbm>>
    tpu.wait_dma2 semaphore(%arg15 : memref<!tpu.dma_semaphore, #tpu.memory_space<semaphore_mem>>) src(%arg6 : memref<72x256xf32, #tpu.memory_space<vmem>>) dst(%dma_wait3A_2004 : memref<72x256xf32, #tpu.memory_space<hbm>>)
    return
  }
}

</mosaic_0001>

<sc_bundles>
// kernel: kernel.3.cloned.1.call-start
scs
__scs_entry_jumppad:
0x0: {  	(pc) =	sbr.rel $0x88, $3  }
0x1: {  	(tag) =	ssettag $0x0;
	lr =	simm.s32 $0x1  }
0x2: {  	[smem:$0x3F9E] =	sst lr;
	_ =	strace $0xD0000000  }
0x3: {  	_ = 	snop  }
0x4: {  	_ = 	snop  }
0x5: {  	_ = 	snop  }
0x6: {  	_ = 	snop  }
0x7: {  	_ = 	snop  }
__scs_overlays_trampoline_lowered:
0x8: {  	[smem:$0x3FAD] =	sst s0  }
0x9: {  	[smem:$0x3FAE] =	sst s1  }
0xa: {  	[smem:$0x3FAF] =	sst s2  }
0xb: {  	[smem:$0x3FB0] =	sst s3  }
0xc: {  	[smem:$0x3FB1] =	sst s4  }
0xd: {  	[smem:$0x3FB2] =	sst s5  }
0xe: {  	[smem:$0x3FB3] =	sst s6  }
0xf: {  	[smem:$0x3FB4] =	sst s7  }
0x10: {  	[smem:$0x3FB5] =	sst s8  }
0x11: {  	[smem:$0x3FB6] =	sst s9;
	s0 =	simm.s32 @!p0 $0x0  }
0x12: {  	s1 =	sld [smem:$0x3F9C];
	s0 =	simm.s32 @p0 $0x1  }
0x13: {  	[smem:$0x3FB7] =	sst s0;
	s0 =	simm.s32 @!p1 $0x0  }
0x14: {  	s2 =	sld [smem:$0x3F9B];
	s0 =	simm.s32 @p1 $0x1  }
0x15: {  	[smem:$0x3FB8] =	sst s0;
	s0 =	simm.s32 @!p2 $0x0  }
0x16: {  	s3 =	sld [smem:$0x3FDB];
	s0 =	simm.s32 @p2 $0x1  }
0x17: {  	s4 =	simm.s32 $0x1BF5;
	[smem:$0x3FBA] =	sst s0  }
0x18: {  	s0 =	sld [smem:$0x3F9D];
	_ =	swait.ge [sflag:s4], $0x0  }
0x19: {  	s7 =	sld [smem:$0x3F9E]  }
0x1a: {  	s8 =	sadd.s32 $0xFFFFE003, lr  }
0x1b: {  	s9 =	sadd.s32 $0xFFFFFEF7, lr;
	s5 =	simm.s32 $0xFFFFFFFF;
	p2 =	slt.u32 s8, $0xFFFFF086  }
0x1c: {  	p1 =	slt.u32 s9, $0xF7A;
	s5 =	simm.s32 @!p2 $0x0  }
0x1d: {  	s5 =	simm.s32 @p1 $0x1;
	p0 =	seq.s32 s7, s2  }
0x1e: {  	s7 =	smul.u32 @!p0 $0xF7A, s2;
	p2 =	seq.s32 @!p0 s5, $0x0  }
0x1f: {  	s9 =	smul.u32 $0xF7A, s1;
	s8 =	simm.s32 @!p0 $0x1BF5;
	p2 =	por !p2, p0  }
0x20: {  	[sflag:s8] =	ssyncset.s32 @!p0 $0xFFFFF086;
	s6 =	sadd.s32 @!p0 s3, s7;
	s7 =	simm.s32 @!p0 $0x108  }
0x21: {  	s3 =	sadd.s32 s3, s9;
	s6 =	sadd.s32 @!p0 $0x88, s6;
	s7 =	simm.s32 @p2 $0x1082  }
0x22: {  	[simem:s7], [sflag:s8] =	dma.local @!p0 [hbm:s6], $0xF7A  }
0x23: {  	s9 =	sor.u32 $0xD0000000, s2;
	s6 =	simm.s32 $0x108;
	_ =	swait.ge @!p0 [sflag:s8], $0x0  }
0x24: {  	s3 =	sadd.s32 $0x88, s3;
	s6 =	simm.s32 @!p1 $0x1082;
	[sflag:s4] =	ssyncset.s32 $0xFFFFF086  }
0x25: {  	[simem:s6], [sflag:s4] =	dma.local [hbm:s3], $0xF7A  }
0x26: {  	[smem:$0x3F9E] =	sst s1;
	(tag) =	ssettag s2;
	_ =	strace s9  }
0x27: {  	s1 =	sld [smem:$0x3FAE]  }
0x28: {  	s2 =	sld [smem:$0x3FAF]  }
0x29: {  	s4 =	sld [smem:$0x3FB1]  }
0x2a: {  	p0 =	seq.s32 s5, $0x0;
	s5 =	sld [smem:$0x3FB2]  }
0x2b: {  	s6 =	sld [smem:$0x3FB3]  }
0x2c: {  	s7 =	sld [smem:$0x3FB4]  }
0x2d: {  	s3 =	simm.s32 $0x108;
	s8 =	sld [smem:$0x3FB5]  }
0x2e: {  	s3 =	simm.s32 @!p0 $0x1082;
	s9 =	sld [smem:$0x3FB6]  }
0x2f: {  	lr =	sadd.s32 s0, s3;
	s0 =	sld [smem:$0x3FAD]  }
0x30: {  	s3 =	sld [smem:$0x3FB0]  }
0x31: {  	[smem:$0x3FB9] =	sst s10  }
0x32: {  	s10 =	sld [smem:$0x3FB7];
	_ =	sdelay $0x3  }
0x33: {  	p0 =	seq.s32 s10, $0x1;
	s10 =	sld [smem:$0x3FB9];
	_ =	sdelay $0x3  }
0x34: {  	[smem:$0x3FB9] =	sst s10  }
0x35: {  	s10 =	sld [smem:$0x3FB8];
	_ =	sdelay $0x3  }
0x36: {  	p1 =	seq.s32 s10, $0x1;
	s10 =	sld [smem:$0x3FB9];
	_ =	sdelay $0x3  }
0x37: {  	[smem:$0x3FB9] =	sst s10  }
0x38: {  	s10 =	sld [smem:$0x3FBA]  }
0x39: {  	_ = 	snop;
	(pc) =	sbr.ind lr, $3  }
0x3a: {  	_ = 	snop  }
0x3b: {  	_ = 	snop  }
0x3c: {  	p2 =	seq.s32 s10, $0x1;
	s10 =	sld [smem:$0x3FB9]  }
0x3d: {  	_ =	shalt  }
0x3e: {  	_ =	shalt  }
0x3f: {  	_ =	shalt  }
0x40: {  	_ =	shalt  }
0x41: {  	_ =	shalt  }
0x42: {  	_ =	shalt  }
0x43: {  	_ =	shalt  }
0x44: {  	_ =	shalt  }
0x45: {  	_ =	shalt  }
0x46: {  	_ =	shalt  }
0x47: {  	_ =	shalt  }
0x48: {  	_ =	shalt  }
0x49: {  	_ =	shalt  }
0x4a: {  	_ =	shalt  }
0x4b: {  	_ =	shalt  }
0x4c: {  	_ =	shalt  }
0x4d: {  	_ =	shalt  }
0x4e: {  	_ =	shalt  }
0x4f: {  	_ =	shalt  }
0x50: {  	_ =	shalt  }
0x51: {  	_ =	shalt  }
0x52: {  	_ =	shalt  }
0x53: {  	_ =	shalt  }
0x54: {  	_ =	shalt  }
0x55: {  	_ =	shalt  }
0x56: {  	_ =	shalt  }
0x57: {  	_ =	shalt  }
0x58: {  	_ =	shalt  }
0x59: {  	_ =	shalt  }
0x5a: {  	_ =	shalt  }
0x5b: {  	_ =	shalt  }
0x5c: {  	_ =	shalt  }
0x5d: {  	_ =	shalt  }
0x5e: {  	_ =	shalt  }
0x5f: {  	_ =	shalt  }
0x60: {  	_ =	shalt  }
0x61: {  	_ =	shalt  }
0x62: {  	_ =	shalt  }
0x63: {  	_ =	shalt  }
0x64: {  	_ =	shalt  }
0x65: {  	_ =	shalt  }
0x66: {  	_ =	shalt  }
0x67: {  	_ =	shalt  }
0x68: {  	_ =	shalt  }
0x69: {  	_ =	shalt  }
0x6a: {  	_ =	shalt  }
0x6b: {  	_ =	shalt  }
0x6c: {  	_ =	shalt  }
0x6d: {  	_ =	shalt  }
0x6e: {  	_ =	shalt  }
0x6f: {  	_ =	shalt  }
0x70: {  	_ =	shalt  }
0x71: {  	_ =	shalt  }
0x72: {  	_ =	shalt  }
0x73: {  	_ =	shalt  }
0x74: {  	_ =	shalt  }
0x75: {  	_ =	shalt  }
0x76: {  	_ =	shalt  }
0x77: {  	_ =	shalt  }
0x78: {  	_ =	shalt  }
0x79: {  	_ =	shalt  }
0x7a: {  	_ =	shalt  }
0x7b: {  	_ =	shalt  }
0x7c: {  	_ =	shalt  }
0x7d: {  	_ =	shalt  }
0x7e: {  	_ =	shalt  }
0x7f: {  	_ =	shalt  }
0x80: {  	_ =	shalt  }
0x81: {  	_ =	shalt  }
0x82: {  	_ =	shalt  }
0x83: {  	_ =	shalt  }
0x84: {  	_ =	shalt  }
0x85: {  	_ =	shalt  }
0x86: {  	_ =	shalt  }
0x87: {  	_ =	shalt  }
.Lfunc_end0:
.L_simem_size_0:
called_computation_lowered:
.L_overlay_start_0:
0x88: {  	s2 =	sld [smem:$0x3FD9]  }
0x89: {  	s3 =	sld [smem:$0x3FFE];
	_ =	sdelay $0x1  }
0x8a: {  	s1 =	srdreg.scid  }
0x8b: {  	s0 =	sand.u32 $0x1, s1  }
0x8c: {  	s17 =	sshll.u32 s0, $0xA;
	s2 =	sadd.s32 s3, s2  }
0x8d: {  	s2 =	sadd.s32 s2, s17  }
0x8e: {  	[smem:$0x3FC5] =	sst s2  }
0x8f: {  	_ = 	snop  }
0x90: {  	s2 =	sld [smem:$0x3FC9]  }
0x91: {  	s18 =	sld [smem:$0x3FD0];
	(tm) =	ssettm $0x1  }
0x92: {  	s4 =	sld [smem:$0x3FFB];
	_ =	sdelay $0x3  }
0x93: {  	_ =	strace s4  }
0x94: {  	s4 =	sld [smem:$0x3FFC];
	_ =	sdelay $0x3  }
0x95: {  	_ =	strace s4  }
0x96: {  	s4 =	sld [smem:$0x3FFD];
	_ =	sdelay $0x3  }
0x97: {  	_ =	strace s4  }
0x98: {  	_ =	strace $0x8FFFFFFF  }
0x99: {  	s19 =	sld [smem:$0x3FDB];
	_ =	sdelay $0x1  }
0x9a: {  	s5 =	simm.s32 $_scs_section_size  }
0x9b: {  	s6 =	simm.s32 $_size__tile_overlayer_lowered;
	s7 =	simm.s32 $_tile_overlayer_lowered  }
0x9c: {  	s22 =	simm.s32 $0x1BFF;
	s21 =	sshll.u32 s7, $0x1;
	s4 =	sadd.s32 s5, s19  }
0x9d: {  	s8 =	simm.s32 $0x0;
	s20 =	sshll.u32 s6, $0x1;
	s6 =	sadd.s32 s21, s4  }
0x9e: {  	[timem:s8], [sflag:s22] =	dma.local [hbm:s6], s20  }
0x9f: {  	_ =	swait.ge [sflag:s22], s20  }
0xa0: {  	s5 =	ssub.s32 $0x0, s20;
	[sflag:s22] =	ssyncset.done $0x0  }
0xa1: {  	[sflag:s22] =	ssyncadd.s32 s5;
	_ =	sdelay $0x1  }
0xa2: {  	s23 =	simm.s32 $0x1B8B  }
0xa3: {  	_ =	swait.ge [sflag:s23], $0x1  }
0xa4: {  	[sflag:s23] =	ssyncset.done $0x0  }
0xa5: {  	s25 =	simm.s32 $0x1B8E;
	s24 =	sld [smem:$0x3FFE];
	[sflag:s23] =	ssyncadd.s32 $0xFFFFFFFF  }
0xa6: {  	s26 =	simm.s32 $execute0_lowered;
	[smem:$0x3FD2] =	sst s25  }
0xa7: {  	s6 =	sshll.u32 s26, $0x1;
	_ =	strace $0x80000046;
	[dreg:$0x1] =	wrdreg $0xFFFFFFFF  }
0xa8: {  	s28 =	simm.s32 $_size_execute0_lowered;
	s4 =	sadd.s32 s4, s6;
	[dreg:$0x0] =	wrdreg $0x0  }
0xa9: {  	s6 =	sshll.u32 s28, $0x1;
	[dreg:$0x2] =	wrdreg s4  }
0xaa: {  	[dreg:$0x3] =	wrdreg s6  }
0xab: {  	[dreg:$0x4] =	wrdreg $0xC0  }
0xac: {  	_ =	task [dreg:s8], $0x5FFFF  }
0xad: {  	[dreg:$0x1] =	wrdreg $0xFFFFFFFF  }
0xae: {  	[dreg:$0x0] =	wrdreg $0x60  }
0xaf: {  	[dreg:$0x2] =	wrdreg s2  }
0xb0: {  	[dreg:$0x3] =	wrdreg s24  }
0xb1: {  	[dreg:$0x4] =	wrdreg s18  }
0xb2: {  	[dreg:$0x5] =	wrdreg $0x0  }
0xb3: {  	[dreg:$0x6] =	wrdreg $0x9  }
0xb4: {  	_ =	task.clear_ibuf [dreg:s8], $0x7FFFF;
	_ =	strace $0x90000046  }
0xb5: {  	s29 =	simm.s32 $0x9;
	_ =	strace $0x80000048  }
0xb6: {  	_ =	swait.ge [sflag:s29], $0x1  }
0xb7: {  	[sflag:s29] =	ssyncadd.s32 $0xFFFFFFFF  }
0xb8: {  	_ =	strace $0x90000048  }
0xb9: {  	_ =	sfence  }
0xba: {  	s30 =	sld [smem:$0x0];
	_ =	sdelay $0x2  }
0xbb: {  	s31 =	sshll.u32 s1, $0xD;
	s1 =	sshrl.u32 s1, $0x2  }
0xbc: {  	s3 =	sand.u32 $0x4000, s31;
	s1 =	sadd.s32 s1, s30  }
0xbd: {  	s0 =	sor.u32 s3, s0;
	s1 =	sshll.u32 s1, $0x11  }
0xbe: {  	s0 =	sor.u32 s1, s0  }
0xbf: {  	s0 =	sadd.s32 $0x8F2B, s0  }
0xc0: {  	[sflag:s0] =	ssyncadd.remote.s32 $0x1  }
0xc1: {  	_ =	sfence.sel $0xFFFF  }
0xc2: {  	[dreg:$0x0] =	wrdreg $0xFFFFFFFF;
	(pc) =	sbr.abs _section_cstart, $3  }
0xc3: {  	[dreg:$0x1] =	wrdreg $0xFFFFFFFF  }
0xc4: {  	_ =	task.clear_ibuf [dreg:s8], $0x2FFFF;
	_ =	strace $0x9FFFFFFF  }
0xc5: {  	(tm) =	ssettm $0x7FFFFFFF  }
tec
execute0_lowered:
.L_overlay_start_1:
0x0: {  	(tag) =	ssettag $0x1  }
0x1: {  	s28 =	rddreg [dreg:$0x0]  }
0x2: {  	s0 =	rddreg [dreg:$0x1]  }
0x3: {  	s13 =	rddreg [dreg:$0x2]  }
0x4: {  	s2 =	rddreg [dreg:$0x3];
	s3 =	simm.s32 $0x0;
	s1 =	srdreg.scid  }
0x5: {  	s5 =	stileid.u32;
	[smem:$0x7FF] =	sst s3;
	s1 =	sand.u32 $0x1, s1  }
0x6: {  	s4 =	sshll.u32 s5, $0x2;
	s5 =	smul.u32 $0x60000, s5;
	s0 =	sadd.s32 $0x400, s0  }
0x7: {  	_ =	strace $0x80000047;
	s9 =	ssub.s32 $0x2, s1;
	s1 =	sshll.u32 s1, $0x1  }
0x8: {  	[dreg:$0x5] =	wrdreg s0;
	s10 =	sshrl.u32 s9, $0x1;
	s4 =	sor.u32 s1, s4  }
0x9: {  	s11 =	sshrl.u32 s5, $0x2;
	s1 =	ssub.s32 s9, s10;
	s12 =	sshll.u32 s4, $0x13  }
0xa: {  	s0 =	sshll.u32 s4, $0x9;
	s7 =	sadd.s32 s11, s2;
	[dreg:$0x7] =	wrdreg s12  }
0xb: {  	s2 =	sshll.u32 s4, $0x10;
	s1 =	smax.u32 s1, $0x1;
	[dreg:$0x6] =	wrdreg s7  }
0xc: {  	s14 =	sor.u32 $0x1000, s2;
	s0 =	sshrl.u32 s0, $0x2;
	[smem:$0x7F9] =	sst s1  }
0xd: {  	s15 =	sor.u32 $0x2000, s2;
	s6 =	sadd.s32 s28, s14;
	[smem:$0x7FA] =	sst s0  }
0xe: {  	s16 =	sadd.s32 s28, s15;
	[dreg:$0x8] =	wrdreg s6  }
0xf: {  	s17 =	sor.u32 $0x3000, s2;
	s3 =	sadd.s32 s13, s14;
	[dreg:$0x9] =	wrdreg s16  }
0x10: {  	s5 =	sor.u32 $0x1, s4;
	s18 =	sadd.s32 s28, s17;
	[dreg:$0xa] =	wrdreg s3  }
0x11: {  	s19 =	sor.u32 $0x4000, s2;
	s4 =	sadd.s32 s13, s15;
	[dreg:$0xb] =	wrdreg s18  }
0x12: {  	s21 =	sor.u32 $0x5000, s2;
	s20 =	sadd.s32 s28, s19;
	[dreg:$0xc] =	wrdreg s4  }
0x13: {  	s23 =	sor.u32 $0x6000, s2;
	s22 =	sadd.s32 s28, s21;
	[dreg:$0xd] =	wrdreg s20  }
0x14: {  	s25 =	sor.u32 $0x7000, s2;
	s24 =	sadd.s32 s28, s23;
	[dreg:$0xf] =	wrdreg s22  }
0x15: {  	s8 =	sor.u32 $0x8000, s2;
	s26 =	sadd.s32 s28, s25;
	[dreg:$0x11] =	wrdreg s24  }
0x16: {  	s9 =	sor.u32 $0x9000, s2;
	s10 =	sadd.s32 s28, s8;
	[dreg:$0x13] =	wrdreg s26  }
0x17: {  	s11 =	sadd.s32 s28, s9;
	[dreg:$0x16] =	wrdreg s10  }
0x18: {  	s12 =	sadd.s32 s13, s9;
	[dreg:$0x18] =	wrdreg s11  }
0x19: {  	s6 =	sadd.s32 s13, s17;
	[dreg:$0x19] =	wrdreg s12  }
0x1a: {  	s3 =	sadd.s32 s13, s19;
	[dreg:$0xe] =	wrdreg s6  }
0x1b: {  	s14 =	sor.u32 $0xA000, s2;
	s4 =	sadd.s32 s13, s21;
	[dreg:$0x10] =	wrdreg s3  }
0x1c: {  	s15 =	sor.u32 $0xB000, s2;
	s16 =	sadd.s32 s28, s14;
	[dreg:$0x12] =	wrdreg s4  }
0x1d: {  	s17 =	sadd.s32 s28, s15;
	[dreg:$0x1a] =	wrdreg s16  }
0x1e: {  	s18 =	sadd.s32 s13, s15;
	[dreg:$0x1c] =	wrdreg s17  }
0x1f: {  	s24 =	sadd.s32 s28, s2;
	[dreg:$0x1d] =	wrdreg s18  }
0x20: {  	s26 =	sadd.s32 s13, s2;
	[smem:$0x7D3] =	sst s24  }
0x21: {  	s6 =	sadd.s32 s13, s23;
	[smem:$0x7D4] =	sst s26  }
0x22: {  	s19 =	sor.u32 $0xC000, s2;
	s3 =	sadd.s32 s13, s25;
	[dreg:$0x14] =	wrdreg s6  }
0x23: {  	s20 =	sor.u32 $0xD000, s2;
	s21 =	sadd.s32 s28, s19;
	[dreg:$0x15] =	wrdreg s3  }
0x24: {  	s22 =	sadd.s32 s28, s20;
	[dreg:$0x1e] =	wrdreg s21  }
0x25: {  	s23 =	sadd.s32 s13, s20;
	[smem:$0x7D1] =	sst s22  }
0x26: {  	s25 =	sor.u32 $0xE000, s2;
	s3 =	sadd.s32 s13, s8;
	[smem:$0x7D2] =	sst s23  }
0x27: {  	s2 =	sor.u32 $0xF000, s2;
	s6 =	sadd.s32 s28, s25;
	[dreg:$0x17] =	wrdreg s3  }
0x28: {  	s8 =	sadd.s32 s28, s2;
	[smem:$0x7D5] =	sst s6  }
0x29: {  	s4 =	sshll.u32 s5, $0x10;
	s2 =	sadd.s32 s13, s2;
	[smem:$0x7D7] =	sst s8  }
0x2a: {  	s9 =	sor.u32 $0x1000, s4;
	s3 =	sadd.s32 s13, s14;
	[smem:$0x7D8] =	sst s2  }
0x2b: {  	s11 =	sor.u32 $0x2000, s4;
	s10 =	sadd.s32 s28, s9;
	[dreg:$0x1b] =	wrdreg s3  }
0x2c: {  	s12 =	sadd.s32 s28, s11;
	[smem:$0x7D9] =	sst s10  }
0x2d: {  	s16 =	sor.u32 $0x4000, s4;
	s2 =	sadd.s32 s13, s11;
	[smem:$0x7DB] =	sst s12  }
0x2e: {  	s20 =	sor.u32 $0x6000, s4;
	s17 =	sadd.s32 s28, s16;
	[smem:$0x7DC] =	sst s2  }
0x2f: {  	s22 =	sor.u32 $0x7000, s4;
	s21 =	sadd.s32 s28, s20;
	[smem:$0x7DF] =	sst s17  }
0x30: {  	s26 =	sor.u32 $0x9000, s4;
	s23 =	sadd.s32 s28, s22;
	[smem:$0x7E3] =	sst s21  }
0x31: {  	s6 =	sadd.s32 s28, s26;
	[smem:$0x7E5] =	sst s23  }
0x32: {  	s14 =	sor.u32 $0x3000, s4;
	s3 =	sadd.s32 s13, s19;
	[smem:$0x7E9] =	sst s6  }
0x33: {  	s15 =	sadd.s32 s28, s14;
	[dreg:$0x1f] =	wrdreg s3  }
0x34: {  	s18 =	sor.u32 $0x5000, s4;
	s2 =	sadd.s32 s13, s16;
	[smem:$0x7DD] =	sst s15  }
0x35: {  	s19 =	sadd.s32 s28, s18;
	[smem:$0x7E0] =	sst s2  }
0x36: {  	s3 =	sadd.s32 s13, s25;
	[smem:$0x7E1] =	sst s19  }
0x37: {  	s24 =	sor.u32 $0x8000, s4;
	s2 =	sadd.s32 s13, s20;
	[smem:$0x7D6] =	sst s3  }
0x38: {  	s10 =	sor.u32 $0xB000, s4;
	s25 =	sadd.s32 s28, s24;
	[smem:$0x7E4] =	sst s2  }
0x39: {  	s11 =	sadd.s32 s28, s10;
	[smem:$0x7E7] =	sst s25  }
0x3a: {  	s30 =	sshll.u32 s5, $0x13;
	s19 =	sadd.s32 s13, s4;
	[smem:$0x7ED] =	sst s11  }
0x3b: {  	s3 =	sshll.u32 s5, $0x9;
	s5 =	sadd.s32 s13, s9;
	[smem:$0x7F4] =	sst s19  }
0x3c: {  	s8 =	sor.u32 $0xA000, s4;
	s2 =	sadd.s32 s13, s24;
	[smem:$0x7DA] =	sst s5  }
0x3d: {  	s15 =	sor.u32 $0xD000, s4;
	s9 =	sadd.s32 s28, s8;
	[smem:$0x7E8] =	sst s2  }
0x3e: {  	s16 =	sadd.s32 s28, s15;
	[smem:$0x7EB] =	sst s9  }
0x3f: {  	s20 =	sor.u32 $0xE000, s4;
	s17 =	sadd.s32 s13, s15;
	[smem:$0x7F1] =	sst s16  }
0x40: {  	s21 =	sadd.s32 s28, s20;
	[smem:$0x7F2] =	sst s17  }
0x41: {  	s25 =	sadd.s32 $0x8000, s7;
	[smem:$0x7F5] =	sst s21  }
0x42: {  	s5 =	sadd.s32 s13, s14;
	[smem:$0x7FC] =	sst s25  }
0x43: {  	s12 =	sor.u32 $0xC000, s4;
	s2 =	sadd.s32 s13, s8;
	[smem:$0x7DE] =	sst s5  }
0x44: {  	s14 =	sadd.s32 s28, s12;
	[smem:$0x7EC] =	sst s2  }
0x45: {  	s29 =	simm.s32 $0x18000;
	s24 =	sshrl.u32 s3, $0x2;
	[smem:$0x7EF] =	sst s14  }
0x46: {  	s31 =	simm.s32 $0x1;
	s5 =	sadd.s32 s13, s18;
	[smem:$0x7FB] =	sst s24  }
0x47: {  	s0 =	simm.s32 $0x2;
	s2 =	sadd.s32 s13, s12;
	[smem:$0x7E2] =	sst s5  }
0x48: {  	s6 =	simm.s32 $0x0;
	s18 =	sadd.s32 s28, s4;
	[smem:$0x7F0] =	sst s2  }
0x49: {  	s15 =	simm.s32 $0x8000;
	s5 =	sadd.s32 s13, s22;
	[smem:$0x7F3] =	sst s18  }
0x4a: {  	s4 =	sor.u32 $0xF000, s4;
	s2 =	sadd.s32 s13, s20;
	[smem:$0x7E6] =	sst s5  }
0x4b: {  	s9 =	simm.s32 $0x800;
	s22 =	sadd.s32 s28, s4;
	[smem:$0x7F6] =	sst s2  }
.Ltmp0:
0x4c: {  	s23 =	sadd.s32 s13, s4;
	[smem:$0x7F7] =	sst s22;
	(pc) =	sbr.rel .LBB2_1-.Ltmp0, $4  }
0x4d: {  	s3 =	simm.s32 $0x4;
	s5 =	sadd.s32 s13, s26;
	[smem:$0x7F8] =	sst s23  }
0x4e: {  	s8 =	simm.s32 $0x6;
	s26 =	sadd.s32 $0x10000, s7;
	[smem:$0x7EA] =	sst s5  }
0x4f: {  	s4 =	simm.s32 $0x3;
	s5 =	sadd.s32 s13, s10;
	[smem:$0x7FD] =	sst s26  }
0x50: {  	v0 =	vlaneseq.u32;
	v1 =	vimm.f32 $0.0e+00;
	s10 =	simm.s32 $0x7;
	[smem:$0x7EE] =	sst s5;
	s5 =	simm.s32 $0x5  }
.LBB2_73:
0x51: {  	_ = 	snop  }
.LBB2_76:
0x52: {  	_ =	sdelay $0x1  }
0x53: {  	v2 =	vor.u32 v4, v9  }
0x54: {  	v3 =	vor.u32 v5, v9;
	v2 =	vor.u32 v7, v2  }
0x55: {  	v3 =	vor.u32 v7, v3  }
0x56: {  	[tilespmem:v10+s29+$0x0] =	vst.idx.msk @p0 vm0, v1  }
0x57: {  	[tilespmem:v8+s29+$0x0] =	vst.idx.msk vm3, v1  }
0x58: {  	[tilespmem:v6+s29+$0x0] =	vst.idx.msk vm2, v1  }
0x59: {  	[tilespmem:v2+s29+$0x0] =	vst.idx.msk vm1, v1  }
0x5a: {  	s6 =	sld [smem:$0x7CC];
	[tilespmem:v3+s29+$0x0] =	vst.idx.msk vm0, v1  }
.LBB2_77:
0x5b: {  	s1 =	sadd.s32 s13, s11;
	s2 =	simm.s32 $0x8  }
0x5c: {  	[hbm4b:s1+s9] =	stream.strided.scatter [tilespmem:s29], [sflag:$0x8], $0x4800, s15, s9, $0x38;
	[tilespmem:$0x1E800] =	vst v63  }
0x5d: {  	_ =	swait.ge [sflag:s2], $0x4800  }
0x5e: {  	s26 =	sld [smem:$0x7F9];
	_ =	sdelay $0x1  }
0x5f: {  	s6 =	sadd.s32 $0x1, s6  }
0x60: {  	p0 =	sne.s32 s6, s26  }
.Ltmp1:
0x61: {  	_ = 	snop;
	(pc) =	sbr.rel @!p0 .LBB2_78-.Ltmp1, $3  }
0x62: {  	_ =	sdelay $0x1  }
0x63: {  	[sflag:s2] =	ssyncset.done $0x0  }
0x64: {  	[sflag:s2] =	ssyncadd.s32 $0xFFFFB800  }
.LBB2_1:
0x65: {  	[smem:$0x7CC] =	sst s6;
	s1 =	simm.s32 $0x0  }
0x66: {  	s2 =	rddreg [dreg:$0x5];
	s7 =	simm.s32 $0x1C800;
	s11 =	simm.s32 $0x9  }
0x67: {  	[tilespmem:s7], [sflag:$0x9] =	stream.linear.gather [hbm4b:s2+s1], $0x2000, $0x38;
	[tilespmem:$0x1E800] =	vst v63  }
0x68: {  	_ =	swait.ge [sflag:s11], $0x2000  }
0x69: {  	s12 =	sld [smem:$0x7FA]  }
0x6a: {  	[sflag:s11] =	ssyncset.done $0x0  }
0x6b: {  	[sflag:s11] =	ssyncadd.s32 $0xFFFFE000  }
0x6c: {  	v2 =	vld [tilespmem:s12+$0x1C800]  }
0x6d: {  	s14 =	sld [smem:$0x7FB];
	_ =	sdelay $0x2  }
0x6e: {  	v3 =	vld [tilespmem:s14+$0x1C800]  }
0x6f: {  	(v2sf) =	vpush v2, $0x0  }
0x70: {  	(v2sf) =	vpush v2, $0x2  }
0x71: {  	(v2sf) =	vpush v2, $0x1  }
0x72: {  	(v2sf) =	vpush v2, $0x3  }
0x73: {  	(v2sf) =	vpush v3, $0x0  }
0x74: {  	(v2sf) =	vpush v3, $0x2  }
0x75: {  	(v2sf) =	vpush v3, $0x1  }
0x76: {  	(v2sf) =	vpush v3, $0x3;
	_ =	sdelay $0x7  }
0x77: {  	s11 =	spop (v2sf)  }
0x78: {  	s7 =	spop (v2sf)  }
0x79: {  	s19 =	stileid.u32;
	s25 =	spop (v2sf)  }
0x7a: {  	s21 =	rddreg [dreg:$0x6];
	s6 =	spop (v2sf)  }
0x7b: {  	s22 =	sld [smem:$0x7D3];
	s16 =	spop (v2sf)  }
0x7c: {  	[smem:$0x7CD] =	sst s16;
	s17 =	spop (v2sf)  }
0x7d: {  	[smem:$0x7CE] =	sst s17;
	s18 =	spop (v2sf)  }
0x7e: {  	s24 =	sshll.u32 s19, $0x6;
	[smem:$0x7CF] =	sst s18;
	s20 =	spop (v2sf)  }
0x7f: {  	s19 =	sor.u32 $0x1C01, s24;
	s16 =	sshrl.u32 s21, $0x3;
	[smem:$0x7D0] =	sst s20  }
0x80: {  	[spmem:s16], [sflag:s19] =	dma.local [hbm:s22], $0x1000  }
0x81: {  	s1 =	sand.u32 $0xFFFFFFF8, s11;
	s2 =	sld [smem:$0x7FC]  }
0x82: {  	p0 =	slt.s32 s1, $0x38  }
0x83: {  	s1 =	simm.s32 @!p0 $0x38  }
0x84: {  	s18 =	sor.u32 $0x1C02, s24;
	s23 =	rddreg [dreg:$0x8];
	s17 =	sshrl.u32 s2, $0x3  }
0x85: {  	[spmem:s17], [sflag:s18] =	dma.local [hbm:s23], $0x1000  }
0x86: {  	s26 =	sshll.u32 s1, $0xC;
	s20 =	sand.u32 $0xFFFFFF80, s7;
	s12 =	rddreg [dreg:$0x7]  }
0x87: {  	p0 =	slt.s32 s20, $0xF00;
	s2 =	sadd.s32 s12, s26  }
0x88: {  	s20 =	simm.s32 @!p0 $0xF00;
	s2 =	sshrl.u32 s2, $0x3  }
0x89: {  	s2 =	sadd.s32 s20, s2  }
0x8a: {  	s26 =	sand.u32 $0x1FFFFF80, s2  }
0x8b: {  	s2 =	sadd.s32 s28, s26  }
0x8c: {  	[tilespmem:s29], [sflag:$0x7] =	stream.strided.gather [hbm4b:s2+s9], $0x4800, s15, s9, $0x38;
	[tilespmem:$0x1E800] =	vst v63  }
0x8d: {  	s2 =	sadd.s32 $0x40, s11  }
0x8e: {  	s14 =	ssub.s32 s11, s1;
	s12 =	ssub.s32 s2, s1  }
0x8f: {  	p0 =	sgt.s32 s14, $0x0;
	p1 =	slt.s32 s12, $0x48  }
0x90: {  	s14 =	simm.s32 @!p0 $0x0;
	s12 =	simm.s32 @!p1 $0x48  }
0x91: {  	p0 =	sge.s32 s14, s12  }
.Ltmp2:
0x92: {  	_ = 	snop;
	(pc) =	sbr.rel @p0 .LBB2_11-.Ltmp2, $4  }
0x93: {  	_ = 	snop  }
0x94: {  	_ =	swait.ge [sflag:s10], $0x4800  }
0x95: {  	[sflag:s10] =	ssyncset.done $0x0  }
0x96: {  	[sflag:s10] =	ssyncadd.s32 $0xFFFFB800  }
0x97: {  	s21 =	ssub.s32 s7, s20  }
0x98: {  	v6 =	vadd.s32 s21, v0;
	s22 =	sadd.s32 $0x10, s21  }
0x99: {  	s23 =	sadd.s32 $0x20, s21;
	s21 =	sadd.s32 $0x30, s21;
	vm0 =	vgt.s32 v6, $0x0;
	v7 =	vadd.s32 s22, v0  }
0x9a: {  	v8 =	vadd.s32 s23, v0;
	v9 =	vadd.s32 s21, v0;
	v2 =	vnsel vm0, $0x0, v6  }
0x9b: {  	vm3 =	vlt.u32 v6, $0x100;
	vm0 =	vgt.s32 v7, $0x0;
	v2 =	vmin.u32 v2, $0xFF  }
0x9c: {  	vm1 =	vgt.s32 v9, $0x0;
	vm2 =	vlt.u32 v7, $0x100;
	v3 =	vshll.u32 v2, $0x3  }
0x9d: {  	v4 =	vnsel vm0, $0x0, v7;
	v2 =	vand.u32 $0x7F, v2;
	v3 =	vand.u32 $0x400, v3  }
0x9e: {  	s21 =	sadd.s32 $0x1, s14;
	vm0 =	vgt.s32 v8, $0x0;
	v2 =	vor.u32 v3, v2;
	v3 =	vmin.u32 v4, $0xFF  }
0x9f: {  	p2 =	sne.s32 s12, s21;
	v10 =	vnsel vm1, $0x0, v9;
	v4 =	vand.u32 $0x7F, v3;
	v3 =	vshll.u32 v3, $0x3  }
.Ltmp3:
0xa0: {  	v5 =	vnsel vm0, $0x0, v8;
	vm0 =	vlt.u32 v9, $0x100;
	v3 =	vand.u32 $0x400, v3;
	(pc) =	sbr.rel @!p2 .LBB2_3-.Ltmp3, $4  }
0xa1: {  	v3 =	vor.u32 v3, v4;
	v4 =	vmin.u32 v5, $0xFF;
	v5 =	vmin.u32 v10, $0xFF  }
0xa2: {  	v63 =	vand.u32 $0x7F, v4;
	v4 =	vshll.u32 v4, $0x3;
	v11 =	vshll.u32 v5, $0x3  }
0xa3: {  	v12 =	vand.u32 $0x7F, v5;
	v4 =	vand.u32 $0x400, v4;
	v11 =	vand.u32 $0x400, v11  }
0xa4: {  	p0 =	por $0x0, $0x0;
	p1 =	por $0x0, $0x0;
	vm1 =	vlt.u32 v8, $0x100;
	v5 =	vor.u32 v4, v63;
	v4 =	vor.u32 v11, v12  }
0xa5: {  	v6 =	vmov s14;
	s14 =	sadd.s32 $0x1, s21  }
0xa6: {  	p2 =	sne.s32 s12, s14  }
.Ltmp4:
0xa7: {  	_ = 	snop;
	(pc) =	sbr.rel @!p2 .LBB2_5-.Ltmp4, $4  }
0xa8: {  	v7 =	vshll.u32 v6, $0x8;
	v6 =	vshll.u32 v6, $0x7  }
0xa9: {  	v8 =	vand.u32 $0xFFFFF800, v7;
	v7 =	vand.u32 $0x380, v6  }
0xaa: {  	v6 =	vor.u32 v2, v8;
	v9 =	vor.u32 v3, v8;
	v12 =	vor.u32 v5, v8  }
0xab: {  	p0 =	por $0x1, $0x1;
	v6 =	vor.u32 v7, v6;
	v10 =	vor.u32 v7, v9;
	v9 =	vor.u32 v4, v8  }
0xac: {  	_ = 	snop  }
0xad: {  	v8 =	vmov s21;
	s21 =	sadd.s32 $0x1, s14  }
0xae: {  	v13 =	vor.u32 v7, v12;
	p2 =	sne.s32 s12, s21  }
.Ltmp5:
0xaf: {  	v11 =	vshll.u32 v8, $0x8;
	(pc) =	sbr.rel @!p2 .LBB2_7-.Ltmp5, $4  }
0xb0: {  	v12 =	vshll.u32 v8, $0x7;
	v8 =	vor.u32 v7, v9;
	v9 =	vand.u32 $0xFFFFF800, v11  }
0xb1: {  	[tilespmem:v6+s29+$0x0] =	vst.idx.msk vm3, v1;
	v7 =	vand.u32 $0x380, v12;
	v11 =	vor.u32 v2, v9;
	v12 =	vor.u32 v3, v9  }
0xb2: {  	[tilespmem:v10+s29+$0x0] =	vst.idx.msk vm2, v1;
	v6 =	vor.u32 v7, v11;
	v11 =	vor.u32 v7, v12  }
0xb3: {  	p1 =	por $0x1, $0x1;
	v12 =	vor.u32 v5, v9;
	v9 =	vor.u32 v4, v9;
	[tilespmem:v13+s29+$0x0] =	vst.idx.msk vm1, v1  }
.LBB2_8:
0xb4: {  	v10 =	vmov s14;
	s14 =	smov.u32 s21;
	s21 =	sadd.s32 $0x1, s21  }
0xb5: {  	v13 =	vor.u32 v7, v12;
	[tilespmem:v8+s29+$0x0] =	vst.idx.msk vm0, v1;
	p2 =	sne.s32 s12, s21  }
.Ltmp6:
0xb6: {  	v8 =	vor.u32 v7, v9;
	v12 =	vshll.u32 v10, $0x8;
	v10 =	vshll.u32 v10, $0x7;
	(pc) =	sbr.rel @p2 .LBB2_8-.Ltmp6, $4  }
0xb7: {  	v9 =	vand.u32 $0xFFFFF800, v12  }
0xb8: {  	v7 =	vand.u32 $0x380, v10;
	v10 =	vor.u32 v2, v9;
	v12 =	vor.u32 v3, v9;
	[tilespmem:v6+s29+$0x0] =	vst.idx.msk vm3, v1  }
0xb9: {  	v6 =	vor.u32 v7, v10;
	[tilespmem:v11+s29+$0x0] =	vst.idx.msk vm2, v1;
	v11 =	vor.u32 v7, v12  }
0xba: {  	v12 =	vor.u32 v5, v9;
	v9 =	vor.u32 v4, v9;
	[tilespmem:v13+s29+$0x0] =	vst.idx.msk vm1, v1  }
0xbb: {  	v10 =	vmov v11  }
.LBB2_10:
0xbc: {  	_ = 	snop  }
0xbd: {  	v11 =	vmov s14  }
0xbe: {  	v12 =	vor.u32 @p0 v7, v12;
	v13 =	vshll.u32 v11, $0x8  }
0xbf: {  	v7 =	vor.u32 @p0 v7, v9;
	v62 =	vshll.u32 v11, $0x7;
	v63 =	vand.u32 $0xFFFFF800, v13  }
0xc0: {  	v7 =	vpsel p0, v7, v0;
	v9 =	vand.u32 $0x380, v62;
	v2 =	vor.u32 v2, v63  }
0xc1: {  	[tilespmem:v8+s29+$0x0] =	vst.idx.msk @p1 vm0, v1;
	v3 =	vor.u32 v3, v63;
	v2 =	vor.u32 v9, v2  }
0xc2: {  	[tilespmem:v6+s29+$0x0] =	vst.idx.msk @p0 vm3, v1;
	v5 =	vor.u32 v5, v63;
	v3 =	vor.u32 v9, v3  }
0xc3: {  	[tilespmem:v10+s29+$0x0] =	vst.idx.msk @p0 vm2, v1;
	v4 =	vor.u32 v4, v63;
	v5 =	vor.u32 v9, v5  }
0xc4: {  	v4 =	vor.u32 v9, v4;
	[tilespmem:v12+s29+$0x0] =	vst.idx.msk @p0 vm1, v1  }
0xc5: {  	[tilespmem:v7+s29+$0x0] =	vst.idx.msk @p0 vm0, v1  }
0xc6: {  	[tilespmem:v2+s29+$0x0] =	vst.idx.msk vm3, v1  }
0xc7: {  	[tilespmem:v3+s29+$0x0] =	vst.idx.msk vm2, v1  }
0xc8: {  	[tilespmem:v5+s29+$0x0] =	vst.idx.msk vm1, v1  }
0xc9: {  	[tilespmem:v4+s29+$0x0] =	vst.idx.msk vm0, v1  }
.LBB2_11:
0xca: {  	s12 =	sadd.s32 $0x40, s25  }
0xcb: {  	s22 =	ssub.s32 s25, s1;
	s21 =	ssub.s32 s12, s1  }
0xcc: {  	p0 =	sgt.s32 s22, $0x0;
	p1 =	slt.s32 s21, $0x48  }
0xcd: {  	s22 =	simm.s32 @!p0 $0x0;
	s21 =	simm.s32 @!p1 $0x48  }
0xce: {  	p2 =	sge.s32 s22, s21  }
.Ltmp7:
0xcf: {  	_ = 	snop;
	(pc) =	sbr.rel @p2 .LBB2_21-.Ltmp7, $4  }
0xd0: {  	_ = 	snop  }
0xd1: {  	s14 =	sand.u32 $0xFFFFFFF8, s25;
	s1 =	sand.u32 $0xFFFFFF80, s6  }
0xd2: {  	p0 =	slt.s32 s14, $0x38;
	p1 =	slt.s32 s1, $0xF00  }
0xd3: {  	s14 =	simm.s32 @!p0 $0x38;
	s1 =	simm.s32 @!p1 $0xF00  }
0xd4: {  	s20 =	ssub.s32 s6, s20  }
0xd5: {  	v6 =	vadd.s32 s20, v0;
	s23 =	sadd.s32 $0x10, s20  }
0xd6: {  	s15 =	sadd.s32 $0x20, s20;
	s20 =	sadd.s32 $0x30, s20;
	vm0 =	vgt.s32 v6, $0x0;
	v7 =	vadd.s32 s23, v0  }
0xd7: {  	v8 =	vadd.s32 s15, v0;
	v9 =	vadd.s32 s20, v0;
	v2 =	vnsel vm0, $0x0, v6  }
0xd8: {  	vm3 =	vlt.u32 v6, $0x100;
	vm0 =	vgt.s32 v7, $0x0;
	v2 =	vmin.u32 v2, $0xFF  }
0xd9: {  	vm1 =	vgt.s32 v9, $0x0;
	vm2 =	vlt.u32 v7, $0x100;
	v3 =	vshll.u32 v2, $0x3  }
0xda: {  	v4 =	vnsel vm0, $0x0, v7;
	v2 =	vand.u32 $0x7F, v2;
	v3 =	vand.u32 $0x400, v3  }
0xdb: {  	s20 =	sadd.s32 $0x1, s22;
	vm0 =	vgt.s32 v8, $0x0;
	v2 =	vor.u32 v3, v2;
	v3 =	vmin.u32 v4, $0xFF  }
0xdc: {  	p2 =	sne.s32 s21, s20;
	v10 =	vnsel vm1, $0x0, v9;
	v4 =	vand.u32 $0x7F, v3;
	v3 =	vshll.u32 v3, $0x3  }
.Ltmp8:
0xdd: {  	v5 =	vnsel vm0, $0x0, v8;
	vm0 =	vlt.u32 v9, $0x100;
	v3 =	vand.u32 $0x400, v3;
	(pc) =	sbr.rel @!p2 .LBB2_13-.Ltmp8, $4  }
0xde: {  	v3 =	vor.u32 v3, v4;
	v4 =	vmin.u32 v5, $0xFF;
	v5 =	vmin.u32 v10, $0xFF  }
0xdf: {  	v63 =	vand.u32 $0x7F, v4;
	v4 =	vshll.u32 v4, $0x3;
	v11 =	vshll.u32 v5, $0x3  }
0xe0: {  	v12 =	vand.u32 $0x7F, v5;
	v4 =	vand.u32 $0x400, v4;
	v11 =	vand.u32 $0x400, v11  }
0xe1: {  	p0 =	por $0x0, $0x0;
	p1 =	por $0x0, $0x0;
	vm1 =	vlt.u32 v8, $0x100;
	v5 =	vor.u32 v4, v63;
	v4 =	vor.u32 v11, v12  }
0xe2: {  	v6 =	vmov s22;
	s22 =	sadd.s32 $0x1, s20  }
0xe3: {  	p2 =	sne.s32 s21, s22  }
.Ltmp9:
0xe4: {  	_ = 	snop;
	(pc) =	sbr.rel @!p2 .LBB2_15-.Ltmp9, $4  }
0xe5: {  	v7 =	vshll.u32 v6, $0x8;
	v6 =	vshll.u32 v6, $0x7  }
0xe6: {  	v8 =	vand.u32 $0xFFFFF800, v7;
	v7 =	vand.u32 $0x380, v6  }
0xe7: {  	v6 =	vor.u32 v2, v8;
	v9 =	vor.u32 v3, v8;
	v12 =	vor.u32 v5, v8  }
0xe8: {  	p0 =	por $0x1, $0x1;
	v6 =	vor.u32 v7, v6;
	v10 =	vor.u32 v7, v9;
	v9 =	vor.u32 v4, v8  }
0xe9: {  	_ = 	snop  }
0xea: {  	v8 =	vmov s20;
	s20 =	sadd.s32 $0x1, s22  }
0xeb: {  	v13 =	vor.u32 v7, v12;
	p2 =	sne.s32 s21, s20  }
.Ltmp10:
0xec: {  	v11 =	vshll.u32 v8, $0x8;
	(pc) =	sbr.rel @!p2 .LBB2_17-.Ltmp10, $4  }
0xed: {  	v12 =	vshll.u32 v8, $0x7;
	v8 =	vor.u32 v7, v9;
	v9 =	vand.u32 $0xFFFFF800, v11  }
0xee: {  	[tilespmem:v6+s29+$0x0] =	vst.idx.msk vm3, v1;
	v7 =	vand.u32 $0x380, v12;
	v11 =	vor.u32 v2, v9;
	v12 =	vor.u32 v3, v9  }
0xef: {  	[tilespmem:v10+s29+$0x0] =	vst.idx.msk vm2, v1;
	v6 =	vor.u32 v7, v11;
	v11 =	vor.u32 v7, v12  }
0xf0: {  	p1 =	por $0x1, $0x1;
	v12 =	vor.u32 v5, v9;
	v9 =	vor.u32 v4, v9;
	[tilespmem:v13+s29+$0x0] =	vst.idx.msk vm1, v1  }
.LBB2_18:
0xf1: {  	v10 =	vmov s22;
	s22 =	smov.u32 s20;
	s20 =	sadd.s32 $0x1, s20  }
0xf2: {  	v13 =	vor.u32 v7, v12;
	[tilespmem:v8+s29+$0x0] =	vst.idx.msk vm0, v1;
	p2 =	sne.s32 s21, s20  }
.Ltmp11:
0xf3: {  	v8 =	vor.u32 v7, v9;
	v12 =	vshll.u32 v10, $0x8;
	v10 =	vshll.u32 v10, $0x7;
	(pc) =	sbr.rel @p2 .LBB2_18-.Ltmp11, $4  }
0xf4: {  	v9 =	vand.u32 $0xFFFFF800, v12  }
0xf5: {  	v7 =	vand.u32 $0x380, v10;
	v10 =	vor.u32 v2, v9;
	v12 =	vor.u32 v3, v9;
	[tilespmem:v6+s29+$0x0] =	vst.idx.msk vm3, v1  }
0xf6: {  	v6 =	vor.u32 v7, v10;
	[tilespmem:v11+s29+$0x0] =	vst.idx.msk vm2, v1;
	v11 =	vor.u32 v7, v12  }
0xf7: {  	v12 =	vor.u32 v5, v9;
	v9 =	vor.u32 v4, v9;
	[tilespmem:v13+s29+$0x0] =	vst.idx.msk vm1, v1  }
0xf8: {  	v10 =	vmov v11  }
.LBB2_20:
0xf9: {  	_ = 	snop  }
0xfa: {  	v11 =	vmov s22  }
0xfb: {  	v12 =	vor.u32 @p0 v7, v12;
	v13 =	vshll.u32 v11, $0x8  }
0xfc: {  	v7 =	vor.u32 @p0 v7, v9;
	v62 =	vshll.u32 v11, $0x7;
	v63 =	vand.u32 $0xFFFFF800, v13  }
0xfd: {  	v7 =	vpsel p0, v7, v0;
	v9 =	vand.u32 $0x380, v62;
	v2 =	vor.u32 v2, v63  }
0xfe: {  	[tilespmem:v8+s29+$0x0] =	vst.idx.msk @p1 vm0, v1;
	v3 =	vor.u32 v3, v63;
	v2 =	vor.u32 v9, v2  }
0xff: {  	[tilespmem:v6+s29+$0x0] =	vst.idx.msk @p0 vm3, v1;
	v5 =	vor.u32 v5, v63;
	v3 =	vor.u32 v9, v3  }
0x100: {  	[tilespmem:v10+s29+$0x0] =	vst.idx.msk @p0 vm2, v1;
	v4 =	vor.u32 v4, v63;
	v5 =	vor.u32 v9, v5  }
0x101: {  	v4 =	vor.u32 v9, v4;
	[tilespmem:v12+s29+$0x0] =	vst.idx.msk @p0 vm1, v1  }
0x102: {  	[tilespmem:v7+s29+$0x0] =	vst.idx.msk @p0 vm0, v1  }
0x103: {  	[tilespmem:v2+s29+$0x0] =	vst.idx.msk vm3, v1  }
0x104: {  	[tilespmem:v3+s29+$0x0] =	vst.idx.msk vm2, v1  }
0x105: {  	[tilespmem:v5+s29+$0x0] =	vst.idx.msk vm1, v1  }
0x106: {  	[tilespmem:v4+s29+$0x0] =	vst.idx.msk vm0, v1  }
.LBB2_21:
0x107: {  	_ =	swait.ge [sflag:s31], $0x1000  }
0x108: {  	s21 =	sld [smem:$0x7D4]  }
0x109: {  	[sflag:s31] =	ssyncset.done $0x0  }
0x10a: {  	s20 =	sor.u32 $0x1C04, s24;
	[sflag:s31] =	ssyncadd.s32 $0xFFFFF000  }
0x10b: {  	[hbm:s21], [sflag:s20] =	dma.local [spmem:s16], $0x1000  }
0x10c: {  	s21 =	sld [smem:$0x7FD];
	_ =	sdelay $0x2  }
0x10d: {  	s23 =	sor.u32 $0x1C03, s24;
	s15 =	rddreg [dreg:$0x9];
	s22 =	sshrl.u32 s21, $0x3  }
0x10e: {  	[spmem:s22], [sflag:s23] =	dma.local [hbm:s15], $0x1000  }
0x10f: {  	_ =	swait.ge [sflag:s0], $0x1000  }
0x110: {  	s9 =	smov.u32 s30;
	[sflag:s0] =	ssyncset.done $0x0  }
0x111: {  	s21 =	sor.u32 $0x1C05, s24;
	s30 =	rddreg [dreg:$0xa];
	[sflag:s0] =	ssyncadd.s32 $0xFFFFF000  }
0x112: {  	[hbm:s30], [sflag:s21] =	dma.local [spmem:s17], $0x1000  }
0x113: {  	_ =	swait.ge [sflag:s3], $0x1000  }
0x114: {  	[sflag:s3] =	ssyncset.done $0x0  }
0x115: {  	s30 =	rddreg [dreg:$0xb];
	[sflag:s3] =	ssyncadd.s32 $0xFFFFF000  }
0x116: {  	[spmem:s16], [sflag:s19] =	dma.local [hbm:s30], $0x1000  }
0x117: {  	_ =	swait.ge [sflag:s4], $0x1000  }
0x118: {  	[sflag:s4] =	ssyncset.done $0x0  }
0x119: {  	s24 =	sor.u32 $0x1C06, s24;
	s30 =	rddreg [dreg:$0xc];
	[sflag:s4] =	ssyncadd.s32 $0xFFFFF000  }
0x11a: {  	[hbm:s30], [sflag:s24] =	dma.local [spmem:s22], $0x1000  }
0x11b: {  	_ =	swait.ge [sflag:s5], $0x1000  }
0x11c: {  	[sflag:s5] =	ssyncset.done $0x0  }
0x11d: {  	s30 =	rddreg [dreg:$0xd];
	[sflag:s5] =	ssyncadd.s32 $0xFFFFF000  }
0x11e: {  	[spmem:s17], [sflag:s18] =	dma.local [hbm:s30], $0x1000  }
0x11f: {  	_ =	swait.ge [sflag:s31], $0x1000  }
0x120: {  	[sflag:s31] =	ssyncset.done $0x0  }
0x121: {  	s30 =	rddreg [dreg:$0xe];
	[sflag:s31] =	ssyncadd.s32 $0xFFFFF000  }
0x122: {  	[hbm:s30], [sflag:s20] =	dma.local [spmem:s16], $0x1000  }
0x123: {  	_ =	swait.ge [sflag:s8], $0x1000  }
0x124: {  	[sflag:s8] =	ssyncset.done $0x0  }
0x125: {  	s30 =	rddreg [dreg:$0xf];
	[sflag:s8] =	ssyncadd.s32 $0xFFFFF000  }
0x126: {  	[spmem:s22], [sflag:s23] =	dma.local [hbm:s30], $0x1000  }
0x127: {  	_ =	swait.ge [sflag:s0], $0x1000  }
0x128: {  	[sflag:s0] =	ssyncset.done $0x0  }
0x129: {  	s30 =	rddreg [dreg:$0x10];
	[sflag:s0] =	ssyncadd.s32 $0xFFFFF000  }
0x12a: {  	[hbm:s30], [sflag:s21] =	dma.local [spmem:s17], $0x1000  }
0x12b: {  	_ =	swait.ge [sflag:s3], $0x1000  }
0x12c: {  	[sflag:s3] =	ssyncset.done $0x0  }
0x12d: {  	s30 =	rddreg [dreg:$0x11];
	[sflag:s3] =	ssyncadd.s32 $0xFFFFF000  }
0x12e: {  	[spmem:s16], [sflag:s19] =	dma.local [hbm:s30], $0x1000  }
0x12f: {  	_ =	swait.ge [sflag:s4], $0x1000  }
0x130: {  	[sflag:s4] =	ssyncset.done $0x0  }
0x131: {  	s30 =	rddreg [dreg:$0x12];
	[sflag:s4] =	ssyncadd.s32 $0xFFFFF000  }
0x132: {  	[hbm:s30], [sflag:s24] =	dma.local [spmem:s22], $0x1000  }
0x133: {  	_ =	swait.ge [sflag:s5], $0x1000  }
0x134: {  	[sflag:s5] =	ssyncset.done $0x0  }
0x135: {  	s30 =	rddreg [dreg:$0x13];
	[sflag:s5] =	ssyncadd.s32 $0xFFFFF000  }
0x136: {  	[spmem:s17], [sflag:s18] =	dma.local [hbm:s30], $0x1000  }
0x137: {  	_ =	swait.ge [sflag:s31], $0x1000  }
0x138: {  	[sflag:s31] =	ssyncset.done $0x0  }
0x139: {  	s30 =	rddreg [dreg:$0x14];
	[sflag:s31] =	ssyncadd.s32 $0xFFFFF000  }
0x13a: {  	[hbm:s30], [sflag:s20] =	dma.local [spmem:s16], $0x1000  }
0x13b: {  	_ =	swait.ge [sflag:s8], $0x1000  }
0x13c: {  	[sflag:s8] =	ssyncset.done $0x0  }
0x13d: {  	s30 =	rddreg [dreg:$0x16];
	[sflag:s8] =	ssyncadd.s32 $0xFFFFF000  }
0x13e: {  	[spmem:s22], [sflag:s23] =	dma.local [hbm:s30], $0x1000  }
0x13f: {  	_ =	swait.ge [sflag:s0], $0x1000  }
0x140: {  	[sflag:s0] =	ssyncset.done $0x0  }
0x141: {  	s30 =	rddreg [dreg:$0x15];
	[sflag:s0] =	ssyncadd.s32 $0xFFFFF000  }
0x142: {  	[hbm:s30], [sflag:s21] =	dma.local [spmem:s17], $0x1000  }
0x143: {  	_ =	swait.ge [sflag:s3], $0x1000  }
0x144: {  	[sflag:s3] =	ssyncset.done $0x0  }
0x145: {  	s30 =	rddreg [dreg:$0x18];
	[sflag:s3] =	ssyncadd.s32 $0xFFFFF000  }
0x146: {  	[spmem:s16], [sflag:s19] =	dma.local [hbm:s30], $0x1000  }
0x147: {  	_ =	swait.ge [sflag:s4], $0x1000  }
0x148: {  	[sflag:s4] =	ssyncset.done $0x0  }
0x149: {  	s30 =	rddreg [dreg:$0x17];
	[sflag:s4] =	ssyncadd.s32 $0xFFFFF000  }
0x14a: {  	[hbm:s30], [sflag:s24] =	dma.local [spmem:s22], $0x1000  }
0x14b: {  	_ =	swait.ge [sflag:s5], $0x1000  }
0x14c: {  	[sflag:s5] =	ssyncset.done $0x0  }
0x14d: {  	s30 =	rddreg [dreg:$0x1a];
	[sflag:s5] =	ssyncadd.s32 $0xFFFFF000  }
0x14e: {  	[spmem:s17], [sflag:s18] =	dma.local [hbm:s30], $0x1000  }
0x14f: {  	_ =	swait.ge [sflag:s31], $0x1000  }
0x150: {  	[sflag:s31] =	ssyncset.done $0x0  }
0x151: {  	s30 =	rddreg [dreg:$0x19];
	[sflag:s31] =	ssyncadd.s32 $0xFFFFF000  }
0x152: {  	[hbm:s30], [sflag:s20] =	dma.local [spmem:s16], $0x1000  }
0x153: {  	_ =	swait.ge [sflag:s8], $0x1000  }
0x154: {  	[sflag:s8] =	ssyncset.done $0x0  }
0x155: {  	s30 =	rddreg [dreg:$0x1c];
	[sflag:s8] =	ssyncadd.s32 $0xFFFFF000  }
0x156: {  	[spmem:s22], [sflag:s23] =	dma.local [hbm:s30], $0x1000  }
0x157: {  	_ =	swait.ge [sflag:s0], $0x1000  }
0x158: {  	[sflag:s0] =	ssyncset.done $0x0  }
0x159: {  	s30 =	rddreg [dreg:$0x1b];
	[sflag:s0] =	ssyncadd.s32 $0xFFFFF000  }
0x15a: {  	[hbm:s30], [sflag:s21] =	dma.local [spmem:s17], $0x1000  }
0x15b: {  	_ =	swait.ge [sflag:s3], $0x1000  }
0x15c: {  	[sflag:s3] =	ssyncset.done $0x0  }
0x15d: {  	s30 =	rddreg [dreg:$0x1e];
	[sflag:s3] =	ssyncadd.s32 $0xFFFFF000  }
0x15e: {  	[spmem:s16], [sflag:s19] =	dma.local [hbm:s30], $0x1000  }
0x15f: {  	_ =	swait.ge [sflag:s4], $0x1000  }
0x160: {  	[sflag:s4] =	ssyncset.done $0x0  }
0x161: {  	s30 =	rddreg [dreg:$0x1d];
	[sflag:s4] =	ssyncadd.s32 $0xFFFFF000  }
0x162: {  	[hbm:s30], [sflag:s24] =	dma.local [spmem:s22], $0x1000  }
0x163: {  	_ =	swait.ge [sflag:s5], $0x1000  }
0x164: {  	s30 =	sld [smem:$0x7D1]  }
0x165: {  	[sflag:s5] =	ssyncset.done $0x0  }
0x166: {  	[sflag:s5] =	ssyncadd.s32 $0xFFFFF000  }
0x167: {  	[spmem:s17], [sflag:s18] =	dma.local [hbm:s30], $0x1000  }
0x168: {  	_ =	swait.ge [sflag:s31], $0x1000  }
0x169: {  	[sflag:s31] =	ssyncset.done $0x0  }
0x16a: {  	s30 =	rddreg [dreg:$0x1f];
	[sflag:s31] =	ssyncadd.s32 $0xFFFFF000  }
0x16b: {  	[hbm:s30], [sflag:s20] =	dma.local [spmem:s16], $0x1000  }
0x16c: {  	_ =	swait.ge [sflag:s8], $0x1000  }
0x16d: {  	s30 =	sld [smem:$0x7D5]  }
0x16e: {  	[sflag:s8] =	ssyncset.done $0x0  }
0x16f: {  	[sflag:s8] =	ssyncadd.s32 $0xFFFFF000  }
0x170: {  	[spmem:s22], [sflag:s23] =	dma.local [hbm:s30], $0x1000  }
0x171: {  	_ =	swait.ge [sflag:s0], $0x1000  }
0x172: {  	s30 =	sld [smem:$0x7D2]  }
0x173: {  	[sflag:s0] =	ssyncset.done $0x0  }
0x174: {  	[sflag:s0] =	ssyncadd.s32 $0xFFFFF000  }
0x175: {  	[hbm:s30], [sflag:s21] =	dma.local [spmem:s17], $0x1000  }
0x176: {  	_ =	swait.ge [sflag:s3], $0x1000  }
0x177: {  	s30 =	sld [smem:$0x7D7]  }
0x178: {  	[sflag:s3] =	ssyncset.done $0x0  }
0x179: {  	[sflag:s3] =	ssyncadd.s32 $0xFFFFF000  }
0x17a: {  	[spmem:s16], [sflag:s19] =	dma.local [hbm:s30], $0x1000  }
0x17b: {  	_ =	swait.ge [sflag:s4], $0x1000  }
0x17c: {  	s30 =	sld [smem:$0x7D6]  }
0x17d: {  	[sflag:s4] =	ssyncset.done $0x0  }
0x17e: {  	[sflag:s4] =	ssyncadd.s32 $0xFFFFF000  }
0x17f: {  	[hbm:s30], [sflag:s24] =	dma.local [spmem:s22], $0x1000  }
0x180: {  	_ =	swait.ge [sflag:s5], $0x1000  }
0x181: {  	s30 =	sld [smem:$0x7F3]  }
0x182: {  	[sflag:s5] =	ssyncset.done $0x0  }
0x183: {  	[sflag:s5] =	ssyncadd.s32 $0xFFFFF000  }
0x184: {  	[spmem:s17], [sflag:s18] =	dma.local [hbm:s30], $0x1000  }
0x185: {  	_ =	swait.ge [sflag:s31], $0x1000  }
0x186: {  	s30 =	sld [smem:$0x7D8]  }
0x187: {  	[sflag:s31] =	ssyncset.done $0x0  }
0x188: {  	[sflag:s31] =	ssyncadd.s32 $0xFFFFF000  }
0x189: {  	[hbm:s30], [sflag:s20] =	dma.local [spmem:s16], $0x1000  }
0x18a: {  	_ =	swait.ge [sflag:s8], $0x1000  }
0x18b: {  	s30 =	sld [smem:$0x7D9]  }
0x18c: {  	[sflag:s8] =	ssyncset.done $0x0  }
0x18d: {  	[sflag:s8] =	ssyncadd.s32 $0xFFFFF000  }
0x18e: {  	[spmem:s22], [sflag:s23] =	dma.local [hbm:s30], $0x1000  }
0x18f: {  	_ =	swait.ge [sflag:s0], $0x1000  }
0x190: {  	s30 =	sld [smem:$0x7F4]  }
0x191: {  	[sflag:s0] =	ssyncset.done $0x0  }
0x192: {  	[sflag:s0] =	ssyncadd.s32 $0xFFFFF000  }
0x193: {  	[hbm:s30], [sflag:s21] =	dma.local [spmem:s17], $0x1000  }
0x194: {  	s26 =	sadd.s32 s13, s26;
	_ =	swait.ge [sflag:s3], $0x1000  }
0x195: {  	s10 =	simm.s32 $0x8000;
	s11 =	ssub.s32 s11, s14;
	[sflag:s3] =	ssyncset.done $0x0  }
0x196: {  	s2 =	ssub.s32 s2, s14;
	s15 =	simm.s32 $0x800;
	[sflag:s3] =	ssyncadd.s32 $0xFFFFF000  }
0x197: {  	[hbm4b:s26+s15] =	stream.strided.scatter [tilespmem:s29], [sflag:$0x8], $0x4800, s10, s15, $0x38;
	[tilespmem:$0x1E800] =	vst v63  }
0x198: {  	s30 =	smov.u32 s13;
	s13 =	rddreg [dreg:$0x7];
	s26 =	sshll.u32 s14, $0xC  }
0x199: {  	p0 =	sgt.s32 s11, $0x0;
	p1 =	slt.s32 s2, $0x48;
	s26 =	sadd.s32 s13, s26  }
0x19a: {  	s11 =	simm.s32 @!p0 $0x0;
	s13 =	simm.s32 $0x8;
	s26 =	sshrl.u32 s26, $0x3  }
0x19b: {  	s2 =	simm.s32 @!p1 $0x48;
	_ =	swait.ge [sflag:s13], $0x4800;
	s26 =	sadd.s32 s1, s26  }
0x19c: {  	p0 =	sge.s32 s11, s2;
	[sflag:s13] =	ssyncset.done $0x0;
	s26 =	sand.u32 $0x1FFFFF80, s26  }
0x19d: {  	[sflag:s13] =	ssyncadd.s32 $0xFFFFB800;
	s13 =	smov.u32 s28;
	s28 =	sadd.s32 s28, s26  }
0x19e: {  	[tilespmem:s29], [sflag:$0x7] =	stream.strided.gather [hbm4b:s28+s15], $0x4800, s10, s15, $0x38;
	[tilespmem:$0x1E800] =	vst v63  }
.Ltmp12:
0x19f: {  	_ = 	snop;
	(pc) =	sbr.rel @p0 .LBB2_31-.Ltmp12, $4  }
0x1a0: {  	s10 =	simm.s32 $0x7  }
0x1a1: {  	_ =	swait.ge [sflag:s10], $0x4800  }
0x1a2: {  	[sflag:s10] =	ssyncset.done $0x0  }
0x1a3: {  	s15 =	simm.s32 $0x8000;
	[sflag:s10] =	ssyncadd.s32 $0xFFFFB800  }
0x1a4: {  	s7 =	ssub.s32 s7, s1  }
0x1a5: {  	v6 =	vadd.s32 s7, v0;
	s28 =	sadd.s32 $0x10, s7  }
0x1a6: {  	vm0 =	vgt.s32 v6, $0x0;
	v7 =	vadd.s32 s28, v0  }
0x1a7: {  	s28 =	sadd.s32 $0x20, s7;
	s7 =	sadd.s32 $0x30, s7;
	vm3 =	vlt.u32 v6, $0x100;
	v2 =	vnsel vm0, $0x0, v6;
	vm0 =	vgt.s32 v7, $0x0  }
0x1a8: {  	v8 =	vadd.s32 s28, v0;
	v9 =	vadd.s32 s7, v0;
	v2 =	vmin.u32 v2, $0xFF  }
0x1a9: {  	vm2 =	vlt.u32 v7, $0x100;
	v4 =	vnsel vm0, $0x0, v7;
	v3 =	vshll.u32 v2, $0x3  }
0x1aa: {  	vm0 =	vgt.s32 v8, $0x0;
	v2 =	vand.u32 $0x7F, v2;
	v3 =	vand.u32 $0x400, v3  }
0x1ab: {  	s7 =	sadd.s32 $0x1, s11;
	vm1 =	vgt.s32 v9, $0x0;
	v2 =	vor.u32 v3, v2;
	v3 =	vmin.u32 v4, $0xFF  }
0x1ac: {  	p2 =	sne.s32 s2, s7;
	v5 =	vnsel vm0, $0x0, v8;
	v4 =	vand.u32 $0x7F, v3;
	v3 =	vshll.u32 v3, $0x3  }
.Ltmp13:
0x1ad: {  	v10 =	vnsel vm1, $0x0, v9;
	vm0 =	vlt.u32 v9, $0x100;
	v3 =	vand.u32 $0x400, v3;
	(pc) =	sbr.rel @!p2 .LBB2_23-.Ltmp13, $4  }
0x1ae: {  	v3 =	vor.u32 v3, v4;
	v4 =	vmin.u32 v5, $0xFF;
	v5 =	vmin.u32 v10, $0xFF  }
0x1af: {  	v63 =	vand.u32 $0x7F, v4;
	v4 =	vshll.u32 v4, $0x3;
	v11 =	vshll.u32 v5, $0x3  }
0x1b0: {  	v12 =	vand.u32 $0x7F, v5;
	v4 =	vand.u32 $0x400, v4;
	v11 =	vand.u32 $0x400, v11  }
0x1b1: {  	p0 =	por $0x0, $0x0;
	p1 =	por $0x0, $0x0;
	vm1 =	vlt.u32 v8, $0x100;
	v5 =	vor.u32 v4, v63;
	v4 =	vor.u32 v11, v12  }
0x1b2: {  	v6 =	vmov s11;
	s11 =	sadd.s32 $0x1, s7  }
0x1b3: {  	p2 =	sne.s32 s2, s11  }
.Ltmp14:
0x1b4: {  	_ = 	snop;
	(pc) =	sbr.rel @!p2 .LBB2_25-.Ltmp14, $4  }
0x1b5: {  	v7 =	vshll.u32 v6, $0x8;
	v6 =	vshll.u32 v6, $0x7  }
0x1b6: {  	v8 =	vand.u32 $0xFFFFF800, v7;
	v7 =	vand.u32 $0x380, v6  }
0x1b7: {  	v6 =	vor.u32 v2, v8;
	v9 =	vor.u32 v3, v8;
	v12 =	vor.u32 v5, v8  }
0x1b8: {  	p0 =	por $0x1, $0x1;
	v6 =	vor.u32 v7, v6;
	v10 =	vor.u32 v7, v9;
	v9 =	vor.u32 v4, v8  }
0x1b9: {  	_ = 	snop  }
0x1ba: {  	v8 =	vmov s7;
	s7 =	sadd.s32 $0x1, s11  }
0x1bb: {  	v13 =	vor.u32 v7, v12;
	p2 =	sne.s32 s2, s7  }
.Ltmp15:
0x1bc: {  	v11 =	vshll.u32 v8, $0x8;
	(pc) =	sbr.rel @!p2 .LBB2_27-.Ltmp15, $4  }
0x1bd: {  	v12 =	vshll.u32 v8, $0x7;
	v8 =	vor.u32 v7, v9;
	v9 =	vand.u32 $0xFFFFF800, v11  }
0x1be: {  	[tilespmem:v6+s29+$0x0] =	vst.idx.msk vm3, v1;
	v7 =	vand.u32 $0x380, v12;
	v11 =	vor.u32 v2, v9;
	v12 =	vor.u32 v3, v9  }
0x1bf: {  	[tilespmem:v10+s29+$0x0] =	vst.idx.msk vm2, v1;
	v6 =	vor.u32 v7, v11;
	v11 =	vor.u32 v7, v12  }
0x1c0: {  	p1 =	por $0x1, $0x1;
	v12 =	vor.u32 v5, v9;
	v9 =	vor.u32 v4, v9;
	[tilespmem:v13+s29+$0x0] =	vst.idx.msk vm1, v1  }
.LBB2_28:
0x1c1: {  	v10 =	vmov s11;
	s11 =	smov.u32 s7;
	s7 =	sadd.s32 $0x1, s7  }
0x1c2: {  	v13 =	vor.u32 v7, v12;
	[tilespmem:v8+s29+$0x0] =	vst.idx.msk vm0, v1;
	p2 =	sne.s32 s2, s7  }
.Ltmp16:
0x1c3: {  	v8 =	vor.u32 v7, v9;
	v12 =	vshll.u32 v10, $0x8;
	v10 =	vshll.u32 v10, $0x7;
	(pc) =	sbr.rel @p2 .LBB2_28-.Ltmp16, $4  }
0x1c4: {  	v9 =	vand.u32 $0xFFFFF800, v12  }
0x1c5: {  	v7 =	vand.u32 $0x380, v10;
	v10 =	vor.u32 v2, v9;
	v12 =	vor.u32 v3, v9;
	[tilespmem:v6+s29+$0x0] =	vst.idx.msk vm3, v1  }
0x1c6: {  	v6 =	vor.u32 v7, v10;
	[tilespmem:v11+s29+$0x0] =	vst.idx.msk vm2, v1;
	v11 =	vor.u32 v7, v12  }
0x1c7: {  	v12 =	vor.u32 v5, v9;
	v9 =	vor.u32 v4, v9;
	[tilespmem:v13+s29+$0x0] =	vst.idx.msk vm1, v1  }
0x1c8: {  	v10 =	vmov v11  }
.LBB2_30:
0x1c9: {  	_ = 	snop  }
0x1ca: {  	v11 =	vmov s11  }
0x1cb: {  	v12 =	vor.u32 @p0 v7, v12;
	v13 =	vshll.u32 v11, $0x8  }
0x1cc: {  	v7 =	vor.u32 @p0 v7, v9;
	v62 =	vshll.u32 v11, $0x7;
	v63 =	vand.u32 $0xFFFFF800, v13  }
0x1cd: {  	v7 =	vpsel p0, v7, v0;
	v9 =	vand.u32 $0x380, v62;
	v2 =	vor.u32 v2, v63  }
0x1ce: {  	[tilespmem:v8+s29+$0x0] =	vst.idx.msk @p1 vm0, v1;
	v3 =	vor.u32 v3, v63;
	v2 =	vor.u32 v9, v2  }
0x1cf: {  	[tilespmem:v6+s29+$0x0] =	vst.idx.msk @p0 vm3, v1;
	v5 =	vor.u32 v5, v63;
	v3 =	vor.u32 v9, v3  }
0x1d0: {  	[tilespmem:v10+s29+$0x0] =	vst.idx.msk @p0 vm2, v1;
	v4 =	vor.u32 v4, v63;
	v5 =	vor.u32 v9, v5  }
0x1d1: {  	v4 =	vor.u32 v9, v4;
	[tilespmem:v12+s29+$0x0] =	vst.idx.msk @p0 vm1, v1  }
0x1d2: {  	[tilespmem:v7+s29+$0x0] =	vst.idx.msk @p0 vm0, v1  }
0x1d3: {  	[tilespmem:v2+s29+$0x0] =	vst.idx.msk vm3, v1  }
0x1d4: {  	[tilespmem:v3+s29+$0x0] =	vst.idx.msk vm2, v1  }
0x1d5: {  	[tilespmem:v5+s29+$0x0] =	vst.idx.msk vm1, v1  }
0x1d6: {  	[tilespmem:v4+s29+$0x0] =	vst.idx.msk vm0, v1  }
.LBB2_31:
0x1d7: {  	s7 =	ssub.s32 s25, s14;
	s2 =	ssub.s32 s12, s14  }
0x1d8: {  	p0 =	sgt.s32 s7, $0x0;
	p1 =	slt.s32 s2, $0x48  }
0x1d9: {  	s7 =	simm.s32 @!p0 $0x0;
	s2 =	simm.s32 @!p1 $0x48  }
0x1da: {  	p0 =	sge.s32 s7, s2  }
.Ltmp17:
0x1db: {  	_ = 	snop;
	(pc) =	sbr.rel @p0 .LBB2_41-.Ltmp17, $3  }
0x1dc: {  	_ =	sdelay $0x1  }
0x1dd: {  	s28 =	smov.u32 s13  }
0x1de: {  	s13 =	smov.u32 s30;
	s30 =	smov.u32 s9;
	s9 =	simm.s32 $0x800  }
0x1df: {  	s1 =	ssub.s32 s6, s1  }
0x1e0: {  	v6 =	vadd.s32 s1, v0;
	s6 =	sadd.s32 $0x10, s1  }
0x1e1: {  	s25 =	sadd.s32 $0x20, s1;
	s1 =	sadd.s32 $0x30, s1;
	vm0 =	vgt.s32 v6, $0x0;
	v7 =	vadd.s32 s6, v0  }
0x1e2: {  	v8 =	vadd.s32 s25, v0;
	v9 =	vadd.s32 s1, v0;
	v2 =	vnsel vm0, $0x0, v6  }
0x1e3: {  	vm3 =	vlt.u32 v6, $0x100;
	vm0 =	vgt.s32 v7, $0x0;
	v2 =	vmin.u32 v2, $0xFF  }
0x1e4: {  	vm1 =	vgt.s32 v9, $0x0;
	vm2 =	vlt.u32 v7, $0x100;
	v3 =	vshll.u32 v2, $0x3  }
0x1e5: {  	v4 =	vnsel vm0, $0x0, v7;
	v2 =	vand.u32 $0x7F, v2;
	v3 =	vand.u32 $0x400, v3  }
0x1e6: {  	s1 =	sadd.s32 $0x1, s7;
	vm0 =	vgt.s32 v8, $0x0;
	v2 =	vor.u32 v3, v2;
	v3 =	vmin.u32 v4, $0xFF  }
0x1e7: {  	p2 =	sne.s32 s2, s1;
	v10 =	vnsel vm1, $0x0, v9;
	v4 =	vand.u32 $0x7F, v3;
	v3 =	vshll.u32 v3, $0x3  }
.Ltmp18:
0x1e8: {  	v5 =	vnsel vm0, $0x0, v8;
	vm0 =	vlt.u32 v9, $0x100;
	v3 =	vand.u32 $0x400, v3;
	(pc) =	sbr.rel @!p2 .LBB2_33-.Ltmp18, $4  }
0x1e9: {  	v3 =	vor.u32 v3, v4;
	v4 =	vmin.u32 v5, $0xFF;
	v5 =	vmin.u32 v10, $0xFF  }
0x1ea: {  	v63 =	vand.u32 $0x7F, v4;
	v4 =	vshll.u32 v4, $0x3;
	v11 =	vshll.u32 v5, $0x3  }
0x1eb: {  	v12 =	vand.u32 $0x7F, v5;
	v4 =	vand.u32 $0x400, v4;
	v11 =	vand.u32 $0x400, v11  }
0x1ec: {  	p0 =	por $0x0, $0x0;
	p1 =	por $0x0, $0x0;
	vm1 =	vlt.u32 v8, $0x100;
	v5 =	vor.u32 v4, v63;
	v4 =	vor.u32 v11, v12  }
0x1ed: {  	v6 =	vmov s7;
	s7 =	sadd.s32 $0x1, s1  }
0x1ee: {  	p2 =	sne.s32 s2, s7  }
.Ltmp19:
0x1ef: {  	_ = 	snop;
	(pc) =	sbr.rel @!p2 .LBB2_35-.Ltmp19, $4  }
0x1f0: {  	v7 =	vshll.u32 v6, $0x8;
	v6 =	vshll.u32 v6, $0x7  }
0x1f1: {  	v8 =	vand.u32 $0xFFFFF800, v7;
	v7 =	vand.u32 $0x380, v6  }
0x1f2: {  	v6 =	vor.u32 v2, v8;
	v9 =	vor.u32 v3, v8;
	v12 =	vor.u32 v5, v8  }
0x1f3: {  	p0 =	por $0x1, $0x1;
	v6 =	vor.u32 v7, v6;
	v10 =	vor.u32 v7, v9;
	v9 =	vor.u32 v4, v8  }
0x1f4: {  	_ = 	snop  }
0x1f5: {  	v8 =	vmov s1;
	s1 =	sadd.s32 $0x1, s7  }
0x1f6: {  	v13 =	vor.u32 v7, v12;
	p2 =	sne.s32 s2, s1  }
.Ltmp20:
0x1f7: {  	v11 =	vshll.u32 v8, $0x8;
	(pc) =	sbr.rel @!p2 .LBB2_37-.Ltmp20, $4  }
0x1f8: {  	v12 =	vshll.u32 v8, $0x7;
	v8 =	vor.u32 v7, v9;
	v9 =	vand.u32 $0xFFFFF800, v11  }
0x1f9: {  	[tilespmem:v6+s29+$0x0] =	vst.idx.msk vm3, v1;
	v7 =	vand.u32 $0x380, v12;
	v11 =	vor.u32 v2, v9;
	v12 =	vor.u32 v3, v9  }
0x1fa: {  	[tilespmem:v10+s29+$0x0] =	vst.idx.msk vm2, v1;
	v6 =	vor.u32 v7, v11;
	v11 =	vor.u32 v7, v12  }
0x1fb: {  	p1 =	por $0x1, $0x1;
	v12 =	vor.u32 v5, v9;
	v9 =	vor.u32 v4, v9;
	[tilespmem:v13+s29+$0x0] =	vst.idx.msk vm1, v1  }
.LBB2_38:
0x1fc: {  	v10 =	vmov s7;
	s7 =	smov.u32 s1;
	s1 =	sadd.s32 $0x1, s1  }
0x1fd: {  	v13 =	vor.u32 v7, v12;
	[tilespmem:v8+s29+$0x0] =	vst.idx.msk vm0, v1;
	p2 =	sne.s32 s2, s1  }
.Ltmp21:
0x1fe: {  	v8 =	vor.u32 v7, v9;
	v12 =	vshll.u32 v10, $0x8;
	v10 =	vshll.u32 v10, $0x7;
	(pc) =	sbr.rel @p2 .LBB2_38-.Ltmp21, $4  }
0x1ff: {  	v9 =	vand.u32 $0xFFFFF800, v12  }
0x200: {  	v7 =	vand.u32 $0x380, v10;
	v10 =	vor.u32 v2, v9;
	v12 =	vor.u32 v3, v9;
	[tilespmem:v6+s29+$0x0] =	vst.idx.msk vm3, v1  }
0x201: {  	v6 =	vor.u32 v7, v10;
	[tilespmem:v11+s29+$0x0] =	vst.idx.msk vm2, v1;
	v11 =	vor.u32 v7, v12  }
0x202: {  	v12 =	vor.u32 v5, v9;
	v9 =	vor.u32 v4, v9;
	[tilespmem:v13+s29+$0x0] =	vst.idx.msk vm1, v1  }
0x203: {  	v10 =	vmov v11  }
.LBB2_40:
0x204: {  	_ = 	snop  }
0x205: {  	v11 =	vmov s7  }
0x206: {  	v12 =	vor.u32 @p0 v7, v12;
	v13 =	vshll.u32 v11, $0x8  }
0x207: {  	v7 =	vor.u32 @p0 v7, v9;
	v62 =	vshll.u32 v11, $0x7;
	v63 =	vand.u32 $0xFFFFF800, v13  }
0x208: {  	v7 =	vpsel p0, v7, v0;
	v9 =	vand.u32 $0x380, v62;
	v2 =	vor.u32 v2, v63  }
0x209: {  	[tilespmem:v8+s29+$0x0] =	vst.idx.msk @p1 vm0, v1;
	v3 =	vor.u32 v3, v63;
	v2 =	vor.u32 v9, v2  }
0x20a: {  	[tilespmem:v6+s29+$0x0] =	vst.idx.msk @p0 vm3, v1;
	v5 =	vor.u32 v5, v63;
	v3 =	vor.u32 v9, v3  }
0x20b: {  	[tilespmem:v10+s29+$0x0] =	vst.idx.msk @p0 vm2, v1;
	v4 =	vor.u32 v4, v63;
	v5 =	vor.u32 v9, v5  }
0x20c: {  	v4 =	vor.u32 v9, v4;
	[tilespmem:v12+s29+$0x0] =	vst.idx.msk @p0 vm1, v1  }
0x20d: {  	[tilespmem:v7+s29+$0x0] =	vst.idx.msk @p0 vm0, v1  }
0x20e: {  	[tilespmem:v2+s29+$0x0] =	vst.idx.msk vm3, v1  }
0x20f: {  	[tilespmem:v3+s29+$0x0] =	vst.idx.msk vm2, v1  }
0x210: {  	[tilespmem:v5+s29+$0x0] =	vst.idx.msk vm1, v1  }
0x211: {  	[tilespmem:v4+s29+$0x0] =	vst.idx.msk vm0, v1  }
.LBB2_41:
0x212: {  	s7 =	sld [smem:$0x7CD]  }
0x213: {  	s2 =	sadd.s32 s13, s26  }
0x214: {  	[hbm4b:s2+s9] =	stream.strided.scatter [tilespmem:s29], [sflag:$0x8], $0x4800, s15, s9, $0x38;
	[tilespmem:$0x1E800] =	vst v63  }
0x215: {  	s25 =	sld [smem:$0x7CE];
	s1 =	sand.u32 $0xFFFFFFF8, s7  }
0x216: {  	p0 =	slt.s32 s1, $0x38  }
0x217: {  	s1 =	simm.s32 @!p0 $0x38  }
0x218: {  	s12 =	sand.u32 $0xFFFFFF80, s25;
	s26 =	sshll.u32 s1, $0xC  }
0x219: {  	p0 =	slt.s32 s12, $0xF00;
	s2 =	sadd.s32 s30, s26  }
0x21a: {  	s6 =	simm.s32 $0x8;
	s12 =	simm.s32 @!p0 $0xF00;
	s2 =	sshrl.u32 s2, $0x3  }
0x21b: {  	_ =	swait.ge [sflag:s6], $0x4800;
	s2 =	sadd.s32 s12, s2  }
0x21c: {  	[sflag:s6] =	ssyncset.done $0x0;
	s11 =	sand.u32 $0x1FFFFF80, s2  }
0x21d: {  	[sflag:s6] =	ssyncadd.s32 $0xFFFFB800;
	s2 =	sadd.s32 s28, s11  }
0x21e: {  	[tilespmem:s29], [sflag:$0x7] =	stream.strided.gather [hbm4b:s2+s9], $0x4800, s15, s9, $0x38;
	[tilespmem:$0x1E800] =	vst v63  }
0x21f: {  	s2 =	sadd.s32 $0x40, s7  }
0x220: {  	s7 =	ssub.s32 s7, s1;
	s6 =	ssub.s32 s2, s1  }
0x221: {  	p0 =	sgt.s32 s7, $0x0;
	p1 =	slt.s32 s6, $0x48  }
0x222: {  	s7 =	simm.s32 @!p0 $0x0;
	s6 =	simm.s32 @!p1 $0x48  }
0x223: {  	p0 =	sge.s32 s7, s6  }
.Ltmp22:
0x224: {  	_ = 	snop;
	(pc) =	sbr.rel @p0 .LBB2_51-.Ltmp22, $4  }
0x225: {  	_ = 	snop  }
0x226: {  	_ =	swait.ge [sflag:s10], $0x4800  }
0x227: {  	[sflag:s10] =	ssyncset.done $0x0  }
0x228: {  	s26 =	sld [smem:$0x7D0];
	[sflag:s10] =	ssyncadd.s32 $0xFFFFB800  }
0x229: {  	s9 =	sld [smem:$0x7CE];
	_ =	sdelay $0x2  }
0x22a: {  	s14 =	ssub.s32 s9, s12  }
0x22b: {  	v6 =	vadd.s32 s14, v0;
	s25 =	sadd.s32 $0x10, s14  }
0x22c: {  	s9 =	sadd.s32 $0x20, s14;
	s14 =	sadd.s32 $0x30, s14;
	vm0 =	vgt.s32 v6, $0x0;
	v7 =	vadd.s32 s25, v0  }
0x22d: {  	v8 =	vadd.s32 s9, v0;
	v9 =	vadd.s32 s14, v0;
	v2 =	vnsel vm0, $0x0, v6  }
0x22e: {  	vm3 =	vlt.u32 v6, $0x100;
	vm0 =	vgt.s32 v7, $0x0;
	v2 =	vmin.u32 v2, $0xFF  }
0x22f: {  	vm1 =	vgt.s32 v9, $0x0;
	vm2 =	vlt.u32 v7, $0x100;
	v3 =	vshll.u32 v2, $0x3  }
0x230: {  	v4 =	vnsel vm0, $0x0, v7;
	v2 =	vand.u32 $0x7F, v2;
	v3 =	vand.u32 $0x400, v3  }
0x231: {  	s14 =	sadd.s32 $0x1, s7;
	vm0 =	vgt.s32 v8, $0x0;
	v2 =	vor.u32 v3, v2;
	v3 =	vmin.u32 v4, $0xFF  }
0x232: {  	p2 =	sne.s32 s6, s14;
	v10 =	vnsel vm1, $0x0, v9;
	v4 =	vand.u32 $0x7F, v3;
	v3 =	vshll.u32 v3, $0x3  }
.Ltmp23:
0x233: {  	v5 =	vnsel vm0, $0x0, v8;
	vm0 =	vlt.u32 v9, $0x100;
	v3 =	vand.u32 $0x400, v3;
	(pc) =	sbr.rel @!p2 .LBB2_43-.Ltmp23, $4  }
0x234: {  	v3 =	vor.u32 v3, v4;
	v4 =	vmin.u32 v5, $0xFF;
	v5 =	vmin.u32 v10, $0xFF  }
0x235: {  	v63 =	vand.u32 $0x7F, v4;
	v4 =	vshll.u32 v4, $0x3;
	v11 =	vshll.u32 v5, $0x3  }
0x236: {  	v12 =	vand.u32 $0x7F, v5;
	v4 =	vand.u32 $0x400, v4;
	v11 =	vand.u32 $0x400, v11  }
0x237: {  	p0 =	por $0x0, $0x0;
	p1 =	por $0x0, $0x0;
	vm1 =	vlt.u32 v8, $0x100;
	v5 =	vor.u32 v4, v63;
	v4 =	vor.u32 v11, v12  }
0x238: {  	v6 =	vmov s7;
	s7 =	sadd.s32 $0x1, s14  }
0x239: {  	p2 =	sne.s32 s6, s7  }
.Ltmp24:
0x23a: {  	_ = 	snop;
	(pc) =	sbr.rel @!p2 .LBB2_45-.Ltmp24, $4  }
0x23b: {  	v7 =	vshll.u32 v6, $0x8;
	v6 =	vshll.u32 v6, $0x7  }
0x23c: {  	v8 =	vand.u32 $0xFFFFF800, v7;
	v7 =	vand.u32 $0x380, v6  }
0x23d: {  	v6 =	vor.u32 v2, v8;
	v9 =	vor.u32 v3, v8;
	v12 =	vor.u32 v5, v8  }
0x23e: {  	p0 =	por $0x1, $0x1;
	v6 =	vor.u32 v7, v6;
	v10 =	vor.u32 v7, v9;
	v9 =	vor.u32 v4, v8  }
0x23f: {  	_ = 	snop  }
0x240: {  	v8 =	vmov s14;
	s14 =	sadd.s32 $0x1, s7  }
0x241: {  	v13 =	vor.u32 v7, v12;
	p2 =	sne.s32 s6, s14  }
.Ltmp25:
0x242: {  	v11 =	vshll.u32 v8, $0x8;
	(pc) =	sbr.rel @!p2 .LBB2_47-.Ltmp25, $4  }
0x243: {  	v12 =	vshll.u32 v8, $0x7;
	v8 =	vor.u32 v7, v9;
	v9 =	vand.u32 $0xFFFFF800, v11  }
0x244: {  	[tilespmem:v6+s29+$0x0] =	vst.idx.msk vm3, v1;
	v7 =	vand.u32 $0x380, v12;
	v11 =	vor.u32 v2, v9;
	v12 =	vor.u32 v3, v9  }
0x245: {  	[tilespmem:v10+s29+$0x0] =	vst.idx.msk vm2, v1;
	v6 =	vor.u32 v7, v11;
	v11 =	vor.u32 v7, v12  }
0x246: {  	p1 =	por $0x1, $0x1;
	v12 =	vor.u32 v5, v9;
	v9 =	vor.u32 v4, v9;
	[tilespmem:v13+s29+$0x0] =	vst.idx.msk vm1, v1  }
.LBB2_48:
0x247: {  	v10 =	vmov s7;
	s7 =	smov.u32 s14;
	s14 =	sadd.s32 $0x1, s14  }
0x248: {  	v13 =	vor.u32 v7, v12;
	[tilespmem:v8+s29+$0x0] =	vst.idx.msk vm0, v1;
	p2 =	sne.s32 s6, s14  }
.Ltmp26:
0x249: {  	v8 =	vor.u32 v7, v9;
	v12 =	vshll.u32 v10, $0x8;
	v10 =	vshll.u32 v10, $0x7;
	(pc) =	sbr.rel @p2 .LBB2_48-.Ltmp26, $4  }
0x24a: {  	v9 =	vand.u32 $0xFFFFF800, v12  }
0x24b: {  	v7 =	vand.u32 $0x380, v10;
	v10 =	vor.u32 v2, v9;
	v12 =	vor.u32 v3, v9;
	[tilespmem:v6+s29+$0x0] =	vst.idx.msk vm3, v1  }
0x24c: {  	v6 =	vor.u32 v7, v10;
	[tilespmem:v11+s29+$0x0] =	vst.idx.msk vm2, v1;
	v11 =	vor.u32 v7, v12  }
0x24d: {  	v12 =	vor.u32 v5, v9;
	v9 =	vor.u32 v4, v9;
	[tilespmem:v13+s29+$0x0] =	vst.idx.msk vm1, v1  }
0x24e: {  	v10 =	vmov v11  }
.LBB2_50:
0x24f: {  	_ = 	snop  }
0x250: {  	v11 =	vmov s7  }
0x251: {  	v12 =	vor.u32 @p0 v7, v12;
	v13 =	vshll.u32 v11, $0x8  }
0x252: {  	v7 =	vor.u32 @p0 v7, v9;
	v62 =	vshll.u32 v11, $0x7;
	v63 =	vand.u32 $0xFFFFF800, v13  }
0x253: {  	v7 =	vpsel p0, v7, v0;
	v9 =	vand.u32 $0x380, v62;
	v2 =	vor.u32 v2, v63  }
0x254: {  	[tilespmem:v8+s29+$0x0] =	vst.idx.msk @p1 vm0, v1;
	v3 =	vor.u32 v3, v63;
	v2 =	vor.u32 v9, v2  }
0x255: {  	[tilespmem:v6+s29+$0x0] =	vst.idx.msk @p0 vm3, v1;
	v5 =	vor.u32 v5, v63;
	v3 =	vor.u32 v9, v3  }
0x256: {  	[tilespmem:v10+s29+$0x0] =	vst.idx.msk @p0 vm2, v1;
	v4 =	vor.u32 v4, v63;
	v5 =	vor.u32 v9, v5  }
0x257: {  	v4 =	vor.u32 v9, v4;
	[tilespmem:v12+s29+$0x0] =	vst.idx.msk @p0 vm1, v1  }
0x258: {  	[tilespmem:v7+s29+$0x0] =	vst.idx.msk @p0 vm0, v1  }
0x259: {  	[tilespmem:v2+s29+$0x0] =	vst.idx.msk vm3, v1  }
0x25a: {  	[tilespmem:v3+s29+$0x0] =	vst.idx.msk vm2, v1  }
0x25b: {  	[tilespmem:v5+s29+$0x0] =	vst.idx.msk vm1, v1  }
0x25c: {  	[tilespmem:v4+s29+$0x0] =	vst.idx.msk vm0, v1  }
.LBB2_51:
0x25d: {  	s7 =	sld [smem:$0x7CF];
	_ =	sdelay $0x2  }
0x25e: {  	s6 =	sadd.s32 $0x40, s7  }
0x25f: {  	s25 =	ssub.s32 s7, s1;
	s14 =	ssub.s32 s6, s1  }
0x260: {  	p0 =	sgt.s32 s25, $0x0;
	p1 =	slt.s32 s14, $0x48  }
0x261: {  	s25 =	simm.s32 @!p0 $0x0;
	s14 =	simm.s32 @!p1 $0x48  }
0x262: {  	p2 =	sge.s32 s25, s14  }
.Ltmp27:
0x263: {  	_ = 	snop;
	(pc) =	sbr.rel @p2 .LBB2_61-.Ltmp27, $4  }
0x264: {  	_ = 	snop  }
0x265: {  	s7 =	sand.u32 $0xFFFFFFF8, s7;
	s1 =	sand.u32 $0xFFFFFF80, s26  }
0x266: {  	p0 =	slt.s32 s7, $0x38;
	p1 =	slt.s32 s1, $0xF00  }
0x267: {  	s7 =	simm.s32 @!p0 $0x38;
	s1 =	simm.s32 @!p1 $0xF00  }
0x268: {  	s12 =	ssub.s32 s26, s12  }
0x269: {  	v6 =	vadd.s32 s12, v0;
	s26 =	sadd.s32 $0x10, s12  }
0x26a: {  	s9 =	sadd.s32 $0x20, s12;
	s12 =	sadd.s32 $0x30, s12;
	vm0 =	vgt.s32 v6, $0x0;
	v7 =	vadd.s32 s26, v0  }
0x26b: {  	v8 =	vadd.s32 s9, v0;
	v9 =	vadd.s32 s12, v0;
	v2 =	vnsel vm0, $0x0, v6  }
0x26c: {  	vm3 =	vlt.u32 v6, $0x100;
	vm0 =	vgt.s32 v7, $0x0;
	v2 =	vmin.u32 v2, $0xFF  }
0x26d: {  	vm1 =	vgt.s32 v9, $0x0;
	vm2 =	vlt.u32 v7, $0x100;
	v3 =	vshll.u32 v2, $0x3  }
0x26e: {  	v4 =	vnsel vm0, $0x0, v7;
	v2 =	vand.u32 $0x7F, v2;
	v3 =	vand.u32 $0x400, v3  }
0x26f: {  	s12 =	sadd.s32 $0x1, s25;
	vm0 =	vgt.s32 v8, $0x0;
	v2 =	vor.u32 v3, v2;
	v3 =	vmin.u32 v4, $0xFF  }
0x270: {  	p2 =	sne.s32 s14, s12;
	v10 =	vnsel vm1, $0x0, v9;
	v4 =	vand.u32 $0x7F, v3;
	v3 =	vshll.u32 v3, $0x3  }
.Ltmp28:
0x271: {  	v5 =	vnsel vm0, $0x0, v8;
	vm0 =	vlt.u32 v9, $0x100;
	v3 =	vand.u32 $0x400, v3;
	(pc) =	sbr.rel @!p2 .LBB2_53-.Ltmp28, $4  }
0x272: {  	v3 =	vor.u32 v3, v4;
	v4 =	vmin.u32 v5, $0xFF;
	v5 =	vmin.u32 v10, $0xFF  }
0x273: {  	v63 =	vand.u32 $0x7F, v4;
	v4 =	vshll.u32 v4, $0x3;
	v11 =	vshll.u32 v5, $0x3  }
0x274: {  	v12 =	vand.u32 $0x7F, v5;
	v4 =	vand.u32 $0x400, v4;
	v11 =	vand.u32 $0x400, v11  }
0x275: {  	p0 =	por $0x0, $0x0;
	p1 =	por $0x0, $0x0;
	vm1 =	vlt.u32 v8, $0x100;
	v5 =	vor.u32 v4, v63;
	v4 =	vor.u32 v11, v12  }
0x276: {  	v6 =	vmov s25;
	s25 =	sadd.s32 $0x1, s12  }
0x277: {  	p2 =	sne.s32 s14, s25  }
.Ltmp29:
0x278: {  	_ = 	snop;
	(pc) =	sbr.rel @!p2 .LBB2_55-.Ltmp29, $4  }
0x279: {  	v7 =	vshll.u32 v6, $0x8;
	v6 =	vshll.u32 v6, $0x7  }
0x27a: {  	v8 =	vand.u32 $0xFFFFF800, v7;
	v7 =	vand.u32 $0x380, v6  }
0x27b: {  	v6 =	vor.u32 v2, v8;
	v9 =	vor.u32 v3, v8;
	v12 =	vor.u32 v5, v8  }
0x27c: {  	p0 =	por $0x1, $0x1;
	s26 =	sld [smem:$0x7D0];
	v6 =	vor.u32 v7, v6;
	v10 =	vor.u32 v7, v9;
	v9 =	vor.u32 v4, v8  }
0x27d: {  	_ = 	snop  }
0x27e: {  	v8 =	vmov s12;
	s12 =	sadd.s32 $0x1, s25  }
0x27f: {  	v13 =	vor.u32 v7, v12;
	p2 =	sne.s32 s14, s12  }
.Ltmp30:
0x280: {  	v11 =	vshll.u32 v8, $0x8;
	(pc) =	sbr.rel @!p2 .LBB2_57-.Ltmp30, $4  }
0x281: {  	v12 =	vshll.u32 v8, $0x7;
	v8 =	vor.u32 v7, v9;
	v9 =	vand.u32 $0xFFFFF800, v11  }
0x282: {  	[tilespmem:v6+s29+$0x0] =	vst.idx.msk vm3, v1;
	v7 =	vand.u32 $0x380, v12;
	v11 =	vor.u32 v2, v9;
	v12 =	vor.u32 v3, v9  }
0x283: {  	[tilespmem:v10+s29+$0x0] =	vst.idx.msk vm2, v1;
	v6 =	vor.u32 v7, v11;
	v11 =	vor.u32 v7, v12  }
0x284: {  	p1 =	por $0x1, $0x1;
	v12 =	vor.u32 v5, v9;
	v9 =	vor.u32 v4, v9;
	[tilespmem:v13+s29+$0x0] =	vst.idx.msk vm1, v1  }
.LBB2_58:
0x285: {  	v10 =	vmov s25;
	s25 =	smov.u32 s12;
	s12 =	sadd.s32 $0x1, s12  }
0x286: {  	v13 =	vor.u32 v7, v12;
	[tilespmem:v8+s29+$0x0] =	vst.idx.msk vm0, v1;
	p2 =	sne.s32 s14, s12  }
.Ltmp31:
0x287: {  	v8 =	vor.u32 v7, v9;
	v12 =	vshll.u32 v10, $0x8;
	v10 =	vshll.u32 v10, $0x7;
	(pc) =	sbr.rel @p2 .LBB2_58-.Ltmp31, $4  }
0x288: {  	v9 =	vand.u32 $0xFFFFF800, v12  }
0x289: {  	v7 =	vand.u32 $0x380, v10;
	v10 =	vor.u32 v2, v9;
	v12 =	vor.u32 v3, v9;
	[tilespmem:v6+s29+$0x0] =	vst.idx.msk vm3, v1  }
0x28a: {  	v6 =	vor.u32 v7, v10;
	[tilespmem:v11+s29+$0x0] =	vst.idx.msk vm2, v1;
	v11 =	vor.u32 v7, v12  }
0x28b: {  	v12 =	vor.u32 v5, v9;
	v9 =	vor.u32 v4, v9;
	[tilespmem:v13+s29+$0x0] =	vst.idx.msk vm1, v1  }
0x28c: {  	v10 =	vmov v11  }
.LBB2_60:
0x28d: {  	_ = 	snop  }
0x28e: {  	v11 =	vmov s25  }
0x28f: {  	v12 =	vor.u32 @p0 v7, v12;
	v13 =	vshll.u32 v11, $0x8  }
0x290: {  	v7 =	vor.u32 @p0 v7, v9;
	v62 =	vshll.u32 v11, $0x7;
	v63 =	vand.u32 $0xFFFFF800, v13  }
0x291: {  	v7 =	vpsel p0, v7, v0;
	v9 =	vand.u32 $0x380, v62;
	v2 =	vor.u32 v2, v63  }
0x292: {  	[tilespmem:v8+s29+$0x0] =	vst.idx.msk @p1 vm0, v1;
	v3 =	vor.u32 v3, v63;
	v2 =	vor.u32 v9, v2  }
0x293: {  	[tilespmem:v6+s29+$0x0] =	vst.idx.msk @p0 vm3, v1;
	v5 =	vor.u32 v5, v63;
	v3 =	vor.u32 v9, v3  }
0x294: {  	[tilespmem:v10+s29+$0x0] =	vst.idx.msk @p0 vm2, v1;
	v4 =	vor.u32 v4, v63;
	v5 =	vor.u32 v9, v5  }
0x295: {  	v4 =	vor.u32 v9, v4;
	[tilespmem:v12+s29+$0x0] =	vst.idx.msk @p0 vm1, v1  }
0x296: {  	[tilespmem:v7+s29+$0x0] =	vst.idx.msk @p0 vm0, v1  }
0x297: {  	[tilespmem:v2+s29+$0x0] =	vst.idx.msk vm3, v1  }
0x298: {  	[tilespmem:v3+s29+$0x0] =	vst.idx.msk vm2, v1  }
0x299: {  	[tilespmem:v5+s29+$0x0] =	vst.idx.msk vm1, v1  }
0x29a: {  	[tilespmem:v4+s29+$0x0] =	vst.idx.msk vm0, v1  }
.LBB2_61:
0x29b: {  	s9 =	sld [smem:$0x7DB];
	_ =	sdelay $0x2  }
0x29c: {  	[spmem:s16], [sflag:s19] =	dma.local [hbm:s9], $0x1000  }
0x29d: {  	_ =	swait.ge [sflag:s4], $0x1000  }
0x29e: {  	s14 =	sld [smem:$0x7DA]  }
0x29f: {  	[sflag:s4] =	ssyncset.done $0x0  }
0x2a0: {  	[sflag:s4] =	ssyncadd.s32 $0xFFFFF000  }
0x2a1: {  	[hbm:s14], [sflag:s24] =	dma.local [spmem:s22], $0x1000  }
0x2a2: {  	_ =	swait.ge [sflag:s5], $0x1000  }
0x2a3: {  	s25 =	sld [smem:$0x7DD]  }
0x2a4: {  	[sflag:s5] =	ssyncset.done $0x0  }
0x2a5: {  	[sflag:s5] =	ssyncadd.s32 $0xFFFFF000  }
0x2a6: {  	[spmem:s17], [sflag:s18] =	dma.local [hbm:s25], $0x1000  }
0x2a7: {  	_ =	swait.ge [sflag:s31], $0x1000  }
0x2a8: {  	s12 =	sld [smem:$0x7DC]  }
0x2a9: {  	[sflag:s31] =	ssyncset.done $0x0  }
0x2aa: {  	[sflag:s31] =	ssyncadd.s32 $0xFFFFF000  }
0x2ab: {  	[hbm:s12], [sflag:s20] =	dma.local [spmem:s16], $0x1000  }
0x2ac: {  	_ =	swait.ge [sflag:s8], $0x1000  }
0x2ad: {  	s14 =	sld [smem:$0x7DF]  }
0x2ae: {  	[sflag:s8] =	ssyncset.done $0x0  }
0x2af: {  	[sflag:s8] =	ssyncadd.s32 $0xFFFFF000  }
0x2b0: {  	[spmem:s22], [sflag:s23] =	dma.local [hbm:s14], $0x1000  }
0x2b1: {  	_ =	swait.ge [sflag:s0], $0x1000  }
0x2b2: {  	s25 =	sld [smem:$0x7DE]  }
0x2b3: {  	[sflag:s0] =	ssyncset.done $0x0  }
0x2b4: {  	[sflag:s0] =	ssyncadd.s32 $0xFFFFF000  }
0x2b5: {  	[hbm:s25], [sflag:s21] =	dma.local [spmem:s17], $0x1000  }
0x2b6: {  	_ =	swait.ge [sflag:s3], $0x1000  }
0x2b7: {  	s12 =	sld [smem:$0x7E1]  }
0x2b8: {  	[sflag:s3] =	ssyncset.done $0x0  }
0x2b9: {  	[sflag:s3] =	ssyncadd.s32 $0xFFFFF000  }
0x2ba: {  	[spmem:s16], [sflag:s19] =	dma.local [hbm:s12], $0x1000  }
0x2bb: {  	_ =	swait.ge [sflag:s4], $0x1000  }
0x2bc: {  	s14 =	sld [smem:$0x7E0]  }
0x2bd: {  	[sflag:s4] =	ssyncset.done $0x0  }
0x2be: {  	[sflag:s4] =	ssyncadd.s32 $0xFFFFF000  }
0x2bf: {  	[hbm:s14], [sflag:s24] =	dma.local [spmem:s22], $0x1000  }
0x2c0: {  	_ =	swait.ge [sflag:s5], $0x1000  }
0x2c1: {  	s25 =	sld [smem:$0x7E3]  }
0x2c2: {  	[sflag:s5] =	ssyncset.done $0x0  }
0x2c3: {  	[sflag:s5] =	ssyncadd.s32 $0xFFFFF000  }
0x2c4: {  	[spmem:s17], [sflag:s18] =	dma.local [hbm:s25], $0x1000  }
0x2c5: {  	_ =	swait.ge [sflag:s31], $0x1000  }
0x2c6: {  	s12 =	sld [smem:$0x7E2]  }
0x2c7: {  	[sflag:s31] =	ssyncset.done $0x0  }
0x2c8: {  	[sflag:s31] =	ssyncadd.s32 $0xFFFFF000  }
0x2c9: {  	[hbm:s12], [sflag:s20] =	dma.local [spmem:s16], $0x1000  }
0x2ca: {  	_ =	swait.ge [sflag:s8], $0x1000  }
0x2cb: {  	s14 =	sld [smem:$0x7E5]  }
0x2cc: {  	[sflag:s8] =	ssyncset.done $0x0  }
0x2cd: {  	[sflag:s8] =	ssyncadd.s32 $0xFFFFF000  }
0x2ce: {  	[spmem:s22], [sflag:s23] =	dma.local [hbm:s14], $0x1000  }
0x2cf: {  	_ =	swait.ge [sflag:s0], $0x1000  }
0x2d0: {  	s25 =	sld [smem:$0x7E4]  }
0x2d1: {  	[sflag:s0] =	ssyncset.done $0x0  }
0x2d2: {  	[sflag:s0] =	ssyncadd.s32 $0xFFFFF000  }
0x2d3: {  	[hbm:s25], [sflag:s21] =	dma.local [spmem:s17], $0x1000  }
0x2d4: {  	_ =	swait.ge [sflag:s3], $0x1000  }
0x2d5: {  	s12 =	sld [smem:$0x7E7]  }
0x2d6: {  	[sflag:s3] =	ssyncset.done $0x0  }
0x2d7: {  	[sflag:s3] =	ssyncadd.s32 $0xFFFFF000  }
0x2d8: {  	[spmem:s16], [sflag:s19] =	dma.local [hbm:s12], $0x1000  }
0x2d9: {  	_ =	swait.ge [sflag:s4], $0x1000  }
0x2da: {  	s14 =	sld [smem:$0x7E6]  }
0x2db: {  	[sflag:s4] =	ssyncset.done $0x0  }
0x2dc: {  	[sflag:s4] =	ssyncadd.s32 $0xFFFFF000  }
0x2dd: {  	[hbm:s14], [sflag:s24] =	dma.local [spmem:s22], $0x1000  }
0x2de: {  	_ =	swait.ge [sflag:s5], $0x1000  }
0x2df: {  	s25 =	sld [smem:$0x7E9]  }
0x2e0: {  	[sflag:s5] =	ssyncset.done $0x0  }
0x2e1: {  	[sflag:s5] =	ssyncadd.s32 $0xFFFFF000  }
0x2e2: {  	[spmem:s17], [sflag:s18] =	dma.local [hbm:s25], $0x1000  }
0x2e3: {  	_ =	swait.ge [sflag:s31], $0x1000  }
0x2e4: {  	s12 =	sld [smem:$0x7E8]  }
0x2e5: {  	[sflag:s31] =	ssyncset.done $0x0  }
0x2e6: {  	[sflag:s31] =	ssyncadd.s32 $0xFFFFF000  }
0x2e7: {  	[hbm:s12], [sflag:s20] =	dma.local [spmem:s16], $0x1000  }
0x2e8: {  	_ =	swait.ge [sflag:s8], $0x1000  }
0x2e9: {  	s14 =	sld [smem:$0x7EB]  }
0x2ea: {  	[sflag:s8] =	ssyncset.done $0x0  }
0x2eb: {  	[sflag:s8] =	ssyncadd.s32 $0xFFFFF000  }
0x2ec: {  	[spmem:s22], [sflag:s23] =	dma.local [hbm:s14], $0x1000  }
0x2ed: {  	_ =	swait.ge [sflag:s0], $0x1000  }
0x2ee: {  	s25 =	sld [smem:$0x7EA]  }
0x2ef: {  	[sflag:s0] =	ssyncset.done $0x0  }
0x2f0: {  	[sflag:s0] =	ssyncadd.s32 $0xFFFFF000  }
0x2f1: {  	[hbm:s25], [sflag:s21] =	dma.local [spmem:s17], $0x1000  }
0x2f2: {  	_ =	swait.ge [sflag:s3], $0x1000  }
0x2f3: {  	s12 =	sld [smem:$0x7ED]  }
0x2f4: {  	[sflag:s3] =	ssyncset.done $0x0  }
0x2f5: {  	[sflag:s3] =	ssyncadd.s32 $0xFFFFF000  }
0x2f6: {  	[spmem:s16], [sflag:s19] =	dma.local [hbm:s12], $0x1000  }
0x2f7: {  	_ =	swait.ge [sflag:s4], $0x1000  }
0x2f8: {  	s14 =	sld [smem:$0x7EC]  }
0x2f9: {  	[sflag:s4] =	ssyncset.done $0x0  }
0x2fa: {  	[sflag:s4] =	ssyncadd.s32 $0xFFFFF000  }
0x2fb: {  	[hbm:s14], [sflag:s24] =	dma.local [spmem:s22], $0x1000  }
0x2fc: {  	_ =	swait.ge [sflag:s5], $0x1000  }
0x2fd: {  	s25 =	sld [smem:$0x7EF]  }
0x2fe: {  	[sflag:s5] =	ssyncset.done $0x0  }
0x2ff: {  	[sflag:s5] =	ssyncadd.s32 $0xFFFFF000  }
0x300: {  	[spmem:s17], [sflag:s18] =	dma.local [hbm:s25], $0x1000  }
0x301: {  	_ =	swait.ge [sflag:s31], $0x1000  }
0x302: {  	s12 =	sld [smem:$0x7EE]  }
0x303: {  	[sflag:s31] =	ssyncset.done $0x0  }
0x304: {  	[sflag:s31] =	ssyncadd.s32 $0xFFFFF000  }
0x305: {  	[hbm:s12], [sflag:s20] =	dma.local [spmem:s16], $0x1000  }
0x306: {  	_ =	swait.ge [sflag:s8], $0x1000  }
0x307: {  	s14 =	sld [smem:$0x7F1]  }
0x308: {  	[sflag:s8] =	ssyncset.done $0x0  }
0x309: {  	[sflag:s8] =	ssyncadd.s32 $0xFFFFF000  }
0x30a: {  	[spmem:s22], [sflag:s23] =	dma.local [hbm:s14], $0x1000  }
0x30b: {  	_ =	swait.ge [sflag:s0], $0x1000  }
0x30c: {  	s23 =	sld [smem:$0x7F0]  }
0x30d: {  	[sflag:s0] =	ssyncset.done $0x0  }
0x30e: {  	[sflag:s0] =	ssyncadd.s32 $0xFFFFF000  }
0x30f: {  	[hbm:s23], [sflag:s21] =	dma.local [spmem:s17], $0x1000  }
0x310: {  	_ =	swait.ge [sflag:s3], $0x1000  }
0x311: {  	s25 =	sld [smem:$0x7F5]  }
0x312: {  	[sflag:s3] =	ssyncset.done $0x0  }
0x313: {  	[sflag:s3] =	ssyncadd.s32 $0xFFFFF000  }
0x314: {  	[spmem:s16], [sflag:s19] =	dma.local [hbm:s25], $0x1000  }
0x315: {  	_ =	swait.ge [sflag:s4], $0x1000  }
0x316: {  	s12 =	sld [smem:$0x7F2]  }
0x317: {  	[sflag:s4] =	ssyncset.done $0x0  }
0x318: {  	[sflag:s4] =	ssyncadd.s32 $0xFFFFF000  }
0x319: {  	[hbm:s12], [sflag:s24] =	dma.local [spmem:s22], $0x1000  }
0x31a: {  	_ =	swait.ge [sflag:s5], $0x1000  }
0x31b: {  	s14 =	sld [smem:$0x7F7]  }
0x31c: {  	[sflag:s5] =	ssyncset.done $0x0  }
0x31d: {  	[sflag:s5] =	ssyncadd.s32 $0xFFFFF000  }
0x31e: {  	[spmem:s17], [sflag:s18] =	dma.local [hbm:s14], $0x1000  }
0x31f: {  	_ =	swait.ge [sflag:s31], $0x1000  }
0x320: {  	s19 =	sld [smem:$0x7F6]  }
0x321: {  	[sflag:s31] =	ssyncset.done $0x0  }
0x322: {  	[sflag:s31] =	ssyncadd.s32 $0xFFFFF000  }
0x323: {  	[hbm:s19], [sflag:s20] =	dma.local [spmem:s16], $0x1000  }
0x324: {  	_ =	swait.ge [sflag:s0], $0x1000  }
0x325: {  	s22 =	sld [smem:$0x7F8]  }
0x326: {  	[sflag:s0] =	ssyncset.done $0x0  }
0x327: {  	[sflag:s0] =	ssyncadd.s32 $0xFFFFF000  }
0x328: {  	[hbm:s22], [sflag:s21] =	dma.local [spmem:s17], $0x1000  }
0x329: {  	_ =	swait.ge [sflag:s3], $0x1000  }
0x32a: {  	[sflag:s3] =	ssyncset.done $0x0  }
0x32b: {  	[sflag:s3] =	ssyncadd.s32 $0xFFFFF000  }
0x32c: {  	_ =	swait.ge [sflag:s5], $0x1000  }
0x32d: {  	s11 =	sadd.s32 s13, s11;
	[sflag:s5] =	ssyncset.done $0x0  }
0x32e: {  	s9 =	simm.s32 $0x800;
	s12 =	simm.s32 $0x8;
	[sflag:s5] =	ssyncadd.s32 $0xFFFFF000  }
0x32f: {  	[hbm4b:s11+s9] =	stream.strided.scatter [tilespmem:s29], [sflag:$0x8], $0x4800, s15, s9, $0x38;
	[tilespmem:$0x1E800] =	vst v63  }
0x330: {  	_ =	swait.ge [sflag:s12], $0x4800  }
0x331: {  	s25 =	sld [smem:$0x7CD];
	_ =	sdelay $0x1  }
0x332: {  	s2 =	ssub.s32 s2, s7;
	s23 =	sshll.u32 s7, $0xC;
	[sflag:s12] =	ssyncset.done $0x0  }
0x333: {  	s11 =	sadd.s32 s30, s23;
	[sflag:s12] =	ssyncadd.s32 $0xFFFFB800;
	s12 =	ssub.s32 s25, s7  }
0x334: {  	p1 =	slt.s32 s2, $0x48;
	s11 =	sshrl.u32 s11, $0x3;
	p0 =	sgt.s32 s12, $0x0  }
0x335: {  	s2 =	simm.s32 @!p1 $0x48;
	s11 =	sadd.s32 s1, s11;
	s12 =	simm.s32 @!p0 $0x0  }
0x336: {  	s11 =	sand.u32 $0x1FFFFF80, s11;
	p0 =	sge.s32 s12, s2  }
.Ltmp32:
0x337: {  	s24 =	sadd.s32 s28, s11;
	(pc) =	sbr.rel @p0 .LBB2_71-.Ltmp32, $4  }
0x338: {  	[tilespmem:s29], [sflag:$0x7] =	stream.strided.gather [hbm4b:s24+s9], $0x4800, s15, s9, $0x38;
	[tilespmem:$0x1E800] =	vst v63  }
0x339: {  	_ =	swait.ge [sflag:s10], $0x4800  }
0x33a: {  	[sflag:s10] =	ssyncset.done $0x0  }
0x33b: {  	[sflag:s10] =	ssyncadd.s32 $0xFFFFB800  }
0x33c: {  	s14 =	sld [smem:$0x7CE];
	_ =	sdelay $0x2  }
0x33d: {  	s14 =	ssub.s32 s14, s1  }
0x33e: {  	v6 =	vadd.s32 s14, v0;
	s15 =	sadd.s32 $0x10, s14  }
0x33f: {  	s25 =	sadd.s32 $0x20, s14;
	s14 =	sadd.s32 $0x30, s14;
	vm0 =	vgt.s32 v6, $0x0;
	v7 =	vadd.s32 s15, v0  }
0x340: {  	v8 =	vadd.s32 s25, v0;
	v9 =	vadd.s32 s14, v0;
	v2 =	vnsel vm0, $0x0, v6  }
0x341: {  	vm3 =	vlt.u32 v6, $0x100;
	vm0 =	vgt.s32 v7, $0x0;
	v2 =	vmin.u32 v2, $0xFF  }
0x342: {  	vm1 =	vgt.s32 v9, $0x0;
	vm2 =	vlt.u32 v7, $0x100;
	v3 =	vshll.u32 v2, $0x3  }
0x343: {  	v4 =	vnsel vm0, $0x0, v7;
	v2 =	vand.u32 $0x7F, v2;
	v3 =	vand.u32 $0x400, v3  }
0x344: {  	s14 =	sadd.s32 $0x1, s12;
	vm0 =	vgt.s32 v8, $0x0;
	v2 =	vor.u32 v3, v2;
	v3 =	vmin.u32 v4, $0xFF  }
0x345: {  	p2 =	sne.s32 s2, s14;
	v10 =	vnsel vm1, $0x0, v9;
	v4 =	vand.u32 $0x7F, v3;
	v3 =	vshll.u32 v3, $0x3  }
.Ltmp33:
0x346: {  	v5 =	vnsel vm0, $0x0, v8;
	vm0 =	vlt.u32 v9, $0x100;
	v3 =	vand.u32 $0x400, v3;
	(pc) =	sbr.rel @!p2 .LBB2_63-.Ltmp33, $4  }
0x347: {  	v3 =	vor.u32 v3, v4;
	v4 =	vmin.u32 v5, $0xFF;
	v5 =	vmin.u32 v10, $0xFF  }
0x348: {  	v63 =	vand.u32 $0x7F, v4;
	v4 =	vshll.u32 v4, $0x3;
	v11 =	vshll.u32 v5, $0x3  }
0x349: {  	v12 =	vand.u32 $0x7F, v5;
	v4 =	vand.u32 $0x400, v4;
	v11 =	vand.u32 $0x400, v11  }
0x34a: {  	p0 =	por $0x0, $0x0;
	p1 =	por $0x0, $0x0;
	vm1 =	vlt.u32 v8, $0x100;
	v5 =	vor.u32 v4, v63;
	v4 =	vor.u32 v11, v12  }
0x34b: {  	v6 =	vmov s12;
	s12 =	sadd.s32 $0x1, s14  }
0x34c: {  	p2 =	sne.s32 s2, s12  }
.Ltmp34:
0x34d: {  	_ = 	snop;
	(pc) =	sbr.rel @!p2 .LBB2_65-.Ltmp34, $4  }
0x34e: {  	v7 =	vshll.u32 v6, $0x8;
	v6 =	vshll.u32 v6, $0x7  }
0x34f: {  	v8 =	vand.u32 $0xFFFFF800, v7;
	v7 =	vand.u32 $0x380, v6  }
0x350: {  	v6 =	vor.u32 v2, v8;
	v9 =	vor.u32 v3, v8;
	v12 =	vor.u32 v5, v8  }
0x351: {  	p0 =	por $0x1, $0x1;
	s15 =	simm.s32 $0x8000;
	v6 =	vor.u32 v7, v6;
	v10 =	vor.u32 v7, v9;
	v9 =	vor.u32 v4, v8  }
0x352: {  	_ = 	snop  }
0x353: {  	v8 =	vmov s14;
	s14 =	sadd.s32 $0x1, s12  }
0x354: {  	v13 =	vor.u32 v7, v12;
	p2 =	sne.s32 s2, s14  }
.Ltmp35:
0x355: {  	v11 =	vshll.u32 v8, $0x8;
	(pc) =	sbr.rel @!p2 .LBB2_67-.Ltmp35, $4  }
0x356: {  	v12 =	vshll.u32 v8, $0x7;
	v8 =	vor.u32 v7, v9;
	v9 =	vand.u32 $0xFFFFF800, v11  }
0x357: {  	[tilespmem:v6+s29+$0x0] =	vst.idx.msk vm3, v1;
	v7 =	vand.u32 $0x380, v12;
	v11 =	vor.u32 v2, v9;
	v12 =	vor.u32 v3, v9  }
0x358: {  	[tilespmem:v10+s29+$0x0] =	vst.idx.msk vm2, v1;
	v6 =	vor.u32 v7, v11;
	v11 =	vor.u32 v7, v12  }
0x359: {  	p1 =	por $0x1, $0x1;
	v12 =	vor.u32 v5, v9;
	v9 =	vor.u32 v4, v9;
	[tilespmem:v13+s29+$0x0] =	vst.idx.msk vm1, v1  }
.LBB2_68:
0x35a: {  	v10 =	vmov s12;
	s12 =	smov.u32 s14;
	s14 =	sadd.s32 $0x1, s14  }
0x35b: {  	v13 =	vor.u32 v7, v12;
	[tilespmem:v8+s29+$0x0] =	vst.idx.msk vm0, v1;
	p2 =	sne.s32 s2, s14  }
.Ltmp36:
0x35c: {  	v8 =	vor.u32 v7, v9;
	v12 =	vshll.u32 v10, $0x8;
	v10 =	vshll.u32 v10, $0x7;
	(pc) =	sbr.rel @p2 .LBB2_68-.Ltmp36, $4  }
0x35d: {  	v9 =	vand.u32 $0xFFFFF800, v12  }
0x35e: {  	v7 =	vand.u32 $0x380, v10;
	v10 =	vor.u32 v2, v9;
	v12 =	vor.u32 v3, v9;
	[tilespmem:v6+s29+$0x0] =	vst.idx.msk vm3, v1  }
0x35f: {  	v6 =	vor.u32 v7, v10;
	[tilespmem:v11+s29+$0x0] =	vst.idx.msk vm2, v1;
	v11 =	vor.u32 v7, v12  }
0x360: {  	v12 =	vor.u32 v5, v9;
	v9 =	vor.u32 v4, v9;
	[tilespmem:v13+s29+$0x0] =	vst.idx.msk vm1, v1  }
0x361: {  	v10 =	vmov v11  }
.LBB2_70:
0x362: {  	_ = 	snop  }
0x363: {  	v11 =	vmov s12  }
0x364: {  	v12 =	vor.u32 @p0 v7, v12;
	v13 =	vshll.u32 v11, $0x8  }
0x365: {  	v7 =	vor.u32 @p0 v7, v9;
	v62 =	vshll.u32 v11, $0x7;
	v63 =	vand.u32 $0xFFFFF800, v13  }
0x366: {  	v7 =	vpsel p0, v7, v0;
	v9 =	vand.u32 $0x380, v62;
	v2 =	vor.u32 v2, v63  }
0x367: {  	[tilespmem:v8+s29+$0x0] =	vst.idx.msk @p1 vm0, v1;
	v3 =	vor.u32 v3, v63;
	v2 =	vor.u32 v9, v2  }
0x368: {  	[tilespmem:v6+s29+$0x0] =	vst.idx.msk @p0 vm3, v1;
	v5 =	vor.u32 v5, v63;
	v3 =	vor.u32 v9, v3  }
0x369: {  	[tilespmem:v10+s29+$0x0] =	vst.idx.msk @p0 vm2, v1;
	v4 =	vor.u32 v4, v63;
	v5 =	vor.u32 v9, v5  }
0x36a: {  	v4 =	vor.u32 v9, v4;
	[tilespmem:v12+s29+$0x0] =	vst.idx.msk @p0 vm1, v1  }
0x36b: {  	[tilespmem:v7+s29+$0x0] =	vst.idx.msk @p0 vm0, v1  }
0x36c: {  	[tilespmem:v2+s29+$0x0] =	vst.idx.msk vm3, v1  }
0x36d: {  	[tilespmem:v3+s29+$0x0] =	vst.idx.msk vm2, v1  }
0x36e: {  	[tilespmem:v5+s29+$0x0] =	vst.idx.msk vm1, v1  }
0x36f: {  	[tilespmem:v4+s29+$0x0] =	vst.idx.msk vm0, v1  }
.LBB2_71:
0x370: {  	s2 =	sld [smem:$0x7CF];
	_ =	sdelay $0x2  }
0x371: {  	s12 =	ssub.s32 s2, s7;
	s2 =	ssub.s32 s6, s7  }
0x372: {  	p0 =	sgt.s32 s12, $0x0;
	p1 =	slt.s32 s2, $0x48  }
0x373: {  	s12 =	simm.s32 @!p0 $0x0;
	s2 =	simm.s32 @!p1 $0x48  }
0x374: {  	p0 =	sge.s32 s12, s2  }
.Ltmp37:
0x375: {  	_ = 	snop;
	(pc) =	sbr.rel @p0 .LBB2_77-.Ltmp37, $2  }
0x376: {  	_ =	sdelay $0x2  }
0x377: {  	s6 =	sld [smem:$0x7CC]  }
0x378: {  	s1 =	ssub.s32 s26, s1  }
0x379: {  	v6 =	vadd.s32 s1, v0  }
0x37a: {  	vm0 =	vgt.s32 v6, $0x0  }
0x37b: {  	s6 =	sadd.s32 $0x10, s1;
	s26 =	sadd.s32 $0x20, s1;
	v2 =	vnsel vm0, $0x0, v6  }
0x37c: {  	s1 =	sadd.s32 $0x30, s1;
	v7 =	vadd.s32 s6, v0;
	v8 =	vadd.s32 s26, v0;
	v2 =	vmin.u32 v2, $0xFF  }
0x37d: {  	v9 =	vadd.s32 s1, v0;
	vm0 =	vgt.s32 v7, $0x0;
	v3 =	vshll.u32 v2, $0x3  }
0x37e: {  	v4 =	vnsel vm0, $0x0, v7;
	v2 =	vand.u32 $0x7F, v2;
	v3 =	vand.u32 $0x400, v3  }
0x37f: {  	vm3 =	vlt.u32 v6, $0x100;
	v2 =	vor.u32 v3, v2;
	v3 =	vmin.u32 v4, $0xFF  }
0x380: {  	vm0 =	vgt.s32 v8, $0x0;
	v4 =	vand.u32 $0x7F, v3;
	v3 =	vshll.u32 v3, $0x3  }
0x381: {  	vm1 =	vgt.s32 v9, $0x0;
	v5 =	vnsel vm0, $0x0, v8;
	v3 =	vand.u32 $0x400, v3  }
0x382: {  	v10 =	vnsel vm1, $0x0, v9;
	v3 =	vor.u32 v3, v4;
	v4 =	vmin.u32 v5, $0xFF  }
0x383: {  	s1 =	sadd.s32 $0x1, s12;
	v5 =	vmin.u32 v10, $0xFF;
	v10 =	vand.u32 $0x7F, v4;
	v4 =	vshll.u32 v4, $0x3  }
0x384: {  	vm2 =	vlt.u32 v7, $0x100;
	p1 =	sne.s32 s2, s1;
	vm0 =	vlt.u32 v9, $0x100;
	v4 =	vand.u32 $0x400, v4  }
.Ltmp38:
0x385: {  	vm1 =	vlt.u32 v8, $0x100;
	v4 =	vor.u32 v4, v10;
	v10 =	vmov s12;
	(pc) =	sbr.rel @!p1 .LBB2_73-.Ltmp38, $4  }
0x386: {  	v11 =	vshll.u32 v5, $0x3;
	v5 =	vand.u32 $0x7F, v5;
	v8 =	vshll.u32 v10, $0x8  }
0x387: {  	v11 =	vand.u32 $0x400, v11;
	v7 =	vshll.u32 v10, $0x7;
	v9 =	vand.u32 $0xFFFFF800, v8  }
0x388: {  	v7 =	vand.u32 $0x380, v7;
	v8 =	vor.u32 v2, v9;
	v10 =	vor.u32 v3, v9  }
0x389: {  	p0 =	por $0x0, $0x0;
	v5 =	vor.u32 v11, v5;
	v8 =	vor.u32 v7, v8;
	v6 =	vor.u32 v7, v10  }
0x38a: {  	_ = 	snop  }
0x38b: {  	v10 =	vor.u32 v4, v9;
	v12 =	vmov s1;
	s1 =	sadd.s32 $0x1, s1  }
0x38c: {  	v9 =	vor.u32 v5, v9;
	v11 =	vor.u32 v7, v10;
	p1 =	sne.s32 s2, s1  }
.Ltmp39:
0x38d: {  	v10 =	vor.u32 v7, v9;
	(pc) =	sbr.rel @!p1 .LBB2_76-.Ltmp39, $4  }
0x38e: {  	v13 =	vshll.u32 v12, $0x8  }
0x38f: {  	[tilespmem:v8+s29+$0x0] =	vst.idx.msk vm3, v1;
	v7 =	vshll.u32 v12, $0x7;
	v9 =	vand.u32 $0xFFFFF800, v13  }
0x390: {  	[tilespmem:v6+s29+$0x0] =	vst.idx.msk vm2, v1;
	v7 =	vand.u32 $0x380, v7;
	v8 =	vor.u32 v2, v9;
	v63 =	vor.u32 v3, v9  }
0x391: {  	p0 =	por $0x1, $0x1;
	v8 =	vor.u32 v7, v8;
	v6 =	vor.u32 v7, v63;
	[tilespmem:v11+s29+$0x0] =	vst.idx.msk vm1, v1  }
.LBB2_75:
0x392: {  	v11 =	vor.u32 v4, v9;
	v9 =	vor.u32 v5, v9;
	[tilespmem:v10+s29+$0x0] =	vst.idx.msk vm0, v1;
	s6 =	smov.u32 s1;
	s1 =	sadd.s32 $0x1, s1  }
0x393: {  	p1 =	sne.s32 s2, s1;
	v11 =	vor.u32 v7, v11;
	v10 =	vor.u32 v7, v9  }
.Ltmp40:
0x394: {  	v7 =	vmov s6;
	(pc) =	sbr.rel @p1 .LBB2_75-.Ltmp40, $4  }
0x395: {  	v9 =	vshll.u32 v7, $0x8;
	v7 =	vshll.u32 v7, $0x7  }
0x396: {  	v9 =	vand.u32 $0xFFFFF800, v9;
	[tilespmem:v8+s29+$0x0] =	vst.idx.msk vm3, v1  }
0x397: {  	v7 =	vand.u32 $0x380, v7;
	v8 =	vor.u32 v2, v9;
	v12 =	vor.u32 v3, v9;
	[tilespmem:v6+s29+$0x0] =	vst.idx.msk vm2, v1  }
0x398: {  	v8 =	vor.u32 v7, v8;
	v6 =	vor.u32 v7, v12;
	[tilespmem:v11+s29+$0x0] =	vst.idx.msk vm1, v1  }
.Ltmp41:
0x399: {  	_ = 	snop;
	(pc) =	sbr.rel .LBB2_76-.Ltmp41, $1  }
0x39a: {  	_ =	sdelay $0x3  }
.LBB2_3:
.Ltmp42:
0x39b: {  	(pc) =	sbr.rel .LBB2_10-.Ltmp42, $2  }
0x39c: {  	_ =	sdelay $0x2  }
0x39d: {  	_ = 	snop  }
.LBB2_13:
.Ltmp43:
0x39e: {  	(pc) =	sbr.rel .LBB2_20-.Ltmp43, $2  }
0x39f: {  	_ =	sdelay $0x2  }
0x3a0: {  	_ = 	snop  }
.LBB2_23:
.Ltmp44:
0x3a1: {  	(pc) =	sbr.rel .LBB2_30-.Ltmp44, $2  }
0x3a2: {  	_ =	sdelay $0x2  }
0x3a3: {  	_ = 	snop  }
.LBB2_33:
.Ltmp45:
0x3a4: {  	(pc) =	sbr.rel .LBB2_40-.Ltmp45, $2  }
0x3a5: {  	_ =	sdelay $0x2  }
0x3a6: {  	_ = 	snop  }
.LBB2_43:
.Ltmp46:
0x3a7: {  	(pc) =	sbr.rel .LBB2_50-.Ltmp46, $2  }
0x3a8: {  	_ =	sdelay $0x2  }
0x3a9: {  	_ = 	snop  }
.LBB2_53:
.Ltmp47:
0x3aa: {  	(pc) =	sbr.rel .LBB2_60-.Ltmp47, $2  }
0x3ab: {  	_ =	sdelay $0x2  }
0x3ac: {  	s26 =	sld [smem:$0x7D0]  }
.LBB2_63:
.Ltmp48:
0x3ad: {  	(pc) =	sbr.rel .LBB2_70-.Ltmp48, $2  }
0x3ae: {  	_ =	sdelay $0x2  }
0x3af: {  	s15 =	simm.s32 $0x8000  }
.LBB2_5:
.Ltmp49:
0x3b0: {  	(pc) =	sbr.rel .LBB2_10-.Ltmp49, $2  }
0x3b1: {  	_ =	sdelay $0x2  }
0x3b2: {  	s14 =	smov.u32 s21  }
.LBB2_15:
.Ltmp50:
0x3b3: {  	(pc) =	sbr.rel .LBB2_20-.Ltmp50, $2  }
0x3b4: {  	_ =	sdelay $0x2  }
0x3b5: {  	s22 =	smov.u32 s20  }
.LBB2_25:
.Ltmp51:
0x3b6: {  	(pc) =	sbr.rel .LBB2_30-.Ltmp51, $2  }
0x3b7: {  	_ =	sdelay $0x2  }
0x3b8: {  	s11 =	smov.u32 s7  }
.LBB2_35:
.Ltmp52:
0x3b9: {  	(pc) =	sbr.rel .LBB2_40-.Ltmp52, $2  }
0x3ba: {  	_ =	sdelay $0x2  }
0x3bb: {  	s7 =	smov.u32 s1  }
.LBB2_45:
.Ltmp53:
0x3bc: {  	(pc) =	sbr.rel .LBB2_50-.Ltmp53, $2  }
0x3bd: {  	_ =	sdelay $0x2  }
0x3be: {  	s7 =	smov.u32 s14  }
.LBB2_55:
.Ltmp54:
0x3bf: {  	(pc) =	sbr.rel .LBB2_60-.Ltmp54, $2  }
0x3c0: {  	_ =	sdelay $0x2  }
0x3c1: {  	s25 =	smov.u32 s12  }
.LBB2_65:
.Ltmp55:
0x3c2: {  	(pc) =	sbr.rel .LBB2_70-.Ltmp55, $2  }
0x3c3: {  	_ =	sdelay $0x2  }
0x3c4: {  	s12 =	smov.u32 s14  }
.LBB2_7:
.Ltmp56:
0x3c5: {  	(pc) =	sbr.rel .LBB2_10-.Ltmp56, $2  }
0x3c6: {  	_ =	sdelay $0x2  }
0x3c7: {  	v10 =	vmov v11  }
.LBB2_17:
.Ltmp57:
0x3c8: {  	(pc) =	sbr.rel .LBB2_20-.Ltmp57, $2  }
0x3c9: {  	_ =	sdelay $0x2  }
0x3ca: {  	v10 =	vmov v11  }
.LBB2_27:
.Ltmp58:
0x3cb: {  	(pc) =	sbr.rel .LBB2_30-.Ltmp58, $2  }
0x3cc: {  	_ =	sdelay $0x2  }
0x3cd: {  	v10 =	vmov v11  }
.LBB2_37:
.Ltmp59:
0x3ce: {  	(pc) =	sbr.rel .LBB2_40-.Ltmp59, $2  }
0x3cf: {  	_ =	sdelay $0x2  }
0x3d0: {  	v10 =	vmov v11  }
.LBB2_47:
.Ltmp60:
0x3d1: {  	(pc) =	sbr.rel .LBB2_50-.Ltmp60, $2  }
0x3d2: {  	_ =	sdelay $0x2  }
0x3d3: {  	v10 =	vmov v11  }
.LBB2_57:
.Ltmp61:
0x3d4: {  	(pc) =	sbr.rel .LBB2_60-.Ltmp61, $2  }
0x3d5: {  	_ =	sdelay $0x2  }
0x3d6: {  	v10 =	vmov v11  }
.LBB2_67:
.Ltmp62:
0x3d7: {  	(pc) =	sbr.rel .LBB2_70-.Ltmp62, $2  }
0x3d8: {  	_ =	sdelay $0x2  }
0x3d9: {  	v10 =	vmov v11  }
.LBB2_78:
0x3da: {  	_ =	sfence.sel $0x180000  }
0x3db: {  	[bflag:$0x0] =	sbarrier.arrive $0xFFFF  }
0x3dc: {  	_ =	strace $0x90000047  }
0x3dd: {  	s0 =	stileid.u32;
	[bflag:$0x2] =	sbarrier.arrive $0xFFFF  }
0x3de: {  	p0 =	sne.s32 s0, $0x0;
	s0 =	rddreg [dreg:$0x4]  }
0x3df: {  	s0 =	sadd.s32 @!p0 $0x100000, s0  }
0x3e0: {  	[sflag:s0] =	ssyncadd.tile.s32 @!p0 $0x1;
	_ =	shalt  }
.Lfunc_end2:
_tile_overlayer_lowered:
.L_overlay_start_2:
0x3e1: {  	(tag) =	ssettag $0x2  }
0x3e2: {  	s0 =	rddreg [dreg:$0x0];
	s2 =	stileid.u32  }
0x3e3: {  	s1 =	rddreg [dreg:$0x1];
	p0 =	sne.s32 s2, $0x0  }
0x3e4: {  	s3 =	rddreg [dreg:$0x2];
	[bflag:$0x3] =	sbarrier.arrive $0xFFFF;
	s2 =	simm.s32 @!p0 $0x1C09  }
0x3e5: {  	[timem:s3], [sflag:s2] =	dma.local @!p0 [hbm:s0], s1  }
0x3e6: {  	s0 =	simm.s32 @!p0 $0x9  }
0x3e7: {  	_ =	swait.ge @!p0 [sflag:s0], s1  }
0x3e8: {  	s1 =	ssub.s32 @!p0 $0x0, s1;
	[sflag:s0] =	ssyncset.done @!p0 $0x0  }
0x3e9: {  	[sflag:s0] =	ssyncadd.s32 @!p0 s1  }
0x3ea: {  	[bflag:$0x3] =	sbarrier.arrive $0xFFFF  }
0x3eb: {  	_ =	shalt  }

</sc_bundles>
